<compile_context>
chip_gen: v7x
topology: tpu7x:2x2x1
jax: 0.10.2.dev20260603
libtpu: 0.0.44.dev20260713+nightly
codegen_flags: <defaults>
</compile_context>

<pallas_src>
import functools

import jax
import jax.numpy as jnp
from jax import lax
from jax.experimental import pallas as pl
from jax.experimental.pallas import tpu as pltpu
from jax.experimental.pallas import tpu_sc as plsc

NC = 2
NS = 16
NW = NC * NS
LANE = 128



def _zero_vmem(ref, rows, cols):
  def body(r):
    for c in range(cols // 16):
      ref[r, pl.ds(c * 16, 16)] = jnp.zeros((16,), ref.dtype)
  pl.loop(0, rows)(body)


def _zero_acc_slice(zbuf, zrows, acc_sh, sid, rps):
  full, rem = rps // zrows, rps % zrows
  for k in range(full):
    pltpu.sync_copy(zbuf, acc_sh.at[pl.ds(sid * rps + k * zrows, zrows)])
  if rem:
    pltpu.sync_copy(zbuf.at[pl.ds(0, rem)],
                    acc_sh.at[pl.ds(sid * rps + full * zrows, rem)])


def _make_deg_kernel(K, K0, K1, nacc):
  rps = nacc // NS
  mesh = plsc.VectorSubcoreMesh(core_axis_name="c", subcore_axis_name="s")

  @functools.partial(
      pl.kernel,
      out_type=jax.ShapeDtypeStruct((NC, nacc, 16), jnp.float32),
      mesh=mesh,
      compiler_params=pltpu.CompilerParams(use_tc_tiling_on_sc=False),
      scratch_types=[
          pltpu.VMEM((K, LANE), jnp.int32),
          pltpu.VMEM((LANE, 16), jnp.float32),
          pltpu.VMEM_SHARED((nacc, 16), jnp.float32),
          pltpu.SemaphoreType.DMA,
      ],
  )
  def deg_kernel(dst_hbm, out_hbm, idx_v, val_v, acc_sh, sem):
    cid = lax.axis_index("c")
    sid = lax.axis_index("s")
    wid = cid * NS + sid

    pltpu.sync_copy(dst_hbm.at[wid], idx_v)

    _zero_vmem(val_v, LANE, 16)
    _zero_acc_slice(val_v, LANE, acc_sh, sid, rps)

    def fill_ones(r):
      val_v[r, pl.ds(0, 16)] = jnp.ones((16,), jnp.float32)
    pl.loop(0, LANE)(fill_ones)

    plsc.subcore_barrier()

    W = 8
    kc = jnp.where(cid == 0, K0, K1)

    def fire(j):
      pltpu.async_copy(val_v, acc_sh.at[idx_v.at[j]], sem, add=True)
      @pl.when(j >= W)
      def _():
        pltpu.make_async_copy(val_v, acc_sh.at[idx_v.at[j - W]], sem).wait()
    pl.loop(0, kc)(fire)

    def drain(j):
      pltpu.make_async_copy(val_v, acc_sh.at[idx_v.at[j]], sem).wait()
    pl.loop(jnp.maximum(kc - W, 0), kc)(drain)

    plsc.subcore_barrier()
    pltpu.sync_copy(acc_sh.at[pl.ds(sid * rps, rps)],
                    out_hbm.at[cid, pl.ds(sid * rps, rps)])

  return deg_kernel


SCH = 1


def _make_scatter_kernel(K, K0, K1, nacc, HD):
  assert K0 % (2 * SCH) == 0 and K1 % (2 * SCH) == 0
  assert max(K0, K1) <= K
  rps = nacc // NS
  mesh = plsc.VectorSubcoreMesh(core_axis_name="c", subcore_axis_name="s")

  @functools.partial(
      pl.kernel,
      out_type=jax.ShapeDtypeStruct((2, NC, nacc, HD), jnp.float32),
      mesh=mesh,
      compiler_params=pltpu.CompilerParams(use_tc_tiling_on_sc=False),
      scratch_types=[
          pltpu.VMEM((K, LANE), jnp.int32),
          pltpu.VMEM((K, LANE), jnp.int32),
          pltpu.VMEM((SCH * LANE, HD), jnp.float32),
          pltpu.VMEM((SCH * LANE, HD), jnp.float32),
          pltpu.VMEM_SHARED((nacc, HD), jnp.float32),
          pltpu.SemaphoreType.DMA,
          pltpu.SemaphoreType.DMA,
          pltpu.SemaphoreType.DMA,
          pltpu.SemaphoreType.DMA,
      ],
  )
  def scatter_kernel(ylo_hbm, yhi_hbm, src_hbm, dst_hbm, out_hbm,
                     src_v, dst_v, buf0, buf1, acc_sh, gs0, gs1, ss0, ss1):
    cid = lax.axis_index("c")
    sid = lax.axis_index("s")
    wid = cid * NS + sid

    pltpu.sync_copy(src_hbm.at[wid], src_v)
    pltpu.sync_copy(dst_hbm.at[wid], dst_v)

    bufs = (buf0, buf1)
    gsems = (gs0, gs1)
    ssems = (ss0, ss1)

    def gather_sup(y_hbm, s, p, fire):
      for c in range(SCH):
        d = pltpu.make_async_copy(y_hbm.at[src_v.at[s * SCH + c]],
                                  bufs[p].at[pl.ds(c * LANE, LANE)],
                                  gsems[p])
        d.start() if fire else d.wait()

    def scatter_sup(s, p, fire):
      for c in range(SCH):
        d = pltpu.make_async_copy(bufs[p].at[pl.ds(c * LANE, LANE)],
                                  acc_sh.at[dst_v.at[s * SCH + c]],
                                  ssems[p])
        d.start(add=True) if fire else d.wait()

    nsup_c = jnp.where(cid == 0, K0 // SCH, K1 // SCH)

    def run_half(half, y_hbm):
      _zero_vmem(buf0, SCH * LANE, HD)
      _zero_acc_slice(buf0, SCH * LANE, acc_sh, sid, rps)
      gather_sup(y_hbm, 0, 0, True)
      plsc.subcore_barrier()

      def step(s, p):
        q = 1 - p
        @pl.when(s + 1 < nsup_c)
        def _():
          gather_sup(y_hbm, s + 1, q, True)
        gather_sup(y_hbm, s, p, False)
        scatter_sup(s, p, True)
        scatter_sup(s, p, False)

      def pair(t, _):
        step(2 * t, 0)
        step(2 * t + 1, 1)
        return ()

      lax.fori_loop(0, nsup_c // 2, pair, ())

      plsc.subcore_barrier()
      pltpu.sync_copy(acc_sh.at[pl.ds(sid * rps, rps)],
                      out_hbm.at[half, cid, pl.ds(sid * rps, rps)])
      plsc.subcore_barrier()

    run_half(0, ylo_hbm)
    run_half(1, yhi_hbm)

  return scatter_kernel



def _dis_block(d0_ref, d1_ref):
  deg = 1.0 + d0_ref[:, :1] + d1_ref[:, :1]
  return lax.rsqrt(deg)


def _agg_block(s00_ref, s01_ref, s10_ref, s11_ref, ylo_ref, yhi_ref):
  return jnp.concatenate(
      [s00_ref[...] + s01_ref[...] + ylo_ref[...],
       s10_ref[...] + s11_ref[...] + yhi_ref[...]], axis=1)


def _tc_first_body(x_ref, w0_ref, b0_ref, w1_ref, d0_ref, d1_ref,
                   ylo_ref, yhi_ref):
  h0 = jnp.dot(x_ref[...], w0_ref[...],
               preferred_element_type=jnp.float32) + b0_ref[...]
  xw = jnp.dot(h0, w1_ref[...], preferred_element_type=jnp.float32)
  y = _dis_block(d0_ref, d1_ref) * xw
  half = y.shape[1] // 2
  ylo_ref[...] = y[:, :half]
  yhi_ref[...] = y[:, half:]


def _tc_mid_body(s00_ref, s01_ref, s10_ref, s11_ref, ylo_ref, yhi_ref,
                 b_ref, w_ref, d0_ref, d1_ref, olo_ref, ohi_ref):
  dis = _dis_block(d0_ref, d1_ref)
  agg = _agg_block(s00_ref, s01_ref, s10_ref, s11_ref, ylo_ref, yhi_ref)
  h = jnp.maximum(dis * agg + b_ref[...], 0.0)
  y = dis * jnp.dot(h, w_ref[...], preferred_element_type=jnp.float32)
  half = y.shape[1] // 2
  olo_ref[...] = y[:, :half]
  ohi_ref[...] = y[:, half:]


def _tc_last_body(s00_ref, s01_ref, s10_ref, s11_ref, ylo_ref, yhi_ref,
                  b_ref, wp_ref, bp_ref, d0_ref, d1_ref, out_ref):
  dis = _dis_block(d0_ref, d1_ref)
  agg = _agg_block(s00_ref, s01_ref, s10_ref, s11_ref, ylo_ref, yhi_ref)
  h = jnp.maximum(dis * agg + b_ref[...], 0.0)
  logit = jnp.sum(h * wp_ref[...], axis=1, keepdims=True) + bp_ref[...]
  out_ref[...] = jax.nn.sigmoid(logit)


def _row_spec(R, C):
  return pl.BlockSpec((R, C), lambda i: (i, 0))


def _full_spec(shape):
  return pl.BlockSpec(shape, lambda i: (0,) * len(shape))



def kernel(x, edge_index, W0, b0, W1, b1, W2, b2, Wp, bp):
  N, D = x.shape
  H = W0.shape[1]
  HD = H // 2
  E = edge_index.shape[1]

  F0, DEN = 114, 158
  tot = -(-E // (NS * LANE * 2 * SCH)) * 2 * SCH
  K0 = max((tot * F0 // DEN) // (2 * SCH) * (2 * SCH), 2 * SCH)
  K1 = max(tot - K0, 2 * SCH)
  K = max(K0, K1)
  EP = NS * LANE * (K0 + K1)

  def _split(row, padval):
    flat = jnp.concatenate(
        [row, jnp.full((EP - E,), padval, jnp.int32)])
    a0 = flat[:NS * K0 * LANE].reshape(NS, K0, LANE)
    a1 = flat[NS * K0 * LANE:].reshape(NS, K1, LANE)
    a0 = jnp.pad(a0, ((0, 0), (0, K - K0), (0, 0)), constant_values=padval)
    a1 = jnp.pad(a1, ((0, 0), (0, K - K1), (0, 0)), constant_values=padval)
    return jnp.concatenate([a0, a1], axis=0)

  src = _split(edge_index[0], 0)
  dst = _split(edge_index[1], N)

  nacc = -(-(N + 1) // (NS * 8)) * NS * 8

  deg_parts = _make_deg_kernel(K, K0, K1, nacc)(dst)
  d0, d1 = deg_parts[0], deg_parts[1]

  scat = _make_scatter_kernel(K, K0, K1, nacc, HD)

  R = 1000
  grid = (N // R,)

  y1_lo, y1_hi = pl.pallas_call(
      _tc_first_body,
      grid=grid,
      in_specs=[
          _row_spec(R, D), _full_spec((D, H)), _full_spec((1, H)),
          _full_spec((H, H)), _row_spec(R, 16), _row_spec(R, 16),
      ],
      out_specs=[_row_spec(R, HD), _row_spec(R, HD)],
      out_shape=[jax.ShapeDtypeStruct((N, HD), jnp.float32)] * 2,
  )(x, W0, b0.reshape(1, H), W1, d0, d1)

  s1 = scat(y1_lo, y1_hi, src, dst)

  y2_lo, y2_hi = pl.pallas_call(
      _tc_mid_body,
      grid=grid,
      in_specs=[
          _row_spec(R, HD), _row_spec(R, HD), _row_spec(R, HD),
          _row_spec(R, HD), _row_spec(R, HD), _row_spec(R, HD),
          _full_spec((1, H)), _full_spec((H, H)),
          _row_spec(R, 16), _row_spec(R, 16),
      ],
      out_specs=[_row_spec(R, HD), _row_spec(R, HD)],
      out_shape=[jax.ShapeDtypeStruct((N, HD), jnp.float32)] * 2,
  )(s1[0, 0], s1[0, 1], s1[1, 0], s1[1, 1], y1_lo, y1_hi,
    b1.reshape(1, H), W2, d0, d1)

  s2 = scat(y2_lo, y2_hi, src, dst)

  pred = pl.pallas_call(
      _tc_last_body,
      grid=grid,
      in_specs=[
          _row_spec(R, HD), _row_spec(R, HD), _row_spec(R, HD),
          _row_spec(R, HD), _row_spec(R, HD), _row_spec(R, HD),
          _full_spec((1, H)), _full_spec((1, H)), _full_spec((1, 1)),
          _row_spec(R, 16), _row_spec(R, 16),
      ],
      out_specs=_row_spec(R, 1),
      out_shape=jax.ShapeDtypeStruct((N, 1), jnp.float32),
  )(s2[0, 0], s2[0, 1], s2[1, 0], s2[1, 1], y2_lo, y2_hi,
    b2.reshape(1, H), Wp.reshape(1, H), bp.reshape(1, 1), d0, d1)

  return pred

# --- scband reference (transcript-rebuilt; emitter-appended) ---
"""Pipeline reference for scband-single-order-gnn-54211077210418 (READ-ONLY COPY).

The authoritative reference and input builder live on the scoring server;
editing this copy changes nothing except your own understanding.
"""

import jax, jax.numpy as jnp
import numpy as np

N = 10000
E = 320000
D = 128
H = 128

def setup_inputs(seed: int = 0) -> dict:
    key = jax.random.key(seed)
    ks = jax.random.split(key, 10)
    x = jax.random.normal(ks[0], (N, D), dtype=jnp.float32)
    edge_index = jax.random.randint(ks[1], (2, E), 0, N, dtype=jnp.int32)
    s = 1.0 / np.sqrt(D)
    W0 = jax.random.normal(ks[2], (D, H), dtype=jnp.float32) * s
    b0 = jnp.zeros((H,), dtype=jnp.float32)
    W1 = jax.random.normal(ks[3], (H, H), dtype=jnp.float32) * s
    b1 = jnp.zeros((H,), dtype=jnp.float32)
    W2 = jax.random.normal(ks[4], (H, H), dtype=jnp.float32) * s
    b2 = jnp.zeros((H,), dtype=jnp.float32)
    Wp = jax.random.normal(ks[5], (H, 1), dtype=jnp.float32) * s
    bp = jnp.zeros((1,), dtype=jnp.float32)
    return {"x": x, "edge_index": edge_index, "W0": W0, "b0": b0, "W1": W1, "b1": b1, "W2": W2, "b2": b2, "Wp": Wp, "bp": bp}

def _gcn_conv(x, edge_index, W, b):
    # PyG GCNConv: add self loops, symmetric normalization D^-1/2 (A+I) D^-1/2 X W + b
    src = edge_index[0]
    dst = edge_index[1]
    sl = jnp.arange(N, dtype=edge_index.dtype)
    src = jnp.concatenate([src, sl])
    dst = jnp.concatenate([dst, sl])
    xw = x @ W
    deg = jnp.zeros((N,), dtype=xw.dtype).at[dst].add(1.0)
    dis = jnp.where(deg > 0, deg ** -0.5, 0.0)
    norm = dis[src] * dis[dst]
    msgs = xw[src] * norm[:, None]
    agg = jnp.zeros((N, W.shape[1]), dtype=xw.dtype).at[dst].add(msgs)
    return agg + b

def reference(x, edge_index, W0, b0, W1, b1, W2, b2, Wp, bp):
    # initial linear layer
    h = x @ W0 + b0
    # 2 GCN layers (num_layers=2 * order=1), relu after each; dropout is identity in eval
    h = jax.nn.relu(_gcn_conv(h, edge_index, W1, b1))
    h = jax.nn.relu(_gcn_conv(h, edge_index, W2, b2))
    # pred layer: Linear(hidden, 1) + Sigmoid, then view(batch_size, -1) with batch_size=N
    pred = jax.nn.sigmoid(h @ Wp + bp)
    return pred.reshape(N, -1)

if __name__ == "__main__":
    import jax
    _d = setup_inputs()
    print(jax.jit(kernel)(*tuple(_d.values())))

</pallas_src>

<mosaic_0001>
#map = affine_map<(d0, d1) -> (0, 0, 0)>
module attributes {stable_mosaic.version = 14 : i64} {
  func.func @deg_kernel(%arg0: i32, %arg1: i32, %arg2: memref<32x114x128xi32, #tpu.memory_space<hbm>>, %arg3: memref<2x10112x16xf32, #tpu.memory_space<hbm>>, %arg4: memref<114x128xi32, #tpu.memory_space<vmem>>, %arg5: memref<128x16xf32, #tpu.memory_space<vmem>>, %arg6: memref<10112x16xf32, #tpu.memory_space<vmem_shared>>, %arg7: memref<!tpu.dma_semaphore, #tpu.memory_space<semaphore_mem>>) attributes {dimension_semantics = [#tpu.dimension_semantics<core_parallel>, #tpu.dimension_semantics<subcore_parallel>], iteration_bounds = array<i64: 2, 16>, scalar_prefetch = 0 : i64, scratch_operands = 4 : i64, tpu.core_type = #tpu.core_type<sc_vector_subcore>, window_params = [{transform_indices = #map}, {transform_indices = #map}]} {
    %mul3A = arith.constant 16 : i32
    %mul3A_0 = arith.muli %arg0, %mul3A : i32
    %add3A = arith.addi %mul3A_0, %arg1 : i32
    "tpu.region"() ({
      %run_scoped3A = tpu.sem_alloc : memref<!tpu.dma_semaphore, #tpu.memory_space<semaphore_mem>>
      %dma_start3A = arith.constant 0 : i32
      %dma_start3A_73 = arith.constant 0 : i32
      %dma_start3A_74 = tpu.memref_slice %arg2[%add3A, %dma_start3A, %dma_start3A_73] : memref<32x114x128xi32, #tpu.memory_space<hbm>> -> memref<1x114x128xi32, #tpu.memory_space<hbm>>
      %dma_start3A_75 = tpu.memref_squeeze %dma_start3A_74 : memref<1x114x128xi32, #tpu.memory_space<hbm>> -> memref<114x128xi32, #tpu.memory_space<hbm>>
      %dma_start3A_76 = arith.constant 0 : i32
      %dma_start3A_77 = arith.constant 0 : i32
      %dma_start3A_78 = tpu.memref_slice %arg2[%add3A, %dma_start3A_76, %dma_start3A_77] : memref<32x114x128xi32, #tpu.memory_space<hbm>> -> memref<1x114x128xi32, #tpu.memory_space<hbm>>
      %dma_start3A_79 = tpu.memref_squeeze %dma_start3A_78 : memref<1x114x128xi32, #tpu.memory_space<hbm>> -> memref<114x128xi32, #tpu.memory_space<hbm>>
      tpu.enqueue_dma source(%dma_start3A_79 : memref<114x128xi32, #tpu.memory_space<hbm>>) target(%arg4 : memref<114x128xi32, #tpu.memory_space<vmem>>) target_semaphore(%run_scoped3A : memref<!tpu.dma_semaphore, #tpu.memory_space<semaphore_mem>>)
      %dma_wait3A = arith.constant 0 : i32
      %dma_wait3A_80 = arith.constant 0 : i32
      %dma_wait3A_81 = tpu.memref_slice %arg2[%add3A, %dma_wait3A, %dma_wait3A_80] : memref<32x114x128xi32, #tpu.memory_space<hbm>> -> memref<1x114x128xi32, #tpu.memory_space<hbm>>
      %dma_wait3A_82 = tpu.memref_squeeze %dma_wait3A_81 : memref<1x114x128xi32, #tpu.memory_space<hbm>> -> memref<114x128xi32, #tpu.memory_space<hbm>>
      %dma_wait3A_83 = arith.constant 0 : i32
      %dma_wait3A_84 = arith.constant 0 : i32
      %dma_wait3A_85 = tpu.memref_slice %arg2[%add3A, %dma_wait3A_83, %dma_wait3A_84] : memref<32x114x128xi32, #tpu.memory_space<hbm>> -> memref<1x114x128xi32, #tpu.memory_space<hbm>>
      %dma_wait3A_86 = tpu.memref_squeeze %dma_wait3A_85 : memref<1x114x128xi32, #tpu.memory_space<hbm>> -> memref<114x128xi32, #tpu.memory_space<hbm>>
      tpu.wait_dma2 semaphore(%run_scoped3A : memref<!tpu.dma_semaphore, #tpu.memory_space<semaphore_mem>>) src(%dma_wait3A_86 : memref<114x128xi32, #tpu.memory_space<hbm>>) dst(%arg4 : memref<114x128xi32, #tpu.memory_space<vmem>>)
      tpu.yield
    }) : () -> ()
    %scan3A = arith.constant 0 : i32
    %scan3A_1 = arith.constant 128 : i32
    %scan3A_2 = arith.addi %scan3A, %scan3A_1 : i32
    %scan3A_3 = arith.constant 1 : i32
    scf.for %scan3A_73 = %scan3A to %scan3A_2 step %scan3A_3  : i32 {
      %mul3A_74 = arith.constant 1 : i32
      %mul3A_75 = arith.muli %scan3A_73, %mul3A_74 : i32
      %add3A_76 = arith.constant 0 : i32
      %add3A_77 = arith.addi %add3A_76, %mul3A_75 : i32
      %broadcast_in_dim3A = arith.constant 0.000000e+00 : f32
      %broadcast_in_dim3A_78 = vector.broadcast %broadcast_in_dim3A : f32 to vector<16xf32>
      %swap3A = arith.index_cast %add3A_77 : i32 to index
      %swap3A_79 = arith.constant 0 : index
      %swap3A_80 = tpu.vector_load %arg5[%swap3A, %swap3A_79] {strides = array<i32>} : memref<128x16xf32, #tpu.memory_space<vmem>>, vector<1x16xf32>,
      %swap3A_81 = vector.shape_cast %swap3A_80 : vector<1x16xf32> to vector<16xf32>
      %swap3A_82 = vector.shape_cast %broadcast_in_dim3A_78 : vector<16xf32> to vector<1x16xf32>
      tpu.vector_store %arg5[%swap3A, %swap3A_79], %swap3A_82 {strides = array<i32>} : memref<128x16xf32, #tpu.memory_space<vmem>>, vector<1x16xf32>,
    }
    %scan3A_4 = arith.constant 128 : i32
    %mul3A_5 = arith.constant 632 : i32
    %mul3A_6 = arith.muli %arg1, %mul3A_5 : i32
    %add3A_7 = arith.constant 0 : i32
    %add3A_8 = arith.addi %mul3A_6, %add3A_7 : i32
    "tpu.region"() ({
      %run_scoped3A = tpu.sem_alloc : memref<!tpu.dma_semaphore, #tpu.memory_space<semaphore_mem>>
      %dma_start3A = arith.constant 0 : i32
      %dma_start3A_73 = tpu.memref_slice %arg6[%add3A_8, %dma_start3A] : memref<10112x16xf32, #tpu.memory_space<vmem_shared>> -> memref<128x16xf32, #tpu.memory_space<vmem_shared>>
      %dma_start3A_74 = arith.constant 0 : i32
      %dma_start3A_75 = tpu.memref_slice %arg6[%add3A_8, %dma_start3A_74] : memref<10112x16xf32, #tpu.memory_space<vmem_shared>> -> memref<128x16xf32, #tpu.memory_space<vmem_shared>>
      tpu.enqueue_dma source(%arg5 : memref<128x16xf32, #tpu.memory_space<vmem>>) target(%dma_start3A_75 : memref<128x16xf32, #tpu.memory_space<vmem_shared>>) target_semaphore(%run_scoped3A : memref<!tpu.dma_semaphore, #tpu.memory_space<semaphore_mem>>)
      %dma_wait3A = arith.constant 0 : i32
      %dma_wait3A_76 = tpu.memref_slice %arg6[%add3A_8, %dma_wait3A] : memref<10112x16xf32, #tpu.memory_space<vmem_shared>> -> memref<128x16xf32, #tpu.memory_space<vmem_shared>>
      %dma_wait3A_77 = arith.constant 0 : i32
      %dma_wait3A_78 = tpu.memref_slice %arg6[%add3A_8, %dma_wait3A_77] : memref<10112x16xf32, #tpu.memory_space<vmem_shared>> -> memref<128x16xf32, #tpu.memory_space<vmem_shared>>
      tpu.wait_dma2 semaphore(%run_scoped3A : memref<!tpu.dma_semaphore, #tpu.memory_space<semaphore_mem>>) src(%arg5 : memref<128x16xf32, #tpu.memory_space<vmem>>) dst(%dma_wait3A_78 : memref<128x16xf32, #tpu.memory_space<vmem_shared>>)
      tpu.yield
    }) : () -> ()
    %mul3A_9 = arith.constant 632 : i32
    %mul3A_10 = arith.muli %arg1, %mul3A_9 : i32
    %add3A_11 = arith.constant 128 : i32
    %add3A_12 = arith.addi %mul3A_10, %add3A_11 : i32
    "tpu.region"() ({
      %run_scoped3A = tpu.sem_alloc : memref<!tpu.dma_semaphore, #tpu.memory_space<semaphore_mem>>
      %dma_start3A = arith.constant 0 : i32
      %dma_start3A_73 = tpu.memref_slice %arg6[%add3A_12, %dma_start3A] : memref<10112x16xf32, #tpu.memory_space<vmem_shared>> -> memref<128x16xf32, #tpu.memory_space<vmem_shared>>
      %dma_start3A_74 = arith.constant 0 : i32
      %dma_start3A_75 = tpu.memref_slice %arg6[%add3A_12, %dma_start3A_74] : memref<10112x16xf32, #tpu.memory_space<vmem_shared>> -> memref<128x16xf32, #tpu.memory_space<vmem_shared>>
      tpu.enqueue_dma source(%arg5 : memref<128x16xf32, #tpu.memory_space<vmem>>) target(%dma_start3A_75 : memref<128x16xf32, #tpu.memory_space<vmem_shared>>) target_semaphore(%run_scoped3A : memref<!tpu.dma_semaphore, #tpu.memory_space<semaphore_mem>>)
      %dma_wait3A = arith.constant 0 : i32
      %dma_wait3A_76 = tpu.memref_slice %arg6[%add3A_12, %dma_wait3A] : memref<10112x16xf32, #tpu.memory_space<vmem_shared>> -> memref<128x16xf32, #tpu.memory_space<vmem_shared>>
      %dma_wait3A_77 = arith.constant 0 : i32
      %dma_wait3A_78 = tpu.memref_slice %arg6[%add3A_12, %dma_wait3A_77] : memref<10112x16xf32, #tpu.memory_space<vmem_shared>> -> memref<128x16xf32, #tpu.memory_space<vmem_shared>>
      tpu.wait_dma2 semaphore(%run_scoped3A : memref<!tpu.dma_semaphore, #tpu.memory_space<semaphore_mem>>) src(%arg5 : memref<128x16xf32, #tpu.memory_space<vmem>>) dst(%dma_wait3A_78 : memref<128x16xf32, #tpu.memory_space<vmem_shared>>)
      tpu.yield
    }) : () -> ()
    %mul3A_13 = arith.constant 632 : i32
    %mul3A_14 = arith.muli %arg1, %mul3A_13 : i32
    %add3A_15 = arith.constant 256 : i32
    %add3A_16 = arith.addi %mul3A_14, %add3A_15 : i32
    "tpu.region"() ({
      %run_scoped3A = tpu.sem_alloc : memref<!tpu.dma_semaphore, #tpu.memory_space<semaphore_mem>>
      %dma_start3A = arith.constant 0 : i32
      %dma_start3A_73 = tpu.memref_slice %arg6[%add3A_16, %dma_start3A] : memref<10112x16xf32, #tpu.memory_space<vmem_shared>> -> memref<128x16xf32, #tpu.memory_space<vmem_shared>>
      %dma_start3A_74 = arith.constant 0 : i32
      %dma_start3A_75 = tpu.memref_slice %arg6[%add3A_16, %dma_start3A_74] : memref<10112x16xf32, #tpu.memory_space<vmem_shared>> -> memref<128x16xf32, #tpu.memory_space<vmem_shared>>
      tpu.enqueue_dma source(%arg5 : memref<128x16xf32, #tpu.memory_space<vmem>>) target(%dma_start3A_75 : memref<128x16xf32, #tpu.memory_space<vmem_shared>>) target_semaphore(%run_scoped3A : memref<!tpu.dma_semaphore, #tpu.memory_space<semaphore_mem>>)
      %dma_wait3A = arith.constant 0 : i32
      %dma_wait3A_76 = tpu.memref_slice %arg6[%add3A_16, %dma_wait3A] : memref<10112x16xf32, #tpu.memory_space<vmem_shared>> -> memref<128x16xf32, #tpu.memory_space<vmem_shared>>
      %dma_wait3A_77 = arith.constant 0 : i32
      %dma_wait3A_78 = tpu.memref_slice %arg6[%add3A_16, %dma_wait3A_77] : memref<10112x16xf32, #tpu.memory_space<vmem_shared>> -> memref<128x16xf32, #tpu.memory_space<vmem_shared>>
      tpu.wait_dma2 semaphore(%run_scoped3A : memref<!tpu.dma_semaphore, #tpu.memory_space<semaphore_mem>>) src(%arg5 : memref<128x16xf32, #tpu.memory_space<vmem>>) dst(%dma_wait3A_78 : memref<128x16xf32, #tpu.memory_space<vmem_shared>>)
      tpu.yield
    }) : () -> ()
    %mul3A_17 = arith.constant 632 : i32
    %mul3A_18 = arith.muli %arg1, %mul3A_17 : i32
    %add3A_19 = arith.constant 384 : i32
    %add3A_20 = arith.addi %mul3A_18, %add3A_19 : i32
    "tpu.region"() ({
      %run_scoped3A = tpu.sem_alloc : memref<!tpu.dma_semaphore, #tpu.memory_space<semaphore_mem>>
      %dma_start3A = arith.constant 0 : i32
      %dma_start3A_73 = tpu.memref_slice %arg6[%add3A_20, %dma_start3A] : memref<10112x16xf32, #tpu.memory_space<vmem_shared>> -> memref<128x16xf32, #tpu.memory_space<vmem_shared>>
      %dma_start3A_74 = arith.constant 0 : i32
      %dma_start3A_75 = tpu.memref_slice %arg6[%add3A_20, %dma_start3A_74] : memref<10112x16xf32, #tpu.memory_space<vmem_shared>> -> memref<128x16xf32, #tpu.memory_space<vmem_shared>>
      tpu.enqueue_dma source(%arg5 : memref<128x16xf32, #tpu.memory_space<vmem>>) target(%dma_start3A_75 : memref<128x16xf32, #tpu.memory_space<vmem_shared>>) target_semaphore(%run_scoped3A : memref<!tpu.dma_semaphore, #tpu.memory_space<semaphore_mem>>)
      %dma_wait3A = arith.constant 0 : i32
      %dma_wait3A_76 = tpu.memref_slice %arg6[%add3A_20, %dma_wait3A] : memref<10112x16xf32, #tpu.memory_space<vmem_shared>> -> memref<128x16xf32, #tpu.memory_space<vmem_shared>>
      %dma_wait3A_77 = arith.constant 0 : i32
      %dma_wait3A_78 = tpu.memref_slice %arg6[%add3A_20, %dma_wait3A_77] : memref<10112x16xf32, #tpu.memory_space<vmem_shared>> -> memref<128x16xf32, #tpu.memory_space<vmem_shared>>
      tpu.wait_dma2 semaphore(%run_scoped3A : memref<!tpu.dma_semaphore, #tpu.memory_space<semaphore_mem>>) src(%arg5 : memref<128x16xf32, #tpu.memory_space<vmem>>) dst(%dma_wait3A_78 : memref<128x16xf32, #tpu.memory_space<vmem_shared>>)
      tpu.yield
    }) : () -> ()
    %mul3A_21 = arith.constant 632 : i32
    %mul3A_22 = arith.muli %arg1, %mul3A_21 : i32
    %add3A_23 = arith.constant 512 : i32
    %add3A_24 = arith.addi %mul3A_22, %add3A_23 : i32
    "tpu.region"() ({
      %run_scoped3A = tpu.sem_alloc : memref<!tpu.dma_semaphore, #tpu.memory_space<semaphore_mem>>
      %dma_start3A = arith.constant 0 : i32
      %dma_start3A_73 = arith.constant 0 : i32
      %dma_start3A_74 = tpu.memref_slice %arg5[%dma_start3A, %dma_start3A_73] : memref<128x16xf32, #tpu.memory_space<vmem>> -> memref<120x16xf32, #tpu.memory_space<vmem>>
      %dma_start3A_75 = arith.constant 0 : i32
      %dma_start3A_76 = tpu.memref_slice %arg6[%add3A_24, %dma_start3A_75] : memref<10112x16xf32, #tpu.memory_space<vmem_shared>> -> memref<120x16xf32, #tpu.memory_space<vmem_shared>>
      %dma_start3A_77 = arith.constant 0 : i32
      %dma_start3A_78 = tpu.memref_slice %arg6[%add3A_24, %dma_start3A_77] : memref<10112x16xf32, #tpu.memory_space<vmem_shared>> -> memref<120x16xf32, #tpu.memory_space<vmem_shared>>
      %dma_start3A_79 = arith.constant 0 : i32
      %dma_start3A_80 = arith.constant 0 : i32
      %dma_start3A_81 = tpu.memref_slice %arg5[%dma_start3A_79, %dma_start3A_80] : memref<128x16xf32, #tpu.memory_space<vmem>> -> memref<120x16xf32, #tpu.memory_space<vmem>>
      tpu.enqueue_dma source(%dma_start3A_81 : memref<120x16xf32, #tpu.memory_space<vmem>>) target(%dma_start3A_78 : memref<120x16xf32, #tpu.memory_space<vmem_shared>>) target_semaphore(%run_scoped3A : memref<!tpu.dma_semaphore, #tpu.memory_space<semaphore_mem>>)
      %dma_wait3A = arith.constant 0 : i32
      %dma_wait3A_82 = arith.constant 0 : i32
      %dma_wait3A_83 = tpu.memref_slice %arg5[%dma_wait3A, %dma_wait3A_82] : memref<128x16xf32, #tpu.memory_space<vmem>> -> memref<120x16xf32, #tpu.memory_space<vmem>>
      %dma_wait3A_84 = arith.constant 0 : i32
      %dma_wait3A_85 = tpu.memref_slice %arg6[%add3A_24, %dma_wait3A_84] : memref<10112x16xf32, #tpu.memory_space<vmem_shared>> -> memref<120x16xf32, #tpu.memory_space<vmem_shared>>
      %dma_wait3A_86 = arith.constant 0 : i32
      %dma_wait3A_87 = tpu.memref_slice %arg6[%add3A_24, %dma_wait3A_86] : memref<10112x16xf32, #tpu.memory_space<vmem_shared>> -> memref<120x16xf32, #tpu.memory_space<vmem_shared>>
      %dma_wait3A_88 = arith.constant 0 : i32
      %dma_wait3A_89 = arith.constant 0 : i32
      %dma_wait3A_90 = tpu.memref_slice %arg5[%dma_wait3A_88, %dma_wait3A_89] : memref<128x16xf32, #tpu.memory_space<vmem>> -> memref<120x16xf32, #tpu.memory_space<vmem>>
      tpu.wait_dma2 semaphore(%run_scoped3A : memref<!tpu.dma_semaphore, #tpu.memory_space<semaphore_mem>>) src(%dma_wait3A_90 : memref<120x16xf32, #tpu.memory_space<vmem>>) dst(%dma_wait3A_87 : memref<120x16xf32, #tpu.memory_space<vmem_shared>>)
      tpu.yield
    }) : () -> ()
    %scan3A_25 = arith.constant 0 : i32
    %scan3A_26 = arith.constant 128 : i32
    %scan3A_27 = arith.addi %scan3A_25, %scan3A_26 : i32
    %scan3A_28 = arith.constant 1 : i32
    scf.for %scan3A_73 = %scan3A_25 to %scan3A_27 step %scan3A_28  : i32 {
      %mul3A_74 = arith.constant 1 : i32
      %mul3A_75 = arith.muli %scan3A_73, %mul3A_74 : i32
      %add3A_76 = arith.constant 0 : i32
      %add3A_77 = arith.addi %add3A_76, %mul3A_75 : i32
      %broadcast_in_dim3A = arith.constant 1.000000e+00 : f32
      %broadcast_in_dim3A_78 = vector.broadcast %broadcast_in_dim3A : f32 to vector<16xf32>
      %swap3A = arith.index_cast %add3A_77 : i32 to index
      %swap3A_79 = arith.constant 0 : index
      %swap3A_80 = tpu.vector_load %arg5[%swap3A, %swap3A_79] {strides = array<i32>} : memref<128x16xf32, #tpu.memory_space<vmem>>, vector<1x16xf32>,
      %swap3A_81 = vector.shape_cast %swap3A_80 : vector<1x16xf32> to vector<16xf32>
      %swap3A_82 = vector.shape_cast %broadcast_in_dim3A_78 : vector<16xf32> to vector<1x16xf32>
      tpu.vector_store %arg5[%swap3A, %swap3A_79], %swap3A_82 {strides = array<i32>} : memref<128x16xf32, #tpu.memory_space<vmem>>, vector<1x16xf32>,
    }
    %scan3A_29 = arith.constant 128 : i32
    %barrier3A = arith.constant 0 : index
    tpu.barrier barrier_id(%barrier3A)
    %eq3A = arith.constant 0 : i32
    %eq3A_30 = arith.cmpi eq, %arg0, %eq3A : i32
    %jit3A = arith.constant 114 : i32
    %jit3A_31 = arith.constant 44 : i32
    %select_n3A = arith.select %eq3A_30, %jit3A, %jit3A_31 : i32
    %sub3A = arith.constant 0 : i32
    %sub3A_32 = arith.subi %select_n3A, %sub3A : i32
    %sub3A_33 = arith.constant 1 : i32
    %sub3A_34 = arith.constant 1 : i32
    %sub3A_35 = arith.subi %sub3A_33, %sub3A_34 : i32
    %add3A_36 = arith.addi %sub3A_32, %sub3A_35 : i32
    %div3A = arith.constant 1 : i32
    %div3A_37 = arith.divsi %add3A_36, %div3A : i32
    %while3A = arith.constant 1 : i32
    %while3A_38 = arith.constant 0 : i32
    %while3A_39 = arith.constant 0 : i32
    %while3A_40 = arith.subi %div3A_37, %while3A_39 : i32
    %while3A_41 = arith.addi %while3A_39, %while3A_40 : i32
    %while3A_42 = arith.constant 1 : i32
    %while3A_43 = arith.divsi %while3A_40, %while3A_42 : i32
    %while3A_44 = arith.muli %while3A_43, %while3A_42 : i32
    %while3A_45 = arith.addi %while3A_39, %while3A_44 : i32
    %while3A_46 = arith.constant 1 : i32
    scf.for %while3A_73 = %while3A_39 to %while3A_45 step %while3A_46  : i32 {
      %mul3A_74 = arith.muli %while3A_73, %while3A : i32
      %add3A_75 = arith.addi %while3A_38, %mul3A_74 : i32
      %dma_start3A = arith.constant 0 : i32
      %dma_start3A_76 = tpu.memref_slice %arg4[%add3A_75, %dma_start3A] : memref<114x128xi32, #tpu.memory_space<vmem>> -> memref<1x128xi32, #tpu.memory_space<vmem>>
      %dma_start3A_77 = tpu.memref_squeeze %dma_start3A_76 : memref<1x128xi32, #tpu.memory_space<vmem>> -> memref<128xi32, #tpu.memory_space<vmem>>
      %dma_start3A_78 = arith.constant 0 : i32
      %dma_start3A_79 = arith.constant 0 : i32
      %dma_start3A_80 = tpu.memref_slice %arg6[%dma_start3A_78, %dma_start3A_79] : memref<10112x16xf32, #tpu.memory_space<vmem_shared>> -> memref<10112x16xf32, #tpu.memory_space<vmem_shared>>
      tpu.enqueue_indirect_dma source(%arg5 : memref<128x16xf32, #tpu.memory_space<vmem>>) target(%dma_start3A_80 : memref<10112x16xf32, #tpu.memory_space<vmem_shared>>) offsets(%dma_start3A_77 : memref<128xi32, #tpu.memory_space<vmem>>) semaphore(%arg7 : memref<!tpu.dma_semaphore, #tpu.memory_space<semaphore_mem>>) {add = true}
      %ge3A = arith.constant 8 : i32
      %ge3A_81 = arith.cmpi sge, %add3A_75, %ge3A : i32
      %convert_element_type3A = arith.extui %ge3A_81 : i1 to i32
      %cond3A = arith.constant 0 : i32
      %cond3A_82 = arith.cmpi ne, %convert_element_type3A, %cond3A : i32
      scf.if %cond3A_82 {
        %sub3A_83 = arith.constant 8 : i32
        %sub3A_84 = arith.subi %add3A_75, %sub3A_83 : i32
        %dma_wait3A = arith.constant 0 : i32
        %dma_wait3A_85 = tpu.memref_slice %arg4[%sub3A_84, %dma_wait3A] : memref<114x128xi32, #tpu.memory_space<vmem>> -> memref<1x128xi32, #tpu.memory_space<vmem>>
        %dma_wait3A_86 = tpu.memref_squeeze %dma_wait3A_85 : memref<1x128xi32, #tpu.memory_space<vmem>> -> memref<128xi32, #tpu.memory_space<vmem>>
        %dma_wait3A_87 = arith.constant 0 : i32
        %dma_wait3A_88 = arith.constant 0 : i32
        %dma_wait3A_89 = tpu.memref_slice %arg6[%dma_wait3A_87, %dma_wait3A_88] : memref<10112x16xf32, #tpu.memory_space<vmem_shared>> -> memref<10112x16xf32, #tpu.memory_space<vmem_shared>>
        tpu.wait_indirect_dma semaphore(%arg7 : memref<!tpu.dma_semaphore, #tpu.memory_space<semaphore_mem>>) src(%arg5 : memref<128x16xf32, #tpu.memory_space<vmem>>) dst(%dma_wait3A_89 : memref<10112x16xf32, #tpu.memory_space<vmem_shared>>)
      } else {
      }
    }
    %while3A_47 = arith.constant 1 : i32
    scf.for %while3A_73 = %while3A_45 to %while3A_41 step %while3A_47  : i32 {
      %mul3A_74 = arith.muli %while3A_73, %while3A : i32
      %add3A_75 = arith.addi %while3A_38, %mul3A_74 : i32
      %dma_start3A = arith.constant 0 : i32
      %dma_start3A_76 = tpu.memref_slice %arg4[%add3A_75, %dma_start3A] : memref<114x128xi32, #tpu.memory_space<vmem>> -> memref<1x128xi32, #tpu.memory_space<vmem>>
      %dma_start3A_77 = tpu.memref_squeeze %dma_start3A_76 : memref<1x128xi32, #tpu.memory_space<vmem>> -> memref<128xi32, #tpu.memory_space<vmem>>
      %dma_start3A_78 = arith.constant 0 : i32
      %dma_start3A_79 = arith.constant 0 : i32
      %dma_start3A_80 = tpu.memref_slice %arg6[%dma_start3A_78, %dma_start3A_79] : memref<10112x16xf32, #tpu.memory_space<vmem_shared>> -> memref<10112x16xf32, #tpu.memory_space<vmem_shared>>
      tpu.enqueue_indirect_dma source(%arg5 : memref<128x16xf32, #tpu.memory_space<vmem>>) target(%dma_start3A_80 : memref<10112x16xf32, #tpu.memory_space<vmem_shared>>) offsets(%dma_start3A_77 : memref<128xi32, #tpu.memory_space<vmem>>) semaphore(%arg7 : memref<!tpu.dma_semaphore, #tpu.memory_space<semaphore_mem>>) {add = true}
      %ge3A = arith.constant 8 : i32
      %ge3A_81 = arith.cmpi sge, %add3A_75, %ge3A : i32
      %convert_element_type3A = arith.extui %ge3A_81 : i1 to i32
      %cond3A = arith.constant 0 : i32
      %cond3A_82 = arith.cmpi ne, %convert_element_type3A, %cond3A : i32
      scf.if %cond3A_82 {
        %sub3A_83 = arith.constant 8 : i32
        %sub3A_84 = arith.subi %add3A_75, %sub3A_83 : i32
        %dma_wait3A = arith.constant 0 : i32
        %dma_wait3A_85 = tpu.memref_slice %arg4[%sub3A_84, %dma_wait3A] : memref<114x128xi32, #tpu.memory_space<vmem>> -> memref<1x128xi32, #tpu.memory_space<vmem>>
        %dma_wait3A_86 = tpu.memref_squeeze %dma_wait3A_85 : memref<1x128xi32, #tpu.memory_space<vmem>> -> memref<128xi32, #tpu.memory_space<vmem>>
        %dma_wait3A_87 = arith.constant 0 : i32
        %dma_wait3A_88 = arith.constant 0 : i32
        %dma_wait3A_89 = tpu.memref_slice %arg6[%dma_wait3A_87, %dma_wait3A_88] : memref<10112x16xf32, #tpu.memory_space<vmem_shared>> -> memref<10112x16xf32, #tpu.memory_space<vmem_shared>>
        tpu.wait_indirect_dma semaphore(%arg7 : memref<!tpu.dma_semaphore, #tpu.memory_space<semaphore_mem>>) src(%arg5 : memref<128x16xf32, #tpu.memory_space<vmem>>) dst(%dma_wait3A_89 : memref<10112x16xf32, #tpu.memory_space<vmem_shared>>)
      } else {
      }
    }
    %sub3A_48 = arith.constant 8 : i32
    %sub3A_49 = arith.subi %select_n3A, %sub3A_48 : i32
    %max3A = arith.constant 0 : i32
    %max3A_50 = arith.maxsi %sub3A_49, %max3A : i32
    %sub3A_51 = arith.subi %select_n3A, %max3A_50 : i32
    %sub3A_52 = arith.constant 1 : i32
    %sub3A_53 = arith.constant 1 : i32
    %sub3A_54 = arith.subi %sub3A_52, %sub3A_53 : i32
    %add3A_55 = arith.addi %sub3A_51, %sub3A_54 : i32
    %div3A_56 = arith.constant 1 : i32
    %div3A_57 = arith.divsi %add3A_55, %div3A_56 : i32
    %while3A_58 = arith.constant 1 : i32
    %while3A_59 = arith.constant 0 : i32
    %while3A_60 = arith.subi %div3A_57, %while3A_59 : i32
    %while3A_61 = arith.addi %while3A_59, %while3A_60 : i32
    %while3A_62 = arith.constant 1 : i32
    %while3A_63 = arith.divsi %while3A_60, %while3A_62 : i32
    %while3A_64 = arith.muli %while3A_63, %while3A_62 : i32
    %while3A_65 = arith.addi %while3A_59, %while3A_64 : i32
    %while3A_66 = arith.constant 1 : i32
    scf.for %while3A_73 = %while3A_59 to %while3A_65 step %while3A_66  : i32 {
      %mul3A_74 = arith.muli %while3A_73, %while3A_58 : i32
      %add3A_75 = arith.addi %max3A_50, %mul3A_74 : i32
      %dma_wait3A = arith.constant 0 : i32
      %dma_wait3A_76 = tpu.memref_slice %arg4[%add3A_75, %dma_wait3A] : memref<114x128xi32, #tpu.memory_space<vmem>> -> memref<1x128xi32, #tpu.memory_space<vmem>>
      %dma_wait3A_77 = tpu.memref_squeeze %dma_wait3A_76 : memref<1x128xi32, #tpu.memory_space<vmem>> -> memref<128xi32, #tpu.memory_space<vmem>>
      %dma_wait3A_78 = arith.constant 0 : i32
      %dma_wait3A_79 = arith.constant 0 : i32
      %dma_wait3A_80 = tpu.memref_slice %arg6[%dma_wait3A_78, %dma_wait3A_79] : memref<10112x16xf32, #tpu.memory_space<vmem_shared>> -> memref<10112x16xf32, #tpu.memory_space<vmem_shared>>
      tpu.wait_indirect_dma semaphore(%arg7 : memref<!tpu.dma_semaphore, #tpu.memory_space<semaphore_mem>>) src(%arg5 : memref<128x16xf32, #tpu.memory_space<vmem>>) dst(%dma_wait3A_80 : memref<10112x16xf32, #tpu.memory_space<vmem_shared>>)
    }
    %while3A_67 = arith.constant 1 : i32
    scf.for %while3A_73 = %while3A_65 to %while3A_61 step %while3A_67  : i32 {
      %mul3A_74 = arith.muli %while3A_73, %while3A_58 : i32
      %add3A_75 = arith.addi %max3A_50, %mul3A_74 : i32
      %dma_wait3A = arith.constant 0 : i32
      %dma_wait3A_76 = tpu.memref_slice %arg4[%add3A_75, %dma_wait3A] : memref<114x128xi32, #tpu.memory_space<vmem>> -> memref<1x128xi32, #tpu.memory_space<vmem>>
      %dma_wait3A_77 = tpu.memref_squeeze %dma_wait3A_76 : memref<1x128xi32, #tpu.memory_space<vmem>> -> memref<128xi32, #tpu.memory_space<vmem>>
      %dma_wait3A_78 = arith.constant 0 : i32
      %dma_wait3A_79 = arith.constant 0 : i32
      %dma_wait3A_80 = tpu.memref_slice %arg6[%dma_wait3A_78, %dma_wait3A_79] : memref<10112x16xf32, #tpu.memory_space<vmem_shared>> -> memref<10112x16xf32, #tpu.memory_space<vmem_shared>>
      tpu.wait_indirect_dma semaphore(%arg7 : memref<!tpu.dma_semaphore, #tpu.memory_space<semaphore_mem>>) src(%arg5 : memref<128x16xf32, #tpu.memory_space<vmem>>) dst(%dma_wait3A_80 : memref<10112x16xf32, #tpu.memory_space<vmem_shared>>)
    }
    %barrier3A_68 = arith.constant 0 : index
    tpu.barrier barrier_id(%barrier3A_68)
    %mul3A_69 = arith.constant 632 : i32
    %mul3A_70 = arith.muli %arg1, %mul3A_69 : i32
    %mul3A_71 = arith.constant 632 : i32
    %mul3A_72 = arith.muli %arg1, %mul3A_71 : i32
    "tpu.region"() ({
      %run_scoped3A = tpu.sem_alloc : memref<!tpu.dma_semaphore, #tpu.memory_space<semaphore_mem>>
      %dma_start3A = arith.constant 0 : i32
      %dma_start3A_73 = tpu.memref_slice %arg3[%arg0, %mul3A_72, %dma_start3A] : memref<2x10112x16xf32, #tpu.memory_space<hbm>> -> memref<1x632x16xf32, #tpu.memory_space<hbm>>
      %dma_start3A_74 = tpu.memref_squeeze %dma_start3A_73 : memref<1x632x16xf32, #tpu.memory_space<hbm>> -> memref<632x16xf32, #tpu.memory_space<hbm>>
      %dma_start3A_75 = arith.constant 0 : i32
      %dma_start3A_76 = tpu.memref_slice %arg6[%mul3A_70, %dma_start3A_75] : memref<10112x16xf32, #tpu.memory_space<vmem_shared>> -> memref<632x16xf32, #tpu.memory_space<vmem_shared>>
      tpu.enqueue_dma source(%dma_start3A_76 : memref<632x16xf32, #tpu.memory_space<vmem_shared>>) target(%dma_start3A_74 : memref<632x16xf32, #tpu.memory_space<hbm>>) target_semaphore(%run_scoped3A : memref<!tpu.dma_semaphore, #tpu.memory_space<semaphore_mem>>)
      %dma_wait3A = arith.constant 0 : i32
      %dma_wait3A_77 = tpu.memref_slice %arg3[%arg0, %mul3A_72, %dma_wait3A] : memref<2x10112x16xf32, #tpu.memory_space<hbm>> -> memref<1x632x16xf32, #tpu.memory_space<hbm>>
      %dma_wait3A_78 = tpu.memref_squeeze %dma_wait3A_77 : memref<1x632x16xf32, #tpu.memory_space<hbm>> -> memref<632x16xf32, #tpu.memory_space<hbm>>
      %dma_wait3A_79 = arith.constant 0 : i32
      %dma_wait3A_80 = tpu.memref_slice %arg6[%mul3A_70, %dma_wait3A_79] : memref<10112x16xf32, #tpu.memory_space<vmem_shared>> -> memref<632x16xf32, #tpu.memory_space<vmem_shared>>
      tpu.wait_dma2 semaphore(%run_scoped3A : memref<!tpu.dma_semaphore, #tpu.memory_space<semaphore_mem>>) src(%dma_wait3A_80 : memref<632x16xf32, #tpu.memory_space<vmem_shared>>) dst(%dma_wait3A_78 : memref<632x16xf32, #tpu.memory_space<hbm>>)
      tpu.yield
    }) : () -> ()
    return
  }
}

#map = affine_map<(d0, d1) -> (0, 0)>
#map1 = affine_map<(d0, d1) -> (0, 0, 0)>
#map2 = affine_map<(d0, d1) -> (0, 0, 0, 0)>
module attributes {stable_mosaic.version = 14 : i64} {
  func.func @scatter_kernel(%arg0: i32, %arg1: i32, %arg2: memref<10000x64xf32, #tpu.memory_space<hbm>>, %arg3: memref<10000x64xf32, #tpu.memory_space<hbm>>, %arg4: memref<32x114x128xi32, #tpu.memory_space<hbm>>, %arg5: memref<32x114x128xi32, #tpu.memory_space<hbm>>, %arg6: memref<2x2x10112x64xf32, #tpu.memory_space<hbm>>, %arg7: memref<114x128xi32, #tpu.memory_space<vmem>>, %arg8: memref<114x128xi32, #tpu.memory_space<vmem>>, %arg9: memref<128x64xf32, #tpu.memory_space<vmem>>, %arg10: memref<128x64xf32, #tpu.memory_space<vmem>>, %arg11: memref<10112x64xf32, #tpu.memory_space<vmem_shared>>, %arg12: memref<!tpu.dma_semaphore, #tpu.memory_space<semaphore_mem>>, %arg13: memref<!tpu.dma_semaphore, #tpu.memory_space<semaphore_mem>>, %arg14: memref<!tpu.dma_semaphore, #tpu.memory_space<semaphore_mem>>, %arg15: memref<!tpu.dma_semaphore, #tpu.memory_space<semaphore_mem>>) attributes {dimension_semantics = [#tpu.dimension_semantics<core_parallel>, #tpu.dimension_semantics<subcore_parallel>], iteration_bounds = array<i64: 2, 16>, scalar_prefetch = 0 : i64, scratch_operands = 9 : i64, tpu.core_type = #tpu.core_type<sc_vector_subcore>, window_params = [{transform_indices = #map}, {transform_indices = #map}, {transform_indices = #map1}, {transform_indices = #map1}, {transform_indices = #map2}]} {
    %mul3A = arith.constant 16 : i32
    %mul3A_0 = arith.muli %arg0, %mul3A : i32
    %add3A = arith.addi %mul3A_0, %arg1 : i32
    "tpu.region"() ({
      %run_scoped3A_144 = tpu.sem_alloc : memref<!tpu.dma_semaphore, #tpu.memory_space<semaphore_mem>>
      %dma_start3A_145 = arith.constant 0 : i32
      %dma_start3A_146 = arith.constant 0 : i32
      %dma_start3A_147 = tpu.memref_slice %arg4[%add3A, %dma_start3A_145, %dma_start3A_146] : memref<32x114x128xi32, #tpu.memory_space<hbm>> -> memref<1x114x128xi32, #tpu.memory_space<hbm>>
      %dma_start3A_148 = tpu.memref_squeeze %dma_start3A_147 : memref<1x114x128xi32, #tpu.memory_space<hbm>> -> memref<114x128xi32, #tpu.memory_space<hbm>>
      %dma_start3A_149 = arith.constant 0 : i32
      %dma_start3A_150 = arith.constant 0 : i32
      %dma_start3A_151 = tpu.memref_slice %arg4[%add3A, %dma_start3A_149, %dma_start3A_150] : memref<32x114x128xi32, #tpu.memory_space<hbm>> -> memref<1x114x128xi32, #tpu.memory_space<hbm>>
      %dma_start3A_152 = tpu.memref_squeeze %dma_start3A_151 : memref<1x114x128xi32, #tpu.memory_space<hbm>> -> memref<114x128xi32, #tpu.memory_space<hbm>>
      tpu.enqueue_dma source(%dma_start3A_152 : memref<114x128xi32, #tpu.memory_space<hbm>>) target(%arg7 : memref<114x128xi32, #tpu.memory_space<vmem>>) target_semaphore(%run_scoped3A_144 : memref<!tpu.dma_semaphore, #tpu.memory_space<semaphore_mem>>)
      %dma_wait3A = arith.constant 0 : i32
      %dma_wait3A_153 = arith.constant 0 : i32
      %dma_wait3A_154 = tpu.memref_slice %arg4[%add3A, %dma_wait3A, %dma_wait3A_153] : memref<32x114x128xi32, #tpu.memory_space<hbm>> -> memref<1x114x128xi32, #tpu.memory_space<hbm>>
      %dma_wait3A_155 = tpu.memref_squeeze %dma_wait3A_154 : memref<1x114x128xi32, #tpu.memory_space<hbm>> -> memref<114x128xi32, #tpu.memory_space<hbm>>
      %dma_wait3A_156 = arith.constant 0 : i32
      %dma_wait3A_157 = arith.constant 0 : i32
      %dma_wait3A_158 = tpu.memref_slice %arg4[%add3A, %dma_wait3A_156, %dma_wait3A_157] : memref<32x114x128xi32, #tpu.memory_space<hbm>> -> memref<1x114x128xi32, #tpu.memory_space<hbm>>
      %dma_wait3A_159 = tpu.memref_squeeze %dma_wait3A_158 : memref<1x114x128xi32, #tpu.memory_space<hbm>> -> memref<114x128xi32, #tpu.memory_space<hbm>>
      tpu.wait_dma2 semaphore(%run_scoped3A_144 : memref<!tpu.dma_semaphore, #tpu.memory_space<semaphore_mem>>) src(%dma_wait3A_159 : memref<114x128xi32, #tpu.memory_space<hbm>>) dst(%arg7 : memref<114x128xi32, #tpu.memory_space<vmem>>)
      tpu.yield
    }) : () -> ()
    "tpu.region"() ({
      %run_scoped3A_144 = tpu.sem_alloc : memref<!tpu.dma_semaphore, #tpu.memory_space<semaphore_mem>>
      %dma_start3A_145 = arith.constant 0 : i32
      %dma_start3A_146 = arith.constant 0 : i32
      %dma_start3A_147 = tpu.memref_slice %arg5[%add3A, %dma_start3A_145, %dma_start3A_146] : memref<32x114x128xi32, #tpu.memory_space<hbm>> -> memref<1x114x128xi32, #tpu.memory_space<hbm>>
      %dma_start3A_148 = tpu.memref_squeeze %dma_start3A_147 : memref<1x114x128xi32, #tpu.memory_space<hbm>> -> memref<114x128xi32, #tpu.memory_space<hbm>>
      %dma_start3A_149 = arith.constant 0 : i32
      %dma_start3A_150 = arith.constant 0 : i32
      %dma_start3A_151 = tpu.memref_slice %arg5[%add3A, %dma_start3A_149, %dma_start3A_150] : memref<32x114x128xi32, #tpu.memory_space<hbm>> -> memref<1x114x128xi32, #tpu.memory_space<hbm>>
      %dma_start3A_152 = tpu.memref_squeeze %dma_start3A_151 : memref<1x114x128xi32, #tpu.memory_space<hbm>> -> memref<114x128xi32, #tpu.memory_space<hbm>>
      tpu.enqueue_dma source(%dma_start3A_152 : memref<114x128xi32, #tpu.memory_space<hbm>>) target(%arg8 : memref<114x128xi32, #tpu.memory_space<vmem>>) target_semaphore(%run_scoped3A_144 : memref<!tpu.dma_semaphore, #tpu.memory_space<semaphore_mem>>)
      %dma_wait3A = arith.constant 0 : i32
      %dma_wait3A_153 = arith.constant 0 : i32
      %dma_wait3A_154 = tpu.memref_slice %arg5[%add3A, %dma_wait3A, %dma_wait3A_153] : memref<32x114x128xi32, #tpu.memory_space<hbm>> -> memref<1x114x128xi32, #tpu.memory_space<hbm>>
      %dma_wait3A_155 = tpu.memref_squeeze %dma_wait3A_154 : memref<1x114x128xi32, #tpu.memory_space<hbm>> -> memref<114x128xi32, #tpu.memory_space<hbm>>
      %dma_wait3A_156 = arith.constant 0 : i32
      %dma_wait3A_157 = arith.constant 0 : i32
      %dma_wait3A_158 = tpu.memref_slice %arg5[%add3A, %dma_wait3A_156, %dma_wait3A_157] : memref<32x114x128xi32, #tpu.memory_space<hbm>> -> memref<1x114x128xi32, #tpu.memory_space<hbm>>
      %dma_wait3A_159 = tpu.memref_squeeze %dma_wait3A_158 : memref<1x114x128xi32, #tpu.memory_space<hbm>> -> memref<114x128xi32, #tpu.memory_space<hbm>>
      tpu.wait_dma2 semaphore(%run_scoped3A_144 : memref<!tpu.dma_semaphore, #tpu.memory_space<semaphore_mem>>) src(%dma_wait3A_159 : memref<114x128xi32, #tpu.memory_space<hbm>>) dst(%arg8 : memref<114x128xi32, #tpu.memory_space<vmem>>)
      tpu.yield
    }) : () -> ()
    %eq3A = arith.constant 0 : i32
    %eq3A_1 = arith.cmpi eq, %arg0, %eq3A : i32
    %jit3A = arith.constant 114 : i32
    %jit3A_2 = arith.constant 44 : i32
    %select_n3A = arith.select %eq3A_1, %jit3A, %jit3A_2 : i32
    %scan3A = arith.constant 0 : i32
    %scan3A_3 = arith.constant 128 : i32
    %scan3A_4 = arith.addi %scan3A, %scan3A_3 : i32
    %scan3A_5 = arith.constant 1 : i32
    scf.for %scan3A_144 = %scan3A to %scan3A_4 step %scan3A_5  : i32 {
      %mul3A_145 = arith.constant 1 : i32
      %mul3A_146 = arith.muli %scan3A_144, %mul3A_145 : i32
      %add3A_147 = arith.constant 0 : i32
      %add3A_148 = arith.addi %add3A_147, %mul3A_146 : i32
      %broadcast_in_dim3A = arith.constant 0.000000e+00 : f32
      %broadcast_in_dim3A_149 = vector.broadcast %broadcast_in_dim3A : f32 to vector<16xf32>
      %swap3A = arith.index_cast %add3A_148 : i32 to index
      %swap3A_150 = arith.constant 0 : index
      %swap3A_151 = tpu.vector_load %arg9[%swap3A, %swap3A_150] {strides = array<i32>} : memref<128x64xf32, #tpu.memory_space<vmem>>, vector<1x16xf32>,
      %swap3A_152 = vector.shape_cast %swap3A_151 : vector<1x16xf32> to vector<16xf32>
      %swap3A_153 = vector.shape_cast %broadcast_in_dim3A_149 : vector<16xf32> to vector<1x16xf32>
      tpu.vector_store %arg9[%swap3A, %swap3A_150], %swap3A_153 {strides = array<i32>} : memref<128x64xf32, #tpu.memory_space<vmem>>, vector<1x16xf32>,
      %broadcast_in_dim3A_154 = arith.constant 0.000000e+00 : f32
      %broadcast_in_dim3A_155 = vector.broadcast %broadcast_in_dim3A_154 : f32 to vector<16xf32>
      %swap3A_156 = arith.index_cast %add3A_148 : i32 to index
      %swap3A_157 = arith.constant 16 : index
      %swap3A_158 = tpu.vector_load %arg9[%swap3A_156, %swap3A_157] {strides = array<i32>} : memref<128x64xf32, #tpu.memory_space<vmem>>, vector<1x16xf32>,
      %swap3A_159 = vector.shape_cast %swap3A_158 : vector<1x16xf32> to vector<16xf32>
      %swap3A_160 = vector.shape_cast %broadcast_in_dim3A_155 : vector<16xf32> to vector<1x16xf32>
      tpu.vector_store %arg9[%swap3A_156, %swap3A_157], %swap3A_160 {strides = array<i32>} : memref<128x64xf32, #tpu.memory_space<vmem>>, vector<1x16xf32>,
      %broadcast_in_dim3A_161 = arith.constant 0.000000e+00 : f32
      %broadcast_in_dim3A_162 = vector.broadcast %broadcast_in_dim3A_161 : f32 to vector<16xf32>
      %swap3A_163 = arith.index_cast %add3A_148 : i32 to index
      %swap3A_164 = arith.constant 32 : index
      %swap3A_165 = tpu.vector_load %arg9[%swap3A_163, %swap3A_164] {strides = array<i32>} : memref<128x64xf32, #tpu.memory_space<vmem>>, vector<1x16xf32>,
      %swap3A_166 = vector.shape_cast %swap3A_165 : vector<1x16xf32> to vector<16xf32>
      %swap3A_167 = vector.shape_cast %broadcast_in_dim3A_162 : vector<16xf32> to vector<1x16xf32>
      tpu.vector_store %arg9[%swap3A_163, %swap3A_164], %swap3A_167 {strides = array<i32>} : memref<128x64xf32, #tpu.memory_space<vmem>>, vector<1x16xf32>,
      %broadcast_in_dim3A_168 = arith.constant 0.000000e+00 : f32
      %broadcast_in_dim3A_169 = vector.broadcast %broadcast_in_dim3A_168 : f32 to vector<16xf32>
      %swap3A_170 = arith.index_cast %add3A_148 : i32 to index
      %swap3A_171 = arith.constant 48 : index
      %swap3A_172 = tpu.vector_load %arg9[%swap3A_170, %swap3A_171] {strides = array<i32>} : memref<128x64xf32, #tpu.memory_space<vmem>>, vector<1x16xf32>,
      %swap3A_173 = vector.shape_cast %swap3A_172 : vector<1x16xf32> to vector<16xf32>
      %swap3A_174 = vector.shape_cast %broadcast_in_dim3A_169 : vector<16xf32> to vector<1x16xf32>
      tpu.vector_store %arg9[%swap3A_170, %swap3A_171], %swap3A_174 {strides = array<i32>} : memref<128x64xf32, #tpu.memory_space<vmem>>, vector<1x16xf32>,
    }
    %scan3A_6 = arith.constant 128 : i32
    %mul3A_7 = arith.constant 632 : i32
    %mul3A_8 = arith.muli %arg1, %mul3A_7 : i32
    %add3A_9 = arith.constant 0 : i32
    %add3A_10 = arith.addi %mul3A_8, %add3A_9 : i32
    "tpu.region"() ({
      %run_scoped3A_144 = tpu.sem_alloc : memref<!tpu.dma_semaphore, #tpu.memory_space<semaphore_mem>>
      %dma_start3A_145 = arith.constant 0 : i32
      %dma_start3A_146 = tpu.memref_slice %arg11[%add3A_10, %dma_start3A_145] : memref<10112x64xf32, #tpu.memory_space<vmem_shared>> -> memref<128x64xf32, #tpu.memory_space<vmem_shared>>
      %dma_start3A_147 = arith.constant 0 : i32
      %dma_start3A_148 = tpu.memref_slice %arg11[%add3A_10, %dma_start3A_147] : memref<10112x64xf32, #tpu.memory_space<vmem_shared>> -> memref<128x64xf32, #tpu.memory_space<vmem_shared>>
      tpu.enqueue_dma source(%arg9 : memref<128x64xf32, #tpu.memory_space<vmem>>) target(%dma_start3A_148 : memref<128x64xf32, #tpu.memory_space<vmem_shared>>) target_semaphore(%run_scoped3A_144 : memref<!tpu.dma_semaphore, #tpu.memory_space<semaphore_mem>>)
      %dma_wait3A = arith.constant 0 : i32
      %dma_wait3A_149 = tpu.memref_slice %arg11[%add3A_10, %dma_wait3A] : memref<10112x64xf32, #tpu.memory_space<vmem_shared>> -> memref<128x64xf32, #tpu.memory_space<vmem_shared>>
      %dma_wait3A_150 = arith.constant 0 : i32
      %dma_wait3A_151 = tpu.memref_slice %arg11[%add3A_10, %dma_wait3A_150] : memref<10112x64xf32, #tpu.memory_space<vmem_shared>> -> memref<128x64xf32, #tpu.memory_space<vmem_shared>>
      tpu.wait_dma2 semaphore(%run_scoped3A_144 : memref<!tpu.dma_semaphore, #tpu.memory_space<semaphore_mem>>) src(%arg9 : memref<128x64xf32, #tpu.memory_space<vmem>>) dst(%dma_wait3A_151 : memref<128x64xf32, #tpu.memory_space<vmem_shared>>)
      tpu.yield
    }) : () -> ()
    %mul3A_11 = arith.constant 632 : i32
    %mul3A_12 = arith.muli %arg1, %mul3A_11 : i32
    %add3A_13 = arith.constant 128 : i32
    %add3A_14 = arith.addi %mul3A_12, %add3A_13 : i32
    "tpu.region"() ({
      %run_scoped3A_144 = tpu.sem_alloc : memref<!tpu.dma_semaphore, #tpu.memory_space<semaphore_mem>>
      %dma_start3A_145 = arith.constant 0 : i32
      %dma_start3A_146 = tpu.memref_slice %arg11[%add3A_14, %dma_start3A_145] : memref<10112x64xf32, #tpu.memory_space<vmem_shared>> -> memref<128x64xf32, #tpu.memory_space<vmem_shared>>
      %dma_start3A_147 = arith.constant 0 : i32
      %dma_start3A_148 = tpu.memref_slice %arg11[%add3A_14, %dma_start3A_147] : memref<10112x64xf32, #tpu.memory_space<vmem_shared>> -> memref<128x64xf32, #tpu.memory_space<vmem_shared>>
      tpu.enqueue_dma source(%arg9 : memref<128x64xf32, #tpu.memory_space<vmem>>) target(%dma_start3A_148 : memref<128x64xf32, #tpu.memory_space<vmem_shared>>) target_semaphore(%run_scoped3A_144 : memref<!tpu.dma_semaphore, #tpu.memory_space<semaphore_mem>>)
      %dma_wait3A = arith.constant 0 : i32
      %dma_wait3A_149 = tpu.memref_slice %arg11[%add3A_14, %dma_wait3A] : memref<10112x64xf32, #tpu.memory_space<vmem_shared>> -> memref<128x64xf32, #tpu.memory_space<vmem_shared>>
      %dma_wait3A_150 = arith.constant 0 : i32
      %dma_wait3A_151 = tpu.memref_slice %arg11[%add3A_14, %dma_wait3A_150] : memref<10112x64xf32, #tpu.memory_space<vmem_shared>> -> memref<128x64xf32, #tpu.memory_space<vmem_shared>>
      tpu.wait_dma2 semaphore(%run_scoped3A_144 : memref<!tpu.dma_semaphore, #tpu.memory_space<semaphore_mem>>) src(%arg9 : memref<128x64xf32, #tpu.memory_space<vmem>>) dst(%dma_wait3A_151 : memref<128x64xf32, #tpu.memory_space<vmem_shared>>)
      tpu.yield
    }) : () -> ()
    %mul3A_15 = arith.constant 632 : i32
    %mul3A_16 = arith.muli %arg1, %mul3A_15 : i32
    %add3A_17 = arith.constant 256 : i32
    %add3A_18 = arith.addi %mul3A_16, %add3A_17 : i32
    "tpu.region"() ({
      %run_scoped3A_144 = tpu.sem_alloc : memref<!tpu.dma_semaphore, #tpu.memory_space<semaphore_mem>>
      %dma_start3A_145 = arith.constant 0 : i32
      %dma_start3A_146 = tpu.memref_slice %arg11[%add3A_18, %dma_start3A_145] : memref<10112x64xf32, #tpu.memory_space<vmem_shared>> -> memref<128x64xf32, #tpu.memory_space<vmem_shared>>
      %dma_start3A_147 = arith.constant 0 : i32
      %dma_start3A_148 = tpu.memref_slice %arg11[%add3A_18, %dma_start3A_147] : memref<10112x64xf32, #tpu.memory_space<vmem_shared>> -> memref<128x64xf32, #tpu.memory_space<vmem_shared>>
      tpu.enqueue_dma source(%arg9 : memref<128x64xf32, #tpu.memory_space<vmem>>) target(%dma_start3A_148 : memref<128x64xf32, #tpu.memory_space<vmem_shared>>) target_semaphore(%run_scoped3A_144 : memref<!tpu.dma_semaphore, #tpu.memory_space<semaphore_mem>>)
      %dma_wait3A = arith.constant 0 : i32
      %dma_wait3A_149 = tpu.memref_slice %arg11[%add3A_18, %dma_wait3A] : memref<10112x64xf32, #tpu.memory_space<vmem_shared>> -> memref<128x64xf32, #tpu.memory_space<vmem_shared>>
      %dma_wait3A_150 = arith.constant 0 : i32
      %dma_wait3A_151 = tpu.memref_slice %arg11[%add3A_18, %dma_wait3A_150] : memref<10112x64xf32, #tpu.memory_space<vmem_shared>> -> memref<128x64xf32, #tpu.memory_space<vmem_shared>>
      tpu.wait_dma2 semaphore(%run_scoped3A_144 : memref<!tpu.dma_semaphore, #tpu.memory_space<semaphore_mem>>) src(%arg9 : memref<128x64xf32, #tpu.memory_space<vmem>>) dst(%dma_wait3A_151 : memref<128x64xf32, #tpu.memory_space<vmem_shared>>)
      tpu.yield
    }) : () -> ()
    %mul3A_19 = arith.constant 632 : i32
    %mul3A_20 = arith.muli %arg1, %mul3A_19 : i32
    %add3A_21 = arith.constant 384 : i32
    %add3A_22 = arith.addi %mul3A_20, %add3A_21 : i32
    "tpu.region"() ({
      %run_scoped3A_144 = tpu.sem_alloc : memref<!tpu.dma_semaphore, #tpu.memory_space<semaphore_mem>>
      %dma_start3A_145 = arith.constant 0 : i32
      %dma_start3A_146 = tpu.memref_slice %arg11[%add3A_22, %dma_start3A_145] : memref<10112x64xf32, #tpu.memory_space<vmem_shared>> -> memref<128x64xf32, #tpu.memory_space<vmem_shared>>
      %dma_start3A_147 = arith.constant 0 : i32
      %dma_start3A_148 = tpu.memref_slice %arg11[%add3A_22, %dma_start3A_147] : memref<10112x64xf32, #tpu.memory_space<vmem_shared>> -> memref<128x64xf32, #tpu.memory_space<vmem_shared>>
      tpu.enqueue_dma source(%arg9 : memref<128x64xf32, #tpu.memory_space<vmem>>) target(%dma_start3A_148 : memref<128x64xf32, #tpu.memory_space<vmem_shared>>) target_semaphore(%run_scoped3A_144 : memref<!tpu.dma_semaphore, #tpu.memory_space<semaphore_mem>>)
      %dma_wait3A = arith.constant 0 : i32
      %dma_wait3A_149 = tpu.memref_slice %arg11[%add3A_22, %dma_wait3A] : memref<10112x64xf32, #tpu.memory_space<vmem_shared>> -> memref<128x64xf32, #tpu.memory_space<vmem_shared>>
      %dma_wait3A_150 = arith.constant 0 : i32
      %dma_wait3A_151 = tpu.memref_slice %arg11[%add3A_22, %dma_wait3A_150] : memref<10112x64xf32, #tpu.memory_space<vmem_shared>> -> memref<128x64xf32, #tpu.memory_space<vmem_shared>>
      tpu.wait_dma2 semaphore(%run_scoped3A_144 : memref<!tpu.dma_semaphore, #tpu.memory_space<semaphore_mem>>) src(%arg9 : memref<128x64xf32, #tpu.memory_space<vmem>>) dst(%dma_wait3A_151 : memref<128x64xf32, #tpu.memory_space<vmem_shared>>)
      tpu.yield
    }) : () -> ()
    %mul3A_23 = arith.constant 632 : i32
    %mul3A_24 = arith.muli %arg1, %mul3A_23 : i32
    %add3A_25 = arith.constant 512 : i32
    %add3A_26 = arith.addi %mul3A_24, %add3A_25 : i32
    "tpu.region"() ({
      %run_scoped3A_144 = tpu.sem_alloc : memref<!tpu.dma_semaphore, #tpu.memory_space<semaphore_mem>>
      %dma_start3A_145 = arith.constant 0 : i32
      %dma_start3A_146 = arith.constant 0 : i32
      %dma_start3A_147 = tpu.memref_slice %arg9[%dma_start3A_145, %dma_start3A_146] : memref<128x64xf32, #tpu.memory_space<vmem>> -> memref<120x64xf32, #tpu.memory_space<vmem>>
      %dma_start3A_148 = arith.constant 0 : i32
      %dma_start3A_149 = tpu.memref_slice %arg11[%add3A_26, %dma_start3A_148] : memref<10112x64xf32, #tpu.memory_space<vmem_shared>> -> memref<120x64xf32, #tpu.memory_space<vmem_shared>>
      %dma_start3A_150 = arith.constant 0 : i32
      %dma_start3A_151 = tpu.memref_slice %arg11[%add3A_26, %dma_start3A_150] : memref<10112x64xf32, #tpu.memory_space<vmem_shared>> -> memref<120x64xf32, #tpu.memory_space<vmem_shared>>
      %dma_start3A_152 = arith.constant 0 : i32
      %dma_start3A_153 = arith.constant 0 : i32
      %dma_start3A_154 = tpu.memref_slice %arg9[%dma_start3A_152, %dma_start3A_153] : memref<128x64xf32, #tpu.memory_space<vmem>> -> memref<120x64xf32, #tpu.memory_space<vmem>>
      tpu.enqueue_dma source(%dma_start3A_154 : memref<120x64xf32, #tpu.memory_space<vmem>>) target(%dma_start3A_151 : memref<120x64xf32, #tpu.memory_space<vmem_shared>>) target_semaphore(%run_scoped3A_144 : memref<!tpu.dma_semaphore, #tpu.memory_space<semaphore_mem>>)
      %dma_wait3A = arith.constant 0 : i32
      %dma_wait3A_155 = arith.constant 0 : i32
      %dma_wait3A_156 = tpu.memref_slice %arg9[%dma_wait3A, %dma_wait3A_155] : memref<128x64xf32, #tpu.memory_space<vmem>> -> memref<120x64xf32, #tpu.memory_space<vmem>>
      %dma_wait3A_157 = arith.constant 0 : i32
      %dma_wait3A_158 = tpu.memref_slice %arg11[%add3A_26, %dma_wait3A_157] : memref<10112x64xf32, #tpu.memory_space<vmem_shared>> -> memref<120x64xf32, #tpu.memory_space<vmem_shared>>
      %dma_wait3A_159 = arith.constant 0 : i32
      %dma_wait3A_160 = tpu.memref_slice %arg11[%add3A_26, %dma_wait3A_159] : memref<10112x64xf32, #tpu.memory_space<vmem_shared>> -> memref<120x64xf32, #tpu.memory_space<vmem_shared>>
      %dma_wait3A_161 = arith.constant 0 : i32
      %dma_wait3A_162 = arith.constant 0 : i32
      %dma_wait3A_163 = tpu.memref_slice %arg9[%dma_wait3A_161, %dma_wait3A_162] : memref<128x64xf32, #tpu.memory_space<vmem>> -> memref<120x64xf32, #tpu.memory_space<vmem>>
      tpu.wait_dma2 semaphore(%run_scoped3A_144 : memref<!tpu.dma_semaphore, #tpu.memory_space<semaphore_mem>>) src(%dma_wait3A_163 : memref<120x64xf32, #tpu.memory_space<vmem>>) dst(%dma_wait3A_160 : memref<120x64xf32, #tpu.memory_space<vmem_shared>>)
      tpu.yield
    }) : () -> ()
    %dma_start3A = arith.constant 0 : i32
    %dma_start3A_27 = arith.constant 0 : i32
    %dma_start3A_28 = arith.constant 0 : i32
    %dma_start3A_29 = tpu.memref_slice %arg9[%dma_start3A_27, %dma_start3A_28] : memref<128x64xf32, #tpu.memory_space<vmem>> -> memref<128x64xf32, #tpu.memory_space<vmem>>
    %dma_start3A_30 = arith.constant 0 : i32
    %dma_start3A_31 = tpu.memref_slice %arg7[%dma_start3A, %dma_start3A_30] : memref<114x128xi32, #tpu.memory_space<vmem>> -> memref<1x128xi32, #tpu.memory_space<vmem>>
    %dma_start3A_32 = tpu.memref_squeeze %dma_start3A_31 : memref<1x128xi32, #tpu.memory_space<vmem>> -> memref<128xi32, #tpu.memory_space<vmem>>
    %dma_start3A_33 = arith.constant 0 : i32
    %dma_start3A_34 = arith.constant 0 : i32
    %dma_start3A_35 = tpu.memref_slice %arg2[%dma_start3A_33, %dma_start3A_34] : memref<10000x64xf32, #tpu.memory_space<hbm>> -> memref<10000x64xf32, #tpu.memory_space<hbm>>
    tpu.enqueue_indirect_dma source(%dma_start3A_35 : memref<10000x64xf32, #tpu.memory_space<hbm>>) target(%dma_start3A_29 : memref<128x64xf32, #tpu.memory_space<vmem>>) offsets(%dma_start3A_32 : memref<128xi32, #tpu.memory_space<vmem>>) semaphore(%arg12 : memref<!tpu.dma_semaphore, #tpu.memory_space<semaphore_mem>>)
    %barrier3A = arith.constant 0 : index
    tpu.barrier barrier_id(%barrier3A)
    %jit3A_36 = arith.constant 2 : i32
    %div3A = arith.divsi %select_n3A, %jit3A_36 : i32
    %sign3A = arith.constant 0 : i32
    %sign3A_37 = arith.cmpi sgt, %select_n3A, %sign3A : i32
    %sign3A_38 = arith.extui %sign3A_37 : i1 to i32
    %sign3A_39 = arith.constant 0 : i32
    %sign3A_40 = arith.cmpi slt, %select_n3A, %sign3A_39 : i32
    %sign3A_41 = arith.extui %sign3A_40 : i1 to i32
    %sign3A_42 = arith.subi %sign3A_38, %sign3A_41 : i32
    %sign3A_43 = arith.constant 0 : i32
    %sign3A_44 = arith.cmpi sgt, %jit3A_36, %sign3A_43 : i32
    %sign3A_45 = arith.extui %sign3A_44 : i1 to i32
    %sign3A_46 = arith.constant 0 : i32
    %sign3A_47 = arith.cmpi slt, %jit3A_36, %sign3A_46 : i32
    %sign3A_48 = arith.extui %sign3A_47 : i1 to i32
    %sign3A_49 = arith.subi %sign3A_45, %sign3A_48 : i32
    %ne3A = arith.cmpi ne, %sign3A_42, %sign3A_49 : i32
    %rem3A = arith.remsi %select_n3A, %jit3A_36 : i32
    %ne3A_50 = arith.constant 0 : i32
    %ne3A_51 = arith.cmpi ne, %rem3A, %ne3A_50 : i32
    %and3A = arith.andi %ne3A, %ne3A_51 : i1
    %sub3A = arith.constant 1 : i32
    %sub3A_52 = arith.subi %div3A, %sub3A : i32
    %select_n3A_53 = arith.select %and3A, %sub3A_52, %div3A : i32
    %while3A = arith.constant 0 : i32
    %while3A_54 = arith.subi %select_n3A_53, %while3A : i32
    %while3A_55 = arith.addi %while3A, %while3A_54 : i32
    %while3A_56 = arith.constant 1 : i32
    %while3A_57 = arith.divsi %while3A_54, %while3A_56 : i32
    %while3A_58 = arith.muli %while3A_57, %while3A_56 : i32
    %while3A_59 = arith.addi %while3A, %while3A_58 : i32
    %while3A_60 = arith.constant 1 : i32
    scf.for %while3A_144 = %while3A to %while3A_59 step %while3A_60  : i32 {
      %mul3A_145 = arith.constant 2 : i32
      %mul3A_146 = arith.muli %mul3A_145, %while3A_144 : i32
      %add3A_147 = arith.constant 1 : i32
      %add3A_148 = arith.addi %mul3A_146, %add3A_147 : i32
      %lt3A = arith.cmpi slt, %add3A_148, %select_n3A : i32
      %convert_element_type3A = arith.extui %lt3A : i1 to i32
      %cond3A = arith.constant 0 : i32
      %cond3A_149 = arith.cmpi ne, %convert_element_type3A, %cond3A : i32
      scf.if %cond3A_149 {
        %add3A_237 = arith.constant 1 : i32
        %add3A_238 = arith.addi %mul3A_146, %add3A_237 : i32
        %mul3A_239 = arith.constant 1 : i32
        %mul3A_240 = arith.muli %add3A_238, %mul3A_239 : i32
        %add3A_241 = arith.constant 0 : i32
        %add3A_242 = arith.addi %mul3A_240, %add3A_241 : i32
        %dma_start3A_243 = arith.constant 0 : i32
        %dma_start3A_244 = arith.constant 0 : i32
        %dma_start3A_245 = tpu.memref_slice %arg10[%dma_start3A_243, %dma_start3A_244] : memref<128x64xf32, #tpu.memory_space<vmem>> -> memref<128x64xf32, #tpu.memory_space<vmem>>
        %dma_start3A_246 = arith.constant 0 : i32
        %dma_start3A_247 = tpu.memref_slice %arg7[%add3A_242, %dma_start3A_246] : memref<114x128xi32, #tpu.memory_space<vmem>> -> memref<1x128xi32, #tpu.memory_space<vmem>>
        %dma_start3A_248 = tpu.memref_squeeze %dma_start3A_247 : memref<1x128xi32, #tpu.memory_space<vmem>> -> memref<128xi32, #tpu.memory_space<vmem>>
        %dma_start3A_249 = arith.constant 0 : i32
        %dma_start3A_250 = arith.constant 0 : i32
        %dma_start3A_251 = tpu.memref_slice %arg2[%dma_start3A_249, %dma_start3A_250] : memref<10000x64xf32, #tpu.memory_space<hbm>> -> memref<10000x64xf32, #tpu.memory_space<hbm>>
        tpu.enqueue_indirect_dma source(%dma_start3A_251 : memref<10000x64xf32, #tpu.memory_space<hbm>>) target(%dma_start3A_245 : memref<128x64xf32, #tpu.memory_space<vmem>>) offsets(%dma_start3A_248 : memref<128xi32, #tpu.memory_space<vmem>>) semaphore(%arg13 : memref<!tpu.dma_semaphore, #tpu.memory_space<semaphore_mem>>)
      } else {
      }
      %mul3A_150 = arith.constant 1 : i32
      %mul3A_151 = arith.muli %mul3A_146, %mul3A_150 : i32
      %add3A_152 = arith.constant 0 : i32
      %add3A_153 = arith.addi %mul3A_151, %add3A_152 : i32
      %dma_wait3A = arith.constant 0 : i32
      %dma_wait3A_154 = arith.constant 0 : i32
      %dma_wait3A_155 = tpu.memref_slice %arg9[%dma_wait3A, %dma_wait3A_154] : memref<128x64xf32, #tpu.memory_space<vmem>> -> memref<128x64xf32, #tpu.memory_space<vmem>>
      %dma_wait3A_156 = arith.constant 0 : i32
      %dma_wait3A_157 = tpu.memref_slice %arg7[%add3A_153, %dma_wait3A_156] : memref<114x128xi32, #tpu.memory_space<vmem>> -> memref<1x128xi32, #tpu.memory_space<vmem>>
      %dma_wait3A_158 = tpu.memref_squeeze %dma_wait3A_157 : memref<1x128xi32, #tpu.memory_space<vmem>> -> memref<128xi32, #tpu.memory_space<vmem>>
      %dma_wait3A_159 = arith.constant 0 : i32
      %dma_wait3A_160 = arith.constant 0 : i32
      %dma_wait3A_161 = tpu.memref_slice %arg2[%dma_wait3A_159, %dma_wait3A_160] : memref<10000x64xf32, #tpu.memory_space<hbm>> -> memref<10000x64xf32, #tpu.memory_space<hbm>>
      tpu.wait_indirect_dma semaphore(%arg12 : memref<!tpu.dma_semaphore, #tpu.memory_space<semaphore_mem>>) src(%dma_wait3A_161 : memref<10000x64xf32, #tpu.memory_space<hbm>>) dst(%dma_wait3A_155 : memref<128x64xf32, #tpu.memory_space<vmem>>)
      %mul3A_162 = arith.constant 1 : i32
      %mul3A_163 = arith.muli %mul3A_146, %mul3A_162 : i32
      %add3A_164 = arith.constant 0 : i32
      %add3A_165 = arith.addi %mul3A_163, %add3A_164 : i32
      %dma_start3A_166 = arith.constant 0 : i32
      %dma_start3A_167 = arith.constant 0 : i32
      %dma_start3A_168 = tpu.memref_slice %arg9[%dma_start3A_166, %dma_start3A_167] : memref<128x64xf32, #tpu.memory_space<vmem>> -> memref<128x64xf32, #tpu.memory_space<vmem>>
      %dma_start3A_169 = arith.constant 0 : i32
      %dma_start3A_170 = tpu.memref_slice %arg8[%add3A_165, %dma_start3A_169] : memref<114x128xi32, #tpu.memory_space<vmem>> -> memref<1x128xi32, #tpu.memory_space<vmem>>
      %dma_start3A_171 = tpu.memref_squeeze %dma_start3A_170 : memref<1x128xi32, #tpu.memory_space<vmem>> -> memref<128xi32, #tpu.memory_space<vmem>>
      %dma_start3A_172 = arith.constant 0 : i32
      %dma_start3A_173 = arith.constant 0 : i32
      %dma_start3A_174 = tpu.memref_slice %arg11[%dma_start3A_172, %dma_start3A_173] : memref<10112x64xf32, #tpu.memory_space<vmem_shared>> -> memref<10112x64xf32, #tpu.memory_space<vmem_shared>>
      tpu.enqueue_indirect_dma source(%dma_start3A_168 : memref<128x64xf32, #tpu.memory_space<vmem>>) target(%dma_start3A_174 : memref<10112x64xf32, #tpu.memory_space<vmem_shared>>) offsets(%dma_start3A_171 : memref<128xi32, #tpu.memory_space<vmem>>) semaphore(%arg14 : memref<!tpu.dma_semaphore, #tpu.memory_space<semaphore_mem>>) {add = true}
      %mul3A_175 = arith.constant 1 : i32
      %mul3A_176 = arith.muli %mul3A_146, %mul3A_175 : i32
      %add3A_177 = arith.constant 0 : i32
      %add3A_178 = arith.addi %mul3A_176, %add3A_177 : i32
      %dma_wait3A_179 = arith.constant 0 : i32
      %dma_wait3A_180 = arith.constant 0 : i32
      %dma_wait3A_181 = tpu.memref_slice %arg9[%dma_wait3A_179, %dma_wait3A_180] : memref<128x64xf32, #tpu.memory_space<vmem>> -> memref<128x64xf32, #tpu.memory_space<vmem>>
      %dma_wait3A_182 = arith.constant 0 : i32
      %dma_wait3A_183 = tpu.memref_slice %arg8[%add3A_178, %dma_wait3A_182] : memref<114x128xi32, #tpu.memory_space<vmem>> -> memref<1x128xi32, #tpu.memory_space<vmem>>
      %dma_wait3A_184 = tpu.memref_squeeze %dma_wait3A_183 : memref<1x128xi32, #tpu.memory_space<vmem>> -> memref<128xi32, #tpu.memory_space<vmem>>
      %dma_wait3A_185 = arith.constant 0 : i32
      %dma_wait3A_186 = arith.constant 0 : i32
      %dma_wait3A_187 = tpu.memref_slice %arg11[%dma_wait3A_185, %dma_wait3A_186] : memref<10112x64xf32, #tpu.memory_space<vmem_shared>> -> memref<10112x64xf32, #tpu.memory_space<vmem_shared>>
      tpu.wait_indirect_dma semaphore(%arg14 : memref<!tpu.dma_semaphore, #tpu.memory_space<semaphore_mem>>) src(%dma_wait3A_181 : memref<128x64xf32, #tpu.memory_space<vmem>>) dst(%dma_wait3A_187 : memref<10112x64xf32, #tpu.memory_space<vmem_shared>>)
      %mul3A_188 = arith.constant 2 : i32
      %mul3A_189 = arith.muli %mul3A_188, %while3A_144 : i32
      %add3A_190 = arith.constant 1 : i32
      %add3A_191 = arith.addi %mul3A_189, %add3A_190 : i32
      %add3A_192 = arith.constant 1 : i32
      %add3A_193 = arith.addi %add3A_191, %add3A_192 : i32
      %lt3A_194 = arith.cmpi slt, %add3A_193, %select_n3A : i32
      %convert_element_type3A_195 = arith.extui %lt3A_194 : i1 to i32
      %cond3A_196 = arith.constant 0 : i32
      %cond3A_197 = arith.cmpi ne, %convert_element_type3A_195, %cond3A_196 : i32
      scf.if %cond3A_197 {
        %add3A_237 = arith.constant 1 : i32
        %add3A_238 = arith.addi %add3A_191, %add3A_237 : i32
        %mul3A_239 = arith.constant 1 : i32
        %mul3A_240 = arith.muli %add3A_238, %mul3A_239 : i32
        %add3A_241 = arith.constant 0 : i32
        %add3A_242 = arith.addi %mul3A_240, %add3A_241 : i32
        %dma_start3A_243 = arith.constant 0 : i32
        %dma_start3A_244 = arith.constant 0 : i32
        %dma_start3A_245 = tpu.memref_slice %arg9[%dma_start3A_243, %dma_start3A_244] : memref<128x64xf32, #tpu.memory_space<vmem>> -> memref<128x64xf32, #tpu.memory_space<vmem>>
        %dma_start3A_246 = arith.constant 0 : i32
        %dma_start3A_247 = tpu.memref_slice %arg7[%add3A_242, %dma_start3A_246] : memref<114x128xi32, #tpu.memory_space<vmem>> -> memref<1x128xi32, #tpu.memory_space<vmem>>
        %dma_start3A_248 = tpu.memref_squeeze %dma_start3A_247 : memref<1x128xi32, #tpu.memory_space<vmem>> -> memref<128xi32, #tpu.memory_space<vmem>>
        %dma_start3A_249 = arith.constant 0 : i32
        %dma_start3A_250 = arith.constant 0 : i32
        %dma_start3A_251 = tpu.memref_slice %arg2[%dma_start3A_249, %dma_start3A_250] : memref<10000x64xf32, #tpu.memory_space<hbm>> -> memref<10000x64xf32, #tpu.memory_space<hbm>>
        tpu.enqueue_indirect_dma source(%dma_start3A_251 : memref<10000x64xf32, #tpu.memory_space<hbm>>) target(%dma_start3A_245 : memref<128x64xf32, #tpu.memory_space<vmem>>) offsets(%dma_start3A_248 : memref<128xi32, #tpu.memory_space<vmem>>) semaphore(%arg12 : memref<!tpu.dma_semaphore, #tpu.memory_space<semaphore_mem>>)
      } else {
      }
      %mul3A_198 = arith.constant 1 : i32
      %mul3A_199 = arith.muli %add3A_191, %mul3A_198 : i32
      %add3A_200 = arith.constant 0 : i32
      %add3A_201 = arith.addi %mul3A_199, %add3A_200 : i32
      %dma_wait3A_202 = arith.constant 0 : i32
      %dma_wait3A_203 = arith.constant 0 : i32
      %dma_wait3A_204 = tpu.memref_slice %arg10[%dma_wait3A_202, %dma_wait3A_203] : memref<128x64xf32, #tpu.memory_space<vmem>> -> memref<128x64xf32, #tpu.memory_space<vmem>>
      %dma_wait3A_205 = arith.constant 0 : i32
      %dma_wait3A_206 = tpu.memref_slice %arg7[%add3A_201, %dma_wait3A_205] : memref<114x128xi32, #tpu.memory_space<vmem>> -> memref<1x128xi32, #tpu.memory_space<vmem>>
      %dma_wait3A_207 = tpu.memref_squeeze %dma_wait3A_206 : memref<1x128xi32, #tpu.memory_space<vmem>> -> memref<128xi32, #tpu.memory_space<vmem>>
      %dma_wait3A_208 = arith.constant 0 : i32
      %dma_wait3A_209 = arith.constant 0 : i32
      %dma_wait3A_210 = tpu.memref_slice %arg2[%dma_wait3A_208, %dma_wait3A_209] : memref<10000x64xf32, #tpu.memory_space<hbm>> -> memref<10000x64xf32, #tpu.memory_space<hbm>>
      tpu.wait_indirect_dma semaphore(%arg13 : memref<!tpu.dma_semaphore, #tpu.memory_space<semaphore_mem>>) src(%dma_wait3A_210 : memref<10000x64xf32, #tpu.memory_space<hbm>>) dst(%dma_wait3A_204 : memref<128x64xf32, #tpu.memory_space<vmem>>)
      %mul3A_211 = arith.constant 1 : i32
      %mul3A_212 = arith.muli %add3A_191, %mul3A_211 : i32
      %add3A_213 = arith.constant 0 : i32
      %add3A_214 = arith.addi %mul3A_212, %add3A_213 : i32
      %dma_start3A_215 = arith.constant 0 : i32
      %dma_start3A_216 = arith.constant 0 : i32
      %dma_start3A_217 = tpu.memref_slice %arg10[%dma_start3A_215, %dma_start3A_216] : memref<128x64xf32, #tpu.memory_space<vmem>> -> memref<128x64xf32, #tpu.memory_space<vmem>>
      %dma_start3A_218 = arith.constant 0 : i32
      %dma_start3A_219 = tpu.memref_slice %arg8[%add3A_214, %dma_start3A_218] : memref<114x128xi32, #tpu.memory_space<vmem>> -> memref<1x128xi32, #tpu.memory_space<vmem>>
      %dma_start3A_220 = tpu.memref_squeeze %dma_start3A_219 : memref<1x128xi32, #tpu.memory_space<vmem>> -> memref<128xi32, #tpu.memory_space<vmem>>
      %dma_start3A_221 = arith.constant 0 : i32
      %dma_start3A_222 = arith.constant 0 : i32
      %dma_start3A_223 = tpu.memref_slice %arg11[%dma_start3A_221, %dma_start3A_222] : memref<10112x64xf32, #tpu.memory_space<vmem_shared>> -> memref<10112x64xf32, #tpu.memory_space<vmem_shared>>
      tpu.enqueue_indirect_dma source(%dma_start3A_217 : memref<128x64xf32, #tpu.memory_space<vmem>>) target(%dma_start3A_223 : memref<10112x64xf32, #tpu.memory_space<vmem_shared>>) offsets(%dma_start3A_220 : memref<128xi32, #tpu.memory_space<vmem>>) semaphore(%arg15 : memref<!tpu.dma_semaphore, #tpu.memory_space<semaphore_mem>>) {add = true}
      %mul3A_224 = arith.constant 1 : i32
      %mul3A_225 = arith.muli %add3A_191, %mul3A_224 : i32
      %add3A_226 = arith.constant 0 : i32
      %add3A_227 = arith.addi %mul3A_225, %add3A_226 : i32
      %dma_wait3A_228 = arith.constant 0 : i32
      %dma_wait3A_229 = arith.constant 0 : i32
      %dma_wait3A_230 = tpu.memref_slice %arg10[%dma_wait3A_228, %dma_wait3A_229] : memref<128x64xf32, #tpu.memory_space<vmem>> -> memref<128x64xf32, #tpu.memory_space<vmem>>
      %dma_wait3A_231 = arith.constant 0 : i32
      %dma_wait3A_232 = tpu.memref_slice %arg8[%add3A_227, %dma_wait3A_231] : memref<114x128xi32, #tpu.memory_space<vmem>> -> memref<1x128xi32, #tpu.memory_space<vmem>>
      %dma_wait3A_233 = tpu.memref_squeeze %dma_wait3A_232 : memref<1x128xi32, #tpu.memory_space<vmem>> -> memref<128xi32, #tpu.memory_space<vmem>>
      %dma_wait3A_234 = arith.constant 0 : i32
      %dma_wait3A_235 = arith.constant 0 : i32
      %dma_wait3A_236 = tpu.memref_slice %arg11[%dma_wait3A_234, %dma_wait3A_235] : memref<10112x64xf32, #tpu.memory_space<vmem_shared>> -> memref<10112x64xf32, #tpu.memory_space<vmem_shared>>
      tpu.wait_indirect_dma semaphore(%arg15 : memref<!tpu.dma_semaphore, #tpu.memory_space<semaphore_mem>>) src(%dma_wait3A_230 : memref<128x64xf32, #tpu.memory_space<vmem>>) dst(%dma_wait3A_236 : memref<10112x64xf32, #tpu.memory_space<vmem_shared>>)
    }
    %while3A_61 = arith.constant 1 : i32
    scf.for %while3A_144 = %while3A_59 to %while3A_55 step %while3A_61  : i32 {
      %mul3A_145 = arith.constant 2 : i32
      %mul3A_146 = arith.muli %mul3A_145, %while3A_144 : i32
      %add3A_147 = arith.constant 1 : i32
      %add3A_148 = arith.addi %mul3A_146, %add3A_147 : i32
      %lt3A = arith.cmpi slt, %add3A_148, %select_n3A : i32
      %convert_element_type3A = arith.extui %lt3A : i1 to i32
      %cond3A = arith.constant 0 : i32
      %cond3A_149 = arith.cmpi ne, %convert_element_type3A, %cond3A : i32
      scf.if %cond3A_149 {
        %add3A_237 = arith.constant 1 : i32
        %add3A_238 = arith.addi %mul3A_146, %add3A_237 : i32
        %mul3A_239 = arith.constant 1 : i32
        %mul3A_240 = arith.muli %add3A_238, %mul3A_239 : i32
        %add3A_241 = arith.constant 0 : i32
        %add3A_242 = arith.addi %mul3A_240, %add3A_241 : i32
        %dma_start3A_243 = arith.constant 0 : i32
        %dma_start3A_244 = arith.constant 0 : i32
        %dma_start3A_245 = tpu.memref_slice %arg10[%dma_start3A_243, %dma_start3A_244] : memref<128x64xf32, #tpu.memory_space<vmem>> -> memref<128x64xf32, #tpu.memory_space<vmem>>
        %dma_start3A_246 = arith.constant 0 : i32
        %dma_start3A_247 = tpu.memref_slice %arg7[%add3A_242, %dma_start3A_246] : memref<114x128xi32, #tpu.memory_space<vmem>> -> memref<1x128xi32, #tpu.memory_space<vmem>>
        %dma_start3A_248 = tpu.memref_squeeze %dma_start3A_247 : memref<1x128xi32, #tpu.memory_space<vmem>> -> memref<128xi32, #tpu.memory_space<vmem>>
        %dma_start3A_249 = arith.constant 0 : i32
        %dma_start3A_250 = arith.constant 0 : i32
        %dma_start3A_251 = tpu.memref_slice %arg2[%dma_start3A_249, %dma_start3A_250] : memref<10000x64xf32, #tpu.memory_space<hbm>> -> memref<10000x64xf32, #tpu.memory_space<hbm>>
        tpu.enqueue_indirect_dma source(%dma_start3A_251 : memref<10000x64xf32, #tpu.memory_space<hbm>>) target(%dma_start3A_245 : memref<128x64xf32, #tpu.memory_space<vmem>>) offsets(%dma_start3A_248 : memref<128xi32, #tpu.memory_space<vmem>>) semaphore(%arg13 : memref<!tpu.dma_semaphore, #tpu.memory_space<semaphore_mem>>)
      } else {
      }
      %mul3A_150 = arith.constant 1 : i32
      %mul3A_151 = arith.muli %mul3A_146, %mul3A_150 : i32
      %add3A_152 = arith.constant 0 : i32
      %add3A_153 = arith.addi %mul3A_151, %add3A_152 : i32
      %dma_wait3A = arith.constant 0 : i32
      %dma_wait3A_154 = arith.constant 0 : i32
      %dma_wait3A_155 = tpu.memref_slice %arg9[%dma_wait3A, %dma_wait3A_154] : memref<128x64xf32, #tpu.memory_space<vmem>> -> memref<128x64xf32, #tpu.memory_space<vmem>>
      %dma_wait3A_156 = arith.constant 0 : i32
      %dma_wait3A_157 = tpu.memref_slice %arg7[%add3A_153, %dma_wait3A_156] : memref<114x128xi32, #tpu.memory_space<vmem>> -> memref<1x128xi32, #tpu.memory_space<vmem>>
      %dma_wait3A_158 = tpu.memref_squeeze %dma_wait3A_157 : memref<1x128xi32, #tpu.memory_space<vmem>> -> memref<128xi32, #tpu.memory_space<vmem>>
      %dma_wait3A_159 = arith.constant 0 : i32
      %dma_wait3A_160 = arith.constant 0 : i32
      %dma_wait3A_161 = tpu.memref_slice %arg2[%dma_wait3A_159, %dma_wait3A_160] : memref<10000x64xf32, #tpu.memory_space<hbm>> -> memref<10000x64xf32, #tpu.memory_space<hbm>>
      tpu.wait_indirect_dma semaphore(%arg12 : memref<!tpu.dma_semaphore, #tpu.memory_space<semaphore_mem>>) src(%dma_wait3A_161 : memref<10000x64xf32, #tpu.memory_space<hbm>>) dst(%dma_wait3A_155 : memref<128x64xf32, #tpu.memory_space<vmem>>)
      %mul3A_162 = arith.constant 1 : i32
      %mul3A_163 = arith.muli %mul3A_146, %mul3A_162 : i32
      %add3A_164 = arith.constant 0 : i32
      %add3A_165 = arith.addi %mul3A_163, %add3A_164 : i32
      %dma_start3A_166 = arith.constant 0 : i32
      %dma_start3A_167 = arith.constant 0 : i32
      %dma_start3A_168 = tpu.memref_slice %arg9[%dma_start3A_166, %dma_start3A_167] : memref<128x64xf32, #tpu.memory_space<vmem>> -> memref<128x64xf32, #tpu.memory_space<vmem>>
      %dma_start3A_169 = arith.constant 0 : i32
      %dma_start3A_170 = tpu.memref_slice %arg8[%add3A_165, %dma_start3A_169] : memref<114x128xi32, #tpu.memory_space<vmem>> -> memref<1x128xi32, #tpu.memory_space<vmem>>
      %dma_start3A_171 = tpu.memref_squeeze %dma_start3A_170 : memref<1x128xi32, #tpu.memory_space<vmem>> -> memref<128xi32, #tpu.memory_space<vmem>>
      %dma_start3A_172 = arith.constant 0 : i32
      %dma_start3A_173 = arith.constant 0 : i32
      %dma_start3A_174 = tpu.memref_slice %arg11[%dma_start3A_172, %dma_start3A_173] : memref<10112x64xf32, #tpu.memory_space<vmem_shared>> -> memref<10112x64xf32, #tpu.memory_space<vmem_shared>>
      tpu.enqueue_indirect_dma source(%dma_start3A_168 : memref<128x64xf32, #tpu.memory_space<vmem>>) target(%dma_start3A_174 : memref<10112x64xf32, #tpu.memory_space<vmem_shared>>) offsets(%dma_start3A_171 : memref<128xi32, #tpu.memory_space<vmem>>) semaphore(%arg14 : memref<!tpu.dma_semaphore, #tpu.memory_space<semaphore_mem>>) {add = true}
      %mul3A_175 = arith.constant 1 : i32
      %mul3A_176 = arith.muli %mul3A_146, %mul3A_175 : i32
      %add3A_177 = arith.constant 0 : i32
      %add3A_178 = arith.addi %mul3A_176, %add3A_177 : i32
      %dma_wait3A_179 = arith.constant 0 : i32
      %dma_wait3A_180 = arith.constant 0 : i32
      %dma_wait3A_181 = tpu.memref_slice %arg9[%dma_wait3A_179, %dma_wait3A_180] : memref<128x64xf32, #tpu.memory_space<vmem>> -> memref<128x64xf32, #tpu.memory_space<vmem>>
      %dma_wait3A_182 = arith.constant 0 : i32
      %dma_wait3A_183 = tpu.memref_slice %arg8[%add3A_178, %dma_wait3A_182] : memref<114x128xi32, #tpu.memory_space<vmem>> -> memref<1x128xi32, #tpu.memory_space<vmem>>
      %dma_wait3A_184 = tpu.memref_squeeze %dma_wait3A_183 : memref<1x128xi32, #tpu.memory_space<vmem>> -> memref<128xi32, #tpu.memory_space<vmem>>
      %dma_wait3A_185 = arith.constant 0 : i32
      %dma_wait3A_186 = arith.constant 0 : i32
      %dma_wait3A_187 = tpu.memref_slice %arg11[%dma_wait3A_185, %dma_wait3A_186] : memref<10112x64xf32, #tpu.memory_space<vmem_shared>> -> memref<10112x64xf32, #tpu.memory_space<vmem_shared>>
      tpu.wait_indirect_dma semaphore(%arg14 : memref<!tpu.dma_semaphore, #tpu.memory_space<semaphore_mem>>) src(%dma_wait3A_181 : memref<128x64xf32, #tpu.memory_space<vmem>>) dst(%dma_wait3A_187 : memref<10112x64xf32, #tpu.memory_space<vmem_shared>>)
      %mul3A_188 = arith.constant 2 : i32
      %mul3A_189 = arith.muli %mul3A_188, %while3A_144 : i32
      %add3A_190 = arith.constant 1 : i32
      %add3A_191 = arith.addi %mul3A_189, %add3A_190 : i32
      %add3A_192 = arith.constant 1 : i32
      %add3A_193 = arith.addi %add3A_191, %add3A_192 : i32
      %lt3A_194 = arith.cmpi slt, %add3A_193, %select_n3A : i32
      %convert_element_type3A_195 = arith.extui %lt3A_194 : i1 to i32
      %cond3A_196 = arith.constant 0 : i32
      %cond3A_197 = arith.cmpi ne, %convert_element_type3A_195, %cond3A_196 : i32
      scf.if %cond3A_197 {
        %add3A_237 = arith.constant 1 : i32
        %add3A_238 = arith.addi %add3A_191, %add3A_237 : i32
        %mul3A_239 = arith.constant 1 : i32
        %mul3A_240 = arith.muli %add3A_238, %mul3A_239 : i32
        %add3A_241 = arith.constant 0 : i32
        %add3A_242 = arith.addi %mul3A_240, %add3A_241 : i32
        %dma_start3A_243 = arith.constant 0 : i32
        %dma_start3A_244 = arith.constant 0 : i32
        %dma_start3A_245 = tpu.memref_slice %arg9[%dma_start3A_243, %dma_start3A_244] : memref<128x64xf32, #tpu.memory_space<vmem>> -> memref<128x64xf32, #tpu.memory_space<vmem>>
        %dma_start3A_246 = arith.constant 0 : i32
        %dma_start3A_247 = tpu.memref_slice %arg7[%add3A_242, %dma_start3A_246] : memref<114x128xi32, #tpu.memory_space<vmem>> -> memref<1x128xi32, #tpu.memory_space<vmem>>
        %dma_start3A_248 = tpu.memref_squeeze %dma_start3A_247 : memref<1x128xi32, #tpu.memory_space<vmem>> -> memref<128xi32, #tpu.memory_space<vmem>>
        %dma_start3A_249 = arith.constant 0 : i32
        %dma_start3A_250 = arith.constant 0 : i32
        %dma_start3A_251 = tpu.memref_slice %arg2[%dma_start3A_249, %dma_start3A_250] : memref<10000x64xf32, #tpu.memory_space<hbm>> -> memref<10000x64xf32, #tpu.memory_space<hbm>>
        tpu.enqueue_indirect_dma source(%dma_start3A_251 : memref<10000x64xf32, #tpu.memory_space<hbm>>) target(%dma_start3A_245 : memref<128x64xf32, #tpu.memory_space<vmem>>) offsets(%dma_start3A_248 : memref<128xi32, #tpu.memory_space<vmem>>) semaphore(%arg12 : memref<!tpu.dma_semaphore, #tpu.memory_space<semaphore_mem>>)
      } else {
      }
      %mul3A_198 = arith.constant 1 : i32
      %mul3A_199 = arith.muli %add3A_191, %mul3A_198 : i32
      %add3A_200 = arith.constant 0 : i32
      %add3A_201 = arith.addi %mul3A_199, %add3A_200 : i32
      %dma_wait3A_202 = arith.constant 0 : i32
      %dma_wait3A_203 = arith.constant 0 : i32
      %dma_wait3A_204 = tpu.memref_slice %arg10[%dma_wait3A_202, %dma_wait3A_203] : memref<128x64xf32, #tpu.memory_space<vmem>> -> memref<128x64xf32, #tpu.memory_space<vmem>>
      %dma_wait3A_205 = arith.constant 0 : i32
      %dma_wait3A_206 = tpu.memref_slice %arg7[%add3A_201, %dma_wait3A_205] : memref<114x128xi32, #tpu.memory_space<vmem>> -> memref<1x128xi32, #tpu.memory_space<vmem>>
      %dma_wait3A_207 = tpu.memref_squeeze %dma_wait3A_206 : memref<1x128xi32, #tpu.memory_space<vmem>> -> memref<128xi32, #tpu.memory_space<vmem>>
      %dma_wait3A_208 = arith.constant 0 : i32
      %dma_wait3A_209 = arith.constant 0 : i32
      %dma_wait3A_210 = tpu.memref_slice %arg2[%dma_wait3A_208, %dma_wait3A_209] : memref<10000x64xf32, #tpu.memory_space<hbm>> -> memref<10000x64xf32, #tpu.memory_space<hbm>>
      tpu.wait_indirect_dma semaphore(%arg13 : memref<!tpu.dma_semaphore, #tpu.memory_space<semaphore_mem>>) src(%dma_wait3A_210 : memref<10000x64xf32, #tpu.memory_space<hbm>>) dst(%dma_wait3A_204 : memref<128x64xf32, #tpu.memory_space<vmem>>)
      %mul3A_211 = arith.constant 1 : i32
      %mul3A_212 = arith.muli %add3A_191, %mul3A_211 : i32
      %add3A_213 = arith.constant 0 : i32
      %add3A_214 = arith.addi %mul3A_212, %add3A_213 : i32
      %dma_start3A_215 = arith.constant 0 : i32
      %dma_start3A_216 = arith.constant 0 : i32
      %dma_start3A_217 = tpu.memref_slice %arg10[%dma_start3A_215, %dma_start3A_216] : memref<128x64xf32, #tpu.memory_space<vmem>> -> memref<128x64xf32, #tpu.memory_space<vmem>>
      %dma_start3A_218 = arith.constant 0 : i32
      %dma_start3A_219 = tpu.memref_slice %arg8[%add3A_214, %dma_start3A_218] : memref<114x128xi32, #tpu.memory_space<vmem>> -> memref<1x128xi32, #tpu.memory_space<vmem>>
      %dma_start3A_220 = tpu.memref_squeeze %dma_start3A_219 : memref<1x128xi32, #tpu.memory_space<vmem>> -> memref<128xi32, #tpu.memory_space<vmem>>
      %dma_start3A_221 = arith.constant 0 : i32
      %dma_start3A_222 = arith.constant 0 : i32
      %dma_start3A_223 = tpu.memref_slice %arg11[%dma_start3A_221, %dma_start3A_222] : memref<10112x64xf32, #tpu.memory_space<vmem_shared>> -> memref<10112x64xf32, #tpu.memory_space<vmem_shared>>
      tpu.enqueue_indirect_dma source(%dma_start3A_217 : memref<128x64xf32, #tpu.memory_space<vmem>>) target(%dma_start3A_223 : memref<10112x64xf32, #tpu.memory_space<vmem_shared>>) offsets(%dma_start3A_220 : memref<128xi32, #tpu.memory_space<vmem>>) semaphore(%arg15 : memref<!tpu.dma_semaphore, #tpu.memory_space<semaphore_mem>>) {add = true}
      %mul3A_224 = arith.constant 1 : i32
      %mul3A_225 = arith.muli %add3A_191, %mul3A_224 : i32
      %add3A_226 = arith.constant 0 : i32
      %add3A_227 = arith.addi %mul3A_225, %add3A_226 : i32
      %dma_wait3A_228 = arith.constant 0 : i32
      %dma_wait3A_229 = arith.constant 0 : i32
      %dma_wait3A_230 = tpu.memref_slice %arg10[%dma_wait3A_228, %dma_wait3A_229] : memref<128x64xf32, #tpu.memory_space<vmem>> -> memref<128x64xf32, #tpu.memory_space<vmem>>
      %dma_wait3A_231 = arith.constant 0 : i32
      %dma_wait3A_232 = tpu.memref_slice %arg8[%add3A_227, %dma_wait3A_231] : memref<114x128xi32, #tpu.memory_space<vmem>> -> memref<1x128xi32, #tpu.memory_space<vmem>>
      %dma_wait3A_233 = tpu.memref_squeeze %dma_wait3A_232 : memref<1x128xi32, #tpu.memory_space<vmem>> -> memref<128xi32, #tpu.memory_space<vmem>>
      %dma_wait3A_234 = arith.constant 0 : i32
      %dma_wait3A_235 = arith.constant 0 : i32
      %dma_wait3A_236 = tpu.memref_slice %arg11[%dma_wait3A_234, %dma_wait3A_235] : memref<10112x64xf32, #tpu.memory_space<vmem_shared>> -> memref<10112x64xf32, #tpu.memory_space<vmem_shared>>
      tpu.wait_indirect_dma semaphore(%arg15 : memref<!tpu.dma_semaphore, #tpu.memory_space<semaphore_mem>>) src(%dma_wait3A_230 : memref<128x64xf32, #tpu.memory_space<vmem>>) dst(%dma_wait3A_236 : memref<10112x64xf32, #tpu.memory_space<vmem_shared>>)
    }
    %barrier3A_62 = arith.constant 0 : index
    tpu.barrier barrier_id(%barrier3A_62)
    %mul3A_63 = arith.constant 632 : i32
    %mul3A_64 = arith.muli %arg1, %mul3A_63 : i32
    %mul3A_65 = arith.constant 632 : i32
    %mul3A_66 = arith.muli %arg1, %mul3A_65 : i32
    %run_scoped3A = arith.constant 0 : i32
    "tpu.region"() ({
      %run_scoped3A_144 = tpu.sem_alloc : memref<!tpu.dma_semaphore, #tpu.memory_space<semaphore_mem>>
      %dma_start3A_145 = arith.constant 0 : i32
      %dma_start3A_146 = tpu.memref_slice %arg6[%run_scoped3A, %arg0, %mul3A_66, %dma_start3A_145] : memref<2x2x10112x64xf32, #tpu.memory_space<hbm>> -> memref<1x1x632x64xf32, #tpu.memory_space<hbm>>
      %dma_start3A_147 = tpu.memref_squeeze %dma_start3A_146 : memref<1x1x632x64xf32, #tpu.memory_space<hbm>> -> memref<632x64xf32, #tpu.memory_space<hbm>>
      %dma_start3A_148 = arith.constant 0 : i32
      %dma_start3A_149 = tpu.memref_slice %arg11[%mul3A_64, %dma_start3A_148] : memref<10112x64xf32, #tpu.memory_space<vmem_shared>> -> memref<632x64xf32, #tpu.memory_space<vmem_shared>>
      tpu.enqueue_dma source(%dma_start3A_149 : memref<632x64xf32, #tpu.memory_space<vmem_shared>>) target(%dma_start3A_147 : memref<632x64xf32, #tpu.memory_space<hbm>>) target_semaphore(%run_scoped3A_144 : memref<!tpu.dma_semaphore, #tpu.memory_space<semaphore_mem>>)
      %dma_wait3A = arith.constant 0 : i32
      %dma_wait3A_150 = tpu.memref_slice %arg6[%run_scoped3A, %arg0, %mul3A_66, %dma_wait3A] : memref<2x2x10112x64xf32, #tpu.memory_space<hbm>> -> memref<1x1x632x64xf32, #tpu.memory_space<hbm>>
      %dma_wait3A_151 = tpu.memref_squeeze %dma_wait3A_150 : memref<1x1x632x64xf32, #tpu.memory_space<hbm>> -> memref<632x64xf32, #tpu.memory_space<hbm>>
      %dma_wait3A_152 = arith.constant 0 : i32
      %dma_wait3A_153 = tpu.memref_slice %arg11[%mul3A_64, %dma_wait3A_152] : memref<10112x64xf32, #tpu.memory_space<vmem_shared>> -> memref<632x64xf32, #tpu.memory_space<vmem_shared>>
      tpu.wait_dma2 semaphore(%run_scoped3A_144 : memref<!tpu.dma_semaphore, #tpu.memory_space<semaphore_mem>>) src(%dma_wait3A_153 : memref<632x64xf32, #tpu.memory_space<vmem_shared>>) dst(%dma_wait3A_151 : memref<632x64xf32, #tpu.memory_space<hbm>>)
      tpu.yield
    }) : () -> ()
    %barrier3A_67 = arith.constant 0 : index
    tpu.barrier barrier_id(%barrier3A_67)
    %scan3A_68 = arith.constant 0 : i32
    %scan3A_69 = arith.constant 128 : i32
    %scan3A_70 = arith.addi %scan3A_68, %scan3A_69 : i32
    %scan3A_71 = arith.constant 1 : i32
    scf.for %scan3A_144 = %scan3A_68 to %scan3A_70 step %scan3A_71  : i32 {
      %mul3A_145 = arith.constant 1 : i32
      %mul3A_146 = arith.muli %scan3A_144, %mul3A_145 : i32
      %add3A_147 = arith.constant 0 : i32
      %add3A_148 = arith.addi %add3A_147, %mul3A_146 : i32
      %broadcast_in_dim3A = arith.constant 0.000000e+00 : f32
      %broadcast_in_dim3A_149 = vector.broadcast %broadcast_in_dim3A : f32 to vector<16xf32>
      %swap3A = arith.index_cast %add3A_148 : i32 to index
      %swap3A_150 = arith.constant 0 : index
      %swap3A_151 = tpu.vector_load %arg9[%swap3A, %swap3A_150] {strides = array<i32>} : memref<128x64xf32, #tpu.memory_space<vmem>>, vector<1x16xf32>,
      %swap3A_152 = vector.shape_cast %swap3A_151 : vector<1x16xf32> to vector<16xf32>
      %swap3A_153 = vector.shape_cast %broadcast_in_dim3A_149 : vector<16xf32> to vector<1x16xf32>
      tpu.vector_store %arg9[%swap3A, %swap3A_150], %swap3A_153 {strides = array<i32>} : memref<128x64xf32, #tpu.memory_space<vmem>>, vector<1x16xf32>,
      %broadcast_in_dim3A_154 = arith.constant 0.000000e+00 : f32
      %broadcast_in_dim3A_155 = vector.broadcast %broadcast_in_dim3A_154 : f32 to vector<16xf32>
      %swap3A_156 = arith.index_cast %add3A_148 : i32 to index
      %swap3A_157 = arith.constant 16 : index
      %swap3A_158 = tpu.vector_load %arg9[%swap3A_156, %swap3A_157] {strides = array<i32>} : memref<128x64xf32, #tpu.memory_space<vmem>>, vector<1x16xf32>,
      %swap3A_159 = vector.shape_cast %swap3A_158 : vector<1x16xf32> to vector<16xf32>
      %swap3A_160 = vector.shape_cast %broadcast_in_dim3A_155 : vector<16xf32> to vector<1x16xf32>
      tpu.vector_store %arg9[%swap3A_156, %swap3A_157], %swap3A_160 {strides = array<i32>} : memref<128x64xf32, #tpu.memory_space<vmem>>, vector<1x16xf32>,
      %broadcast_in_dim3A_161 = arith.constant 0.000000e+00 : f32
      %broadcast_in_dim3A_162 = vector.broadcast %broadcast_in_dim3A_161 : f32 to vector<16xf32>
      %swap3A_163 = arith.index_cast %add3A_148 : i32 to index
      %swap3A_164 = arith.constant 32 : index
      %swap3A_165 = tpu.vector_load %arg9[%swap3A_163, %swap3A_164] {strides = array<i32>} : memref<128x64xf32, #tpu.memory_space<vmem>>, vector<1x16xf32>,
      %swap3A_166 = vector.shape_cast %swap3A_165 : vector<1x16xf32> to vector<16xf32>
      %swap3A_167 = vector.shape_cast %broadcast_in_dim3A_162 : vector<16xf32> to vector<1x16xf32>
      tpu.vector_store %arg9[%swap3A_163, %swap3A_164], %swap3A_167 {strides = array<i32>} : memref<128x64xf32, #tpu.memory_space<vmem>>, vector<1x16xf32>,
      %broadcast_in_dim3A_168 = arith.constant 0.000000e+00 : f32
      %broadcast_in_dim3A_169 = vector.broadcast %broadcast_in_dim3A_168 : f32 to vector<16xf32>
      %swap3A_170 = arith.index_cast %add3A_148 : i32 to index
      %swap3A_171 = arith.constant 48 : index
      %swap3A_172 = tpu.vector_load %arg9[%swap3A_170, %swap3A_171] {strides = array<i32>} : memref<128x64xf32, #tpu.memory_space<vmem>>, vector<1x16xf32>,
      %swap3A_173 = vector.shape_cast %swap3A_172 : vector<1x16xf32> to vector<16xf32>
      %swap3A_174 = vector.shape_cast %broadcast_in_dim3A_169 : vector<16xf32> to vector<1x16xf32>
      tpu.vector_store %arg9[%swap3A_170, %swap3A_171], %swap3A_174 {strides = array<i32>} : memref<128x64xf32, #tpu.memory_space<vmem>>, vector<1x16xf32>,
    }
    %scan3A_72 = arith.constant 128 : i32
    %mul3A_73 = arith.constant 632 : i32
    %mul3A_74 = arith.muli %arg1, %mul3A_73 : i32
    %add3A_75 = arith.constant 0 : i32
    %add3A_76 = arith.addi %mul3A_74, %add3A_75 : i32
    "tpu.region"() ({
      %run_scoped3A_144 = tpu.sem_alloc : memref<!tpu.dma_semaphore, #tpu.memory_space<semaphore_mem>>
      %dma_start3A_145 = arith.constant 0 : i32
      %dma_start3A_146 = tpu.memref_slice %arg11[%add3A_76, %dma_start3A_145] : memref<10112x64xf32, #tpu.memory_space<vmem_shared>> -> memref<128x64xf32, #tpu.memory_space<vmem_shared>>
      %dma_start3A_147 = arith.constant 0 : i32
      %dma_start3A_148 = tpu.memref_slice %arg11[%add3A_76, %dma_start3A_147] : memref<10112x64xf32, #tpu.memory_space<vmem_shared>> -> memref<128x64xf32, #tpu.memory_space<vmem_shared>>
      tpu.enqueue_dma source(%arg9 : memref<128x64xf32, #tpu.memory_space<vmem>>) target(%dma_start3A_148 : memref<128x64xf32, #tpu.memory_space<vmem_shared>>) target_semaphore(%run_scoped3A_144 : memref<!tpu.dma_semaphore, #tpu.memory_space<semaphore_mem>>)
      %dma_wait3A = arith.constant 0 : i32
      %dma_wait3A_149 = tpu.memref_slice %arg11[%add3A_76, %dma_wait3A] : memref<10112x64xf32, #tpu.memory_space<vmem_shared>> -> memref<128x64xf32, #tpu.memory_space<vmem_shared>>
      %dma_wait3A_150 = arith.constant 0 : i32
      %dma_wait3A_151 = tpu.memref_slice %arg11[%add3A_76, %dma_wait3A_150] : memref<10112x64xf32, #tpu.memory_space<vmem_shared>> -> memref<128x64xf32, #tpu.memory_space<vmem_shared>>
      tpu.wait_dma2 semaphore(%run_scoped3A_144 : memref<!tpu.dma_semaphore, #tpu.memory_space<semaphore_mem>>) src(%arg9 : memref<128x64xf32, #tpu.memory_space<vmem>>) dst(%dma_wait3A_151 : memref<128x64xf32, #tpu.memory_space<vmem_shared>>)
      tpu.yield
    }) : () -> ()
    %mul3A_77 = arith.constant 632 : i32
    %mul3A_78 = arith.muli %arg1, %mul3A_77 : i32
    %add3A_79 = arith.constant 128 : i32
    %add3A_80 = arith.addi %mul3A_78, %add3A_79 : i32
    "tpu.region"() ({
      %run_scoped3A_144 = tpu.sem_alloc : memref<!tpu.dma_semaphore, #tpu.memory_space<semaphore_mem>>
      %dma_start3A_145 = arith.constant 0 : i32
      %dma_start3A_146 = tpu.memref_slice %arg11[%add3A_80, %dma_start3A_145] : memref<10112x64xf32, #tpu.memory_space<vmem_shared>> -> memref<128x64xf32, #tpu.memory_space<vmem_shared>>
      %dma_start3A_147 = arith.constant 0 : i32
      %dma_start3A_148 = tpu.memref_slice %arg11[%add3A_80, %dma_start3A_147] : memref<10112x64xf32, #tpu.memory_space<vmem_shared>> -> memref<128x64xf32, #tpu.memory_space<vmem_shared>>
      tpu.enqueue_dma source(%arg9 : memref<128x64xf32, #tpu.memory_space<vmem>>) target(%dma_start3A_148 : memref<128x64xf32, #tpu.memory_space<vmem_shared>>) target_semaphore(%run_scoped3A_144 : memref<!tpu.dma_semaphore, #tpu.memory_space<semaphore_mem>>)
      %dma_wait3A = arith.constant 0 : i32
      %dma_wait3A_149 = tpu.memref_slice %arg11[%add3A_80, %dma_wait3A] : memref<10112x64xf32, #tpu.memory_space<vmem_shared>> -> memref<128x64xf32, #tpu.memory_space<vmem_shared>>
      %dma_wait3A_150 = arith.constant 0 : i32
      %dma_wait3A_151 = tpu.memref_slice %arg11[%add3A_80, %dma_wait3A_150] : memref<10112x64xf32, #tpu.memory_space<vmem_shared>> -> memref<128x64xf32, #tpu.memory_space<vmem_shared>>
      tpu.wait_dma2 semaphore(%run_scoped3A_144 : memref<!tpu.dma_semaphore, #tpu.memory_space<semaphore_mem>>) src(%arg9 : memref<128x64xf32, #tpu.memory_space<vmem>>) dst(%dma_wait3A_151 : memref<128x64xf32, #tpu.memory_space<vmem_shared>>)
      tpu.yield
    }) : () -> ()
    %mul3A_81 = arith.constant 632 : i32
    %mul3A_82 = arith.muli %arg1, %mul3A_81 : i32
    %add3A_83 = arith.constant 256 : i32
    %add3A_84 = arith.addi %mul3A_82, %add3A_83 : i32
    "tpu.region"() ({
      %run_scoped3A_144 = tpu.sem_alloc : memref<!tpu.dma_semaphore, #tpu.memory_space<semaphore_mem>>
      %dma_start3A_145 = arith.constant 0 : i32
      %dma_start3A_146 = tpu.memref_slice %arg11[%add3A_84, %dma_start3A_145] : memref<10112x64xf32, #tpu.memory_space<vmem_shared>> -> memref<128x64xf32, #tpu.memory_space<vmem_shared>>
      %dma_start3A_147 = arith.constant 0 : i32
      %dma_start3A_148 = tpu.memref_slice %arg11[%add3A_84, %dma_start3A_147] : memref<10112x64xf32, #tpu.memory_space<vmem_shared>> -> memref<128x64xf32, #tpu.memory_space<vmem_shared>>
      tpu.enqueue_dma source(%arg9 : memref<128x64xf32, #tpu.memory_space<vmem>>) target(%dma_start3A_148 : memref<128x64xf32, #tpu.memory_space<vmem_shared>>) target_semaphore(%run_scoped3A_144 : memref<!tpu.dma_semaphore, #tpu.memory_space<semaphore_mem>>)
      %dma_wait3A = arith.constant 0 : i32
      %dma_wait3A_149 = tpu.memref_slice %arg11[%add3A_84, %dma_wait3A] : memref<10112x64xf32, #tpu.memory_space<vmem_shared>> -> memref<128x64xf32, #tpu.memory_space<vmem_shared>>
      %dma_wait3A_150 = arith.constant 0 : i32
      %dma_wait3A_151 = tpu.memref_slice %arg11[%add3A_84, %dma_wait3A_150] : memref<10112x64xf32, #tpu.memory_space<vmem_shared>> -> memref<128x64xf32, #tpu.memory_space<vmem_shared>>
      tpu.wait_dma2 semaphore(%run_scoped3A_144 : memref<!tpu.dma_semaphore, #tpu.memory_space<semaphore_mem>>) src(%arg9 : memref<128x64xf32, #tpu.memory_space<vmem>>) dst(%dma_wait3A_151 : memref<128x64xf32, #tpu.memory_space<vmem_shared>>)
      tpu.yield
    }) : () -> ()
    %mul3A_85 = arith.constant 632 : i32
    %mul3A_86 = arith.muli %arg1, %mul3A_85 : i32
    %add3A_87 = arith.constant 384 : i32
    %add3A_88 = arith.addi %mul3A_86, %add3A_87 : i32
    "tpu.region"() ({
      %run_scoped3A_144 = tpu.sem_alloc : memref<!tpu.dma_semaphore, #tpu.memory_space<semaphore_mem>>
      %dma_start3A_145 = arith.constant 0 : i32
      %dma_start3A_146 = tpu.memref_slice %arg11[%add3A_88, %dma_start3A_145] : memref<10112x64xf32, #tpu.memory_space<vmem_shared>> -> memref<128x64xf32, #tpu.memory_space<vmem_shared>>
      %dma_start3A_147 = arith.constant 0 : i32
      %dma_start3A_148 = tpu.memref_slice %arg11[%add3A_88, %dma_start3A_147] : memref<10112x64xf32, #tpu.memory_space<vmem_shared>> -> memref<128x64xf32, #tpu.memory_space<vmem_shared>>
      tpu.enqueue_dma source(%arg9 : memref<128x64xf32, #tpu.memory_space<vmem>>) target(%dma_start3A_148 : memref<128x64xf32, #tpu.memory_space<vmem_shared>>) target_semaphore(%run_scoped3A_144 : memref<!tpu.dma_semaphore, #tpu.memory_space<semaphore_mem>>)
      %dma_wait3A = arith.constant 0 : i32
      %dma_wait3A_149 = tpu.memref_slice %arg11[%add3A_88, %dma_wait3A] : memref<10112x64xf32, #tpu.memory_space<vmem_shared>> -> memref<128x64xf32, #tpu.memory_space<vmem_shared>>
      %dma_wait3A_150 = arith.constant 0 : i32
      %dma_wait3A_151 = tpu.memref_slice %arg11[%add3A_88, %dma_wait3A_150] : memref<10112x64xf32, #tpu.memory_space<vmem_shared>> -> memref<128x64xf32, #tpu.memory_space<vmem_shared>>
      tpu.wait_dma2 semaphore(%run_scoped3A_144 : memref<!tpu.dma_semaphore, #tpu.memory_space<semaphore_mem>>) src(%arg9 : memref<128x64xf32, #tpu.memory_space<vmem>>) dst(%dma_wait3A_151 : memref<128x64xf32, #tpu.memory_space<vmem_shared>>)
      tpu.yield
    }) : () -> ()
    %mul3A_89 = arith.constant 632 : i32
    %mul3A_90 = arith.muli %arg1, %mul3A_89 : i32
    %add3A_91 = arith.constant 512 : i32
    %add3A_92 = arith.addi %mul3A_90, %add3A_91 : i32
    "tpu.region"() ({
      %run_scoped3A_144 = tpu.sem_alloc : memref<!tpu.dma_semaphore, #tpu.memory_space<semaphore_mem>>
      %dma_start3A_145 = arith.constant 0 : i32
      %dma_start3A_146 = arith.constant 0 : i32
      %dma_start3A_147 = tpu.memref_slice %arg9[%dma_start3A_145, %dma_start3A_146] : memref<128x64xf32, #tpu.memory_space<vmem>> -> memref<120x64xf32, #tpu.memory_space<vmem>>
      %dma_start3A_148 = arith.constant 0 : i32
      %dma_start3A_149 = tpu.memref_slice %arg11[%add3A_92, %dma_start3A_148] : memref<10112x64xf32, #tpu.memory_space<vmem_shared>> -> memref<120x64xf32, #tpu.memory_space<vmem_shared>>
      %dma_start3A_150 = arith.constant 0 : i32
      %dma_start3A_151 = tpu.memref_slice %arg11[%add3A_92, %dma_start3A_150] : memref<10112x64xf32, #tpu.memory_space<vmem_shared>> -> memref<120x64xf32, #tpu.memory_space<vmem_shared>>
      %dma_start3A_152 = arith.constant 0 : i32
      %dma_start3A_153 = arith.constant 0 : i32
      %dma_start3A_154 = tpu.memref_slice %arg9[%dma_start3A_152, %dma_start3A_153] : memref<128x64xf32, #tpu.memory_space<vmem>> -> memref<120x64xf32, #tpu.memory_space<vmem>>
      tpu.enqueue_dma source(%dma_start3A_154 : memref<120x64xf32, #tpu.memory_space<vmem>>) target(%dma_start3A_151 : memref<120x64xf32, #tpu.memory_space<vmem_shared>>) target_semaphore(%run_scoped3A_144 : memref<!tpu.dma_semaphore, #tpu.memory_space<semaphore_mem>>)
      %dma_wait3A = arith.constant 0 : i32
      %dma_wait3A_155 = arith.constant 0 : i32
      %dma_wait3A_156 = tpu.memref_slice %arg9[%dma_wait3A, %dma_wait3A_155] : memref<128x64xf32, #tpu.memory_space<vmem>> -> memref<120x64xf32, #tpu.memory_space<vmem>>
      %dma_wait3A_157 = arith.constant 0 : i32
      %dma_wait3A_158 = tpu.memref_slice %arg11[%add3A_92, %dma_wait3A_157] : memref<10112x64xf32, #tpu.memory_space<vmem_shared>> -> memref<120x64xf32, #tpu.memory_space<vmem_shared>>
      %dma_wait3A_159 = arith.constant 0 : i32
      %dma_wait3A_160 = tpu.memref_slice %arg11[%add3A_92, %dma_wait3A_159] : memref<10112x64xf32, #tpu.memory_space<vmem_shared>> -> memref<120x64xf32, #tpu.memory_space<vmem_shared>>
      %dma_wait3A_161 = arith.constant 0 : i32
      %dma_wait3A_162 = arith.constant 0 : i32
      %dma_wait3A_163 = tpu.memref_slice %arg9[%dma_wait3A_161, %dma_wait3A_162] : memref<128x64xf32, #tpu.memory_space<vmem>> -> memref<120x64xf32, #tpu.memory_space<vmem>>
      tpu.wait_dma2 semaphore(%run_scoped3A_144 : memref<!tpu.dma_semaphore, #tpu.memory_space<semaphore_mem>>) src(%dma_wait3A_163 : memref<120x64xf32, #tpu.memory_space<vmem>>) dst(%dma_wait3A_160 : memref<120x64xf32, #tpu.memory_space<vmem_shared>>)
      tpu.yield
    }) : () -> ()
    %dma_start3A_93 = arith.constant 0 : i32
    %dma_start3A_94 = arith.constant 0 : i32
    %dma_start3A_95 = arith.constant 0 : i32
    %dma_start3A_96 = tpu.memref_slice %arg9[%dma_start3A_94, %dma_start3A_95] : memref<128x64xf32, #tpu.memory_space<vmem>> -> memref<128x64xf32, #tpu.memory_space<vmem>>
    %dma_start3A_97 = arith.constant 0 : i32
    %dma_start3A_98 = tpu.memref_slice %arg7[%dma_start3A_93, %dma_start3A_97] : memref<114x128xi32, #tpu.memory_space<vmem>> -> memref<1x128xi32, #tpu.memory_space<vmem>>
    %dma_start3A_99 = tpu.memref_squeeze %dma_start3A_98 : memref<1x128xi32, #tpu.memory_space<vmem>> -> memref<128xi32, #tpu.memory_space<vmem>>
    %dma_start3A_100 = arith.constant 0 : i32
    %dma_start3A_101 = arith.constant 0 : i32
    %dma_start3A_102 = tpu.memref_slice %arg3[%dma_start3A_100, %dma_start3A_101] : memref<10000x64xf32, #tpu.memory_space<hbm>> -> memref<10000x64xf32, #tpu.memory_space<hbm>>
    tpu.enqueue_indirect_dma source(%dma_start3A_102 : memref<10000x64xf32, #tpu.memory_space<hbm>>) target(%dma_start3A_96 : memref<128x64xf32, #tpu.memory_space<vmem>>) offsets(%dma_start3A_99 : memref<128xi32, #tpu.memory_space<vmem>>) semaphore(%arg12 : memref<!tpu.dma_semaphore, #tpu.memory_space<semaphore_mem>>)
    %barrier3A_103 = arith.constant 0 : index
    tpu.barrier barrier_id(%barrier3A_103)
    %jit3A_104 = arith.constant 2 : i32
    %div3A_105 = arith.divsi %select_n3A, %jit3A_104 : i32
    %sign3A_106 = arith.constant 0 : i32
    %sign3A_107 = arith.cmpi sgt, %select_n3A, %sign3A_106 : i32
    %sign3A_108 = arith.extui %sign3A_107 : i1 to i32
    %sign3A_109 = arith.constant 0 : i32
    %sign3A_110 = arith.cmpi slt, %select_n3A, %sign3A_109 : i32
    %sign3A_111 = arith.extui %sign3A_110 : i1 to i32
    %sign3A_112 = arith.subi %sign3A_108, %sign3A_111 : i32
    %sign3A_113 = arith.constant 0 : i32
    %sign3A_114 = arith.cmpi sgt, %jit3A_104, %sign3A_113 : i32
    %sign3A_115 = arith.extui %sign3A_114 : i1 to i32
    %sign3A_116 = arith.constant 0 : i32
    %sign3A_117 = arith.cmpi slt, %jit3A_104, %sign3A_116 : i32
    %sign3A_118 = arith.extui %sign3A_117 : i1 to i32
    %sign3A_119 = arith.subi %sign3A_115, %sign3A_118 : i32
    %ne3A_120 = arith.cmpi ne, %sign3A_112, %sign3A_119 : i32
    %rem3A_121 = arith.remsi %select_n3A, %jit3A_104 : i32
    %ne3A_122 = arith.constant 0 : i32
    %ne3A_123 = arith.cmpi ne, %rem3A_121, %ne3A_122 : i32
    %and3A_124 = arith.andi %ne3A_120, %ne3A_123 : i1
    %sub3A_125 = arith.constant 1 : i32
    %sub3A_126 = arith.subi %div3A_105, %sub3A_125 : i32
    %select_n3A_127 = arith.select %and3A_124, %sub3A_126, %div3A_105 : i32
    %while3A_128 = arith.constant 0 : i32
    %while3A_129 = arith.subi %select_n3A_127, %while3A_128 : i32
    %while3A_130 = arith.addi %while3A_128, %while3A_129 : i32
    %while3A_131 = arith.constant 1 : i32
    %while3A_132 = arith.divsi %while3A_129, %while3A_131 : i32
    %while3A_133 = arith.muli %while3A_132, %while3A_131 : i32
    %while3A_134 = arith.addi %while3A_128, %while3A_133 : i32
    %while3A_135 = arith.constant 1 : i32
    scf.for %while3A_144 = %while3A_128 to %while3A_134 step %while3A_135  : i32 {
      %mul3A_145 = arith.constant 2 : i32
      %mul3A_146 = arith.muli %mul3A_145, %while3A_144 : i32
      %add3A_147 = arith.constant 1 : i32
      %add3A_148 = arith.addi %mul3A_146, %add3A_147 : i32
      %lt3A = arith.cmpi slt, %add3A_148, %select_n3A : i32
      %convert_element_type3A = arith.extui %lt3A : i1 to i32
      %cond3A = arith.constant 0 : i32
      %cond3A_149 = arith.cmpi ne, %convert_element_type3A, %cond3A : i32
      scf.if %cond3A_149 {
        %add3A_237 = arith.constant 1 : i32
        %add3A_238 = arith.addi %mul3A_146, %add3A_237 : i32
        %mul3A_239 = arith.constant 1 : i32
        %mul3A_240 = arith.muli %add3A_238, %mul3A_239 : i32
        %add3A_241 = arith.constant 0 : i32
        %add3A_242 = arith.addi %mul3A_240, %add3A_241 : i32
        %dma_start3A_243 = arith.constant 0 : i32
        %dma_start3A_244 = arith.constant 0 : i32
        %dma_start3A_245 = tpu.memref_slice %arg10[%dma_start3A_243, %dma_start3A_244] : memref<128x64xf32, #tpu.memory_space<vmem>> -> memref<128x64xf32, #tpu.memory_space<vmem>>
        %dma_start3A_246 = arith.constant 0 : i32
        %dma_start3A_247 = tpu.memref_slice %arg7[%add3A_242, %dma_start3A_246] : memref<114x128xi32, #tpu.memory_space<vmem>> -> memref<1x128xi32, #tpu.memory_space<vmem>>
        %dma_start3A_248 = tpu.memref_squeeze %dma_start3A_247 : memref<1x128xi32, #tpu.memory_space<vmem>> -> memref<128xi32, #tpu.memory_space<vmem>>
        %dma_start3A_249 = arith.constant 0 : i32
        %dma_start3A_250 = arith.constant 0 : i32
        %dma_start3A_251 = tpu.memref_slice %arg3[%dma_start3A_249, %dma_start3A_250] : memref<10000x64xf32, #tpu.memory_space<hbm>> -> memref<10000x64xf32, #tpu.memory_space<hbm>>
        tpu.enqueue_indirect_dma source(%dma_start3A_251 : memref<10000x64xf32, #tpu.memory_space<hbm>>) target(%dma_start3A_245 : memref<128x64xf32, #tpu.memory_space<vmem>>) offsets(%dma_start3A_248 : memref<128xi32, #tpu.memory_space<vmem>>) semaphore(%arg13 : memref<!tpu.dma_semaphore, #tpu.memory_space<semaphore_mem>>)
      } else {
      }
      %mul3A_150 = arith.constant 1 : i32
      %mul3A_151 = arith.muli %mul3A_146, %mul3A_150 : i32
      %add3A_152 = arith.constant 0 : i32
      %add3A_153 = arith.addi %mul3A_151, %add3A_152 : i32
      %dma_wait3A = arith.constant 0 : i32
      %dma_wait3A_154 = arith.constant 0 : i32
      %dma_wait3A_155 = tpu.memref_slice %arg9[%dma_wait3A, %dma_wait3A_154] : memref<128x64xf32, #tpu.memory_space<vmem>> -> memref<128x64xf32, #tpu.memory_space<vmem>>
      %dma_wait3A_156 = arith.constant 0 : i32
      %dma_wait3A_157 = tpu.memref_slice %arg7[%add3A_153, %dma_wait3A_156] : memref<114x128xi32, #tpu.memory_space<vmem>> -> memref<1x128xi32, #tpu.memory_space<vmem>>
      %dma_wait3A_158 = tpu.memref_squeeze %dma_wait3A_157 : memref<1x128xi32, #tpu.memory_space<vmem>> -> memref<128xi32, #tpu.memory_space<vmem>>
      %dma_wait3A_159 = arith.constant 0 : i32
      %dma_wait3A_160 = arith.constant 0 : i32
      %dma_wait3A_161 = tpu.memref_slice %arg3[%dma_wait3A_159, %dma_wait3A_160] : memref<10000x64xf32, #tpu.memory_space<hbm>> -> memref<10000x64xf32, #tpu.memory_space<hbm>>
      tpu.wait_indirect_dma semaphore(%arg12 : memref<!tpu.dma_semaphore, #tpu.memory_space<semaphore_mem>>) src(%dma_wait3A_161 : memref<10000x64xf32, #tpu.memory_space<hbm>>) dst(%dma_wait3A_155 : memref<128x64xf32, #tpu.memory_space<vmem>>)
      %mul3A_162 = arith.constant 1 : i32
      %mul3A_163 = arith.muli %mul3A_146, %mul3A_162 : i32
      %add3A_164 = arith.constant 0 : i32
      %add3A_165 = arith.addi %mul3A_163, %add3A_164 : i32
      %dma_start3A_166 = arith.constant 0 : i32
      %dma_start3A_167 = arith.constant 0 : i32
      %dma_start3A_168 = tpu.memref_slice %arg9[%dma_start3A_166, %dma_start3A_167] : memref<128x64xf32, #tpu.memory_space<vmem>> -> memref<128x64xf32, #tpu.memory_space<vmem>>
      %dma_start3A_169 = arith.constant 0 : i32
      %dma_start3A_170 = tpu.memref_slice %arg8[%add3A_165, %dma_start3A_169] : memref<114x128xi32, #tpu.memory_space<vmem>> -> memref<1x128xi32, #tpu.memory_space<vmem>>
      %dma_start3A_171 = tpu.memref_squeeze %dma_start3A_170 : memref<1x128xi32, #tpu.memory_space<vmem>> -> memref<128xi32, #tpu.memory_space<vmem>>
      %dma_start3A_172 = arith.constant 0 : i32
      %dma_start3A_173 = arith.constant 0 : i32
      %dma_start3A_174 = tpu.memref_slice %arg11[%dma_start3A_172, %dma_start3A_173] : memref<10112x64xf32, #tpu.memory_space<vmem_shared>> -> memref<10112x64xf32, #tpu.memory_space<vmem_shared>>
      tpu.enqueue_indirect_dma source(%dma_start3A_168 : memref<128x64xf32, #tpu.memory_space<vmem>>) target(%dma_start3A_174 : memref<10112x64xf32, #tpu.memory_space<vmem_shared>>) offsets(%dma_start3A_171 : memref<128xi32, #tpu.memory_space<vmem>>) semaphore(%arg14 : memref<!tpu.dma_semaphore, #tpu.memory_space<semaphore_mem>>) {add = true}
      %mul3A_175 = arith.constant 1 : i32
      %mul3A_176 = arith.muli %mul3A_146, %mul3A_175 : i32
      %add3A_177 = arith.constant 0 : i32
      %add3A_178 = arith.addi %mul3A_176, %add3A_177 : i32
      %dma_wait3A_179 = arith.constant 0 : i32
      %dma_wait3A_180 = arith.constant 0 : i32
      %dma_wait3A_181 = tpu.memref_slice %arg9[%dma_wait3A_179, %dma_wait3A_180] : memref<128x64xf32, #tpu.memory_space<vmem>> -> memref<128x64xf32, #tpu.memory_space<vmem>>
      %dma_wait3A_182 = arith.constant 0 : i32
      %dma_wait3A_183 = tpu.memref_slice %arg8[%add3A_178, %dma_wait3A_182] : memref<114x128xi32, #tpu.memory_space<vmem>> -> memref<1x128xi32, #tpu.memory_space<vmem>>
      %dma_wait3A_184 = tpu.memref_squeeze %dma_wait3A_183 : memref<1x128xi32, #tpu.memory_space<vmem>> -> memref<128xi32, #tpu.memory_space<vmem>>
      %dma_wait3A_185 = arith.constant 0 : i32
      %dma_wait3A_186 = arith.constant 0 : i32
      %dma_wait3A_187 = tpu.memref_slice %arg11[%dma_wait3A_185, %dma_wait3A_186] : memref<10112x64xf32, #tpu.memory_space<vmem_shared>> -> memref<10112x64xf32, #tpu.memory_space<vmem_shared>>
      tpu.wait_indirect_dma semaphore(%arg14 : memref<!tpu.dma_semaphore, #tpu.memory_space<semaphore_mem>>) src(%dma_wait3A_181 : memref<128x64xf32, #tpu.memory_space<vmem>>) dst(%dma_wait3A_187 : memref<10112x64xf32, #tpu.memory_space<vmem_shared>>)
      %mul3A_188 = arith.constant 2 : i32
      %mul3A_189 = arith.muli %mul3A_188, %while3A_144 : i32
      %add3A_190 = arith.constant 1 : i32
      %add3A_191 = arith.addi %mul3A_189, %add3A_190 : i32
      %add3A_192 = arith.constant 1 : i32
      %add3A_193 = arith.addi %add3A_191, %add3A_192 : i32
      %lt3A_194 = arith.cmpi slt, %add3A_193, %select_n3A : i32
      %convert_element_type3A_195 = arith.extui %lt3A_194 : i1 to i32
      %cond3A_196 = arith.constant 0 : i32
      %cond3A_197 = arith.cmpi ne, %convert_element_type3A_195, %cond3A_196 : i32
      scf.if %cond3A_197 {
        %add3A_237 = arith.constant 1 : i32
        %add3A_238 = arith.addi %add3A_191, %add3A_237 : i32
        %mul3A_239 = arith.constant 1 : i32
        %mul3A_240 = arith.muli %add3A_238, %mul3A_239 : i32
        %add3A_241 = arith.constant 0 : i32
        %add3A_242 = arith.addi %mul3A_240, %add3A_241 : i32
        %dma_start3A_243 = arith.constant 0 : i32
        %dma_start3A_244 = arith.constant 0 : i32
        %dma_start3A_245 = tpu.memref_slice %arg9[%dma_start3A_243, %dma_start3A_244] : memref<128x64xf32, #tpu.memory_space<vmem>> -> memref<128x64xf32, #tpu.memory_space<vmem>>
        %dma_start3A_246 = arith.constant 0 : i32
        %dma_start3A_247 = tpu.memref_slice %arg7[%add3A_242, %dma_start3A_246] : memref<114x128xi32, #tpu.memory_space<vmem>> -> memref<1x128xi32, #tpu.memory_space<vmem>>
        %dma_start3A_248 = tpu.memref_squeeze %dma_start3A_247 : memref<1x128xi32, #tpu.memory_space<vmem>> -> memref<128xi32, #tpu.memory_space<vmem>>
        %dma_start3A_249 = arith.constant 0 : i32
        %dma_start3A_250 = arith.constant 0 : i32
        %dma_start3A_251 = tpu.memref_slice %arg3[%dma_start3A_249, %dma_start3A_250] : memref<10000x64xf32, #tpu.memory_space<hbm>> -> memref<10000x64xf32, #tpu.memory_space<hbm>>
        tpu.enqueue_indirect_dma source(%dma_start3A_251 : memref<10000x64xf32, #tpu.memory_space<hbm>>) target(%dma_start3A_245 : memref<128x64xf32, #tpu.memory_space<vmem>>) offsets(%dma_start3A_248 : memref<128xi32, #tpu.memory_space<vmem>>) semaphore(%arg12 : memref<!tpu.dma_semaphore, #tpu.memory_space<semaphore_mem>>)
      } else {
      }
      %mul3A_198 = arith.constant 1 : i32
      %mul3A_199 = arith.muli %add3A_191, %mul3A_198 : i32
      %add3A_200 = arith.constant 0 : i32
      %add3A_201 = arith.addi %mul3A_199, %add3A_200 : i32
      %dma_wait3A_202 = arith.constant 0 : i32
      %dma_wait3A_203 = arith.constant 0 : i32
      %dma_wait3A_204 = tpu.memref_slice %arg10[%dma_wait3A_202, %dma_wait3A_203] : memref<128x64xf32, #tpu.memory_space<vmem>> -> memref<128x64xf32, #tpu.memory_space<vmem>>
      %dma_wait3A_205 = arith.constant 0 : i32
      %dma_wait3A_206 = tpu.memref_slice %arg7[%add3A_201, %dma_wait3A_205] : memref<114x128xi32, #tpu.memory_space<vmem>> -> memref<1x128xi32, #tpu.memory_space<vmem>>
      %dma_wait3A_207 = tpu.memref_squeeze %dma_wait3A_206 : memref<1x128xi32, #tpu.memory_space<vmem>> -> memref<128xi32, #tpu.memory_space<vmem>>
      %dma_wait3A_208 = arith.constant 0 : i32
      %dma_wait3A_209 = arith.constant 0 : i32
      %dma_wait3A_210 = tpu.memref_slice %arg3[%dma_wait3A_208, %dma_wait3A_209] : memref<10000x64xf32, #tpu.memory_space<hbm>> -> memref<10000x64xf32, #tpu.memory_space<hbm>>
      tpu.wait_indirect_dma semaphore(%arg13 : memref<!tpu.dma_semaphore, #tpu.memory_space<semaphore_mem>>) src(%dma_wait3A_210 : memref<10000x64xf32, #tpu.memory_space<hbm>>) dst(%dma_wait3A_204 : memref<128x64xf32, #tpu.memory_space<vmem>>)
      %mul3A_211 = arith.constant 1 : i32
      %mul3A_212 = arith.muli %add3A_191, %mul3A_211 : i32
      %add3A_213 = arith.constant 0 : i32
      %add3A_214 = arith.addi %mul3A_212, %add3A_213 : i32
      %dma_start3A_215 = arith.constant 0 : i32
      %dma_start3A_216 = arith.constant 0 : i32
      %dma_start3A_217 = tpu.memref_slice %arg10[%dma_start3A_215, %dma_start3A_216] : memref<128x64xf32, #tpu.memory_space<vmem>> -> memref<128x64xf32, #tpu.memory_space<vmem>>
      %dma_start3A_218 = arith.constant 0 : i32
      %dma_start3A_219 = tpu.memref_slice %arg8[%add3A_214, %dma_start3A_218] : memref<114x128xi32, #tpu.memory_space<vmem>> -> memref<1x128xi32, #tpu.memory_space<vmem>>
      %dma_start3A_220 = tpu.memref_squeeze %dma_start3A_219 : memref<1x128xi32, #tpu.memory_space<vmem>> -> memref<128xi32, #tpu.memory_space<vmem>>
      %dma_start3A_221 = arith.constant 0 : i32
      %dma_start3A_222 = arith.constant 0 : i32
      %dma_start3A_223 = tpu.memref_slice %arg11[%dma_start3A_221, %dma_start3A_222] : memref<10112x64xf32, #tpu.memory_space<vmem_shared>> -> memref<10112x64xf32, #tpu.memory_space<vmem_shared>>
      tpu.enqueue_indirect_dma source(%dma_start3A_217 : memref<128x64xf32, #tpu.memory_space<vmem>>) target(%dma_start3A_223 : memref<10112x64xf32, #tpu.memory_space<vmem_shared>>) offsets(%dma_start3A_220 : memref<128xi32, #tpu.memory_space<vmem>>) semaphore(%arg15 : memref<!tpu.dma_semaphore, #tpu.memory_space<semaphore_mem>>) {add = true}
      %mul3A_224 = arith.constant 1 : i32
      %mul3A_225 = arith.muli %add3A_191, %mul3A_224 : i32
      %add3A_226 = arith.constant 0 : i32
      %add3A_227 = arith.addi %mul3A_225, %add3A_226 : i32
      %dma_wait3A_228 = arith.constant 0 : i32
      %dma_wait3A_229 = arith.constant 0 : i32
      %dma_wait3A_230 = tpu.memref_slice %arg10[%dma_wait3A_228, %dma_wait3A_229] : memref<128x64xf32, #tpu.memory_space<vmem>> -> memref<128x64xf32, #tpu.memory_space<vmem>>
      %dma_wait3A_231 = arith.constant 0 : i32
      %dma_wait3A_232 = tpu.memref_slice %arg8[%add3A_227, %dma_wait3A_231] : memref<114x128xi32, #tpu.memory_space<vmem>> -> memref<1x128xi32, #tpu.memory_space<vmem>>
      %dma_wait3A_233 = tpu.memref_squeeze %dma_wait3A_232 : memref<1x128xi32, #tpu.memory_space<vmem>> -> memref<128xi32, #tpu.memory_space<vmem>>
      %dma_wait3A_234 = arith.constant 0 : i32
      %dma_wait3A_235 = arith.constant 0 : i32
      %dma_wait3A_236 = tpu.memref_slice %arg11[%dma_wait3A_234, %dma_wait3A_235] : memref<10112x64xf32, #tpu.memory_space<vmem_shared>> -> memref<10112x64xf32, #tpu.memory_space<vmem_shared>>
      tpu.wait_indirect_dma semaphore(%arg15 : memref<!tpu.dma_semaphore, #tpu.memory_space<semaphore_mem>>) src(%dma_wait3A_230 : memref<128x64xf32, #tpu.memory_space<vmem>>) dst(%dma_wait3A_236 : memref<10112x64xf32, #tpu.memory_space<vmem_shared>>)
    }
    %while3A_136 = arith.constant 1 : i32
    scf.for %while3A_144 = %while3A_134 to %while3A_130 step %while3A_136  : i32 {
      %mul3A_145 = arith.constant 2 : i32
      %mul3A_146 = arith.muli %mul3A_145, %while3A_144 : i32
      %add3A_147 = arith.constant 1 : i32
      %add3A_148 = arith.addi %mul3A_146, %add3A_147 : i32
      %lt3A = arith.cmpi slt, %add3A_148, %select_n3A : i32
      %convert_element_type3A = arith.extui %lt3A : i1 to i32
      %cond3A = arith.constant 0 : i32
      %cond3A_149 = arith.cmpi ne, %convert_element_type3A, %cond3A : i32
      scf.if %cond3A_149 {
        %add3A_237 = arith.constant 1 : i32
        %add3A_238 = arith.addi %mul3A_146, %add3A_237 : i32
        %mul3A_239 = arith.constant 1 : i32
        %mul3A_240 = arith.muli %add3A_238, %mul3A_239 : i32
        %add3A_241 = arith.constant 0 : i32
        %add3A_242 = arith.addi %mul3A_240, %add3A_241 : i32
        %dma_start3A_243 = arith.constant 0 : i32
        %dma_start3A_244 = arith.constant 0 : i32
        %dma_start3A_245 = tpu.memref_slice %arg10[%dma_start3A_243, %dma_start3A_244] : memref<128x64xf32, #tpu.memory_space<vmem>> -> memref<128x64xf32, #tpu.memory_space<vmem>>
        %dma_start3A_246 = arith.constant 0 : i32
        %dma_start3A_247 = tpu.memref_slice %arg7[%add3A_242, %dma_start3A_246] : memref<114x128xi32, #tpu.memory_space<vmem>> -> memref<1x128xi32, #tpu.memory_space<vmem>>
        %dma_start3A_248 = tpu.memref_squeeze %dma_start3A_247 : memref<1x128xi32, #tpu.memory_space<vmem>> -> memref<128xi32, #tpu.memory_space<vmem>>
        %dma_start3A_249 = arith.constant 0 : i32
        %dma_start3A_250 = arith.constant 0 : i32
        %dma_start3A_251 = tpu.memref_slice %arg3[%dma_start3A_249, %dma_start3A_250] : memref<10000x64xf32, #tpu.memory_space<hbm>> -> memref<10000x64xf32, #tpu.memory_space<hbm>>
        tpu.enqueue_indirect_dma source(%dma_start3A_251 : memref<10000x64xf32, #tpu.memory_space<hbm>>) target(%dma_start3A_245 : memref<128x64xf32, #tpu.memory_space<vmem>>) offsets(%dma_start3A_248 : memref<128xi32, #tpu.memory_space<vmem>>) semaphore(%arg13 : memref<!tpu.dma_semaphore, #tpu.memory_space<semaphore_mem>>)
      } else {
      }
      %mul3A_150 = arith.constant 1 : i32
      %mul3A_151 = arith.muli %mul3A_146, %mul3A_150 : i32
      %add3A_152 = arith.constant 0 : i32
      %add3A_153 = arith.addi %mul3A_151, %add3A_152 : i32
      %dma_wait3A = arith.constant 0 : i32
      %dma_wait3A_154 = arith.constant 0 : i32
      %dma_wait3A_155 = tpu.memref_slice %arg9[%dma_wait3A, %dma_wait3A_154] : memref<128x64xf32, #tpu.memory_space<vmem>> -> memref<128x64xf32, #tpu.memory_space<vmem>>
      %dma_wait3A_156 = arith.constant 0 : i32
      %dma_wait3A_157 = tpu.memref_slice %arg7[%add3A_153, %dma_wait3A_156] : memref<114x128xi32, #tpu.memory_space<vmem>> -> memref<1x128xi32, #tpu.memory_space<vmem>>
      %dma_wait3A_158 = tpu.memref_squeeze %dma_wait3A_157 : memref<1x128xi32, #tpu.memory_space<vmem>> -> memref<128xi32, #tpu.memory_space<vmem>>
      %dma_wait3A_159 = arith.constant 0 : i32
      %dma_wait3A_160 = arith.constant 0 : i32
      %dma_wait3A_161 = tpu.memref_slice %arg3[%dma_wait3A_159, %dma_wait3A_160] : memref<10000x64xf32, #tpu.memory_space<hbm>> -> memref<10000x64xf32, #tpu.memory_space<hbm>>
      tpu.wait_indirect_dma semaphore(%arg12 : memref<!tpu.dma_semaphore, #tpu.memory_space<semaphore_mem>>) src(%dma_wait3A_161 : memref<10000x64xf32, #tpu.memory_space<hbm>>) dst(%dma_wait3A_155 : memref<128x64xf32, #tpu.memory_space<vmem>>)
      %mul3A_162 = arith.constant 1 : i32
      %mul3A_163 = arith.muli %mul3A_146, %mul3A_162 : i32
      %add3A_164 = arith.constant 0 : i32
      %add3A_165 = arith.addi %mul3A_163, %add3A_164 : i32
      %dma_start3A_166 = arith.constant 0 : i32
      %dma_start3A_167 = arith.constant 0 : i32
      %dma_start3A_168 = tpu.memref_slice %arg9[%dma_start3A_166, %dma_start3A_167] : memref<128x64xf32, #tpu.memory_space<vmem>> -> memref<128x64xf32, #tpu.memory_space<vmem>>
      %dma_start3A_169 = arith.constant 0 : i32
      %dma_start3A_170 = tpu.memref_slice %arg8[%add3A_165, %dma_start3A_169] : memref<114x128xi32, #tpu.memory_space<vmem>> -> memref<1x128xi32, #tpu.memory_space<vmem>>
      %dma_start3A_171 = tpu.memref_squeeze %dma_start3A_170 : memref<1x128xi32, #tpu.memory_space<vmem>> -> memref<128xi32, #tpu.memory_space<vmem>>
      %dma_start3A_172 = arith.constant 0 : i32
      %dma_start3A_173 = arith.constant 0 : i32
      %dma_start3A_174 = tpu.memref_slice %arg11[%dma_start3A_172, %dma_start3A_173] : memref<10112x64xf32, #tpu.memory_space<vmem_shared>> -> memref<10112x64xf32, #tpu.memory_space<vmem_shared>>
      tpu.enqueue_indirect_dma source(%dma_start3A_168 : memref<128x64xf32, #tpu.memory_space<vmem>>) target(%dma_start3A_174 : memref<10112x64xf32, #tpu.memory_space<vmem_shared>>) offsets(%dma_start3A_171 : memref<128xi32, #tpu.memory_space<vmem>>) semaphore(%arg14 : memref<!tpu.dma_semaphore, #tpu.memory_space<semaphore_mem>>) {add = true}
      %mul3A_175 = arith.constant 1 : i32
      %mul3A_176 = arith.muli %mul3A_146, %mul3A_175 : i32
      %add3A_177 = arith.constant 0 : i32
      %add3A_178 = arith.addi %mul3A_176, %add3A_177 : i32
      %dma_wait3A_179 = arith.constant 0 : i32
      %dma_wait3A_180 = arith.constant 0 : i32
      %dma_wait3A_181 = tpu.memref_slice %arg9[%dma_wait3A_179, %dma_wait3A_180] : memref<128x64xf32, #tpu.memory_space<vmem>> -> memref<128x64xf32, #tpu.memory_space<vmem>>
      %dma_wait3A_182 = arith.constant 0 : i32
      %dma_wait3A_183 = tpu.memref_slice %arg8[%add3A_178, %dma_wait3A_182] : memref<114x128xi32, #tpu.memory_space<vmem>> -> memref<1x128xi32, #tpu.memory_space<vmem>>
      %dma_wait3A_184 = tpu.memref_squeeze %dma_wait3A_183 : memref<1x128xi32, #tpu.memory_space<vmem>> -> memref<128xi32, #tpu.memory_space<vmem>>
      %dma_wait3A_185 = arith.constant 0 : i32
      %dma_wait3A_186 = arith.constant 0 : i32
      %dma_wait3A_187 = tpu.memref_slice %arg11[%dma_wait3A_185, %dma_wait3A_186] : memref<10112x64xf32, #tpu.memory_space<vmem_shared>> -> memref<10112x64xf32, #tpu.memory_space<vmem_shared>>
      tpu.wait_indirect_dma semaphore(%arg14 : memref<!tpu.dma_semaphore, #tpu.memory_space<semaphore_mem>>) src(%dma_wait3A_181 : memref<128x64xf32, #tpu.memory_space<vmem>>) dst(%dma_wait3A_187 : memref<10112x64xf32, #tpu.memory_space<vmem_shared>>)
      %mul3A_188 = arith.constant 2 : i32
      %mul3A_189 = arith.muli %mul3A_188, %while3A_144 : i32
      %add3A_190 = arith.constant 1 : i32
      %add3A_191 = arith.addi %mul3A_189, %add3A_190 : i32
      %add3A_192 = arith.constant 1 : i32
      %add3A_193 = arith.addi %add3A_191, %add3A_192 : i32
      %lt3A_194 = arith.cmpi slt, %add3A_193, %select_n3A : i32
      %convert_element_type3A_195 = arith.extui %lt3A_194 : i1 to i32
      %cond3A_196 = arith.constant 0 : i32
      %cond3A_197 = arith.cmpi ne, %convert_element_type3A_195, %cond3A_196 : i32
      scf.if %cond3A_197 {
        %add3A_237 = arith.constant 1 : i32
        %add3A_238 = arith.addi %add3A_191, %add3A_237 : i32
        %mul3A_239 = arith.constant 1 : i32
        %mul3A_240 = arith.muli %add3A_238, %mul3A_239 : i32
        %add3A_241 = arith.constant 0 : i32
        %add3A_242 = arith.addi %mul3A_240, %add3A_241 : i32
        %dma_start3A_243 = arith.constant 0 : i32
        %dma_start3A_244 = arith.constant 0 : i32
        %dma_start3A_245 = tpu.memref_slice %arg9[%dma_start3A_243, %dma_start3A_244] : memref<128x64xf32, #tpu.memory_space<vmem>> -> memref<128x64xf32, #tpu.memory_space<vmem>>
        %dma_start3A_246 = arith.constant 0 : i32
        %dma_start3A_247 = tpu.memref_slice %arg7[%add3A_242, %dma_start3A_246] : memref<114x128xi32, #tpu.memory_space<vmem>> -> memref<1x128xi32, #tpu.memory_space<vmem>>
        %dma_start3A_248 = tpu.memref_squeeze %dma_start3A_247 : memref<1x128xi32, #tpu.memory_space<vmem>> -> memref<128xi32, #tpu.memory_space<vmem>>
        %dma_start3A_249 = arith.constant 0 : i32
        %dma_start3A_250 = arith.constant 0 : i32
        %dma_start3A_251 = tpu.memref_slice %arg3[%dma_start3A_249, %dma_start3A_250] : memref<10000x64xf32, #tpu.memory_space<hbm>> -> memref<10000x64xf32, #tpu.memory_space<hbm>>
        tpu.enqueue_indirect_dma source(%dma_start3A_251 : memref<10000x64xf32, #tpu.memory_space<hbm>>) target(%dma_start3A_245 : memref<128x64xf32, #tpu.memory_space<vmem>>) offsets(%dma_start3A_248 : memref<128xi32, #tpu.memory_space<vmem>>) semaphore(%arg12 : memref<!tpu.dma_semaphore, #tpu.memory_space<semaphore_mem>>)
      } else {
      }
      %mul3A_198 = arith.constant 1 : i32
      %mul3A_199 = arith.muli %add3A_191, %mul3A_198 : i32
      %add3A_200 = arith.constant 0 : i32
      %add3A_201 = arith.addi %mul3A_199, %add3A_200 : i32
      %dma_wait3A_202 = arith.constant 0 : i32
      %dma_wait3A_203 = arith.constant 0 : i32
      %dma_wait3A_204 = tpu.memref_slice %arg10[%dma_wait3A_202, %dma_wait3A_203] : memref<128x64xf32, #tpu.memory_space<vmem>> -> memref<128x64xf32, #tpu.memory_space<vmem>>
      %dma_wait3A_205 = arith.constant 0 : i32
      %dma_wait3A_206 = tpu.memref_slice %arg7[%add3A_201, %dma_wait3A_205] : memref<114x128xi32, #tpu.memory_space<vmem>> -> memref<1x128xi32, #tpu.memory_space<vmem>>
      %dma_wait3A_207 = tpu.memref_squeeze %dma_wait3A_206 : memref<1x128xi32, #tpu.memory_space<vmem>> -> memref<128xi32, #tpu.memory_space<vmem>>
      %dma_wait3A_208 = arith.constant 0 : i32
      %dma_wait3A_209 = arith.constant 0 : i32
      %dma_wait3A_210 = tpu.memref_slice %arg3[%dma_wait3A_208, %dma_wait3A_209] : memref<10000x64xf32, #tpu.memory_space<hbm>> -> memref<10000x64xf32, #tpu.memory_space<hbm>>
      tpu.wait_indirect_dma semaphore(%arg13 : memref<!tpu.dma_semaphore, #tpu.memory_space<semaphore_mem>>) src(%dma_wait3A_210 : memref<10000x64xf32, #tpu.memory_space<hbm>>) dst(%dma_wait3A_204 : memref<128x64xf32, #tpu.memory_space<vmem>>)
      %mul3A_211 = arith.constant 1 : i32
      %mul3A_212 = arith.muli %add3A_191, %mul3A_211 : i32
      %add3A_213 = arith.constant 0 : i32
      %add3A_214 = arith.addi %mul3A_212, %add3A_213 : i32
      %dma_start3A_215 = arith.constant 0 : i32
      %dma_start3A_216 = arith.constant 0 : i32
      %dma_start3A_217 = tpu.memref_slice %arg10[%dma_start3A_215, %dma_start3A_216] : memref<128x64xf32, #tpu.memory_space<vmem>> -> memref<128x64xf32, #tpu.memory_space<vmem>>
      %dma_start3A_218 = arith.constant 0 : i32
      %dma_start3A_219 = tpu.memref_slice %arg8[%add3A_214, %dma_start3A_218] : memref<114x128xi32, #tpu.memory_space<vmem>> -> memref<1x128xi32, #tpu.memory_space<vmem>>
      %dma_start3A_220 = tpu.memref_squeeze %dma_start3A_219 : memref<1x128xi32, #tpu.memory_space<vmem>> -> memref<128xi32, #tpu.memory_space<vmem>>
      %dma_start3A_221 = arith.constant 0 : i32
      %dma_start3A_222 = arith.constant 0 : i32
      %dma_start3A_223 = tpu.memref_slice %arg11[%dma_start3A_221, %dma_start3A_222] : memref<10112x64xf32, #tpu.memory_space<vmem_shared>> -> memref<10112x64xf32, #tpu.memory_space<vmem_shared>>
      tpu.enqueue_indirect_dma source(%dma_start3A_217 : memref<128x64xf32, #tpu.memory_space<vmem>>) target(%dma_start3A_223 : memref<10112x64xf32, #tpu.memory_space<vmem_shared>>) offsets(%dma_start3A_220 : memref<128xi32, #tpu.memory_space<vmem>>) semaphore(%arg15 : memref<!tpu.dma_semaphore, #tpu.memory_space<semaphore_mem>>) {add = true}
      %mul3A_224 = arith.constant 1 : i32
      %mul3A_225 = arith.muli %add3A_191, %mul3A_224 : i32
      %add3A_226 = arith.constant 0 : i32
      %add3A_227 = arith.addi %mul3A_225, %add3A_226 : i32
      %dma_wait3A_228 = arith.constant 0 : i32
      %dma_wait3A_229 = arith.constant 0 : i32
      %dma_wait3A_230 = tpu.memref_slice %arg10[%dma_wait3A_228, %dma_wait3A_229] : memref<128x64xf32, #tpu.memory_space<vmem>> -> memref<128x64xf32, #tpu.memory_space<vmem>>
      %dma_wait3A_231 = arith.constant 0 : i32
      %dma_wait3A_232 = tpu.memref_slice %arg8[%add3A_227, %dma_wait3A_231] : memref<114x128xi32, #tpu.memory_space<vmem>> -> memref<1x128xi32, #tpu.memory_space<vmem>>
      %dma_wait3A_233 = tpu.memref_squeeze %dma_wait3A_232 : memref<1x128xi32, #tpu.memory_space<vmem>> -> memref<128xi32, #tpu.memory_space<vmem>>
      %dma_wait3A_234 = arith.constant 0 : i32
      %dma_wait3A_235 = arith.constant 0 : i32
      %dma_wait3A_236 = tpu.memref_slice %arg11[%dma_wait3A_234, %dma_wait3A_235] : memref<10112x64xf32, #tpu.memory_space<vmem_shared>> -> memref<10112x64xf32, #tpu.memory_space<vmem_shared>>
      tpu.wait_indirect_dma semaphore(%arg15 : memref<!tpu.dma_semaphore, #tpu.memory_space<semaphore_mem>>) src(%dma_wait3A_230 : memref<128x64xf32, #tpu.memory_space<vmem>>) dst(%dma_wait3A_236 : memref<10112x64xf32, #tpu.memory_space<vmem_shared>>)
    }
    %barrier3A_137 = arith.constant 0 : index
    tpu.barrier barrier_id(%barrier3A_137)
    %mul3A_138 = arith.constant 632 : i32
    %mul3A_139 = arith.muli %arg1, %mul3A_138 : i32
    %mul3A_140 = arith.constant 632 : i32
    %mul3A_141 = arith.muli %arg1, %mul3A_140 : i32
    %run_scoped3A_142 = arith.constant 1 : i32
    "tpu.region"() ({
      %run_scoped3A_144 = tpu.sem_alloc : memref<!tpu.dma_semaphore, #tpu.memory_space<semaphore_mem>>
      %dma_start3A_145 = arith.constant 0 : i32
      %dma_start3A_146 = tpu.memref_slice %arg6[%run_scoped3A_142, %arg0, %mul3A_141, %dma_start3A_145] : memref<2x2x10112x64xf32, #tpu.memory_space<hbm>> -> memref<1x1x632x64xf32, #tpu.memory_space<hbm>>
      %dma_start3A_147 = tpu.memref_squeeze %dma_start3A_146 : memref<1x1x632x64xf32, #tpu.memory_space<hbm>> -> memref<632x64xf32, #tpu.memory_space<hbm>>
      %dma_start3A_148 = arith.constant 0 : i32
      %dma_start3A_149 = tpu.memref_slice %arg11[%mul3A_139, %dma_start3A_148] : memref<10112x64xf32, #tpu.memory_space<vmem_shared>> -> memref<632x64xf32, #tpu.memory_space<vmem_shared>>
      tpu.enqueue_dma source(%dma_start3A_149 : memref<632x64xf32, #tpu.memory_space<vmem_shared>>) target(%dma_start3A_147 : memref<632x64xf32, #tpu.memory_space<hbm>>) target_semaphore(%run_scoped3A_144 : memref<!tpu.dma_semaphore, #tpu.memory_space<semaphore_mem>>)
      %dma_wait3A = arith.constant 0 : i32
      %dma_wait3A_150 = tpu.memref_slice %arg6[%run_scoped3A_142, %arg0, %mul3A_141, %dma_wait3A] : memref<2x2x10112x64xf32, #tpu.memory_space<hbm>> -> memref<1x1x632x64xf32, #tpu.memory_space<hbm>>
      %dma_wait3A_151 = tpu.memref_squeeze %dma_wait3A_150 : memref<1x1x632x64xf32, #tpu.memory_space<hbm>> -> memref<632x64xf32, #tpu.memory_space<hbm>>
      %dma_wait3A_152 = arith.constant 0 : i32
      %dma_wait3A_153 = tpu.memref_slice %arg11[%mul3A_139, %dma_wait3A_152] : memref<10112x64xf32, #tpu.memory_space<vmem_shared>> -> memref<632x64xf32, #tpu.memory_space<vmem_shared>>
      tpu.wait_dma2 semaphore(%run_scoped3A_144 : memref<!tpu.dma_semaphore, #tpu.memory_space<semaphore_mem>>) src(%dma_wait3A_153 : memref<632x64xf32, #tpu.memory_space<vmem_shared>>) dst(%dma_wait3A_151 : memref<632x64xf32, #tpu.memory_space<hbm>>)
      tpu.yield
    }) : () -> ()
    %barrier3A_143 = arith.constant 0 : index
    tpu.barrier barrier_id(%barrier3A_143)
    return
  }
}

#map = affine_map<(d0, d1) -> (0, 0)>
#map1 = affine_map<(d0, d1) -> (0, 0, 0)>
#map2 = affine_map<(d0, d1) -> (0, 0, 0, 0)>
module attributes {stable_mosaic.version = 14 : i64} {
  func.func @scatter_kernel(%arg0: i32, %arg1: i32, %arg2: memref<10000x64xf32, #tpu.memory_space<hbm>>, %arg3: memref<10000x64xf32, #tpu.memory_space<hbm>>, %arg4: memref<32x114x128xi32, #tpu.memory_space<hbm>>, %arg5: memref<32x114x128xi32, #tpu.memory_space<hbm>>, %arg6: memref<2x2x10112x64xf32, #tpu.memory_space<hbm>>, %arg7: memref<114x128xi32, #tpu.memory_space<vmem>>, %arg8: memref<114x128xi32, #tpu.memory_space<vmem>>, %arg9: memref<128x64xf32, #tpu.memory_space<vmem>>, %arg10: memref<128x64xf32, #tpu.memory_space<vmem>>, %arg11: memref<10112x64xf32, #tpu.memory_space<vmem_shared>>, %arg12: memref<!tpu.dma_semaphore, #tpu.memory_space<semaphore_mem>>, %arg13: memref<!tpu.dma_semaphore, #tpu.memory_space<semaphore_mem>>, %arg14: memref<!tpu.dma_semaphore, #tpu.memory_space<semaphore_mem>>, %arg15: memref<!tpu.dma_semaphore, #tpu.memory_space<semaphore_mem>>) attributes {dimension_semantics = [#tpu.dimension_semantics<core_parallel>, #tpu.dimension_semantics<subcore_parallel>], iteration_bounds = array<i64: 2, 16>, scalar_prefetch = 0 : i64, scratch_operands = 9 : i64, tpu.core_type = #tpu.core_type<sc_vector_subcore>, window_params = [{transform_indices = #map}, {transform_indices = #map}, {transform_indices = #map1}, {transform_indices = #map1}, {transform_indices = #map2}]} {
    %mul3A = arith.constant 16 : i32
    %mul3A_0 = arith.muli %arg0, %mul3A : i32
    %add3A = arith.addi %mul3A_0, %arg1 : i32
    "tpu.region"() ({
      %run_scoped3A_144 = tpu.sem_alloc : memref<!tpu.dma_semaphore, #tpu.memory_space<semaphore_mem>>
      %dma_start3A_145 = arith.constant 0 : i32
      %dma_start3A_146 = arith.constant 0 : i32
      %dma_start3A_147 = tpu.memref_slice %arg4[%add3A, %dma_start3A_145, %dma_start3A_146] : memref<32x114x128xi32, #tpu.memory_space<hbm>> -> memref<1x114x128xi32, #tpu.memory_space<hbm>>
      %dma_start3A_148 = tpu.memref_squeeze %dma_start3A_147 : memref<1x114x128xi32, #tpu.memory_space<hbm>> -> memref<114x128xi32, #tpu.memory_space<hbm>>
      %dma_start3A_149 = arith.constant 0 : i32
      %dma_start3A_150 = arith.constant 0 : i32
      %dma_start3A_151 = tpu.memref_slice %arg4[%add3A, %dma_start3A_149, %dma_start3A_150] : memref<32x114x128xi32, #tpu.memory_space<hbm>> -> memref<1x114x128xi32, #tpu.memory_space<hbm>>
      %dma_start3A_152 = tpu.memref_squeeze %dma_start3A_151 : memref<1x114x128xi32, #tpu.memory_space<hbm>> -> memref<114x128xi32, #tpu.memory_space<hbm>>
      tpu.enqueue_dma source(%dma_start3A_152 : memref<114x128xi32, #tpu.memory_space<hbm>>) target(%arg7 : memref<114x128xi32, #tpu.memory_space<vmem>>) target_semaphore(%run_scoped3A_144 : memref<!tpu.dma_semaphore, #tpu.memory_space<semaphore_mem>>)
      %dma_wait3A = arith.constant 0 : i32
      %dma_wait3A_153 = arith.constant 0 : i32
      %dma_wait3A_154 = tpu.memref_slice %arg4[%add3A, %dma_wait3A, %dma_wait3A_153] : memref<32x114x128xi32, #tpu.memory_space<hbm>> -> memref<1x114x128xi32, #tpu.memory_space<hbm>>
      %dma_wait3A_155 = tpu.memref_squeeze %dma_wait3A_154 : memref<1x114x128xi32, #tpu.memory_space<hbm>> -> memref<114x128xi32, #tpu.memory_space<hbm>>
      %dma_wait3A_156 = arith.constant 0 : i32
      %dma_wait3A_157 = arith.constant 0 : i32
      %dma_wait3A_158 = tpu.memref_slice %arg4[%add3A, %dma_wait3A_156, %dma_wait3A_157] : memref<32x114x128xi32, #tpu.memory_space<hbm>> -> memref<1x114x128xi32, #tpu.memory_space<hbm>>
      %dma_wait3A_159 = tpu.memref_squeeze %dma_wait3A_158 : memref<1x114x128xi32, #tpu.memory_space<hbm>> -> memref<114x128xi32, #tpu.memory_space<hbm>>
      tpu.wait_dma2 semaphore(%run_scoped3A_144 : memref<!tpu.dma_semaphore, #tpu.memory_space<semaphore_mem>>) src(%dma_wait3A_159 : memref<114x128xi32, #tpu.memory_space<hbm>>) dst(%arg7 : memref<114x128xi32, #tpu.memory_space<vmem>>)
      tpu.yield
    }) : () -> ()
    "tpu.region"() ({
      %run_scoped3A_144 = tpu.sem_alloc : memref<!tpu.dma_semaphore, #tpu.memory_space<semaphore_mem>>
      %dma_start3A_145 = arith.constant 0 : i32
      %dma_start3A_146 = arith.constant 0 : i32
      %dma_start3A_147 = tpu.memref_slice %arg5[%add3A, %dma_start3A_145, %dma_start3A_146] : memref<32x114x128xi32, #tpu.memory_space<hbm>> -> memref<1x114x128xi32, #tpu.memory_space<hbm>>
      %dma_start3A_148 = tpu.memref_squeeze %dma_start3A_147 : memref<1x114x128xi32, #tpu.memory_space<hbm>> -> memref<114x128xi32, #tpu.memory_space<hbm>>
      %dma_start3A_149 = arith.constant 0 : i32
      %dma_start3A_150 = arith.constant 0 : i32
      %dma_start3A_151 = tpu.memref_slice %arg5[%add3A, %dma_start3A_149, %dma_start3A_150] : memref<32x114x128xi32, #tpu.memory_space<hbm>> -> memref<1x114x128xi32, #tpu.memory_space<hbm>>
      %dma_start3A_152 = tpu.memref_squeeze %dma_start3A_151 : memref<1x114x128xi32, #tpu.memory_space<hbm>> -> memref<114x128xi32, #tpu.memory_space<hbm>>
      tpu.enqueue_dma source(%dma_start3A_152 : memref<114x128xi32, #tpu.memory_space<hbm>>) target(%arg8 : memref<114x128xi32, #tpu.memory_space<vmem>>) target_semaphore(%run_scoped3A_144 : memref<!tpu.dma_semaphore, #tpu.memory_space<semaphore_mem>>)
      %dma_wait3A = arith.constant 0 : i32
      %dma_wait3A_153 = arith.constant 0 : i32
      %dma_wait3A_154 = tpu.memref_slice %arg5[%add3A, %dma_wait3A, %dma_wait3A_153] : memref<32x114x128xi32, #tpu.memory_space<hbm>> -> memref<1x114x128xi32, #tpu.memory_space<hbm>>
      %dma_wait3A_155 = tpu.memref_squeeze %dma_wait3A_154 : memref<1x114x128xi32, #tpu.memory_space<hbm>> -> memref<114x128xi32, #tpu.memory_space<hbm>>
      %dma_wait3A_156 = arith.constant 0 : i32
      %dma_wait3A_157 = arith.constant 0 : i32
      %dma_wait3A_158 = tpu.memref_slice %arg5[%add3A, %dma_wait3A_156, %dma_wait3A_157] : memref<32x114x128xi32, #tpu.memory_space<hbm>> -> memref<1x114x128xi32, #tpu.memory_space<hbm>>
      %dma_wait3A_159 = tpu.memref_squeeze %dma_wait3A_158 : memref<1x114x128xi32, #tpu.memory_space<hbm>> -> memref<114x128xi32, #tpu.memory_space<hbm>>
      tpu.wait_dma2 semaphore(%run_scoped3A_144 : memref<!tpu.dma_semaphore, #tpu.memory_space<semaphore_mem>>) src(%dma_wait3A_159 : memref<114x128xi32, #tpu.memory_space<hbm>>) dst(%arg8 : memref<114x128xi32, #tpu.memory_space<vmem>>)
      tpu.yield
    }) : () -> ()
    %eq3A = arith.constant 0 : i32
    %eq3A_1 = arith.cmpi eq, %arg0, %eq3A : i32
    %jit3A = arith.constant 114 : i32
    %jit3A_2 = arith.constant 44 : i32
    %select_n3A = arith.select %eq3A_1, %jit3A, %jit3A_2 : i32
    %scan3A = arith.constant 0 : i32
    %scan3A_3 = arith.constant 128 : i32
    %scan3A_4 = arith.addi %scan3A, %scan3A_3 : i32
    %scan3A_5 = arith.constant 1 : i32
    scf.for %scan3A_144 = %scan3A to %scan3A_4 step %scan3A_5  : i32 {
      %mul3A_145 = arith.constant 1 : i32
      %mul3A_146 = arith.muli %scan3A_144, %mul3A_145 : i32
      %add3A_147 = arith.constant 0 : i32
      %add3A_148 = arith.addi %add3A_147, %mul3A_146 : i32
      %broadcast_in_dim3A = arith.constant 0.000000e+00 : f32
      %broadcast_in_dim3A_149 = vector.broadcast %broadcast_in_dim3A : f32 to vector<16xf32>
      %swap3A = arith.index_cast %add3A_148 : i32 to index
      %swap3A_150 = arith.constant 0 : index
      %swap3A_151 = tpu.vector_load %arg9[%swap3A, %swap3A_150] {strides = array<i32>} : memref<128x64xf32, #tpu.memory_space<vmem>>, vector<1x16xf32>,
      %swap3A_152 = vector.shape_cast %swap3A_151 : vector<1x16xf32> to vector<16xf32>
      %swap3A_153 = vector.shape_cast %broadcast_in_dim3A_149 : vector<16xf32> to vector<1x16xf32>
      tpu.vector_store %arg9[%swap3A, %swap3A_150], %swap3A_153 {strides = array<i32>} : memref<128x64xf32, #tpu.memory_space<vmem>>, vector<1x16xf32>,
      %broadcast_in_dim3A_154 = arith.constant 0.000000e+00 : f32
      %broadcast_in_dim3A_155 = vector.broadcast %broadcast_in_dim3A_154 : f32 to vector<16xf32>
      %swap3A_156 = arith.index_cast %add3A_148 : i32 to index
      %swap3A_157 = arith.constant 16 : index
      %swap3A_158 = tpu.vector_load %arg9[%swap3A_156, %swap3A_157] {strides = array<i32>} : memref<128x64xf32, #tpu.memory_space<vmem>>, vector<1x16xf32>,
      %swap3A_159 = vector.shape_cast %swap3A_158 : vector<1x16xf32> to vector<16xf32>
      %swap3A_160 = vector.shape_cast %broadcast_in_dim3A_155 : vector<16xf32> to vector<1x16xf32>
      tpu.vector_store %arg9[%swap3A_156, %swap3A_157], %swap3A_160 {strides = array<i32>} : memref<128x64xf32, #tpu.memory_space<vmem>>, vector<1x16xf32>,
      %broadcast_in_dim3A_161 = arith.constant 0.000000e+00 : f32
      %broadcast_in_dim3A_162 = vector.broadcast %broadcast_in_dim3A_161 : f32 to vector<16xf32>
      %swap3A_163 = arith.index_cast %add3A_148 : i32 to index
      %swap3A_164 = arith.constant 32 : index
      %swap3A_165 = tpu.vector_load %arg9[%swap3A_163, %swap3A_164] {strides = array<i32>} : memref<128x64xf32, #tpu.memory_space<vmem>>, vector<1x16xf32>,
      %swap3A_166 = vector.shape_cast %swap3A_165 : vector<1x16xf32> to vector<16xf32>
      %swap3A_167 = vector.shape_cast %broadcast_in_dim3A_162 : vector<16xf32> to vector<1x16xf32>
      tpu.vector_store %arg9[%swap3A_163, %swap3A_164], %swap3A_167 {strides = array<i32>} : memref<128x64xf32, #tpu.memory_space<vmem>>, vector<1x16xf32>,
      %broadcast_in_dim3A_168 = arith.constant 0.000000e+00 : f32
      %broadcast_in_dim3A_169 = vector.broadcast %broadcast_in_dim3A_168 : f32 to vector<16xf32>
      %swap3A_170 = arith.index_cast %add3A_148 : i32 to index
      %swap3A_171 = arith.constant 48 : index
      %swap3A_172 = tpu.vector_load %arg9[%swap3A_170, %swap3A_171] {strides = array<i32>} : memref<128x64xf32, #tpu.memory_space<vmem>>, vector<1x16xf32>,
      %swap3A_173 = vector.shape_cast %swap3A_172 : vector<1x16xf32> to vector<16xf32>
      %swap3A_174 = vector.shape_cast %broadcast_in_dim3A_169 : vector<16xf32> to vector<1x16xf32>
      tpu.vector_store %arg9[%swap3A_170, %swap3A_171], %swap3A_174 {strides = array<i32>} : memref<128x64xf32, #tpu.memory_space<vmem>>, vector<1x16xf32>,
    }
    %scan3A_6 = arith.constant 128 : i32
    %mul3A_7 = arith.constant 632 : i32
    %mul3A_8 = arith.muli %arg1, %mul3A_7 : i32
    %add3A_9 = arith.constant 0 : i32
    %add3A_10 = arith.addi %mul3A_8, %add3A_9 : i32
    "tpu.region"() ({
      %run_scoped3A_144 = tpu.sem_alloc : memref<!tpu.dma_semaphore, #tpu.memory_space<semaphore_mem>>
      %dma_start3A_145 = arith.constant 0 : i32
      %dma_start3A_146 = tpu.memref_slice %arg11[%add3A_10, %dma_start3A_145] : memref<10112x64xf32, #tpu.memory_space<vmem_shared>> -> memref<128x64xf32, #tpu.memory_space<vmem_shared>>
      %dma_start3A_147 = arith.constant 0 : i32
      %dma_start3A_148 = tpu.memref_slice %arg11[%add3A_10, %dma_start3A_147] : memref<10112x64xf32, #tpu.memory_space<vmem_shared>> -> memref<128x64xf32, #tpu.memory_space<vmem_shared>>
      tpu.enqueue_dma source(%arg9 : memref<128x64xf32, #tpu.memory_space<vmem>>) target(%dma_start3A_148 : memref<128x64xf32, #tpu.memory_space<vmem_shared>>) target_semaphore(%run_scoped3A_144 : memref<!tpu.dma_semaphore, #tpu.memory_space<semaphore_mem>>)
      %dma_wait3A = arith.constant 0 : i32
      %dma_wait3A_149 = tpu.memref_slice %arg11[%add3A_10, %dma_wait3A] : memref<10112x64xf32, #tpu.memory_space<vmem_shared>> -> memref<128x64xf32, #tpu.memory_space<vmem_shared>>
      %dma_wait3A_150 = arith.constant 0 : i32
      %dma_wait3A_151 = tpu.memref_slice %arg11[%add3A_10, %dma_wait3A_150] : memref<10112x64xf32, #tpu.memory_space<vmem_shared>> -> memref<128x64xf32, #tpu.memory_space<vmem_shared>>
      tpu.wait_dma2 semaphore(%run_scoped3A_144 : memref<!tpu.dma_semaphore, #tpu.memory_space<semaphore_mem>>) src(%arg9 : memref<128x64xf32, #tpu.memory_space<vmem>>) dst(%dma_wait3A_151 : memref<128x64xf32, #tpu.memory_space<vmem_shared>>)
      tpu.yield
    }) : () -> ()
    %mul3A_11 = arith.constant 632 : i32
    %mul3A_12 = arith.muli %arg1, %mul3A_11 : i32
    %add3A_13 = arith.constant 128 : i32
    %add3A_14 = arith.addi %mul3A_12, %add3A_13 : i32
    "tpu.region"() ({
      %run_scoped3A_144 = tpu.sem_alloc : memref<!tpu.dma_semaphore, #tpu.memory_space<semaphore_mem>>
      %dma_start3A_145 = arith.constant 0 : i32
      %dma_start3A_146 = tpu.memref_slice %arg11[%add3A_14, %dma_start3A_145] : memref<10112x64xf32, #tpu.memory_space<vmem_shared>> -> memref<128x64xf32, #tpu.memory_space<vmem_shared>>
      %dma_start3A_147 = arith.constant 0 : i32
      %dma_start3A_148 = tpu.memref_slice %arg11[%add3A_14, %dma_start3A_147] : memref<10112x64xf32, #tpu.memory_space<vmem_shared>> -> memref<128x64xf32, #tpu.memory_space<vmem_shared>>
      tpu.enqueue_dma source(%arg9 : memref<128x64xf32, #tpu.memory_space<vmem>>) target(%dma_start3A_148 : memref<128x64xf32, #tpu.memory_space<vmem_shared>>) target_semaphore(%run_scoped3A_144 : memref<!tpu.dma_semaphore, #tpu.memory_space<semaphore_mem>>)
      %dma_wait3A = arith.constant 0 : i32
      %dma_wait3A_149 = tpu.memref_slice %arg11[%add3A_14, %dma_wait3A] : memref<10112x64xf32, #tpu.memory_space<vmem_shared>> -> memref<128x64xf32, #tpu.memory_space<vmem_shared>>
      %dma_wait3A_150 = arith.constant 0 : i32
      %dma_wait3A_151 = tpu.memref_slice %arg11[%add3A_14, %dma_wait3A_150] : memref<10112x64xf32, #tpu.memory_space<vmem_shared>> -> memref<128x64xf32, #tpu.memory_space<vmem_shared>>
      tpu.wait_dma2 semaphore(%run_scoped3A_144 : memref<!tpu.dma_semaphore, #tpu.memory_space<semaphore_mem>>) src(%arg9 : memref<128x64xf32, #tpu.memory_space<vmem>>) dst(%dma_wait3A_151 : memref<128x64xf32, #tpu.memory_space<vmem_shared>>)
      tpu.yield
    }) : () -> ()
    %mul3A_15 = arith.constant 632 : i32
    %mul3A_16 = arith.muli %arg1, %mul3A_15 : i32
    %add3A_17 = arith.constant 256 : i32
    %add3A_18 = arith.addi %mul3A_16, %add3A_17 : i32
    "tpu.region"() ({
      %run_scoped3A_144 = tpu.sem_alloc : memref<!tpu.dma_semaphore, #tpu.memory_space<semaphore_mem>>
      %dma_start3A_145 = arith.constant 0 : i32
      %dma_start3A_146 = tpu.memref_slice %arg11[%add3A_18, %dma_start3A_145] : memref<10112x64xf32, #tpu.memory_space<vmem_shared>> -> memref<128x64xf32, #tpu.memory_space<vmem_shared>>
      %dma_start3A_147 = arith.constant 0 : i32
      %dma_start3A_148 = tpu.memref_slice %arg11[%add3A_18, %dma_start3A_147] : memref<10112x64xf32, #tpu.memory_space<vmem_shared>> -> memref<128x64xf32, #tpu.memory_space<vmem_shared>>
      tpu.enqueue_dma source(%arg9 : memref<128x64xf32, #tpu.memory_space<vmem>>) target(%dma_start3A_148 : memref<128x64xf32, #tpu.memory_space<vmem_shared>>) target_semaphore(%run_scoped3A_144 : memref<!tpu.dma_semaphore, #tpu.memory_space<semaphore_mem>>)
      %dma_wait3A = arith.constant 0 : i32
      %dma_wait3A_149 = tpu.memref_slice %arg11[%add3A_18, %dma_wait3A] : memref<10112x64xf32, #tpu.memory_space<vmem_shared>> -> memref<128x64xf32, #tpu.memory_space<vmem_shared>>
      %dma_wait3A_150 = arith.constant 0 : i32
      %dma_wait3A_151 = tpu.memref_slice %arg11[%add3A_18, %dma_wait3A_150] : memref<10112x64xf32, #tpu.memory_space<vmem_shared>> -> memref<128x64xf32, #tpu.memory_space<vmem_shared>>
      tpu.wait_dma2 semaphore(%run_scoped3A_144 : memref<!tpu.dma_semaphore, #tpu.memory_space<semaphore_mem>>) src(%arg9 : memref<128x64xf32, #tpu.memory_space<vmem>>) dst(%dma_wait3A_151 : memref<128x64xf32, #tpu.memory_space<vmem_shared>>)
      tpu.yield
    }) : () -> ()
    %mul3A_19 = arith.constant 632 : i32
    %mul3A_20 = arith.muli %arg1, %mul3A_19 : i32
    %add3A_21 = arith.constant 384 : i32
    %add3A_22 = arith.addi %mul3A_20, %add3A_21 : i32
    "tpu.region"() ({
      %run_scoped3A_144 = tpu.sem_alloc : memref<!tpu.dma_semaphore, #tpu.memory_space<semaphore_mem>>
      %dma_start3A_145 = arith.constant 0 : i32
      %dma_start3A_146 = tpu.memref_slice %arg11[%add3A_22, %dma_start3A_145] : memref<10112x64xf32, #tpu.memory_space<vmem_shared>> -> memref<128x64xf32, #tpu.memory_space<vmem_shared>>
      %dma_start3A_147 = arith.constant 0 : i32
      %dma_start3A_148 = tpu.memref_slice %arg11[%add3A_22, %dma_start3A_147] : memref<10112x64xf32, #tpu.memory_space<vmem_shared>> -> memref<128x64xf32, #tpu.memory_space<vmem_shared>>
      tpu.enqueue_dma source(%arg9 : memref<128x64xf32, #tpu.memory_space<vmem>>) target(%dma_start3A_148 : memref<128x64xf32, #tpu.memory_space<vmem_shared>>) target_semaphore(%run_scoped3A_144 : memref<!tpu.dma_semaphore, #tpu.memory_space<semaphore_mem>>)
      %dma_wait3A = arith.constant 0 : i32
      %dma_wait3A_149 = tpu.memref_slice %arg11[%add3A_22, %dma_wait3A] : memref<10112x64xf32, #tpu.memory_space<vmem_shared>> -> memref<128x64xf32, #tpu.memory_space<vmem_shared>>
      %dma_wait3A_150 = arith.constant 0 : i32
      %dma_wait3A_151 = tpu.memref_slice %arg11[%add3A_22, %dma_wait3A_150] : memref<10112x64xf32, #tpu.memory_space<vmem_shared>> -> memref<128x64xf32, #tpu.memory_space<vmem_shared>>
      tpu.wait_dma2 semaphore(%run_scoped3A_144 : memref<!tpu.dma_semaphore, #tpu.memory_space<semaphore_mem>>) src(%arg9 : memref<128x64xf32, #tpu.memory_space<vmem>>) dst(%dma_wait3A_151 : memref<128x64xf32, #tpu.memory_space<vmem_shared>>)
      tpu.yield
    }) : () -> ()
    %mul3A_23 = arith.constant 632 : i32
    %mul3A_24 = arith.muli %arg1, %mul3A_23 : i32
    %add3A_25 = arith.constant 512 : i32
    %add3A_26 = arith.addi %mul3A_24, %add3A_25 : i32
    "tpu.region"() ({
      %run_scoped3A_144 = tpu.sem_alloc : memref<!tpu.dma_semaphore, #tpu.memory_space<semaphore_mem>>
      %dma_start3A_145 = arith.constant 0 : i32
      %dma_start3A_146 = arith.constant 0 : i32
      %dma_start3A_147 = tpu.memref_slice %arg9[%dma_start3A_145, %dma_start3A_146] : memref<128x64xf32, #tpu.memory_space<vmem>> -> memref<120x64xf32, #tpu.memory_space<vmem>>
      %dma_start3A_148 = arith.constant 0 : i32
      %dma_start3A_149 = tpu.memref_slice %arg11[%add3A_26, %dma_start3A_148] : memref<10112x64xf32, #tpu.memory_space<vmem_shared>> -> memref<120x64xf32, #tpu.memory_space<vmem_shared>>
      %dma_start3A_150 = arith.constant 0 : i32
      %dma_start3A_151 = tpu.memref_slice %arg11[%add3A_26, %dma_start3A_150] : memref<10112x64xf32, #tpu.memory_space<vmem_shared>> -> memref<120x64xf32, #tpu.memory_space<vmem_shared>>
      %dma_start3A_152 = arith.constant 0 : i32
      %dma_start3A_153 = arith.constant 0 : i32
      %dma_start3A_154 = tpu.memref_slice %arg9[%dma_start3A_152, %dma_start3A_153] : memref<128x64xf32, #tpu.memory_space<vmem>> -> memref<120x64xf32, #tpu.memory_space<vmem>>
      tpu.enqueue_dma source(%dma_start3A_154 : memref<120x64xf32, #tpu.memory_space<vmem>>) target(%dma_start3A_151 : memref<120x64xf32, #tpu.memory_space<vmem_shared>>) target_semaphore(%run_scoped3A_144 : memref<!tpu.dma_semaphore, #tpu.memory_space<semaphore_mem>>)
      %dma_wait3A = arith.constant 0 : i32
      %dma_wait3A_155 = arith.constant 0 : i32
      %dma_wait3A_156 = tpu.memref_slice %arg9[%dma_wait3A, %dma_wait3A_155] : memref<128x64xf32, #tpu.memory_space<vmem>> -> memref<120x64xf32, #tpu.memory_space<vmem>>
      %dma_wait3A_157 = arith.constant 0 : i32
      %dma_wait3A_158 = tpu.memref_slice %arg11[%add3A_26, %dma_wait3A_157] : memref<10112x64xf32, #tpu.memory_space<vmem_shared>> -> memref<120x64xf32, #tpu.memory_space<vmem_shared>>
      %dma_wait3A_159 = arith.constant 0 : i32
      %dma_wait3A_160 = tpu.memref_slice %arg11[%add3A_26, %dma_wait3A_159] : memref<10112x64xf32, #tpu.memory_space<vmem_shared>> -> memref<120x64xf32, #tpu.memory_space<vmem_shared>>
      %dma_wait3A_161 = arith.constant 0 : i32
      %dma_wait3A_162 = arith.constant 0 : i32
      %dma_wait3A_163 = tpu.memref_slice %arg9[%dma_wait3A_161, %dma_wait3A_162] : memref<128x64xf32, #tpu.memory_space<vmem>> -> memref<120x64xf32, #tpu.memory_space<vmem>>
      tpu.wait_dma2 semaphore(%run_scoped3A_144 : memref<!tpu.dma_semaphore, #tpu.memory_space<semaphore_mem>>) src(%dma_wait3A_163 : memref<120x64xf32, #tpu.memory_space<vmem>>) dst(%dma_wait3A_160 : memref<120x64xf32, #tpu.memory_space<vmem_shared>>)
      tpu.yield
    }) : () -> ()
    %dma_start3A = arith.constant 0 : i32
    %dma_start3A_27 = arith.constant 0 : i32
    %dma_start3A_28 = arith.constant 0 : i32
    %dma_start3A_29 = tpu.memref_slice %arg9[%dma_start3A_27, %dma_start3A_28] : memref<128x64xf32, #tpu.memory_space<vmem>> -> memref<128x64xf32, #tpu.memory_space<vmem>>
    %dma_start3A_30 = arith.constant 0 : i32
    %dma_start3A_31 = tpu.memref_slice %arg7[%dma_start3A, %dma_start3A_30] : memref<114x128xi32, #tpu.memory_space<vmem>> -> memref<1x128xi32, #tpu.memory_space<vmem>>
    %dma_start3A_32 = tpu.memref_squeeze %dma_start3A_31 : memref<1x128xi32, #tpu.memory_space<vmem>> -> memref<128xi32, #tpu.memory_space<vmem>>
    %dma_start3A_33 = arith.constant 0 : i32
    %dma_start3A_34 = arith.constant 0 : i32
    %dma_start3A_35 = tpu.memref_slice %arg2[%dma_start3A_33, %dma_start3A_34] : memref<10000x64xf32, #tpu.memory_space<hbm>> -> memref<10000x64xf32, #tpu.memory_space<hbm>>
    tpu.enqueue_indirect_dma source(%dma_start3A_35 : memref<10000x64xf32, #tpu.memory_space<hbm>>) target(%dma_start3A_29 : memref<128x64xf32, #tpu.memory_space<vmem>>) offsets(%dma_start3A_32 : memref<128xi32, #tpu.memory_space<vmem>>) semaphore(%arg12 : memref<!tpu.dma_semaphore, #tpu.memory_space<semaphore_mem>>)
    %barrier3A = arith.constant 0 : index
    tpu.barrier barrier_id(%barrier3A)
    %jit3A_36 = arith.constant 2 : i32
    %div3A = arith.divsi %select_n3A, %jit3A_36 : i32
    %sign3A = arith.constant 0 : i32
    %sign3A_37 = arith.cmpi sgt, %select_n3A, %sign3A : i32
    %sign3A_38 = arith.extui %sign3A_37 : i1 to i32
    %sign3A_39 = arith.constant 0 : i32
    %sign3A_40 = arith.cmpi slt, %select_n3A, %sign3A_39 : i32
    %sign3A_41 = arith.extui %sign3A_40 : i1 to i32
    %sign3A_42 = arith.subi %sign3A_38, %sign3A_41 : i32
    %sign3A_43 = arith.constant 0 : i32
    %sign3A_44 = arith.cmpi sgt, %jit3A_36, %sign3A_43 : i32
    %sign3A_45 = arith.extui %sign3A_44 : i1 to i32
    %sign3A_46 = arith.constant 0 : i32
    %sign3A_47 = arith.cmpi slt, %jit3A_36, %sign3A_46 : i32
    %sign3A_48 = arith.extui %sign3A_47 : i1 to i32
    %sign3A_49 = arith.subi %sign3A_45, %sign3A_48 : i32
    %ne3A = arith.cmpi ne, %sign3A_42, %sign3A_49 : i32
    %rem3A = arith.remsi %select_n3A, %jit3A_36 : i32
    %ne3A_50 = arith.constant 0 : i32
    %ne3A_51 = arith.cmpi ne, %rem3A, %ne3A_50 : i32
    %and3A = arith.andi %ne3A, %ne3A_51 : i1
    %sub3A = arith.constant 1 : i32
    %sub3A_52 = arith.subi %div3A, %sub3A : i32
    %select_n3A_53 = arith.select %and3A, %sub3A_52, %div3A : i32
    %while3A = arith.constant 0 : i32
    %while3A_54 = arith.subi %select_n3A_53, %while3A : i32
    %while3A_55 = arith.addi %while3A, %while3A_54 : i32
    %while3A_56 = arith.constant 1 : i32
    %while3A_57 = arith.divsi %while3A_54, %while3A_56 : i32
    %while3A_58 = arith.muli %while3A_57, %while3A_56 : i32
    %while3A_59 = arith.addi %while3A, %while3A_58 : i32
    %while3A_60 = arith.constant 1 : i32
    scf.for %while3A_144 = %while3A to %while3A_59 step %while3A_60  : i32 {
      %mul3A_145 = arith.constant 2 : i32
      %mul3A_146 = arith.muli %mul3A_145, %while3A_144 : i32
      %add3A_147 = arith.constant 1 : i32
      %add3A_148 = arith.addi %mul3A_146, %add3A_147 : i32
      %lt3A = arith.cmpi slt, %add3A_148, %select_n3A : i32
      %convert_element_type3A = arith.extui %lt3A : i1 to i32
      %cond3A = arith.constant 0 : i32
      %cond3A_149 = arith.cmpi ne, %convert_element_type3A, %cond3A : i32
      scf.if %cond3A_149 {
        %add3A_237 = arith.constant 1 : i32
        %add3A_238 = arith.addi %mul3A_146, %add3A_237 : i32
        %mul3A_239 = arith.constant 1 : i32
        %mul3A_240 = arith.muli %add3A_238, %mul3A_239 : i32
        %add3A_241 = arith.constant 0 : i32
        %add3A_242 = arith.addi %mul3A_240, %add3A_241 : i32
        %dma_start3A_243 = arith.constant 0 : i32
        %dma_start3A_244 = arith.constant 0 : i32
        %dma_start3A_245 = tpu.memref_slice %arg10[%dma_start3A_243, %dma_start3A_244] : memref<128x64xf32, #tpu.memory_space<vmem>> -> memref<128x64xf32, #tpu.memory_space<vmem>>
        %dma_start3A_246 = arith.constant 0 : i32
        %dma_start3A_247 = tpu.memref_slice %arg7[%add3A_242, %dma_start3A_246] : memref<114x128xi32, #tpu.memory_space<vmem>> -> memref<1x128xi32, #tpu.memory_space<vmem>>
        %dma_start3A_248 = tpu.memref_squeeze %dma_start3A_247 : memref<1x128xi32, #tpu.memory_space<vmem>> -> memref<128xi32, #tpu.memory_space<vmem>>
        %dma_start3A_249 = arith.constant 0 : i32
        %dma_start3A_250 = arith.constant 0 : i32
        %dma_start3A_251 = tpu.memref_slice %arg2[%dma_start3A_249, %dma_start3A_250] : memref<10000x64xf32, #tpu.memory_space<hbm>> -> memref<10000x64xf32, #tpu.memory_space<hbm>>
        tpu.enqueue_indirect_dma source(%dma_start3A_251 : memref<10000x64xf32, #tpu.memory_space<hbm>>) target(%dma_start3A_245 : memref<128x64xf32, #tpu.memory_space<vmem>>) offsets(%dma_start3A_248 : memref<128xi32, #tpu.memory_space<vmem>>) semaphore(%arg13 : memref<!tpu.dma_semaphore, #tpu.memory_space<semaphore_mem>>)
      } else {
      }
      %mul3A_150 = arith.constant 1 : i32
      %mul3A_151 = arith.muli %mul3A_146, %mul3A_150 : i32
      %add3A_152 = arith.constant 0 : i32
      %add3A_153 = arith.addi %mul3A_151, %add3A_152 : i32
      %dma_wait3A = arith.constant 0 : i32
      %dma_wait3A_154 = arith.constant 0 : i32
      %dma_wait3A_155 = tpu.memref_slice %arg9[%dma_wait3A, %dma_wait3A_154] : memref<128x64xf32, #tpu.memory_space<vmem>> -> memref<128x64xf32, #tpu.memory_space<vmem>>
      %dma_wait3A_156 = arith.constant 0 : i32
      %dma_wait3A_157 = tpu.memref_slice %arg7[%add3A_153, %dma_wait3A_156] : memref<114x128xi32, #tpu.memory_space<vmem>> -> memref<1x128xi32, #tpu.memory_space<vmem>>
      %dma_wait3A_158 = tpu.memref_squeeze %dma_wait3A_157 : memref<1x128xi32, #tpu.memory_space<vmem>> -> memref<128xi32, #tpu.memory_space<vmem>>
      %dma_wait3A_159 = arith.constant 0 : i32
      %dma_wait3A_160 = arith.constant 0 : i32
      %dma_wait3A_161 = tpu.memref_slice %arg2[%dma_wait3A_159, %dma_wait3A_160] : memref<10000x64xf32, #tpu.memory_space<hbm>> -> memref<10000x64xf32, #tpu.memory_space<hbm>>
      tpu.wait_indirect_dma semaphore(%arg12 : memref<!tpu.dma_semaphore, #tpu.memory_space<semaphore_mem>>) src(%dma_wait3A_161 : memref<10000x64xf32, #tpu.memory_space<hbm>>) dst(%dma_wait3A_155 : memref<128x64xf32, #tpu.memory_space<vmem>>)
      %mul3A_162 = arith.constant 1 : i32
      %mul3A_163 = arith.muli %mul3A_146, %mul3A_162 : i32
      %add3A_164 = arith.constant 0 : i32
      %add3A_165 = arith.addi %mul3A_163, %add3A_164 : i32
      %dma_start3A_166 = arith.constant 0 : i32
      %dma_start3A_167 = arith.constant 0 : i32
      %dma_start3A_168 = tpu.memref_slice %arg9[%dma_start3A_166, %dma_start3A_167] : memref<128x64xf32, #tpu.memory_space<vmem>> -> memref<128x64xf32, #tpu.memory_space<vmem>>
      %dma_start3A_169 = arith.constant 0 : i32
      %dma_start3A_170 = tpu.memref_slice %arg8[%add3A_165, %dma_start3A_169] : memref<114x128xi32, #tpu.memory_space<vmem>> -> memref<1x128xi32, #tpu.memory_space<vmem>>
      %dma_start3A_171 = tpu.memref_squeeze %dma_start3A_170 : memref<1x128xi32, #tpu.memory_space<vmem>> -> memref<128xi32, #tpu.memory_space<vmem>>
      %dma_start3A_172 = arith.constant 0 : i32
      %dma_start3A_173 = arith.constant 0 : i32
      %dma_start3A_174 = tpu.memref_slice %arg11[%dma_start3A_172, %dma_start3A_173] : memref<10112x64xf32, #tpu.memory_space<vmem_shared>> -> memref<10112x64xf32, #tpu.memory_space<vmem_shared>>
      tpu.enqueue_indirect_dma source(%dma_start3A_168 : memref<128x64xf32, #tpu.memory_space<vmem>>) target(%dma_start3A_174 : memref<10112x64xf32, #tpu.memory_space<vmem_shared>>) offsets(%dma_start3A_171 : memref<128xi32, #tpu.memory_space<vmem>>) semaphore(%arg14 : memref<!tpu.dma_semaphore, #tpu.memory_space<semaphore_mem>>) {add = true}
      %mul3A_175 = arith.constant 1 : i32
      %mul3A_176 = arith.muli %mul3A_146, %mul3A_175 : i32
      %add3A_177 = arith.constant 0 : i32
      %add3A_178 = arith.addi %mul3A_176, %add3A_177 : i32
      %dma_wait3A_179 = arith.constant 0 : i32
      %dma_wait3A_180 = arith.constant 0 : i32
      %dma_wait3A_181 = tpu.memref_slice %arg9[%dma_wait3A_179, %dma_wait3A_180] : memref<128x64xf32, #tpu.memory_space<vmem>> -> memref<128x64xf32, #tpu.memory_space<vmem>>
      %dma_wait3A_182 = arith.constant 0 : i32
      %dma_wait3A_183 = tpu.memref_slice %arg8[%add3A_178, %dma_wait3A_182] : memref<114x128xi32, #tpu.memory_space<vmem>> -> memref<1x128xi32, #tpu.memory_space<vmem>>
      %dma_wait3A_184 = tpu.memref_squeeze %dma_wait3A_183 : memref<1x128xi32, #tpu.memory_space<vmem>> -> memref<128xi32, #tpu.memory_space<vmem>>
      %dma_wait3A_185 = arith.constant 0 : i32
      %dma_wait3A_186 = arith.constant 0 : i32
      %dma_wait3A_187 = tpu.memref_slice %arg11[%dma_wait3A_185, %dma_wait3A_186] : memref<10112x64xf32, #tpu.memory_space<vmem_shared>> -> memref<10112x64xf32, #tpu.memory_space<vmem_shared>>
      tpu.wait_indirect_dma semaphore(%arg14 : memref<!tpu.dma_semaphore, #tpu.memory_space<semaphore_mem>>) src(%dma_wait3A_181 : memref<128x64xf32, #tpu.memory_space<vmem>>) dst(%dma_wait3A_187 : memref<10112x64xf32, #tpu.memory_space<vmem_shared>>)
      %mul3A_188 = arith.constant 2 : i32
      %mul3A_189 = arith.muli %mul3A_188, %while3A_144 : i32
      %add3A_190 = arith.constant 1 : i32
      %add3A_191 = arith.addi %mul3A_189, %add3A_190 : i32
      %add3A_192 = arith.constant 1 : i32
      %add3A_193 = arith.addi %add3A_191, %add3A_192 : i32
      %lt3A_194 = arith.cmpi slt, %add3A_193, %select_n3A : i32
      %convert_element_type3A_195 = arith.extui %lt3A_194 : i1 to i32
      %cond3A_196 = arith.constant 0 : i32
      %cond3A_197 = arith.cmpi ne, %convert_element_type3A_195, %cond3A_196 : i32
      scf.if %cond3A_197 {
        %add3A_237 = arith.constant 1 : i32
        %add3A_238 = arith.addi %add3A_191, %add3A_237 : i32
        %mul3A_239 = arith.constant 1 : i32
        %mul3A_240 = arith.muli %add3A_238, %mul3A_239 : i32
        %add3A_241 = arith.constant 0 : i32
        %add3A_242 = arith.addi %mul3A_240, %add3A_241 : i32
        %dma_start3A_243 = arith.constant 0 : i32
        %dma_start3A_244 = arith.constant 0 : i32
        %dma_start3A_245 = tpu.memref_slice %arg9[%dma_start3A_243, %dma_start3A_244] : memref<128x64xf32, #tpu.memory_space<vmem>> -> memref<128x64xf32, #tpu.memory_space<vmem>>
        %dma_start3A_246 = arith.constant 0 : i32
        %dma_start3A_247 = tpu.memref_slice %arg7[%add3A_242, %dma_start3A_246] : memref<114x128xi32, #tpu.memory_space<vmem>> -> memref<1x128xi32, #tpu.memory_space<vmem>>
        %dma_start3A_248 = tpu.memref_squeeze %dma_start3A_247 : memref<1x128xi32, #tpu.memory_space<vmem>> -> memref<128xi32, #tpu.memory_space<vmem>>
        %dma_start3A_249 = arith.constant 0 : i32
        %dma_start3A_250 = arith.constant 0 : i32
        %dma_start3A_251 = tpu.memref_slice %arg2[%dma_start3A_249, %dma_start3A_250] : memref<10000x64xf32, #tpu.memory_space<hbm>> -> memref<10000x64xf32, #tpu.memory_space<hbm>>
        tpu.enqueue_indirect_dma source(%dma_start3A_251 : memref<10000x64xf32, #tpu.memory_space<hbm>>) target(%dma_start3A_245 : memref<128x64xf32, #tpu.memory_space<vmem>>) offsets(%dma_start3A_248 : memref<128xi32, #tpu.memory_space<vmem>>) semaphore(%arg12 : memref<!tpu.dma_semaphore, #tpu.memory_space<semaphore_mem>>)
      } else {
      }
      %mul3A_198 = arith.constant 1 : i32
      %mul3A_199 = arith.muli %add3A_191, %mul3A_198 : i32
      %add3A_200 = arith.constant 0 : i32
      %add3A_201 = arith.addi %mul3A_199, %add3A_200 : i32
      %dma_wait3A_202 = arith.constant 0 : i32
      %dma_wait3A_203 = arith.constant 0 : i32
      %dma_wait3A_204 = tpu.memref_slice %arg10[%dma_wait3A_202, %dma_wait3A_203] : memref<128x64xf32, #tpu.memory_space<vmem>> -> memref<128x64xf32, #tpu.memory_space<vmem>>
      %dma_wait3A_205 = arith.constant 0 : i32
      %dma_wait3A_206 = tpu.memref_slice %arg7[%add3A_201, %dma_wait3A_205] : memref<114x128xi32, #tpu.memory_space<vmem>> -> memref<1x128xi32, #tpu.memory_space<vmem>>
      %dma_wait3A_207 = tpu.memref_squeeze %dma_wait3A_206 : memref<1x128xi32, #tpu.memory_space<vmem>> -> memref<128xi32, #tpu.memory_space<vmem>>
      %dma_wait3A_208 = arith.constant 0 : i32
      %dma_wait3A_209 = arith.constant 0 : i32
      %dma_wait3A_210 = tpu.memref_slice %arg2[%dma_wait3A_208, %dma_wait3A_209] : memref<10000x64xf32, #tpu.memory_space<hbm>> -> memref<10000x64xf32, #tpu.memory_space<hbm>>
      tpu.wait_indirect_dma semaphore(%arg13 : memref<!tpu.dma_semaphore, #tpu.memory_space<semaphore_mem>>) src(%dma_wait3A_210 : memref<10000x64xf32, #tpu.memory_space<hbm>>) dst(%dma_wait3A_204 : memref<128x64xf32, #tpu.memory_space<vmem>>)
      %mul3A_211 = arith.constant 1 : i32
      %mul3A_212 = arith.muli %add3A_191, %mul3A_211 : i32
      %add3A_213 = arith.constant 0 : i32
      %add3A_214 = arith.addi %mul3A_212, %add3A_213 : i32
      %dma_start3A_215 = arith.constant 0 : i32
      %dma_start3A_216 = arith.constant 0 : i32
      %dma_start3A_217 = tpu.memref_slice %arg10[%dma_start3A_215, %dma_start3A_216] : memref<128x64xf32, #tpu.memory_space<vmem>> -> memref<128x64xf32, #tpu.memory_space<vmem>>
      %dma_start3A_218 = arith.constant 0 : i32
      %dma_start3A_219 = tpu.memref_slice %arg8[%add3A_214, %dma_start3A_218] : memref<114x128xi32, #tpu.memory_space<vmem>> -> memref<1x128xi32, #tpu.memory_space<vmem>>
      %dma_start3A_220 = tpu.memref_squeeze %dma_start3A_219 : memref<1x128xi32, #tpu.memory_space<vmem>> -> memref<128xi32, #tpu.memory_space<vmem>>
      %dma_start3A_221 = arith.constant 0 : i32
      %dma_start3A_222 = arith.constant 0 : i32
      %dma_start3A_223 = tpu.memref_slice %arg11[%dma_start3A_221, %dma_start3A_222] : memref<10112x64xf32, #tpu.memory_space<vmem_shared>> -> memref<10112x64xf32, #tpu.memory_space<vmem_shared>>
      tpu.enqueue_indirect_dma source(%dma_start3A_217 : memref<128x64xf32, #tpu.memory_space<vmem>>) target(%dma_start3A_223 : memref<10112x64xf32, #tpu.memory_space<vmem_shared>>) offsets(%dma_start3A_220 : memref<128xi32, #tpu.memory_space<vmem>>) semaphore(%arg15 : memref<!tpu.dma_semaphore, #tpu.memory_space<semaphore_mem>>) {add = true}
      %mul3A_224 = arith.constant 1 : i32
      %mul3A_225 = arith.muli %add3A_191, %mul3A_224 : i32
      %add3A_226 = arith.constant 0 : i32
      %add3A_227 = arith.addi %mul3A_225, %add3A_226 : i32
      %dma_wait3A_228 = arith.constant 0 : i32
      %dma_wait3A_229 = arith.constant 0 : i32
      %dma_wait3A_230 = tpu.memref_slice %arg10[%dma_wait3A_228, %dma_wait3A_229] : memref<128x64xf32, #tpu.memory_space<vmem>> -> memref<128x64xf32, #tpu.memory_space<vmem>>
      %dma_wait3A_231 = arith.constant 0 : i32
      %dma_wait3A_232 = tpu.memref_slice %arg8[%add3A_227, %dma_wait3A_231] : memref<114x128xi32, #tpu.memory_space<vmem>> -> memref<1x128xi32, #tpu.memory_space<vmem>>
      %dma_wait3A_233 = tpu.memref_squeeze %dma_wait3A_232 : memref<1x128xi32, #tpu.memory_space<vmem>> -> memref<128xi32, #tpu.memory_space<vmem>>
      %dma_wait3A_234 = arith.constant 0 : i32
      %dma_wait3A_235 = arith.constant 0 : i32
      %dma_wait3A_236 = tpu.memref_slice %arg11[%dma_wait3A_234, %dma_wait3A_235] : memref<10112x64xf32, #tpu.memory_space<vmem_shared>> -> memref<10112x64xf32, #tpu.memory_space<vmem_shared>>
      tpu.wait_indirect_dma semaphore(%arg15 : memref<!tpu.dma_semaphore, #tpu.memory_space<semaphore_mem>>) src(%dma_wait3A_230 : memref<128x64xf32, #tpu.memory_space<vmem>>) dst(%dma_wait3A_236 : memref<10112x64xf32, #tpu.memory_space<vmem_shared>>)
    }
    %while3A_61 = arith.constant 1 : i32
    scf.for %while3A_144 = %while3A_59 to %while3A_55 step %while3A_61  : i32 {
      %mul3A_145 = arith.constant 2 : i32
      %mul3A_146 = arith.muli %mul3A_145, %while3A_144 : i32
      %add3A_147 = arith.constant 1 : i32
      %add3A_148 = arith.addi %mul3A_146, %add3A_147 : i32
      %lt3A = arith.cmpi slt, %add3A_148, %select_n3A : i32
      %convert_element_type3A = arith.extui %lt3A : i1 to i32
      %cond3A = arith.constant 0 : i32
      %cond3A_149 = arith.cmpi ne, %convert_element_type3A, %cond3A : i32
      scf.if %cond3A_149 {
        %add3A_237 = arith.constant 1 : i32
        %add3A_238 = arith.addi %mul3A_146, %add3A_237 : i32
        %mul3A_239 = arith.constant 1 : i32
        %mul3A_240 = arith.muli %add3A_238, %mul3A_239 : i32
        %add3A_241 = arith.constant 0 : i32
        %add3A_242 = arith.addi %mul3A_240, %add3A_241 : i32
        %dma_start3A_243 = arith.constant 0 : i32
        %dma_start3A_244 = arith.constant 0 : i32
        %dma_start3A_245 = tpu.memref_slice %arg10[%dma_start3A_243, %dma_start3A_244] : memref<128x64xf32, #tpu.memory_space<vmem>> -> memref<128x64xf32, #tpu.memory_space<vmem>>
        %dma_start3A_246 = arith.constant 0 : i32
        %dma_start3A_247 = tpu.memref_slice %arg7[%add3A_242, %dma_start3A_246] : memref<114x128xi32, #tpu.memory_space<vmem>> -> memref<1x128xi32, #tpu.memory_space<vmem>>
        %dma_start3A_248 = tpu.memref_squeeze %dma_start3A_247 : memref<1x128xi32, #tpu.memory_space<vmem>> -> memref<128xi32, #tpu.memory_space<vmem>>
        %dma_start3A_249 = arith.constant 0 : i32
        %dma_start3A_250 = arith.constant 0 : i32
        %dma_start3A_251 = tpu.memref_slice %arg2[%dma_start3A_249, %dma_start3A_250] : memref<10000x64xf32, #tpu.memory_space<hbm>> -> memref<10000x64xf32, #tpu.memory_space<hbm>>
        tpu.enqueue_indirect_dma source(%dma_start3A_251 : memref<10000x64xf32, #tpu.memory_space<hbm>>) target(%dma_start3A_245 : memref<128x64xf32, #tpu.memory_space<vmem>>) offsets(%dma_start3A_248 : memref<128xi32, #tpu.memory_space<vmem>>) semaphore(%arg13 : memref<!tpu.dma_semaphore, #tpu.memory_space<semaphore_mem>>)
      } else {
      }
      %mul3A_150 = arith.constant 1 : i32
      %mul3A_151 = arith.muli %mul3A_146, %mul3A_150 : i32
      %add3A_152 = arith.constant 0 : i32
      %add3A_153 = arith.addi %mul3A_151, %add3A_152 : i32
      %dma_wait3A = arith.constant 0 : i32
      %dma_wait3A_154 = arith.constant 0 : i32
      %dma_wait3A_155 = tpu.memref_slice %arg9[%dma_wait3A, %dma_wait3A_154] : memref<128x64xf32, #tpu.memory_space<vmem>> -> memref<128x64xf32, #tpu.memory_space<vmem>>
      %dma_wait3A_156 = arith.constant 0 : i32
      %dma_wait3A_157 = tpu.memref_slice %arg7[%add3A_153, %dma_wait3A_156] : memref<114x128xi32, #tpu.memory_space<vmem>> -> memref<1x128xi32, #tpu.memory_space<vmem>>
      %dma_wait3A_158 = tpu.memref_squeeze %dma_wait3A_157 : memref<1x128xi32, #tpu.memory_space<vmem>> -> memref<128xi32, #tpu.memory_space<vmem>>
      %dma_wait3A_159 = arith.constant 0 : i32
      %dma_wait3A_160 = arith.constant 0 : i32
      %dma_wait3A_161 = tpu.memref_slice %arg2[%dma_wait3A_159, %dma_wait3A_160] : memref<10000x64xf32, #tpu.memory_space<hbm>> -> memref<10000x64xf32, #tpu.memory_space<hbm>>
      tpu.wait_indirect_dma semaphore(%arg12 : memref<!tpu.dma_semaphore, #tpu.memory_space<semaphore_mem>>) src(%dma_wait3A_161 : memref<10000x64xf32, #tpu.memory_space<hbm>>) dst(%dma_wait3A_155 : memref<128x64xf32, #tpu.memory_space<vmem>>)
      %mul3A_162 = arith.constant 1 : i32
      %mul3A_163 = arith.muli %mul3A_146, %mul3A_162 : i32
      %add3A_164 = arith.constant 0 : i32
      %add3A_165 = arith.addi %mul3A_163, %add3A_164 : i32
      %dma_start3A_166 = arith.constant 0 : i32
      %dma_start3A_167 = arith.constant 0 : i32
      %dma_start3A_168 = tpu.memref_slice %arg9[%dma_start3A_166, %dma_start3A_167] : memref<128x64xf32, #tpu.memory_space<vmem>> -> memref<128x64xf32, #tpu.memory_space<vmem>>
      %dma_start3A_169 = arith.constant 0 : i32
      %dma_start3A_170 = tpu.memref_slice %arg8[%add3A_165, %dma_start3A_169] : memref<114x128xi32, #tpu.memory_space<vmem>> -> memref<1x128xi32, #tpu.memory_space<vmem>>
      %dma_start3A_171 = tpu.memref_squeeze %dma_start3A_170 : memref<1x128xi32, #tpu.memory_space<vmem>> -> memref<128xi32, #tpu.memory_space<vmem>>
      %dma_start3A_172 = arith.constant 0 : i32
      %dma_start3A_173 = arith.constant 0 : i32
      %dma_start3A_174 = tpu.memref_slice %arg11[%dma_start3A_172, %dma_start3A_173] : memref<10112x64xf32, #tpu.memory_space<vmem_shared>> -> memref<10112x64xf32, #tpu.memory_space<vmem_shared>>
      tpu.enqueue_indirect_dma source(%dma_start3A_168 : memref<128x64xf32, #tpu.memory_space<vmem>>) target(%dma_start3A_174 : memref<10112x64xf32, #tpu.memory_space<vmem_shared>>) offsets(%dma_start3A_171 : memref<128xi32, #tpu.memory_space<vmem>>) semaphore(%arg14 : memref<!tpu.dma_semaphore, #tpu.memory_space<semaphore_mem>>) {add = true}
      %mul3A_175 = arith.constant 1 : i32
      %mul3A_176 = arith.muli %mul3A_146, %mul3A_175 : i32
      %add3A_177 = arith.constant 0 : i32
      %add3A_178 = arith.addi %mul3A_176, %add3A_177 : i32
      %dma_wait3A_179 = arith.constant 0 : i32
      %dma_wait3A_180 = arith.constant 0 : i32
      %dma_wait3A_181 = tpu.memref_slice %arg9[%dma_wait3A_179, %dma_wait3A_180] : memref<128x64xf32, #tpu.memory_space<vmem>> -> memref<128x64xf32, #tpu.memory_space<vmem>>
      %dma_wait3A_182 = arith.constant 0 : i32
      %dma_wait3A_183 = tpu.memref_slice %arg8[%add3A_178, %dma_wait3A_182] : memref<114x128xi32, #tpu.memory_space<vmem>> -> memref<1x128xi32, #tpu.memory_space<vmem>>
      %dma_wait3A_184 = tpu.memref_squeeze %dma_wait3A_183 : memref<1x128xi32, #tpu.memory_space<vmem>> -> memref<128xi32, #tpu.memory_space<vmem>>
      %dma_wait3A_185 = arith.constant 0 : i32
      %dma_wait3A_186 = arith.constant 0 : i32
      %dma_wait3A_187 = tpu.memref_slice %arg11[%dma_wait3A_185, %dma_wait3A_186] : memref<10112x64xf32, #tpu.memory_space<vmem_shared>> -> memref<10112x64xf32, #tpu.memory_space<vmem_shared>>
      tpu.wait_indirect_dma semaphore(%arg14 : memref<!tpu.dma_semaphore, #tpu.memory_space<semaphore_mem>>) src(%dma_wait3A_181 : memref<128x64xf32, #tpu.memory_space<vmem>>) dst(%dma_wait3A_187 : memref<10112x64xf32, #tpu.memory_space<vmem_shared>>)
      %mul3A_188 = arith.constant 2 : i32
      %mul3A_189 = arith.muli %mul3A_188, %while3A_144 : i32
      %add3A_190 = arith.constant 1 : i32
      %add3A_191 = arith.addi %mul3A_189, %add3A_190 : i32
      %add3A_192 = arith.constant 1 : i32
      %add3A_193 = arith.addi %add3A_191, %add3A_192 : i32
      %lt3A_194 = arith.cmpi slt, %add3A_193, %select_n3A : i32
      %convert_element_type3A_195 = arith.extui %lt3A_194 : i1 to i32
      %cond3A_196 = arith.constant 0 : i32
      %cond3A_197 = arith.cmpi ne, %convert_element_type3A_195, %cond3A_196 : i32
      scf.if %cond3A_197 {
        %add3A_237 = arith.constant 1 : i32
        %add3A_238 = arith.addi %add3A_191, %add3A_237 : i32
        %mul3A_239 = arith.constant 1 : i32
        %mul3A_240 = arith.muli %add3A_238, %mul3A_239 : i32
        %add3A_241 = arith.constant 0 : i32
        %add3A_242 = arith.addi %mul3A_240, %add3A_241 : i32
        %dma_start3A_243 = arith.constant 0 : i32
        %dma_start3A_244 = arith.constant 0 : i32
        %dma_start3A_245 = tpu.memref_slice %arg9[%dma_start3A_243, %dma_start3A_244] : memref<128x64xf32, #tpu.memory_space<vmem>> -> memref<128x64xf32, #tpu.memory_space<vmem>>
        %dma_start3A_246 = arith.constant 0 : i32
        %dma_start3A_247 = tpu.memref_slice %arg7[%add3A_242, %dma_start3A_246] : memref<114x128xi32, #tpu.memory_space<vmem>> -> memref<1x128xi32, #tpu.memory_space<vmem>>
        %dma_start3A_248 = tpu.memref_squeeze %dma_start3A_247 : memref<1x128xi32, #tpu.memory_space<vmem>> -> memref<128xi32, #tpu.memory_space<vmem>>
        %dma_start3A_249 = arith.constant 0 : i32
        %dma_start3A_250 = arith.constant 0 : i32
        %dma_start3A_251 = tpu.memref_slice %arg2[%dma_start3A_249, %dma_start3A_250] : memref<10000x64xf32, #tpu.memory_space<hbm>> -> memref<10000x64xf32, #tpu.memory_space<hbm>>
        tpu.enqueue_indirect_dma source(%dma_start3A_251 : memref<10000x64xf32, #tpu.memory_space<hbm>>) target(%dma_start3A_245 : memref<128x64xf32, #tpu.memory_space<vmem>>) offsets(%dma_start3A_248 : memref<128xi32, #tpu.memory_space<vmem>>) semaphore(%arg12 : memref<!tpu.dma_semaphore, #tpu.memory_space<semaphore_mem>>)
      } else {
      }
      %mul3A_198 = arith.constant 1 : i32
      %mul3A_199 = arith.muli %add3A_191, %mul3A_198 : i32
      %add3A_200 = arith.constant 0 : i32
      %add3A_201 = arith.addi %mul3A_199, %add3A_200 : i32
      %dma_wait3A_202 = arith.constant 0 : i32
      %dma_wait3A_203 = arith.constant 0 : i32
      %dma_wait3A_204 = tpu.memref_slice %arg10[%dma_wait3A_202, %dma_wait3A_203] : memref<128x64xf32, #tpu.memory_space<vmem>> -> memref<128x64xf32, #tpu.memory_space<vmem>>
      %dma_wait3A_205 = arith.constant 0 : i32
      %dma_wait3A_206 = tpu.memref_slice %arg7[%add3A_201, %dma_wait3A_205] : memref<114x128xi32, #tpu.memory_space<vmem>> -> memref<1x128xi32, #tpu.memory_space<vmem>>
      %dma_wait3A_207 = tpu.memref_squeeze %dma_wait3A_206 : memref<1x128xi32, #tpu.memory_space<vmem>> -> memref<128xi32, #tpu.memory_space<vmem>>
      %dma_wait3A_208 = arith.constant 0 : i32
      %dma_wait3A_209 = arith.constant 0 : i32
      %dma_wait3A_210 = tpu.memref_slice %arg2[%dma_wait3A_208, %dma_wait3A_209] : memref<10000x64xf32, #tpu.memory_space<hbm>> -> memref<10000x64xf32, #tpu.memory_space<hbm>>
      tpu.wait_indirect_dma semaphore(%arg13 : memref<!tpu.dma_semaphore, #tpu.memory_space<semaphore_mem>>) src(%dma_wait3A_210 : memref<10000x64xf32, #tpu.memory_space<hbm>>) dst(%dma_wait3A_204 : memref<128x64xf32, #tpu.memory_space<vmem>>)
      %mul3A_211 = arith.constant 1 : i32
      %mul3A_212 = arith.muli %add3A_191, %mul3A_211 : i32
      %add3A_213 = arith.constant 0 : i32
      %add3A_214 = arith.addi %mul3A_212, %add3A_213 : i32
      %dma_start3A_215 = arith.constant 0 : i32
      %dma_start3A_216 = arith.constant 0 : i32
      %dma_start3A_217 = tpu.memref_slice %arg10[%dma_start3A_215, %dma_start3A_216] : memref<128x64xf32, #tpu.memory_space<vmem>> -> memref<128x64xf32, #tpu.memory_space<vmem>>
      %dma_start3A_218 = arith.constant 0 : i32
      %dma_start3A_219 = tpu.memref_slice %arg8[%add3A_214, %dma_start3A_218] : memref<114x128xi32, #tpu.memory_space<vmem>> -> memref<1x128xi32, #tpu.memory_space<vmem>>
      %dma_start3A_220 = tpu.memref_squeeze %dma_start3A_219 : memref<1x128xi32, #tpu.memory_space<vmem>> -> memref<128xi32, #tpu.memory_space<vmem>>
      %dma_start3A_221 = arith.constant 0 : i32
      %dma_start3A_222 = arith.constant 0 : i32
      %dma_start3A_223 = tpu.memref_slice %arg11[%dma_start3A_221, %dma_start3A_222] : memref<10112x64xf32, #tpu.memory_space<vmem_shared>> -> memref<10112x64xf32, #tpu.memory_space<vmem_shared>>
      tpu.enqueue_indirect_dma source(%dma_start3A_217 : memref<128x64xf32, #tpu.memory_space<vmem>>) target(%dma_start3A_223 : memref<10112x64xf32, #tpu.memory_space<vmem_shared>>) offsets(%dma_start3A_220 : memref<128xi32, #tpu.memory_space<vmem>>) semaphore(%arg15 : memref<!tpu.dma_semaphore, #tpu.memory_space<semaphore_mem>>) {add = true}
      %mul3A_224 = arith.constant 1 : i32
      %mul3A_225 = arith.muli %add3A_191, %mul3A_224 : i32
      %add3A_226 = arith.constant 0 : i32
      %add3A_227 = arith.addi %mul3A_225, %add3A_226 : i32
      %dma_wait3A_228 = arith.constant 0 : i32
      %dma_wait3A_229 = arith.constant 0 : i32
      %dma_wait3A_230 = tpu.memref_slice %arg10[%dma_wait3A_228, %dma_wait3A_229] : memref<128x64xf32, #tpu.memory_space<vmem>> -> memref<128x64xf32, #tpu.memory_space<vmem>>
      %dma_wait3A_231 = arith.constant 0 : i32
      %dma_wait3A_232 = tpu.memref_slice %arg8[%add3A_227, %dma_wait3A_231] : memref<114x128xi32, #tpu.memory_space<vmem>> -> memref<1x128xi32, #tpu.memory_space<vmem>>
      %dma_wait3A_233 = tpu.memref_squeeze %dma_wait3A_232 : memref<1x128xi32, #tpu.memory_space<vmem>> -> memref<128xi32, #tpu.memory_space<vmem>>
      %dma_wait3A_234 = arith.constant 0 : i32
      %dma_wait3A_235 = arith.constant 0 : i32
      %dma_wait3A_236 = tpu.memref_slice %arg11[%dma_wait3A_234, %dma_wait3A_235] : memref<10112x64xf32, #tpu.memory_space<vmem_shared>> -> memref<10112x64xf32, #tpu.memory_space<vmem_shared>>
      tpu.wait_indirect_dma semaphore(%arg15 : memref<!tpu.dma_semaphore, #tpu.memory_space<semaphore_mem>>) src(%dma_wait3A_230 : memref<128x64xf32, #tpu.memory_space<vmem>>) dst(%dma_wait3A_236 : memref<10112x64xf32, #tpu.memory_space<vmem_shared>>)
    }
    %barrier3A_62 = arith.constant 0 : index
    tpu.barrier barrier_id(%barrier3A_62)
    %mul3A_63 = arith.constant 632 : i32
    %mul3A_64 = arith.muli %arg1, %mul3A_63 : i32
    %mul3A_65 = arith.constant 632 : i32
    %mul3A_66 = arith.muli %arg1, %mul3A_65 : i32
    %run_scoped3A = arith.constant 0 : i32
    "tpu.region"() ({
      %run_scoped3A_144 = tpu.sem_alloc : memref<!tpu.dma_semaphore, #tpu.memory_space<semaphore_mem>>
      %dma_start3A_145 = arith.constant 0 : i32
      %dma_start3A_146 = tpu.memref_slice %arg6[%run_scoped3A, %arg0, %mul3A_66, %dma_start3A_145] : memref<2x2x10112x64xf32, #tpu.memory_space<hbm>> -> memref<1x1x632x64xf32, #tpu.memory_space<hbm>>
      %dma_start3A_147 = tpu.memref_squeeze %dma_start3A_146 : memref<1x1x632x64xf32, #tpu.memory_space<hbm>> -> memref<632x64xf32, #tpu.memory_space<hbm>>
      %dma_start3A_148 = arith.constant 0 : i32
      %dma_start3A_149 = tpu.memref_slice %arg11[%mul3A_64, %dma_start3A_148] : memref<10112x64xf32, #tpu.memory_space<vmem_shared>> -> memref<632x64xf32, #tpu.memory_space<vmem_shared>>
      tpu.enqueue_dma source(%dma_start3A_149 : memref<632x64xf32, #tpu.memory_space<vmem_shared>>) target(%dma_start3A_147 : memref<632x64xf32, #tpu.memory_space<hbm>>) target_semaphore(%run_scoped3A_144 : memref<!tpu.dma_semaphore, #tpu.memory_space<semaphore_mem>>)
      %dma_wait3A = arith.constant 0 : i32
      %dma_wait3A_150 = tpu.memref_slice %arg6[%run_scoped3A, %arg0, %mul3A_66, %dma_wait3A] : memref<2x2x10112x64xf32, #tpu.memory_space<hbm>> -> memref<1x1x632x64xf32, #tpu.memory_space<hbm>>
      %dma_wait3A_151 = tpu.memref_squeeze %dma_wait3A_150 : memref<1x1x632x64xf32, #tpu.memory_space<hbm>> -> memref<632x64xf32, #tpu.memory_space<hbm>>
      %dma_wait3A_152 = arith.constant 0 : i32
      %dma_wait3A_153 = tpu.memref_slice %arg11[%mul3A_64, %dma_wait3A_152] : memref<10112x64xf32, #tpu.memory_space<vmem_shared>> -> memref<632x64xf32, #tpu.memory_space<vmem_shared>>
      tpu.wait_dma2 semaphore(%run_scoped3A_144 : memref<!tpu.dma_semaphore, #tpu.memory_space<semaphore_mem>>) src(%dma_wait3A_153 : memref<632x64xf32, #tpu.memory_space<vmem_shared>>) dst(%dma_wait3A_151 : memref<632x64xf32, #tpu.memory_space<hbm>>)
      tpu.yield
    }) : () -> ()
    %barrier3A_67 = arith.constant 0 : index
    tpu.barrier barrier_id(%barrier3A_67)
    %scan3A_68 = arith.constant 0 : i32
    %scan3A_69 = arith.constant 128 : i32
    %scan3A_70 = arith.addi %scan3A_68, %scan3A_69 : i32
    %scan3A_71 = arith.constant 1 : i32
    scf.for %scan3A_144 = %scan3A_68 to %scan3A_70 step %scan3A_71  : i32 {
      %mul3A_145 = arith.constant 1 : i32
      %mul3A_146 = arith.muli %scan3A_144, %mul3A_145 : i32
      %add3A_147 = arith.constant 0 : i32
      %add3A_148 = arith.addi %add3A_147, %mul3A_146 : i32
      %broadcast_in_dim3A = arith.constant 0.000000e+00 : f32
      %broadcast_in_dim3A_149 = vector.broadcast %broadcast_in_dim3A : f32 to vector<16xf32>
      %swap3A = arith.index_cast %add3A_148 : i32 to index
      %swap3A_150 = arith.constant 0 : index
      %swap3A_151 = tpu.vector_load %arg9[%swap3A, %swap3A_150] {strides = array<i32>} : memref<128x64xf32, #tpu.memory_space<vmem>>, vector<1x16xf32>,
      %swap3A_152 = vector.shape_cast %swap3A_151 : vector<1x16xf32> to vector<16xf32>
      %swap3A_153 = vector.shape_cast %broadcast_in_dim3A_149 : vector<16xf32> to vector<1x16xf32>
      tpu.vector_store %arg9[%swap3A, %swap3A_150], %swap3A_153 {strides = array<i32>} : memref<128x64xf32, #tpu.memory_space<vmem>>, vector<1x16xf32>,
      %broadcast_in_dim3A_154 = arith.constant 0.000000e+00 : f32
      %broadcast_in_dim3A_155 = vector.broadcast %broadcast_in_dim3A_154 : f32 to vector<16xf32>
      %swap3A_156 = arith.index_cast %add3A_148 : i32 to index
      %swap3A_157 = arith.constant 16 : index
      %swap3A_158 = tpu.vector_load %arg9[%swap3A_156, %swap3A_157] {strides = array<i32>} : memref<128x64xf32, #tpu.memory_space<vmem>>, vector<1x16xf32>,
      %swap3A_159 = vector.shape_cast %swap3A_158 : vector<1x16xf32> to vector<16xf32>
      %swap3A_160 = vector.shape_cast %broadcast_in_dim3A_155 : vector<16xf32> to vector<1x16xf32>
      tpu.vector_store %arg9[%swap3A_156, %swap3A_157], %swap3A_160 {strides = array<i32>} : memref<128x64xf32, #tpu.memory_space<vmem>>, vector<1x16xf32>,
      %broadcast_in_dim3A_161 = arith.constant 0.000000e+00 : f32
      %broadcast_in_dim3A_162 = vector.broadcast %broadcast_in_dim3A_161 : f32 to vector<16xf32>
      %swap3A_163 = arith.index_cast %add3A_148 : i32 to index
      %swap3A_164 = arith.constant 32 : index
      %swap3A_165 = tpu.vector_load %arg9[%swap3A_163, %swap3A_164] {strides = array<i32>} : memref<128x64xf32, #tpu.memory_space<vmem>>, vector<1x16xf32>,
      %swap3A_166 = vector.shape_cast %swap3A_165 : vector<1x16xf32> to vector<16xf32>
      %swap3A_167 = vector.shape_cast %broadcast_in_dim3A_162 : vector<16xf32> to vector<1x16xf32>
      tpu.vector_store %arg9[%swap3A_163, %swap3A_164], %swap3A_167 {strides = array<i32>} : memref<128x64xf32, #tpu.memory_space<vmem>>, vector<1x16xf32>,
      %broadcast_in_dim3A_168 = arith.constant 0.000000e+00 : f32
      %broadcast_in_dim3A_169 = vector.broadcast %broadcast_in_dim3A_168 : f32 to vector<16xf32>
      %swap3A_170 = arith.index_cast %add3A_148 : i32 to index
      %swap3A_171 = arith.constant 48 : index
      %swap3A_172 = tpu.vector_load %arg9[%swap3A_170, %swap3A_171] {strides = array<i32>} : memref<128x64xf32, #tpu.memory_space<vmem>>, vector<1x16xf32>,
      %swap3A_173 = vector.shape_cast %swap3A_172 : vector<1x16xf32> to vector<16xf32>
      %swap3A_174 = vector.shape_cast %broadcast_in_dim3A_169 : vector<16xf32> to vector<1x16xf32>
      tpu.vector_store %arg9[%swap3A_170, %swap3A_171], %swap3A_174 {strides = array<i32>} : memref<128x64xf32, #tpu.memory_space<vmem>>, vector<1x16xf32>,
    }
    %scan3A_72 = arith.constant 128 : i32
    %mul3A_73 = arith.constant 632 : i32
    %mul3A_74 = arith.muli %arg1, %mul3A_73 : i32
    %add3A_75 = arith.constant 0 : i32
    %add3A_76 = arith.addi %mul3A_74, %add3A_75 : i32
    "tpu.region"() ({
      %run_scoped3A_144 = tpu.sem_alloc : memref<!tpu.dma_semaphore, #tpu.memory_space<semaphore_mem>>
      %dma_start3A_145 = arith.constant 0 : i32
      %dma_start3A_146 = tpu.memref_slice %arg11[%add3A_76, %dma_start3A_145] : memref<10112x64xf32, #tpu.memory_space<vmem_shared>> -> memref<128x64xf32, #tpu.memory_space<vmem_shared>>
      %dma_start3A_147 = arith.constant 0 : i32
      %dma_start3A_148 = tpu.memref_slice %arg11[%add3A_76, %dma_start3A_147] : memref<10112x64xf32, #tpu.memory_space<vmem_shared>> -> memref<128x64xf32, #tpu.memory_space<vmem_shared>>
      tpu.enqueue_dma source(%arg9 : memref<128x64xf32, #tpu.memory_space<vmem>>) target(%dma_start3A_148 : memref<128x64xf32, #tpu.memory_space<vmem_shared>>) target_semaphore(%run_scoped3A_144 : memref<!tpu.dma_semaphore, #tpu.memory_space<semaphore_mem>>)
      %dma_wait3A = arith.constant 0 : i32
      %dma_wait3A_149 = tpu.memref_slice %arg11[%add3A_76, %dma_wait3A] : memref<10112x64xf32, #tpu.memory_space<vmem_shared>> -> memref<128x64xf32, #tpu.memory_space<vmem_shared>>
      %dma_wait3A_150 = arith.constant 0 : i32
      %dma_wait3A_151 = tpu.memref_slice %arg11[%add3A_76, %dma_wait3A_150] : memref<10112x64xf32, #tpu.memory_space<vmem_shared>> -> memref<128x64xf32, #tpu.memory_space<vmem_shared>>
      tpu.wait_dma2 semaphore(%run_scoped3A_144 : memref<!tpu.dma_semaphore, #tpu.memory_space<semaphore_mem>>) src(%arg9 : memref<128x64xf32, #tpu.memory_space<vmem>>) dst(%dma_wait3A_151 : memref<128x64xf32, #tpu.memory_space<vmem_shared>>)
      tpu.yield
    }) : () -> ()
    %mul3A_77 = arith.constant 632 : i32
    %mul3A_78 = arith.muli %arg1, %mul3A_77 : i32
    %add3A_79 = arith.constant 128 : i32
    %add3A_80 = arith.addi %mul3A_78, %add3A_79 : i32
    "tpu.region"() ({
      %run_scoped3A_144 = tpu.sem_alloc : memref<!tpu.dma_semaphore, #tpu.memory_space<semaphore_mem>>
      %dma_start3A_145 = arith.constant 0 : i32
      %dma_start3A_146 = tpu.memref_slice %arg11[%add3A_80, %dma_start3A_145] : memref<10112x64xf32, #tpu.memory_space<vmem_shared>> -> memref<128x64xf32, #tpu.memory_space<vmem_shared>>
      %dma_start3A_147 = arith.constant 0 : i32
      %dma_start3A_148 = tpu.memref_slice %arg11[%add3A_80, %dma_start3A_147] : memref<10112x64xf32, #tpu.memory_space<vmem_shared>> -> memref<128x64xf32, #tpu.memory_space<vmem_shared>>
      tpu.enqueue_dma source(%arg9 : memref<128x64xf32, #tpu.memory_space<vmem>>) target(%dma_start3A_148 : memref<128x64xf32, #tpu.memory_space<vmem_shared>>) target_semaphore(%run_scoped3A_144 : memref<!tpu.dma_semaphore, #tpu.memory_space<semaphore_mem>>)
      %dma_wait3A = arith.constant 0 : i32
      %dma_wait3A_149 = tpu.memref_slice %arg11[%add3A_80, %dma_wait3A] : memref<10112x64xf32, #tpu.memory_space<vmem_shared>> -> memref<128x64xf32, #tpu.memory_space<vmem_shared>>
      %dma_wait3A_150 = arith.constant 0 : i32
      %dma_wait3A_151 = tpu.memref_slice %arg11[%add3A_80, %dma_wait3A_150] : memref<10112x64xf32, #tpu.memory_space<vmem_shared>> -> memref<128x64xf32, #tpu.memory_space<vmem_shared>>
      tpu.wait_dma2 semaphore(%run_scoped3A_144 : memref<!tpu.dma_semaphore, #tpu.memory_space<semaphore_mem>>) src(%arg9 : memref<128x64xf32, #tpu.memory_space<vmem>>) dst(%dma_wait3A_151 : memref<128x64xf32, #tpu.memory_space<vmem_shared>>)
      tpu.yield
    }) : () -> ()
    %mul3A_81 = arith.constant 632 : i32
    %mul3A_82 = arith.muli %arg1, %mul3A_81 : i32
    %add3A_83 = arith.constant 256 : i32
    %add3A_84 = arith.addi %mul3A_82, %add3A_83 : i32
    "tpu.region"() ({
      %run_scoped3A_144 = tpu.sem_alloc : memref<!tpu.dma_semaphore, #tpu.memory_space<semaphore_mem>>
      %dma_start3A_145 = arith.constant 0 : i32
      %dma_start3A_146 = tpu.memref_slice %arg11[%add3A_84, %dma_start3A_145] : memref<10112x64xf32, #tpu.memory_space<vmem_shared>> -> memref<128x64xf32, #tpu.memory_space<vmem_shared>>
      %dma_start3A_147 = arith.constant 0 : i32
      %dma_start3A_148 = tpu.memref_slice %arg11[%add3A_84, %dma_start3A_147] : memref<10112x64xf32, #tpu.memory_space<vmem_shared>> -> memref<128x64xf32, #tpu.memory_space<vmem_shared>>
      tpu.enqueue_dma source(%arg9 : memref<128x64xf32, #tpu.memory_space<vmem>>) target(%dma_start3A_148 : memref<128x64xf32, #tpu.memory_space<vmem_shared>>) target_semaphore(%run_scoped3A_144 : memref<!tpu.dma_semaphore, #tpu.memory_space<semaphore_mem>>)
      %dma_wait3A = arith.constant 0 : i32
      %dma_wait3A_149 = tpu.memref_slice %arg11[%add3A_84, %dma_wait3A] : memref<10112x64xf32, #tpu.memory_space<vmem_shared>> -> memref<128x64xf32, #tpu.memory_space<vmem_shared>>
      %dma_wait3A_150 = arith.constant 0 : i32
      %dma_wait3A_151 = tpu.memref_slice %arg11[%add3A_84, %dma_wait3A_150] : memref<10112x64xf32, #tpu.memory_space<vmem_shared>> -> memref<128x64xf32, #tpu.memory_space<vmem_shared>>
      tpu.wait_dma2 semaphore(%run_scoped3A_144 : memref<!tpu.dma_semaphore, #tpu.memory_space<semaphore_mem>>) src(%arg9 : memref<128x64xf32, #tpu.memory_space<vmem>>) dst(%dma_wait3A_151 : memref<128x64xf32, #tpu.memory_space<vmem_shared>>)
      tpu.yield
    }) : () -> ()
    %mul3A_85 = arith.constant 632 : i32
    %mul3A_86 = arith.muli %arg1, %mul3A_85 : i32
    %add3A_87 = arith.constant 384 : i32
    %add3A_88 = arith.addi %mul3A_86, %add3A_87 : i32
    "tpu.region"() ({
      %run_scoped3A_144 = tpu.sem_alloc : memref<!tpu.dma_semaphore, #tpu.memory_space<semaphore_mem>>
      %dma_start3A_145 = arith.constant 0 : i32
      %dma_start3A_146 = tpu.memref_slice %arg11[%add3A_88, %dma_start3A_145] : memref<10112x64xf32, #tpu.memory_space<vmem_shared>> -> memref<128x64xf32, #tpu.memory_space<vmem_shared>>
      %dma_start3A_147 = arith.constant 0 : i32
      %dma_start3A_148 = tpu.memref_slice %arg11[%add3A_88, %dma_start3A_147] : memref<10112x64xf32, #tpu.memory_space<vmem_shared>> -> memref<128x64xf32, #tpu.memory_space<vmem_shared>>
      tpu.enqueue_dma source(%arg9 : memref<128x64xf32, #tpu.memory_space<vmem>>) target(%dma_start3A_148 : memref<128x64xf32, #tpu.memory_space<vmem_shared>>) target_semaphore(%run_scoped3A_144 : memref<!tpu.dma_semaphore, #tpu.memory_space<semaphore_mem>>)
      %dma_wait3A = arith.constant 0 : i32
      %dma_wait3A_149 = tpu.memref_slice %arg11[%add3A_88, %dma_wait3A] : memref<10112x64xf32, #tpu.memory_space<vmem_shared>> -> memref<128x64xf32, #tpu.memory_space<vmem_shared>>
      %dma_wait3A_150 = arith.constant 0 : i32
      %dma_wait3A_151 = tpu.memref_slice %arg11[%add3A_88, %dma_wait3A_150] : memref<10112x64xf32, #tpu.memory_space<vmem_shared>> -> memref<128x64xf32, #tpu.memory_space<vmem_shared>>
      tpu.wait_dma2 semaphore(%run_scoped3A_144 : memref<!tpu.dma_semaphore, #tpu.memory_space<semaphore_mem>>) src(%arg9 : memref<128x64xf32, #tpu.memory_space<vmem>>) dst(%dma_wait3A_151 : memref<128x64xf32, #tpu.memory_space<vmem_shared>>)
      tpu.yield
    }) : () -> ()
    %mul3A_89 = arith.constant 632 : i32
    %mul3A_90 = arith.muli %arg1, %mul3A_89 : i32
    %add3A_91 = arith.constant 512 : i32
    %add3A_92 = arith.addi %mul3A_90, %add3A_91 : i32
    "tpu.region"() ({
      %run_scoped3A_144 = tpu.sem_alloc : memref<!tpu.dma_semaphore, #tpu.memory_space<semaphore_mem>>
      %dma_start3A_145 = arith.constant 0 : i32
      %dma_start3A_146 = arith.constant 0 : i32
      %dma_start3A_147 = tpu.memref_slice %arg9[%dma_start3A_145, %dma_start3A_146] : memref<128x64xf32, #tpu.memory_space<vmem>> -> memref<120x64xf32, #tpu.memory_space<vmem>>
      %dma_start3A_148 = arith.constant 0 : i32
      %dma_start3A_149 = tpu.memref_slice %arg11[%add3A_92, %dma_start3A_148] : memref<10112x64xf32, #tpu.memory_space<vmem_shared>> -> memref<120x64xf32, #tpu.memory_space<vmem_shared>>
      %dma_start3A_150 = arith.constant 0 : i32
      %dma_start3A_151 = tpu.memref_slice %arg11[%add3A_92, %dma_start3A_150] : memref<10112x64xf32, #tpu.memory_space<vmem_shared>> -> memref<120x64xf32, #tpu.memory_space<vmem_shared>>
      %dma_start3A_152 = arith.constant 0 : i32
      %dma_start3A_153 = arith.constant 0 : i32
      %dma_start3A_154 = tpu.memref_slice %arg9[%dma_start3A_152, %dma_start3A_153] : memref<128x64xf32, #tpu.memory_space<vmem>> -> memref<120x64xf32, #tpu.memory_space<vmem>>
      tpu.enqueue_dma source(%dma_start3A_154 : memref<120x64xf32, #tpu.memory_space<vmem>>) target(%dma_start3A_151 : memref<120x64xf32, #tpu.memory_space<vmem_shared>>) target_semaphore(%run_scoped3A_144 : memref<!tpu.dma_semaphore, #tpu.memory_space<semaphore_mem>>)
      %dma_wait3A = arith.constant 0 : i32
      %dma_wait3A_155 = arith.constant 0 : i32
      %dma_wait3A_156 = tpu.memref_slice %arg9[%dma_wait3A, %dma_wait3A_155] : memref<128x64xf32, #tpu.memory_space<vmem>> -> memref<120x64xf32, #tpu.memory_space<vmem>>
      %dma_wait3A_157 = arith.constant 0 : i32
      %dma_wait3A_158 = tpu.memref_slice %arg11[%add3A_92, %dma_wait3A_157] : memref<10112x64xf32, #tpu.memory_space<vmem_shared>> -> memref<120x64xf32, #tpu.memory_space<vmem_shared>>
      %dma_wait3A_159 = arith.constant 0 : i32
      %dma_wait3A_160 = tpu.memref_slice %arg11[%add3A_92, %dma_wait3A_159] : memref<10112x64xf32, #tpu.memory_space<vmem_shared>> -> memref<120x64xf32, #tpu.memory_space<vmem_shared>>
      %dma_wait3A_161 = arith.constant 0 : i32
      %dma_wait3A_162 = arith.constant 0 : i32
      %dma_wait3A_163 = tpu.memref_slice %arg9[%dma_wait3A_161, %dma_wait3A_162] : memref<128x64xf32, #tpu.memory_space<vmem>> -> memref<120x64xf32, #tpu.memory_space<vmem>>
      tpu.wait_dma2 semaphore(%run_scoped3A_144 : memref<!tpu.dma_semaphore, #tpu.memory_space<semaphore_mem>>) src(%dma_wait3A_163 : memref<120x64xf32, #tpu.memory_space<vmem>>) dst(%dma_wait3A_160 : memref<120x64xf32, #tpu.memory_space<vmem_shared>>)
      tpu.yield
    }) : () -> ()
    %dma_start3A_93 = arith.constant 0 : i32
    %dma_start3A_94 = arith.constant 0 : i32
    %dma_start3A_95 = arith.constant 0 : i32
    %dma_start3A_96 = tpu.memref_slice %arg9[%dma_start3A_94, %dma_start3A_95] : memref<128x64xf32, #tpu.memory_space<vmem>> -> memref<128x64xf32, #tpu.memory_space<vmem>>
    %dma_start3A_97 = arith.constant 0 : i32
    %dma_start3A_98 = tpu.memref_slice %arg7[%dma_start3A_93, %dma_start3A_97] : memref<114x128xi32, #tpu.memory_space<vmem>> -> memref<1x128xi32, #tpu.memory_space<vmem>>
    %dma_start3A_99 = tpu.memref_squeeze %dma_start3A_98 : memref<1x128xi32, #tpu.memory_space<vmem>> -> memref<128xi32, #tpu.memory_space<vmem>>
    %dma_start3A_100 = arith.constant 0 : i32
    %dma_start3A_101 = arith.constant 0 : i32
    %dma_start3A_102 = tpu.memref_slice %arg3[%dma_start3A_100, %dma_start3A_101] : memref<10000x64xf32, #tpu.memory_space<hbm>> -> memref<10000x64xf32, #tpu.memory_space<hbm>>
    tpu.enqueue_indirect_dma source(%dma_start3A_102 : memref<10000x64xf32, #tpu.memory_space<hbm>>) target(%dma_start3A_96 : memref<128x64xf32, #tpu.memory_space<vmem>>) offsets(%dma_start3A_99 : memref<128xi32, #tpu.memory_space<vmem>>) semaphore(%arg12 : memref<!tpu.dma_semaphore, #tpu.memory_space<semaphore_mem>>)
    %barrier3A_103 = arith.constant 0 : index
    tpu.barrier barrier_id(%barrier3A_103)
    %jit3A_104 = arith.constant 2 : i32
    %div3A_105 = arith.divsi %select_n3A, %jit3A_104 : i32
    %sign3A_106 = arith.constant 0 : i32
    %sign3A_107 = arith.cmpi sgt, %select_n3A, %sign3A_106 : i32
    %sign3A_108 = arith.extui %sign3A_107 : i1 to i32
    %sign3A_109 = arith.constant 0 : i32
    %sign3A_110 = arith.cmpi slt, %select_n3A, %sign3A_109 : i32
    %sign3A_111 = arith.extui %sign3A_110 : i1 to i32
    %sign3A_112 = arith.subi %sign3A_108, %sign3A_111 : i32
    %sign3A_113 = arith.constant 0 : i32
    %sign3A_114 = arith.cmpi sgt, %jit3A_104, %sign3A_113 : i32
    %sign3A_115 = arith.extui %sign3A_114 : i1 to i32
    %sign3A_116 = arith.constant 0 : i32
    %sign3A_117 = arith.cmpi slt, %jit3A_104, %sign3A_116 : i32
    %sign3A_118 = arith.extui %sign3A_117 : i1 to i32
    %sign3A_119 = arith.subi %sign3A_115, %sign3A_118 : i32
    %ne3A_120 = arith.cmpi ne, %sign3A_112, %sign3A_119 : i32
    %rem3A_121 = arith.remsi %select_n3A, %jit3A_104 : i32
    %ne3A_122 = arith.constant 0 : i32
    %ne3A_123 = arith.cmpi ne, %rem3A_121, %ne3A_122 : i32
    %and3A_124 = arith.andi %ne3A_120, %ne3A_123 : i1
    %sub3A_125 = arith.constant 1 : i32
    %sub3A_126 = arith.subi %div3A_105, %sub3A_125 : i32
    %select_n3A_127 = arith.select %and3A_124, %sub3A_126, %div3A_105 : i32
    %while3A_128 = arith.constant 0 : i32
    %while3A_129 = arith.subi %select_n3A_127, %while3A_128 : i32
    %while3A_130 = arith.addi %while3A_128, %while3A_129 : i32
    %while3A_131 = arith.constant 1 : i32
    %while3A_132 = arith.divsi %while3A_129, %while3A_131 : i32
    %while3A_133 = arith.muli %while3A_132, %while3A_131 : i32
    %while3A_134 = arith.addi %while3A_128, %while3A_133 : i32
    %while3A_135 = arith.constant 1 : i32
    scf.for %while3A_144 = %while3A_128 to %while3A_134 step %while3A_135  : i32 {
      %mul3A_145 = arith.constant 2 : i32
      %mul3A_146 = arith.muli %mul3A_145, %while3A_144 : i32
      %add3A_147 = arith.constant 1 : i32
      %add3A_148 = arith.addi %mul3A_146, %add3A_147 : i32
      %lt3A = arith.cmpi slt, %add3A_148, %select_n3A : i32
      %convert_element_type3A = arith.extui %lt3A : i1 to i32
      %cond3A = arith.constant 0 : i32
      %cond3A_149 = arith.cmpi ne, %convert_element_type3A, %cond3A : i32
      scf.if %cond3A_149 {
        %add3A_237 = arith.constant 1 : i32
        %add3A_238 = arith.addi %mul3A_146, %add3A_237 : i32
        %mul3A_239 = arith.constant 1 : i32
        %mul3A_240 = arith.muli %add3A_238, %mul3A_239 : i32
        %add3A_241 = arith.constant 0 : i32
        %add3A_242 = arith.addi %mul3A_240, %add3A_241 : i32
        %dma_start3A_243 = arith.constant 0 : i32
        %dma_start3A_244 = arith.constant 0 : i32
        %dma_start3A_245 = tpu.memref_slice %arg10[%dma_start3A_243, %dma_start3A_244] : memref<128x64xf32, #tpu.memory_space<vmem>> -> memref<128x64xf32, #tpu.memory_space<vmem>>
        %dma_start3A_246 = arith.constant 0 : i32
        %dma_start3A_247 = tpu.memref_slice %arg7[%add3A_242, %dma_start3A_246] : memref<114x128xi32, #tpu.memory_space<vmem>> -> memref<1x128xi32, #tpu.memory_space<vmem>>
        %dma_start3A_248 = tpu.memref_squeeze %dma_start3A_247 : memref<1x128xi32, #tpu.memory_space<vmem>> -> memref<128xi32, #tpu.memory_space<vmem>>
        %dma_start3A_249 = arith.constant 0 : i32
        %dma_start3A_250 = arith.constant 0 : i32
        %dma_start3A_251 = tpu.memref_slice %arg3[%dma_start3A_249, %dma_start3A_250] : memref<10000x64xf32, #tpu.memory_space<hbm>> -> memref<10000x64xf32, #tpu.memory_space<hbm>>
        tpu.enqueue_indirect_dma source(%dma_start3A_251 : memref<10000x64xf32, #tpu.memory_space<hbm>>) target(%dma_start3A_245 : memref<128x64xf32, #tpu.memory_space<vmem>>) offsets(%dma_start3A_248 : memref<128xi32, #tpu.memory_space<vmem>>) semaphore(%arg13 : memref<!tpu.dma_semaphore, #tpu.memory_space<semaphore_mem>>)
      } else {
      }
      %mul3A_150 = arith.constant 1 : i32
      %mul3A_151 = arith.muli %mul3A_146, %mul3A_150 : i32
      %add3A_152 = arith.constant 0 : i32
      %add3A_153 = arith.addi %mul3A_151, %add3A_152 : i32
      %dma_wait3A = arith.constant 0 : i32
      %dma_wait3A_154 = arith.constant 0 : i32
      %dma_wait3A_155 = tpu.memref_slice %arg9[%dma_wait3A, %dma_wait3A_154] : memref<128x64xf32, #tpu.memory_space<vmem>> -> memref<128x64xf32, #tpu.memory_space<vmem>>
      %dma_wait3A_156 = arith.constant 0 : i32
      %dma_wait3A_157 = tpu.memref_slice %arg7[%add3A_153, %dma_wait3A_156] : memref<114x128xi32, #tpu.memory_space<vmem>> -> memref<1x128xi32, #tpu.memory_space<vmem>>
      %dma_wait3A_158 = tpu.memref_squeeze %dma_wait3A_157 : memref<1x128xi32, #tpu.memory_space<vmem>> -> memref<128xi32, #tpu.memory_space<vmem>>
      %dma_wait3A_159 = arith.constant 0 : i32
      %dma_wait3A_160 = arith.constant 0 : i32
      %dma_wait3A_161 = tpu.memref_slice %arg3[%dma_wait3A_159, %dma_wait3A_160] : memref<10000x64xf32, #tpu.memory_space<hbm>> -> memref<10000x64xf32, #tpu.memory_space<hbm>>
      tpu.wait_indirect_dma semaphore(%arg12 : memref<!tpu.dma_semaphore, #tpu.memory_space<semaphore_mem>>) src(%dma_wait3A_161 : memref<10000x64xf32, #tpu.memory_space<hbm>>) dst(%dma_wait3A_155 : memref<128x64xf32, #tpu.memory_space<vmem>>)
      %mul3A_162 = arith.constant 1 : i32
      %mul3A_163 = arith.muli %mul3A_146, %mul3A_162 : i32
      %add3A_164 = arith.constant 0 : i32
      %add3A_165 = arith.addi %mul3A_163, %add3A_164 : i32
      %dma_start3A_166 = arith.constant 0 : i32
      %dma_start3A_167 = arith.constant 0 : i32
      %dma_start3A_168 = tpu.memref_slice %arg9[%dma_start3A_166, %dma_start3A_167] : memref<128x64xf32, #tpu.memory_space<vmem>> -> memref<128x64xf32, #tpu.memory_space<vmem>>
      %dma_start3A_169 = arith.constant 0 : i32
      %dma_start3A_170 = tpu.memref_slice %arg8[%add3A_165, %dma_start3A_169] : memref<114x128xi32, #tpu.memory_space<vmem>> -> memref<1x128xi32, #tpu.memory_space<vmem>>
      %dma_start3A_171 = tpu.memref_squeeze %dma_start3A_170 : memref<1x128xi32, #tpu.memory_space<vmem>> -> memref<128xi32, #tpu.memory_space<vmem>>
      %dma_start3A_172 = arith.constant 0 : i32
      %dma_start3A_173 = arith.constant 0 : i32
      %dma_start3A_174 = tpu.memref_slice %arg11[%dma_start3A_172, %dma_start3A_173] : memref<10112x64xf32, #tpu.memory_space<vmem_shared>> -> memref<10112x64xf32, #tpu.memory_space<vmem_shared>>
      tpu.enqueue_indirect_dma source(%dma_start3A_168 : memref<128x64xf32, #tpu.memory_space<vmem>>) target(%dma_start3A_174 : memref<10112x64xf32, #tpu.memory_space<vmem_shared>>) offsets(%dma_start3A_171 : memref<128xi32, #tpu.memory_space<vmem>>) semaphore(%arg14 : memref<!tpu.dma_semaphore, #tpu.memory_space<semaphore_mem>>) {add = true}
      %mul3A_175 = arith.constant 1 : i32
      %mul3A_176 = arith.muli %mul3A_146, %mul3A_175 : i32
      %add3A_177 = arith.constant 0 : i32
      %add3A_178 = arith.addi %mul3A_176, %add3A_177 : i32
      %dma_wait3A_179 = arith.constant 0 : i32
      %dma_wait3A_180 = arith.constant 0 : i32
      %dma_wait3A_181 = tpu.memref_slice %arg9[%dma_wait3A_179, %dma_wait3A_180] : memref<128x64xf32, #tpu.memory_space<vmem>> -> memref<128x64xf32, #tpu.memory_space<vmem>>
      %dma_wait3A_182 = arith.constant 0 : i32
      %dma_wait3A_183 = tpu.memref_slice %arg8[%add3A_178, %dma_wait3A_182] : memref<114x128xi32, #tpu.memory_space<vmem>> -> memref<1x128xi32, #tpu.memory_space<vmem>>
      %dma_wait3A_184 = tpu.memref_squeeze %dma_wait3A_183 : memref<1x128xi32, #tpu.memory_space<vmem>> -> memref<128xi32, #tpu.memory_space<vmem>>
      %dma_wait3A_185 = arith.constant 0 : i32
      %dma_wait3A_186 = arith.constant 0 : i32
      %dma_wait3A_187 = tpu.memref_slice %arg11[%dma_wait3A_185, %dma_wait3A_186] : memref<10112x64xf32, #tpu.memory_space<vmem_shared>> -> memref<10112x64xf32, #tpu.memory_space<vmem_shared>>
      tpu.wait_indirect_dma semaphore(%arg14 : memref<!tpu.dma_semaphore, #tpu.memory_space<semaphore_mem>>) src(%dma_wait3A_181 : memref<128x64xf32, #tpu.memory_space<vmem>>) dst(%dma_wait3A_187 : memref<10112x64xf32, #tpu.memory_space<vmem_shared>>)
      %mul3A_188 = arith.constant 2 : i32
      %mul3A_189 = arith.muli %mul3A_188, %while3A_144 : i32
      %add3A_190 = arith.constant 1 : i32
      %add3A_191 = arith.addi %mul3A_189, %add3A_190 : i32
      %add3A_192 = arith.constant 1 : i32
      %add3A_193 = arith.addi %add3A_191, %add3A_192 : i32
      %lt3A_194 = arith.cmpi slt, %add3A_193, %select_n3A : i32
      %convert_element_type3A_195 = arith.extui %lt3A_194 : i1 to i32
      %cond3A_196 = arith.constant 0 : i32
      %cond3A_197 = arith.cmpi ne, %convert_element_type3A_195, %cond3A_196 : i32
      scf.if %cond3A_197 {
        %add3A_237 = arith.constant 1 : i32
        %add3A_238 = arith.addi %add3A_191, %add3A_237 : i32
        %mul3A_239 = arith.constant 1 : i32
        %mul3A_240 = arith.muli %add3A_238, %mul3A_239 : i32
        %add3A_241 = arith.constant 0 : i32
        %add3A_242 = arith.addi %mul3A_240, %add3A_241 : i32
        %dma_start3A_243 = arith.constant 0 : i32
        %dma_start3A_244 = arith.constant 0 : i32
        %dma_start3A_245 = tpu.memref_slice %arg9[%dma_start3A_243, %dma_start3A_244] : memref<128x64xf32, #tpu.memory_space<vmem>> -> memref<128x64xf32, #tpu.memory_space<vmem>>
        %dma_start3A_246 = arith.constant 0 : i32
        %dma_start3A_247 = tpu.memref_slice %arg7[%add3A_242, %dma_start3A_246] : memref<114x128xi32, #tpu.memory_space<vmem>> -> memref<1x128xi32, #tpu.memory_space<vmem>>
        %dma_start3A_248 = tpu.memref_squeeze %dma_start3A_247 : memref<1x128xi32, #tpu.memory_space<vmem>> -> memref<128xi32, #tpu.memory_space<vmem>>
        %dma_start3A_249 = arith.constant 0 : i32
        %dma_start3A_250 = arith.constant 0 : i32
        %dma_start3A_251 = tpu.memref_slice %arg3[%dma_start3A_249, %dma_start3A_250] : memref<10000x64xf32, #tpu.memory_space<hbm>> -> memref<10000x64xf32, #tpu.memory_space<hbm>>
        tpu.enqueue_indirect_dma source(%dma_start3A_251 : memref<10000x64xf32, #tpu.memory_space<hbm>>) target(%dma_start3A_245 : memref<128x64xf32, #tpu.memory_space<vmem>>) offsets(%dma_start3A_248 : memref<128xi32, #tpu.memory_space<vmem>>) semaphore(%arg12 : memref<!tpu.dma_semaphore, #tpu.memory_space<semaphore_mem>>)
      } else {
      }
      %mul3A_198 = arith.constant 1 : i32
      %mul3A_199 = arith.muli %add3A_191, %mul3A_198 : i32
      %add3A_200 = arith.constant 0 : i32
      %add3A_201 = arith.addi %mul3A_199, %add3A_200 : i32
      %dma_wait3A_202 = arith.constant 0 : i32
      %dma_wait3A_203 = arith.constant 0 : i32
      %dma_wait3A_204 = tpu.memref_slice %arg10[%dma_wait3A_202, %dma_wait3A_203] : memref<128x64xf32, #tpu.memory_space<vmem>> -> memref<128x64xf32, #tpu.memory_space<vmem>>
      %dma_wait3A_205 = arith.constant 0 : i32
      %dma_wait3A_206 = tpu.memref_slice %arg7[%add3A_201, %dma_wait3A_205] : memref<114x128xi32, #tpu.memory_space<vmem>> -> memref<1x128xi32, #tpu.memory_space<vmem>>
      %dma_wait3A_207 = tpu.memref_squeeze %dma_wait3A_206 : memref<1x128xi32, #tpu.memory_space<vmem>> -> memref<128xi32, #tpu.memory_space<vmem>>
      %dma_wait3A_208 = arith.constant 0 : i32
      %dma_wait3A_209 = arith.constant 0 : i32
      %dma_wait3A_210 = tpu.memref_slice %arg3[%dma_wait3A_208, %dma_wait3A_209] : memref<10000x64xf32, #tpu.memory_space<hbm>> -> memref<10000x64xf32, #tpu.memory_space<hbm>>
      tpu.wait_indirect_dma semaphore(%arg13 : memref<!tpu.dma_semaphore, #tpu.memory_space<semaphore_mem>>) src(%dma_wait3A_210 : memref<10000x64xf32, #tpu.memory_space<hbm>>) dst(%dma_wait3A_204 : memref<128x64xf32, #tpu.memory_space<vmem>>)
      %mul3A_211 = arith.constant 1 : i32
      %mul3A_212 = arith.muli %add3A_191, %mul3A_211 : i32
      %add3A_213 = arith.constant 0 : i32
      %add3A_214 = arith.addi %mul3A_212, %add3A_213 : i32
      %dma_start3A_215 = arith.constant 0 : i32
      %dma_start3A_216 = arith.constant 0 : i32
      %dma_start3A_217 = tpu.memref_slice %arg10[%dma_start3A_215, %dma_start3A_216] : memref<128x64xf32, #tpu.memory_space<vmem>> -> memref<128x64xf32, #tpu.memory_space<vmem>>
      %dma_start3A_218 = arith.constant 0 : i32
      %dma_start3A_219 = tpu.memref_slice %arg8[%add3A_214, %dma_start3A_218] : memref<114x128xi32, #tpu.memory_space<vmem>> -> memref<1x128xi32, #tpu.memory_space<vmem>>
      %dma_start3A_220 = tpu.memref_squeeze %dma_start3A_219 : memref<1x128xi32, #tpu.memory_space<vmem>> -> memref<128xi32, #tpu.memory_space<vmem>>
      %dma_start3A_221 = arith.constant 0 : i32
      %dma_start3A_222 = arith.constant 0 : i32
      %dma_start3A_223 = tpu.memref_slice %arg11[%dma_start3A_221, %dma_start3A_222] : memref<10112x64xf32, #tpu.memory_space<vmem_shared>> -> memref<10112x64xf32, #tpu.memory_space<vmem_shared>>
      tpu.enqueue_indirect_dma source(%dma_start3A_217 : memref<128x64xf32, #tpu.memory_space<vmem>>) target(%dma_start3A_223 : memref<10112x64xf32, #tpu.memory_space<vmem_shared>>) offsets(%dma_start3A_220 : memref<128xi32, #tpu.memory_space<vmem>>) semaphore(%arg15 : memref<!tpu.dma_semaphore, #tpu.memory_space<semaphore_mem>>) {add = true}
      %mul3A_224 = arith.constant 1 : i32
      %mul3A_225 = arith.muli %add3A_191, %mul3A_224 : i32
      %add3A_226 = arith.constant 0 : i32
      %add3A_227 = arith.addi %mul3A_225, %add3A_226 : i32
      %dma_wait3A_228 = arith.constant 0 : i32
      %dma_wait3A_229 = arith.constant 0 : i32
      %dma_wait3A_230 = tpu.memref_slice %arg10[%dma_wait3A_228, %dma_wait3A_229] : memref<128x64xf32, #tpu.memory_space<vmem>> -> memref<128x64xf32, #tpu.memory_space<vmem>>
      %dma_wait3A_231 = arith.constant 0 : i32
      %dma_wait3A_232 = tpu.memref_slice %arg8[%add3A_227, %dma_wait3A_231] : memref<114x128xi32, #tpu.memory_space<vmem>> -> memref<1x128xi32, #tpu.memory_space<vmem>>
      %dma_wait3A_233 = tpu.memref_squeeze %dma_wait3A_232 : memref<1x128xi32, #tpu.memory_space<vmem>> -> memref<128xi32, #tpu.memory_space<vmem>>
      %dma_wait3A_234 = arith.constant 0 : i32
      %dma_wait3A_235 = arith.constant 0 : i32
      %dma_wait3A_236 = tpu.memref_slice %arg11[%dma_wait3A_234, %dma_wait3A_235] : memref<10112x64xf32, #tpu.memory_space<vmem_shared>> -> memref<10112x64xf32, #tpu.memory_space<vmem_shared>>
      tpu.wait_indirect_dma semaphore(%arg15 : memref<!tpu.dma_semaphore, #tpu.memory_space<semaphore_mem>>) src(%dma_wait3A_230 : memref<128x64xf32, #tpu.memory_space<vmem>>) dst(%dma_wait3A_236 : memref<10112x64xf32, #tpu.memory_space<vmem_shared>>)
    }
    %while3A_136 = arith.constant 1 : i32
    scf.for %while3A_144 = %while3A_134 to %while3A_130 step %while3A_136  : i32 {
      %mul3A_145 = arith.constant 2 : i32
      %mul3A_146 = arith.muli %mul3A_145, %while3A_144 : i32
      %add3A_147 = arith.constant 1 : i32
      %add3A_148 = arith.addi %mul3A_146, %add3A_147 : i32
      %lt3A = arith.cmpi slt, %add3A_148, %select_n3A : i32
      %convert_element_type3A = arith.extui %lt3A : i1 to i32
      %cond3A = arith.constant 0 : i32
      %cond3A_149 = arith.cmpi ne, %convert_element_type3A, %cond3A : i32
      scf.if %cond3A_149 {
        %add3A_237 = arith.constant 1 : i32
        %add3A_238 = arith.addi %mul3A_146, %add3A_237 : i32
        %mul3A_239 = arith.constant 1 : i32
        %mul3A_240 = arith.muli %add3A_238, %mul3A_239 : i32
        %add3A_241 = arith.constant 0 : i32
        %add3A_242 = arith.addi %mul3A_240, %add3A_241 : i32
        %dma_start3A_243 = arith.constant 0 : i32
        %dma_start3A_244 = arith.constant 0 : i32
        %dma_start3A_245 = tpu.memref_slice %arg10[%dma_start3A_243, %dma_start3A_244] : memref<128x64xf32, #tpu.memory_space<vmem>> -> memref<128x64xf32, #tpu.memory_space<vmem>>
        %dma_start3A_246 = arith.constant 0 : i32
        %dma_start3A_247 = tpu.memref_slice %arg7[%add3A_242, %dma_start3A_246] : memref<114x128xi32, #tpu.memory_space<vmem>> -> memref<1x128xi32, #tpu.memory_space<vmem>>
        %dma_start3A_248 = tpu.memref_squeeze %dma_start3A_247 : memref<1x128xi32, #tpu.memory_space<vmem>> -> memref<128xi32, #tpu.memory_space<vmem>>
        %dma_start3A_249 = arith.constant 0 : i32
        %dma_start3A_250 = arith.constant 0 : i32
        %dma_start3A_251 = tpu.memref_slice %arg3[%dma_start3A_249, %dma_start3A_250] : memref<10000x64xf32, #tpu.memory_space<hbm>> -> memref<10000x64xf32, #tpu.memory_space<hbm>>
        tpu.enqueue_indirect_dma source(%dma_start3A_251 : memref<10000x64xf32, #tpu.memory_space<hbm>>) target(%dma_start3A_245 : memref<128x64xf32, #tpu.memory_space<vmem>>) offsets(%dma_start3A_248 : memref<128xi32, #tpu.memory_space<vmem>>) semaphore(%arg13 : memref<!tpu.dma_semaphore, #tpu.memory_space<semaphore_mem>>)
      } else {
      }
      %mul3A_150 = arith.constant 1 : i32
      %mul3A_151 = arith.muli %mul3A_146, %mul3A_150 : i32
      %add3A_152 = arith.constant 0 : i32
      %add3A_153 = arith.addi %mul3A_151, %add3A_152 : i32
      %dma_wait3A = arith.constant 0 : i32
      %dma_wait3A_154 = arith.constant 0 : i32
      %dma_wait3A_155 = tpu.memref_slice %arg9[%dma_wait3A, %dma_wait3A_154] : memref<128x64xf32, #tpu.memory_space<vmem>> -> memref<128x64xf32, #tpu.memory_space<vmem>>
      %dma_wait3A_156 = arith.constant 0 : i32
      %dma_wait3A_157 = tpu.memref_slice %arg7[%add3A_153, %dma_wait3A_156] : memref<114x128xi32, #tpu.memory_space<vmem>> -> memref<1x128xi32, #tpu.memory_space<vmem>>
      %dma_wait3A_158 = tpu.memref_squeeze %dma_wait3A_157 : memref<1x128xi32, #tpu.memory_space<vmem>> -> memref<128xi32, #tpu.memory_space<vmem>>
      %dma_wait3A_159 = arith.constant 0 : i32
      %dma_wait3A_160 = arith.constant 0 : i32
      %dma_wait3A_161 = tpu.memref_slice %arg3[%dma_wait3A_159, %dma_wait3A_160] : memref<10000x64xf32, #tpu.memory_space<hbm>> -> memref<10000x64xf32, #tpu.memory_space<hbm>>
      tpu.wait_indirect_dma semaphore(%arg12 : memref<!tpu.dma_semaphore, #tpu.memory_space<semaphore_mem>>) src(%dma_wait3A_161 : memref<10000x64xf32, #tpu.memory_space<hbm>>) dst(%dma_wait3A_155 : memref<128x64xf32, #tpu.memory_space<vmem>>)
      %mul3A_162 = arith.constant 1 : i32
      %mul3A_163 = arith.muli %mul3A_146, %mul3A_162 : i32
      %add3A_164 = arith.constant 0 : i32
      %add3A_165 = arith.addi %mul3A_163, %add3A_164 : i32
      %dma_start3A_166 = arith.constant 0 : i32
      %dma_start3A_167 = arith.constant 0 : i32
      %dma_start3A_168 = tpu.memref_slice %arg9[%dma_start3A_166, %dma_start3A_167] : memref<128x64xf32, #tpu.memory_space<vmem>> -> memref<128x64xf32, #tpu.memory_space<vmem>>
      %dma_start3A_169 = arith.constant 0 : i32
      %dma_start3A_170 = tpu.memref_slice %arg8[%add3A_165, %dma_start3A_169] : memref<114x128xi32, #tpu.memory_space<vmem>> -> memref<1x128xi32, #tpu.memory_space<vmem>>
      %dma_start3A_171 = tpu.memref_squeeze %dma_start3A_170 : memref<1x128xi32, #tpu.memory_space<vmem>> -> memref<128xi32, #tpu.memory_space<vmem>>
      %dma_start3A_172 = arith.constant 0 : i32
      %dma_start3A_173 = arith.constant 0 : i32
      %dma_start3A_174 = tpu.memref_slice %arg11[%dma_start3A_172, %dma_start3A_173] : memref<10112x64xf32, #tpu.memory_space<vmem_shared>> -> memref<10112x64xf32, #tpu.memory_space<vmem_shared>>
      tpu.enqueue_indirect_dma source(%dma_start3A_168 : memref<128x64xf32, #tpu.memory_space<vmem>>) target(%dma_start3A_174 : memref<10112x64xf32, #tpu.memory_space<vmem_shared>>) offsets(%dma_start3A_171 : memref<128xi32, #tpu.memory_space<vmem>>) semaphore(%arg14 : memref<!tpu.dma_semaphore, #tpu.memory_space<semaphore_mem>>) {add = true}
      %mul3A_175 = arith.constant 1 : i32
      %mul3A_176 = arith.muli %mul3A_146, %mul3A_175 : i32
      %add3A_177 = arith.constant 0 : i32
      %add3A_178 = arith.addi %mul3A_176, %add3A_177 : i32
      %dma_wait3A_179 = arith.constant 0 : i32
      %dma_wait3A_180 = arith.constant 0 : i32
      %dma_wait3A_181 = tpu.memref_slice %arg9[%dma_wait3A_179, %dma_wait3A_180] : memref<128x64xf32, #tpu.memory_space<vmem>> -> memref<128x64xf32, #tpu.memory_space<vmem>>
      %dma_wait3A_182 = arith.constant 0 : i32
      %dma_wait3A_183 = tpu.memref_slice %arg8[%add3A_178, %dma_wait3A_182] : memref<114x128xi32, #tpu.memory_space<vmem>> -> memref<1x128xi32, #tpu.memory_space<vmem>>
      %dma_wait3A_184 = tpu.memref_squeeze %dma_wait3A_183 : memref<1x128xi32, #tpu.memory_space<vmem>> -> memref<128xi32, #tpu.memory_space<vmem>>
      %dma_wait3A_185 = arith.constant 0 : i32
      %dma_wait3A_186 = arith.constant 0 : i32
      %dma_wait3A_187 = tpu.memref_slice %arg11[%dma_wait3A_185, %dma_wait3A_186] : memref<10112x64xf32, #tpu.memory_space<vmem_shared>> -> memref<10112x64xf32, #tpu.memory_space<vmem_shared>>
      tpu.wait_indirect_dma semaphore(%arg14 : memref<!tpu.dma_semaphore, #tpu.memory_space<semaphore_mem>>) src(%dma_wait3A_181 : memref<128x64xf32, #tpu.memory_space<vmem>>) dst(%dma_wait3A_187 : memref<10112x64xf32, #tpu.memory_space<vmem_shared>>)
      %mul3A_188 = arith.constant 2 : i32
      %mul3A_189 = arith.muli %mul3A_188, %while3A_144 : i32
      %add3A_190 = arith.constant 1 : i32
      %add3A_191 = arith.addi %mul3A_189, %add3A_190 : i32
      %add3A_192 = arith.constant 1 : i32
      %add3A_193 = arith.addi %add3A_191, %add3A_192 : i32
      %lt3A_194 = arith.cmpi slt, %add3A_193, %select_n3A : i32
      %convert_element_type3A_195 = arith.extui %lt3A_194 : i1 to i32
      %cond3A_196 = arith.constant 0 : i32
      %cond3A_197 = arith.cmpi ne, %convert_element_type3A_195, %cond3A_196 : i32
      scf.if %cond3A_197 {
        %add3A_237 = arith.constant 1 : i32
        %add3A_238 = arith.addi %add3A_191, %add3A_237 : i32
        %mul3A_239 = arith.constant 1 : i32
        %mul3A_240 = arith.muli %add3A_238, %mul3A_239 : i32
        %add3A_241 = arith.constant 0 : i32
        %add3A_242 = arith.addi %mul3A_240, %add3A_241 : i32
        %dma_start3A_243 = arith.constant 0 : i32
        %dma_start3A_244 = arith.constant 0 : i32
        %dma_start3A_245 = tpu.memref_slice %arg9[%dma_start3A_243, %dma_start3A_244] : memref<128x64xf32, #tpu.memory_space<vmem>> -> memref<128x64xf32, #tpu.memory_space<vmem>>
        %dma_start3A_246 = arith.constant 0 : i32
        %dma_start3A_247 = tpu.memref_slice %arg7[%add3A_242, %dma_start3A_246] : memref<114x128xi32, #tpu.memory_space<vmem>> -> memref<1x128xi32, #tpu.memory_space<vmem>>
        %dma_start3A_248 = tpu.memref_squeeze %dma_start3A_247 : memref<1x128xi32, #tpu.memory_space<vmem>> -> memref<128xi32, #tpu.memory_space<vmem>>
        %dma_start3A_249 = arith.constant 0 : i32
        %dma_start3A_250 = arith.constant 0 : i32
        %dma_start3A_251 = tpu.memref_slice %arg3[%dma_start3A_249, %dma_start3A_250] : memref<10000x64xf32, #tpu.memory_space<hbm>> -> memref<10000x64xf32, #tpu.memory_space<hbm>>
        tpu.enqueue_indirect_dma source(%dma_start3A_251 : memref<10000x64xf32, #tpu.memory_space<hbm>>) target(%dma_start3A_245 : memref<128x64xf32, #tpu.memory_space<vmem>>) offsets(%dma_start3A_248 : memref<128xi32, #tpu.memory_space<vmem>>) semaphore(%arg12 : memref<!tpu.dma_semaphore, #tpu.memory_space<semaphore_mem>>)
      } else {
      }
      %mul3A_198 = arith.constant 1 : i32
      %mul3A_199 = arith.muli %add3A_191, %mul3A_198 : i32
      %add3A_200 = arith.constant 0 : i32
      %add3A_201 = arith.addi %mul3A_199, %add3A_200 : i32
      %dma_wait3A_202 = arith.constant 0 : i32
      %dma_wait3A_203 = arith.constant 0 : i32
      %dma_wait3A_204 = tpu.memref_slice %arg10[%dma_wait3A_202, %dma_wait3A_203] : memref<128x64xf32, #tpu.memory_space<vmem>> -> memref<128x64xf32, #tpu.memory_space<vmem>>
      %dma_wait3A_205 = arith.constant 0 : i32
      %dma_wait3A_206 = tpu.memref_slice %arg7[%add3A_201, %dma_wait3A_205] : memref<114x128xi32, #tpu.memory_space<vmem>> -> memref<1x128xi32, #tpu.memory_space<vmem>>
      %dma_wait3A_207 = tpu.memref_squeeze %dma_wait3A_206 : memref<1x128xi32, #tpu.memory_space<vmem>> -> memref<128xi32, #tpu.memory_space<vmem>>
      %dma_wait3A_208 = arith.constant 0 : i32
      %dma_wait3A_209 = arith.constant 0 : i32
      %dma_wait3A_210 = tpu.memref_slice %arg3[%dma_wait3A_208, %dma_wait3A_209] : memref<10000x64xf32, #tpu.memory_space<hbm>> -> memref<10000x64xf32, #tpu.memory_space<hbm>>
      tpu.wait_indirect_dma semaphore(%arg13 : memref<!tpu.dma_semaphore, #tpu.memory_space<semaphore_mem>>) src(%dma_wait3A_210 : memref<10000x64xf32, #tpu.memory_space<hbm>>) dst(%dma_wait3A_204 : memref<128x64xf32, #tpu.memory_space<vmem>>)
      %mul3A_211 = arith.constant 1 : i32
      %mul3A_212 = arith.muli %add3A_191, %mul3A_211 : i32
      %add3A_213 = arith.constant 0 : i32
      %add3A_214 = arith.addi %mul3A_212, %add3A_213 : i32
      %dma_start3A_215 = arith.constant 0 : i32
      %dma_start3A_216 = arith.constant 0 : i32
      %dma_start3A_217 = tpu.memref_slice %arg10[%dma_start3A_215, %dma_start3A_216] : memref<128x64xf32, #tpu.memory_space<vmem>> -> memref<128x64xf32, #tpu.memory_space<vmem>>
      %dma_start3A_218 = arith.constant 0 : i32
      %dma_start3A_219 = tpu.memref_slice %arg8[%add3A_214, %dma_start3A_218] : memref<114x128xi32, #tpu.memory_space<vmem>> -> memref<1x128xi32, #tpu.memory_space<vmem>>
      %dma_start3A_220 = tpu.memref_squeeze %dma_start3A_219 : memref<1x128xi32, #tpu.memory_space<vmem>> -> memref<128xi32, #tpu.memory_space<vmem>>
      %dma_start3A_221 = arith.constant 0 : i32
      %dma_start3A_222 = arith.constant 0 : i32
      %dma_start3A_223 = tpu.memref_slice %arg11[%dma_start3A_221, %dma_start3A_222] : memref<10112x64xf32, #tpu.memory_space<vmem_shared>> -> memref<10112x64xf32, #tpu.memory_space<vmem_shared>>
      tpu.enqueue_indirect_dma source(%dma_start3A_217 : memref<128x64xf32, #tpu.memory_space<vmem>>) target(%dma_start3A_223 : memref<10112x64xf32, #tpu.memory_space<vmem_shared>>) offsets(%dma_start3A_220 : memref<128xi32, #tpu.memory_space<vmem>>) semaphore(%arg15 : memref<!tpu.dma_semaphore, #tpu.memory_space<semaphore_mem>>) {add = true}
      %mul3A_224 = arith.constant 1 : i32
      %mul3A_225 = arith.muli %add3A_191, %mul3A_224 : i32
      %add3A_226 = arith.constant 0 : i32
      %add3A_227 = arith.addi %mul3A_225, %add3A_226 : i32
      %dma_wait3A_228 = arith.constant 0 : i32
      %dma_wait3A_229 = arith.constant 0 : i32
      %dma_wait3A_230 = tpu.memref_slice %arg10[%dma_wait3A_228, %dma_wait3A_229] : memref<128x64xf32, #tpu.memory_space<vmem>> -> memref<128x64xf32, #tpu.memory_space<vmem>>
      %dma_wait3A_231 = arith.constant 0 : i32
      %dma_wait3A_232 = tpu.memref_slice %arg8[%add3A_227, %dma_wait3A_231] : memref<114x128xi32, #tpu.memory_space<vmem>> -> memref<1x128xi32, #tpu.memory_space<vmem>>
      %dma_wait3A_233 = tpu.memref_squeeze %dma_wait3A_232 : memref<1x128xi32, #tpu.memory_space<vmem>> -> memref<128xi32, #tpu.memory_space<vmem>>
      %dma_wait3A_234 = arith.constant 0 : i32
      %dma_wait3A_235 = arith.constant 0 : i32
      %dma_wait3A_236 = tpu.memref_slice %arg11[%dma_wait3A_234, %dma_wait3A_235] : memref<10112x64xf32, #tpu.memory_space<vmem_shared>> -> memref<10112x64xf32, #tpu.memory_space<vmem_shared>>
      tpu.wait_indirect_dma semaphore(%arg15 : memref<!tpu.dma_semaphore, #tpu.memory_space<semaphore_mem>>) src(%dma_wait3A_230 : memref<128x64xf32, #tpu.memory_space<vmem>>) dst(%dma_wait3A_236 : memref<10112x64xf32, #tpu.memory_space<vmem_shared>>)
    }
    %barrier3A_137 = arith.constant 0 : index
    tpu.barrier barrier_id(%barrier3A_137)
    %mul3A_138 = arith.constant 632 : i32
    %mul3A_139 = arith.muli %arg1, %mul3A_138 : i32
    %mul3A_140 = arith.constant 632 : i32
    %mul3A_141 = arith.muli %arg1, %mul3A_140 : i32
    %run_scoped3A_142 = arith.constant 1 : i32
    "tpu.region"() ({
      %run_scoped3A_144 = tpu.sem_alloc : memref<!tpu.dma_semaphore, #tpu.memory_space<semaphore_mem>>
      %dma_start3A_145 = arith.constant 0 : i32
      %dma_start3A_146 = tpu.memref_slice %arg6[%run_scoped3A_142, %arg0, %mul3A_141, %dma_start3A_145] : memref<2x2x10112x64xf32, #tpu.memory_space<hbm>> -> memref<1x1x632x64xf32, #tpu.memory_space<hbm>>
      %dma_start3A_147 = tpu.memref_squeeze %dma_start3A_146 : memref<1x1x632x64xf32, #tpu.memory_space<hbm>> -> memref<632x64xf32, #tpu.memory_space<hbm>>
      %dma_start3A_148 = arith.constant 0 : i32
      %dma_start3A_149 = tpu.memref_slice %arg11[%mul3A_139, %dma_start3A_148] : memref<10112x64xf32, #tpu.memory_space<vmem_shared>> -> memref<632x64xf32, #tpu.memory_space<vmem_shared>>
      tpu.enqueue_dma source(%dma_start3A_149 : memref<632x64xf32, #tpu.memory_space<vmem_shared>>) target(%dma_start3A_147 : memref<632x64xf32, #tpu.memory_space<hbm>>) target_semaphore(%run_scoped3A_144 : memref<!tpu.dma_semaphore, #tpu.memory_space<semaphore_mem>>)
      %dma_wait3A = arith.constant 0 : i32
      %dma_wait3A_150 = tpu.memref_slice %arg6[%run_scoped3A_142, %arg0, %mul3A_141, %dma_wait3A] : memref<2x2x10112x64xf32, #tpu.memory_space<hbm>> -> memref<1x1x632x64xf32, #tpu.memory_space<hbm>>
      %dma_wait3A_151 = tpu.memref_squeeze %dma_wait3A_150 : memref<1x1x632x64xf32, #tpu.memory_space<hbm>> -> memref<632x64xf32, #tpu.memory_space<hbm>>
      %dma_wait3A_152 = arith.constant 0 : i32
      %dma_wait3A_153 = tpu.memref_slice %arg11[%mul3A_139, %dma_wait3A_152] : memref<10112x64xf32, #tpu.memory_space<vmem_shared>> -> memref<632x64xf32, #tpu.memory_space<vmem_shared>>
      tpu.wait_dma2 semaphore(%run_scoped3A_144 : memref<!tpu.dma_semaphore, #tpu.memory_space<semaphore_mem>>) src(%dma_wait3A_153 : memref<632x64xf32, #tpu.memory_space<vmem_shared>>) dst(%dma_wait3A_151 : memref<632x64xf32, #tpu.memory_space<hbm>>)
      tpu.yield
    }) : () -> ()
    %barrier3A_143 = arith.constant 0 : index
    tpu.barrier barrier_id(%barrier3A_143)
    return
  }
}

module attributes {stable_mosaic.version = 14 : i64} {
  func.func @_tc_first_body(%arg0: i32, %arg1: memref<1000x128xf32, #tpu.memory_space<vmem>>, %arg2: memref<128x128xf32, #tpu.memory_space<vmem>>, %arg3: memref<1x128xf32, #tpu.memory_space<vmem>>, %arg4: memref<128x128xf32, #tpu.memory_space<vmem>>, %arg5: memref<1000x16xf32, #tpu.memory_space<vmem>>, %arg6: memref<1000x16xf32, #tpu.memory_space<vmem>>, %arg7: memref<1000x64xf32, #tpu.memory_space<vmem>>, %arg8: memref<1000x64xf32, #tpu.memory_space<vmem>>) attributes {dimension_semantics = [#tpu.dimension_semantics<arbitrary>], iteration_bounds = array<i64: 10>, scalar_prefetch = 0 : i64, scratch_operands = 0 : i64, tpu.core_type = #tpu.core_type<tc>, window_params = [{transform_indices = @transform_0, window_bounds = array<i64: 1000, 128>}, {pipeline_mode = #tpu.pipeline_mode<synchronous>, transform_indices = @transform_1, window_bounds = array<i64: 128, 128>}, {pipeline_mode = #tpu.pipeline_mode<synchronous>, transform_indices = @transform_2, window_bounds = array<i64: 1, 128>}, {pipeline_mode = #tpu.pipeline_mode<synchronous>, transform_indices = @transform_3, window_bounds = array<i64: 128, 128>}, {transform_indices = @transform_4, window_bounds = array<i64: 1000, 16>}, {transform_indices = @transform_5, window_bounds = array<i64: 1000, 16>}, {transform_indices = @transform_6, window_bounds = array<i64: 1000, 64>}, {transform_indices = @transform_7, window_bounds = array<i64: 1000, 64>}]} {
    %get3A = arith.constant 0 : index
    %get3A_0 = arith.constant 0 : index
    %get3A_1 = vector.load %arg1[%get3A, %get3A_0] : memref<1000x128xf32, #tpu.memory_space<vmem>>, vector<1000x128xf32>
    %get3A_2 = arith.constant 0 : index
    %get3A_3 = arith.constant 0 : index
    %get3A_4 = vector.load %arg2[%get3A_2, %get3A_3] : memref<128x128xf32, #tpu.memory_space<vmem>>, vector<128x128xf32>
    %dot_general3A = arith.constant dense<0.000000e+00> : vector<1000x128xf32>
    %dot_general3A_5 = tpu.matmul %get3A_1, %get3A_4, %dot_general3A {dimension_numbers = #tpu.dot_dimension_numbers<[1], [0], [0], [1], [0, 0, 1, 1], [], []>, transpose_lhs_hint = false} : vector<1000x128xf32>, vector<128x128xf32>, vector<1000x128xf32> -> vector<1000x128xf32>
    %get3A_6 = arith.constant 0 : index
    %get3A_7 = arith.constant 0 : index
    %get3A_8 = vector.load %arg3[%get3A_6, %get3A_7] : memref<1x128xf32, #tpu.memory_space<vmem>>, vector<1x128xf32>
    %add3A = vector.broadcast %get3A_8 : vector<1x128xf32> to vector<1000x128xf32>
    %add3A_9 = arith.addf %dot_general3A_5, %add3A : vector<1000x128xf32>
    %get3A_10 = arith.constant 0 : index
    %get3A_11 = arith.constant 0 : index
    %get3A_12 = vector.load %arg4[%get3A_10, %get3A_11] : memref<128x128xf32, #tpu.memory_space<vmem>>, vector<128x128xf32>
    %dot_general3A_13 = arith.constant dense<0.000000e+00> : vector<1000x128xf32>
    %dot_general3A_14 = tpu.matmul %add3A_9, %get3A_12, %dot_general3A_13 {dimension_numbers = #tpu.dot_dimension_numbers<[1], [0], [0], [1], [0, 0, 1, 1], [], []>, transpose_lhs_hint = false} : vector<1000x128xf32>, vector<128x128xf32>, vector<1000x128xf32> -> vector<1000x128xf32>
    %get3A_15 = arith.constant 0 : index
    %get3A_16 = arith.constant 0 : index
    %get3A_17 = vector.load %arg5[%get3A_15, %get3A_16] : memref<1000x16xf32, #tpu.memory_space<vmem>>, vector<1000x1xf32>
    %add3A_18 = arith.constant 1.000000e+00 : f32
    %add3A_19 = vector.broadcast %add3A_18 : f32 to vector<1000x1xf32>
    %add3A_20 = arith.addf %add3A_19, %get3A_17 : vector<1000x1xf32>
    %get3A_21 = arith.constant 0 : index
    %get3A_22 = arith.constant 0 : index
    %get3A_23 = vector.load %arg6[%get3A_21, %get3A_22] : memref<1000x16xf32, #tpu.memory_space<vmem>>, vector<1000x1xf32>
    %add3A_24 = arith.addf %add3A_20, %get3A_23 : vector<1000x1xf32>
    %rsqrt3A = math.rsqrt %add3A_24 : vector<1000x1xf32>
    %mul3A = vector.broadcast %rsqrt3A : vector<1000x1xf32> to vector<1000x128xf32>
    %mul3A_25 = arith.mulf %mul3A, %dot_general3A_14 : vector<1000x128xf32>
    %slice3A = vector.extract_strided_slice %mul3A_25 {offsets = [0, 0], sizes = [1000, 64], strides = [1, 1]} : vector<1000x128xf32> to vector<1000x64xf32>
    %swap3A = arith.constant 0 : index
    %swap3A_26 = arith.constant 0 : index
    %swap3A_27 = vector.load %arg7[%swap3A, %swap3A_26] : memref<1000x64xf32, #tpu.memory_space<vmem>>, vector<1000x64xf32>
    tpu.vector_store %arg7[%swap3A, %swap3A_26], %slice3A {strides = array<i32>} : memref<1000x64xf32, #tpu.memory_space<vmem>>, vector<1000x64xf32>,
    %slice3A_28 = vector.extract_strided_slice %mul3A_25 {offsets = [0, 64], sizes = [1000, 64], strides = [1, 1]} : vector<1000x128xf32> to vector<1000x64xf32>
    %swap3A_29 = arith.constant 0 : index
    %swap3A_30 = arith.constant 0 : index
    %swap3A_31 = vector.load %arg8[%swap3A_29, %swap3A_30] : memref<1000x64xf32, #tpu.memory_space<vmem>>, vector<1000x64xf32>
    tpu.vector_store %arg8[%swap3A_29, %swap3A_30], %slice3A_28 {strides = array<i32>} : memref<1000x64xf32, #tpu.memory_space<vmem>>, vector<1000x64xf32>,
    return
  }
  func.func @transform_0(%arg0: i32) -> (i32, i32) {
    %c0_i32 = arith.constant 0 : i32
    %c0_i32_0 = arith.constant 0 : i32
    return %arg0, %c0_i32 : i32, i32
  }
  func.func @transform_1(%arg0: i32) -> (i32, i32) {
    %c0_i32 = arith.constant 0 : i32
    %c0_i32_0 = arith.constant 0 : i32
    %c0_i32_1 = arith.constant 0 : i32
    return %c0_i32, %c0_i32_0 : i32, i32
  }
  func.func @transform_2(%arg0: i32) -> (i32, i32) {
    %c0_i32 = arith.constant 0 : i32
    %c0_i32_0 = arith.constant 0 : i32
    %c0_i32_1 = arith.constant 0 : i32
    return %c0_i32, %c0_i32_0 : i32, i32
  }
  func.func @transform_3(%arg0: i32) -> (i32, i32) {
    %c0_i32 = arith.constant 0 : i32
    %c0_i32_0 = arith.constant 0 : i32
    %c0_i32_1 = arith.constant 0 : i32
    return %c0_i32, %c0_i32_0 : i32, i32
  }
  func.func @transform_4(%arg0: i32) -> (i32, i32) {
    %c0_i32 = arith.constant 0 : i32
    %c0_i32_0 = arith.constant 0 : i32
    return %arg0, %c0_i32 : i32, i32
  }
  func.func @transform_5(%arg0: i32) -> (i32, i32) {
    %c0_i32 = arith.constant 0 : i32
    %c0_i32_0 = arith.constant 0 : i32
    return %arg0, %c0_i32 : i32, i32
  }
  func.func @transform_6(%arg0: i32) -> (i32, i32) {
    %c0_i32 = arith.constant 0 : i32
    %c0_i32_0 = arith.constant 0 : i32
    return %arg0, %c0_i32 : i32, i32
  }
  func.func @transform_7(%arg0: i32) -> (i32, i32) {
    %c0_i32 = arith.constant 0 : i32
    %c0_i32_0 = arith.constant 0 : i32
    return %arg0, %c0_i32 : i32, i32
  }
}

module attributes {stable_mosaic.version = 14 : i64} {
  func.func @_tc_mid_body(%arg0: i32, %arg1: memref<1000x64xf32, #tpu.memory_space<vmem>>, %arg2: memref<1000x64xf32, #tpu.memory_space<vmem>>, %arg3: memref<1000x64xf32, #tpu.memory_space<vmem>>, %arg4: memref<1000x64xf32, #tpu.memory_space<vmem>>, %arg5: memref<1000x64xf32, #tpu.memory_space<vmem>>, %arg6: memref<1000x64xf32, #tpu.memory_space<vmem>>, %arg7: memref<1x128xf32, #tpu.memory_space<vmem>>, %arg8: memref<128x128xf32, #tpu.memory_space<vmem>>, %arg9: memref<1000x16xf32, #tpu.memory_space<vmem>>, %arg10: memref<1000x16xf32, #tpu.memory_space<vmem>>, %arg11: memref<1000x64xf32, #tpu.memory_space<vmem>>, %arg12: memref<1000x64xf32, #tpu.memory_space<vmem>>) attributes {dimension_semantics = [#tpu.dimension_semantics<arbitrary>], iteration_bounds = array<i64: 10>, scalar_prefetch = 0 : i64, scratch_operands = 0 : i64, tpu.core_type = #tpu.core_type<tc>, window_params = [{transform_indices = @transform_0, window_bounds = array<i64: 1000, 64>}, {transform_indices = @transform_1, window_bounds = array<i64: 1000, 64>}, {transform_indices = @transform_2, window_bounds = array<i64: 1000, 64>}, {transform_indices = @transform_3, window_bounds = array<i64: 1000, 64>}, {transform_indices = @transform_4, window_bounds = array<i64: 1000, 64>}, {transform_indices = @transform_5, window_bounds = array<i64: 1000, 64>}, {pipeline_mode = #tpu.pipeline_mode<synchronous>, transform_indices = @transform_6, window_bounds = array<i64: 1, 128>}, {pipeline_mode = #tpu.pipeline_mode<synchronous>, transform_indices = @transform_7, window_bounds = array<i64: 128, 128>}, {transform_indices = @transform_8, window_bounds = array<i64: 1000, 16>}, {transform_indices = @transform_9, window_bounds = array<i64: 1000, 16>}, {transform_indices = @transform_10, window_bounds = array<i64: 1000, 64>}, {transform_indices = @transform_11, window_bounds = array<i64: 1000, 64>}]} {
    %get3A = arith.constant 0 : index
    %get3A_0 = arith.constant 0 : index
    %get3A_1 = vector.load %arg9[%get3A, %get3A_0] : memref<1000x16xf32, #tpu.memory_space<vmem>>, vector<1000x1xf32>
    %add3A = arith.constant 1.000000e+00 : f32
    %add3A_2 = vector.broadcast %add3A : f32 to vector<1000x1xf32>
    %add3A_3 = arith.addf %add3A_2, %get3A_1 : vector<1000x1xf32>
    %get3A_4 = arith.constant 0 : index
    %get3A_5 = arith.constant 0 : index
    %get3A_6 = vector.load %arg10[%get3A_4, %get3A_5] : memref<1000x16xf32, #tpu.memory_space<vmem>>, vector<1000x1xf32>
    %add3A_7 = arith.addf %add3A_3, %get3A_6 : vector<1000x1xf32>
    %rsqrt3A = math.rsqrt %add3A_7 : vector<1000x1xf32>
    %get3A_8 = arith.constant 0 : index
    %get3A_9 = arith.constant 0 : index
    %get3A_10 = vector.load %arg1[%get3A_8, %get3A_9] : memref<1000x64xf32, #tpu.memory_space<vmem>>, vector<1000x64xf32>
    %get3A_11 = arith.constant 0 : index
    %get3A_12 = arith.constant 0 : index
    %get3A_13 = vector.load %arg2[%get3A_11, %get3A_12] : memref<1000x64xf32, #tpu.memory_space<vmem>>, vector<1000x64xf32>
    %add3A_14 = arith.addf %get3A_10, %get3A_13 : vector<1000x64xf32>
    %get3A_15 = arith.constant 0 : index
    %get3A_16 = arith.constant 0 : index
    %get3A_17 = vector.load %arg5[%get3A_15, %get3A_16] : memref<1000x64xf32, #tpu.memory_space<vmem>>, vector<1000x64xf32>
    %add3A_18 = arith.addf %add3A_14, %get3A_17 : vector<1000x64xf32>
    %get3A_19 = arith.constant 0 : index
    %get3A_20 = arith.constant 0 : index
    %get3A_21 = vector.load %arg3[%get3A_19, %get3A_20] : memref<1000x64xf32, #tpu.memory_space<vmem>>, vector<1000x64xf32>
    %get3A_22 = arith.constant 0 : index
    %get3A_23 = arith.constant 0 : index
    %get3A_24 = vector.load %arg4[%get3A_22, %get3A_23] : memref<1000x64xf32, #tpu.memory_space<vmem>>, vector<1000x64xf32>
    %add3A_25 = arith.addf %get3A_21, %get3A_24 : vector<1000x64xf32>
    %get3A_26 = arith.constant 0 : index
    %get3A_27 = arith.constant 0 : index
    %get3A_28 = vector.load %arg6[%get3A_26, %get3A_27] : memref<1000x64xf32, #tpu.memory_space<vmem>>, vector<1000x64xf32>
    %add3A_29 = arith.addf %add3A_25, %get3A_28 : vector<1000x64xf32>
    %concatenate3A = tpu.concatenate %add3A_18, %add3A_29 in 1 : vector<1000x64xf32>, vector<1000x64xf32> -> vector<1000x128xf32>
    %mul3A = vector.broadcast %rsqrt3A : vector<1000x1xf32> to vector<1000x128xf32>
    %mul3A_30 = arith.mulf %mul3A, %concatenate3A : vector<1000x128xf32>
    %get3A_31 = arith.constant 0 : index
    %get3A_32 = arith.constant 0 : index
    %get3A_33 = vector.load %arg7[%get3A_31, %get3A_32] : memref<1x128xf32, #tpu.memory_space<vmem>>, vector<1x128xf32>
    %add3A_34 = vector.broadcast %get3A_33 : vector<1x128xf32> to vector<1000x128xf32>
    %add3A_35 = arith.addf %mul3A_30, %add3A_34 : vector<1000x128xf32>
    %max3A = arith.constant 0.000000e+00 : f32
    %max3A_36 = vector.broadcast %max3A : f32 to vector<1000x128xf32>
    %max3A_37 = arith.maximumf %add3A_35, %max3A_36 : vector<1000x128xf32>
    %get3A_38 = arith.constant 0 : index
    %get3A_39 = arith.constant 0 : index
    %get3A_40 = vector.load %arg8[%get3A_38, %get3A_39] : memref<128x128xf32, #tpu.memory_space<vmem>>, vector<128x128xf32>
    %dot_general3A = arith.constant dense<0.000000e+00> : vector<1000x128xf32>
    %dot_general3A_41 = tpu.matmul %max3A_37, %get3A_40, %dot_general3A {dimension_numbers = #tpu.dot_dimension_numbers<[1], [0], [0], [1], [0, 0, 1, 1], [], []>, transpose_lhs_hint = false} : vector<1000x128xf32>, vector<128x128xf32>, vector<1000x128xf32> -> vector<1000x128xf32>
    %mul3A_42 = vector.broadcast %rsqrt3A : vector<1000x1xf32> to vector<1000x128xf32>
    %mul3A_43 = arith.mulf %mul3A_42, %dot_general3A_41 : vector<1000x128xf32>
    %slice3A = vector.extract_strided_slice %mul3A_43 {offsets = [0, 0], sizes = [1000, 64], strides = [1, 1]} : vector<1000x128xf32> to vector<1000x64xf32>
    %swap3A = arith.constant 0 : index
    %swap3A_44 = arith.constant 0 : index
    %swap3A_45 = vector.load %arg11[%swap3A, %swap3A_44] : memref<1000x64xf32, #tpu.memory_space<vmem>>, vector<1000x64xf32>
    tpu.vector_store %arg11[%swap3A, %swap3A_44], %slice3A {strides = array<i32>} : memref<1000x64xf32, #tpu.memory_space<vmem>>, vector<1000x64xf32>,
    %slice3A_46 = vector.extract_strided_slice %mul3A_43 {offsets = [0, 64], sizes = [1000, 64], strides = [1, 1]} : vector<1000x128xf32> to vector<1000x64xf32>
    %swap3A_47 = arith.constant 0 : index
    %swap3A_48 = arith.constant 0 : index
    %swap3A_49 = vector.load %arg12[%swap3A_47, %swap3A_48] : memref<1000x64xf32, #tpu.memory_space<vmem>>, vector<1000x64xf32>
    tpu.vector_store %arg12[%swap3A_47, %swap3A_48], %slice3A_46 {strides = array<i32>} : memref<1000x64xf32, #tpu.memory_space<vmem>>, vector<1000x64xf32>,
    return
  }
  func.func @transform_0(%arg0: i32) -> (i32, i32) {
    %c0_i32 = arith.constant 0 : i32
    %c0_i32_0 = arith.constant 0 : i32
    return %arg0, %c0_i32 : i32, i32
  }
  func.func @transform_1(%arg0: i32) -> (i32, i32) {
    %c0_i32 = arith.constant 0 : i32
    %c0_i32_0 = arith.constant 0 : i32
    return %arg0, %c0_i32 : i32, i32
  }
  func.func @transform_2(%arg0: i32) -> (i32, i32) {
    %c0_i32 = arith.constant 0 : i32
    %c0_i32_0 = arith.constant 0 : i32
    return %arg0, %c0_i32 : i32, i32
  }
  func.func @transform_3(%arg0: i32) -> (i32, i32) {
    %c0_i32 = arith.constant 0 : i32
    %c0_i32_0 = arith.constant 0 : i32
    return %arg0, %c0_i32 : i32, i32
  }
  func.func @transform_4(%arg0: i32) -> (i32, i32) {
    %c0_i32 = arith.constant 0 : i32
    %c0_i32_0 = arith.constant 0 : i32
    return %arg0, %c0_i32 : i32, i32
  }
  func.func @transform_5(%arg0: i32) -> (i32, i32) {
    %c0_i32 = arith.constant 0 : i32
    %c0_i32_0 = arith.constant 0 : i32
    return %arg0, %c0_i32 : i32, i32
  }
  func.func @transform_6(%arg0: i32) -> (i32, i32) {
    %c0_i32 = arith.constant 0 : i32
    %c0_i32_0 = arith.constant 0 : i32
    %c0_i32_1 = arith.constant 0 : i32
    return %c0_i32, %c0_i32_0 : i32, i32
  }
  func.func @transform_7(%arg0: i32) -> (i32, i32) {
    %c0_i32 = arith.constant 0 : i32
    %c0_i32_0 = arith.constant 0 : i32
    %c0_i32_1 = arith.constant 0 : i32
    return %c0_i32, %c0_i32_0 : i32, i32
  }
  func.func @transform_8(%arg0: i32) -> (i32, i32) {
    %c0_i32 = arith.constant 0 : i32
    %c0_i32_0 = arith.constant 0 : i32
    return %arg0, %c0_i32 : i32, i32
  }
  func.func @transform_9(%arg0: i32) -> (i32, i32) {
    %c0_i32 = arith.constant 0 : i32
    %c0_i32_0 = arith.constant 0 : i32
    return %arg0, %c0_i32 : i32, i32
  }
  func.func @transform_10(%arg0: i32) -> (i32, i32) {
    %c0_i32 = arith.constant 0 : i32
    %c0_i32_0 = arith.constant 0 : i32
    return %arg0, %c0_i32 : i32, i32
  }
  func.func @transform_11(%arg0: i32) -> (i32, i32) {
    %c0_i32 = arith.constant 0 : i32
    %c0_i32_0 = arith.constant 0 : i32
    return %arg0, %c0_i32 : i32, i32
  }
}

module attributes {stable_mosaic.version = 14 : i64} {
  func.func @_tc_last_body(%arg0: i32, %arg1: memref<1000x64xf32, #tpu.memory_space<vmem>>, %arg2: memref<1000x64xf32, #tpu.memory_space<vmem>>, %arg3: memref<1000x64xf32, #tpu.memory_space<vmem>>, %arg4: memref<1000x64xf32, #tpu.memory_space<vmem>>, %arg5: memref<1000x64xf32, #tpu.memory_space<vmem>>, %arg6: memref<1000x64xf32, #tpu.memory_space<vmem>>, %arg7: memref<1x128xf32, #tpu.memory_space<vmem>>, %arg8: memref<1x128xf32, #tpu.memory_space<vmem>>, %arg9: memref<1x1xf32, #tpu.memory_space<vmem>>, %arg10: memref<1000x16xf32, #tpu.memory_space<vmem>>, %arg11: memref<1000x16xf32, #tpu.memory_space<vmem>>, %arg12: memref<1000x1xf32, #tpu.memory_space<vmem>>) attributes {dimension_semantics = [#tpu.dimension_semantics<arbitrary>], iteration_bounds = array<i64: 10>, scalar_prefetch = 0 : i64, scratch_operands = 0 : i64, tpu.core_type = #tpu.core_type<tc>, window_params = [{transform_indices = @transform_0, window_bounds = array<i64: 1000, 64>}, {transform_indices = @transform_1, window_bounds = array<i64: 1000, 64>}, {transform_indices = @transform_2, window_bounds = array<i64: 1000, 64>}, {transform_indices = @transform_3, window_bounds = array<i64: 1000, 64>}, {transform_indices = @transform_4, window_bounds = array<i64: 1000, 64>}, {transform_indices = @transform_5, window_bounds = array<i64: 1000, 64>}, {pipeline_mode = #tpu.pipeline_mode<synchronous>, transform_indices = @transform_6, window_bounds = array<i64: 1, 128>}, {pipeline_mode = #tpu.pipeline_mode<synchronous>, transform_indices = @transform_7, window_bounds = array<i64: 1, 128>}, {pipeline_mode = #tpu.pipeline_mode<synchronous>, transform_indices = @transform_8, window_bounds = array<i64: 1, 1>}, {transform_indices = @transform_9, window_bounds = array<i64: 1000, 16>}, {transform_indices = @transform_10, window_bounds = array<i64: 1000, 16>}, {transform_indices = @transform_11, window_bounds = array<i64: 1000, 1>}]} {
    %get3A = arith.constant 0 : index
    %get3A_0 = arith.constant 0 : index
    %get3A_1 = vector.load %arg10[%get3A, %get3A_0] : memref<1000x16xf32, #tpu.memory_space<vmem>>, vector<1000x1xf32>
    %add3A = arith.constant 1.000000e+00 : f32
    %add3A_2 = vector.broadcast %add3A : f32 to vector<1000x1xf32>
    %add3A_3 = arith.addf %add3A_2, %get3A_1 : vector<1000x1xf32>
    %get3A_4 = arith.constant 0 : index
    %get3A_5 = arith.constant 0 : index
    %get3A_6 = vector.load %arg11[%get3A_4, %get3A_5] : memref<1000x16xf32, #tpu.memory_space<vmem>>, vector<1000x1xf32>
    %add3A_7 = arith.addf %add3A_3, %get3A_6 : vector<1000x1xf32>
    %rsqrt3A = math.rsqrt %add3A_7 : vector<1000x1xf32>
    %get3A_8 = arith.constant 0 : index
    %get3A_9 = arith.constant 0 : index
    %get3A_10 = vector.load %arg1[%get3A_8, %get3A_9] : memref<1000x64xf32, #tpu.memory_space<vmem>>, vector<1000x64xf32>
    %get3A_11 = arith.constant 0 : index
    %get3A_12 = arith.constant 0 : index
    %get3A_13 = vector.load %arg2[%get3A_11, %get3A_12] : memref<1000x64xf32, #tpu.memory_space<vmem>>, vector<1000x64xf32>
    %add3A_14 = arith.addf %get3A_10, %get3A_13 : vector<1000x64xf32>
    %get3A_15 = arith.constant 0 : index
    %get3A_16 = arith.constant 0 : index
    %get3A_17 = vector.load %arg5[%get3A_15, %get3A_16] : memref<1000x64xf32, #tpu.memory_space<vmem>>, vector<1000x64xf32>
    %add3A_18 = arith.addf %add3A_14, %get3A_17 : vector<1000x64xf32>
    %get3A_19 = arith.constant 0 : index
    %get3A_20 = arith.constant 0 : index
    %get3A_21 = vector.load %arg3[%get3A_19, %get3A_20] : memref<1000x64xf32, #tpu.memory_space<vmem>>, vector<1000x64xf32>
    %get3A_22 = arith.constant 0 : index
    %get3A_23 = arith.constant 0 : index
    %get3A_24 = vector.load %arg4[%get3A_22, %get3A_23] : memref<1000x64xf32, #tpu.memory_space<vmem>>, vector<1000x64xf32>
    %add3A_25 = arith.addf %get3A_21, %get3A_24 : vector<1000x64xf32>
    %get3A_26 = arith.constant 0 : index
    %get3A_27 = arith.constant 0 : index
    %get3A_28 = vector.load %arg6[%get3A_26, %get3A_27] : memref<1000x64xf32, #tpu.memory_space<vmem>>, vector<1000x64xf32>
    %add3A_29 = arith.addf %add3A_25, %get3A_28 : vector<1000x64xf32>
    %concatenate3A = tpu.concatenate %add3A_18, %add3A_29 in 1 : vector<1000x64xf32>, vector<1000x64xf32> -> vector<1000x128xf32>
    %mul3A = vector.broadcast %rsqrt3A : vector<1000x1xf32> to vector<1000x128xf32>
    %mul3A_30 = arith.mulf %mul3A, %concatenate3A : vector<1000x128xf32>
    %get3A_31 = arith.constant 0 : index
    %get3A_32 = arith.constant 0 : index
    %get3A_33 = vector.load %arg7[%get3A_31, %get3A_32] : memref<1x128xf32, #tpu.memory_space<vmem>>, vector<1x128xf32>
    %add3A_34 = vector.broadcast %get3A_33 : vector<1x128xf32> to vector<1000x128xf32>
    %add3A_35 = arith.addf %mul3A_30, %add3A_34 : vector<1000x128xf32>
    %max3A = arith.constant 0.000000e+00 : f32
    %max3A_36 = vector.broadcast %max3A : f32 to vector<1000x128xf32>
    %max3A_37 = arith.maximumf %add3A_35, %max3A_36 : vector<1000x128xf32>
    %get3A_38 = arith.constant 0 : index
    %get3A_39 = arith.constant 0 : index
    %get3A_40 = vector.load %arg8[%get3A_38, %get3A_39] : memref<1x128xf32, #tpu.memory_space<vmem>>, vector<1x128xf32>
    %mul3A_41 = vector.broadcast %get3A_40 : vector<1x128xf32> to vector<1000x128xf32>
    %mul3A_42 = arith.mulf %max3A_37, %mul3A_41 : vector<1000x128xf32>
    %reduce_sum3A = arith.constant dense<0.000000e+00> : vector<1000xf32>
    %reduce_sum3A_43 = vector.multi_reduction <add>, %mul3A_42, %reduce_sum3A [1] : vector<1000x128xf32> to vector<1000xf32>
    %broadcast_in_dim3A = vector.shape_cast %reduce_sum3A_43 : vector<1000xf32> to vector<1000x1xf32>
    %get3A_44 = arith.constant 0 : index
    %get3A_45 = arith.constant 0 : index
    %get3A_46 = vector.load %arg9[%get3A_44, %get3A_45] : memref<1x1xf32, #tpu.memory_space<vmem>>, vector<1x1xf32>
    %add3A_47 = vector.broadcast %get3A_46 : vector<1x1xf32> to vector<1000x1xf32>
    %add3A_48 = arith.addf %broadcast_in_dim3A, %add3A_47 : vector<1000x1xf32>
    %logistic3A = arith.negf %add3A_48 : vector<1000x1xf32>
    %logistic3A_49 = math.exp %logistic3A : vector<1000x1xf32>
    %logistic3A_50 = arith.constant 1.000000e+00 : f32
    %logistic3A_51 = vector.broadcast %logistic3A_50 : f32 to vector<1000x1xf32>
    %logistic3A_52 = arith.addf %logistic3A_51, %logistic3A_49 : vector<1000x1xf32>
    %logistic3A_53 = arith.divf %logistic3A_51, %logistic3A_52 : vector<1000x1xf32>
    %swap3A = arith.constant 0 : index
    %swap3A_54 = arith.constant 0 : index
    %swap3A_55 = vector.load %arg12[%swap3A, %swap3A_54] : memref<1000x1xf32, #tpu.memory_space<vmem>>, vector<1000x1xf32>
    tpu.vector_store %arg12[%swap3A, %swap3A_54], %logistic3A_53 {strides = array<i32>} : memref<1000x1xf32, #tpu.memory_space<vmem>>, vector<1000x1xf32>,
    return
  }
  func.func @transform_0(%arg0: i32) -> (i32, i32) {
    %c0_i32 = arith.constant 0 : i32
    %c0_i32_0 = arith.constant 0 : i32
    return %arg0, %c0_i32 : i32, i32
  }
  func.func @transform_1(%arg0: i32) -> (i32, i32) {
    %c0_i32 = arith.constant 0 : i32
    %c0_i32_0 = arith.constant 0 : i32
    return %arg0, %c0_i32 : i32, i32
  }
  func.func @transform_2(%arg0: i32) -> (i32, i32) {
    %c0_i32 = arith.constant 0 : i32
    %c0_i32_0 = arith.constant 0 : i32
    return %arg0, %c0_i32 : i32, i32
  }
  func.func @transform_3(%arg0: i32) -> (i32, i32) {
    %c0_i32 = arith.constant 0 : i32
    %c0_i32_0 = arith.constant 0 : i32
    return %arg0, %c0_i32 : i32, i32
  }
  func.func @transform_4(%arg0: i32) -> (i32, i32) {
    %c0_i32 = arith.constant 0 : i32
    %c0_i32_0 = arith.constant 0 : i32
    return %arg0, %c0_i32 : i32, i32
  }
  func.func @transform_5(%arg0: i32) -> (i32, i32) {
    %c0_i32 = arith.constant 0 : i32
    %c0_i32_0 = arith.constant 0 : i32
    return %arg0, %c0_i32 : i32, i32
  }
  func.func @transform_6(%arg0: i32) -> (i32, i32) {
    %c0_i32 = arith.constant 0 : i32
    %c0_i32_0 = arith.constant 0 : i32
    %c0_i32_1 = arith.constant 0 : i32
    return %c0_i32, %c0_i32_0 : i32, i32
  }
  func.func @transform_7(%arg0: i32) -> (i32, i32) {
    %c0_i32 = arith.constant 0 : i32
    %c0_i32_0 = arith.constant 0 : i32
    %c0_i32_1 = arith.constant 0 : i32
    return %c0_i32, %c0_i32_0 : i32, i32
  }
  func.func @transform_8(%arg0: i32) -> (i32, i32) {
    %c0_i32 = arith.constant 0 : i32
    %c0_i32_0 = arith.constant 0 : i32
    %c0_i32_1 = arith.constant 0 : i32
    return %c0_i32, %c0_i32_0 : i32, i32
  }
  func.func @transform_9(%arg0: i32) -> (i32, i32) {
    %c0_i32 = arith.constant 0 : i32
    %c0_i32_0 = arith.constant 0 : i32
    return %arg0, %c0_i32 : i32, i32
  }
  func.func @transform_10(%arg0: i32) -> (i32, i32) {
    %c0_i32 = arith.constant 0 : i32
    %c0_i32_0 = arith.constant 0 : i32
    return %arg0, %c0_i32 : i32, i32
  }
  func.func @transform_11(%arg0: i32) -> (i32, i32) {
    %c0_i32 = arith.constant 0 : i32
    %c0_i32_0 = arith.constant 0 : i32
    return %arg0, %c0_i32 : i32, i32
  }
}

</mosaic_0001>

<sc_bundles>
// kernel: kernel.11.cloned.1.call-start
scs
__scs_entry_jumppad:
0x0: {  	(pc) =	sbr.rel $0x88, $3  }
0x1: {  	(tag) =	ssettag $0x0;
	lr =	simm.s32 $0x1  }
0x2: {  	[smem:$0x3F97] =	sst lr;
	_ =	strace $0xD0000000  }
0x3: {  	_ = 	snop  }
0x4: {  	_ = 	snop  }
0x5: {  	_ = 	snop  }
0x6: {  	_ = 	snop  }
0x7: {  	_ = 	snop  }
__scs_overlays_trampoline_lowered:
0x8: {  	[smem:$0x3FA6] =	sst s0  }
0x9: {  	[smem:$0x3FA7] =	sst s1  }
0xa: {  	[smem:$0x3FA8] =	sst s2  }
0xb: {  	[smem:$0x3FA9] =	sst s3  }
0xc: {  	[smem:$0x3FAA] =	sst s4  }
0xd: {  	[smem:$0x3FAB] =	sst s5  }
0xe: {  	[smem:$0x3FAC] =	sst s6  }
0xf: {  	[smem:$0x3FAD] =	sst s7  }
0x10: {  	[smem:$0x3FAE] =	sst s8  }
0x11: {  	[smem:$0x3FAF] =	sst s9;
	s0 =	simm.s32 @!p0 $0x0  }
0x12: {  	s1 =	sld [smem:$0x3F95];
	s0 =	simm.s32 @p0 $0x1  }
0x13: {  	[smem:$0x3FB0] =	sst s0;
	s0 =	simm.s32 @!p1 $0x0  }
0x14: {  	s2 =	sld [smem:$0x3F94];
	s0 =	simm.s32 @p1 $0x1  }
0x15: {  	[smem:$0x3FB1] =	sst s0;
	s0 =	simm.s32 @!p2 $0x0  }
0x16: {  	s3 =	sld [smem:$0x3FDB];
	s0 =	simm.s32 @p2 $0x1  }
0x17: {  	s4 =	simm.s32 $0x1BF5;
	[smem:$0x3FB3] =	sst s0  }
0x18: {  	s0 =	sld [smem:$0x3F96];
	_ =	swait.ge [sflag:s4], $0x0  }
0x19: {  	s7 =	sld [smem:$0x3F97]  }
0x1a: {  	s8 =	sadd.s32 $0xFFFFE003, lr  }
0x1b: {  	s9 =	sadd.s32 $0xFFFFFEF7, lr;
	s5 =	simm.s32 $0xFFFFFFFF;
	p2 =	slt.u32 s8, $0xFFFFF086  }
0x1c: {  	p1 =	slt.u32 s9, $0xF7A;
	s5 =	simm.s32 @!p2 $0x0  }
0x1d: {  	s5 =	simm.s32 @p1 $0x1;
	p0 =	seq.s32 s7, s2  }
0x1e: {  	s7 =	smul.u32 @!p0 $0xF7A, s2;
	p2 =	seq.s32 @!p0 s5, $0x0  }
0x1f: {  	s9 =	smul.u32 $0xF7A, s1;
	s8 =	simm.s32 @!p0 $0x1BF5;
	p2 =	por !p2, p0  }
0x20: {  	[sflag:s8] =	ssyncset.s32 @!p0 $0xFFFFF086;
	s6 =	sadd.s32 @!p0 s3, s7;
	s7 =	simm.s32 @!p0 $0x108  }
0x21: {  	s3 =	sadd.s32 s3, s9;
	s6 =	sadd.s32 @!p0 $0x88, s6;
	s7 =	simm.s32 @p2 $0x1082  }
0x22: {  	[simem:s7], [sflag:s8] =	dma.local @!p0 [hbm:s6], $0xF7A  }
0x23: {  	s9 =	sor.u32 $0xD0000000, s2;
	s6 =	simm.s32 $0x108;
	_ =	swait.ge @!p0 [sflag:s8], $0x0  }
0x24: {  	s3 =	sadd.s32 $0x88, s3;
	s6 =	simm.s32 @!p1 $0x1082;
	[sflag:s4] =	ssyncset.s32 $0xFFFFF086  }
0x25: {  	[simem:s6], [sflag:s4] =	dma.local [hbm:s3], $0xF7A  }
0x26: {  	[smem:$0x3F97] =	sst s1;
	(tag) =	ssettag s2;
	_ =	strace s9  }
0x27: {  	s1 =	sld [smem:$0x3FA7]  }
0x28: {  	s2 =	sld [smem:$0x3FA8]  }
0x29: {  	s4 =	sld [smem:$0x3FAA]  }
0x2a: {  	p0 =	seq.s32 s5, $0x0;
	s5 =	sld [smem:$0x3FAB]  }
0x2b: {  	s6 =	sld [smem:$0x3FAC]  }
0x2c: {  	s7 =	sld [smem:$0x3FAD]  }
0x2d: {  	s3 =	simm.s32 $0x108;
	s8 =	sld [smem:$0x3FAE]  }
0x2e: {  	s3 =	simm.s32 @!p0 $0x1082;
	s9 =	sld [smem:$0x3FAF]  }
0x2f: {  	lr =	sadd.s32 s0, s3;
	s0 =	sld [smem:$0x3FA6]  }
0x30: {  	s3 =	sld [smem:$0x3FA9]  }
0x31: {  	[smem:$0x3FB2] =	sst s10  }
0x32: {  	s10 =	sld [smem:$0x3FB0];
	_ =	sdelay $0x3  }
0x33: {  	p0 =	seq.s32 s10, $0x1;
	s10 =	sld [smem:$0x3FB2];
	_ =	sdelay $0x3  }
0x34: {  	[smem:$0x3FB2] =	sst s10  }
0x35: {  	s10 =	sld [smem:$0x3FB1];
	_ =	sdelay $0x3  }
0x36: {  	p1 =	seq.s32 s10, $0x1;
	s10 =	sld [smem:$0x3FB2];
	_ =	sdelay $0x3  }
0x37: {  	[smem:$0x3FB2] =	sst s10  }
0x38: {  	s10 =	sld [smem:$0x3FB3]  }
0x39: {  	_ = 	snop;
	(pc) =	sbr.ind lr, $3  }
0x3a: {  	_ = 	snop  }
0x3b: {  	_ = 	snop  }
0x3c: {  	p2 =	seq.s32 s10, $0x1;
	s10 =	sld [smem:$0x3FB2]  }
0x3d: {  	_ =	shalt  }
0x3e: {  	_ =	shalt  }
0x3f: {  	_ =	shalt  }
0x40: {  	_ =	shalt  }
0x41: {  	_ =	shalt  }
0x42: {  	_ =	shalt  }
0x43: {  	_ =	shalt  }
0x44: {  	_ =	shalt  }
0x45: {  	_ =	shalt  }
0x46: {  	_ =	shalt  }
0x47: {  	_ =	shalt  }
0x48: {  	_ =	shalt  }
0x49: {  	_ =	shalt  }
0x4a: {  	_ =	shalt  }
0x4b: {  	_ =	shalt  }
0x4c: {  	_ =	shalt  }
0x4d: {  	_ =	shalt  }
0x4e: {  	_ =	shalt  }
0x4f: {  	_ =	shalt  }
0x50: {  	_ =	shalt  }
0x51: {  	_ =	shalt  }
0x52: {  	_ =	shalt  }
0x53: {  	_ =	shalt  }
0x54: {  	_ =	shalt  }
0x55: {  	_ =	shalt  }
0x56: {  	_ =	shalt  }
0x57: {  	_ =	shalt  }
0x58: {  	_ =	shalt  }
0x59: {  	_ =	shalt  }
0x5a: {  	_ =	shalt  }
0x5b: {  	_ =	shalt  }
0x5c: {  	_ =	shalt  }
0x5d: {  	_ =	shalt  }
0x5e: {  	_ =	shalt  }
0x5f: {  	_ =	shalt  }
0x60: {  	_ =	shalt  }
0x61: {  	_ =	shalt  }
0x62: {  	_ =	shalt  }
0x63: {  	_ =	shalt  }
0x64: {  	_ =	shalt  }
0x65: {  	_ =	shalt  }
0x66: {  	_ =	shalt  }
0x67: {  	_ =	shalt  }
0x68: {  	_ =	shalt  }
0x69: {  	_ =	shalt  }
0x6a: {  	_ =	shalt  }
0x6b: {  	_ =	shalt  }
0x6c: {  	_ =	shalt  }
0x6d: {  	_ =	shalt  }
0x6e: {  	_ =	shalt  }
0x6f: {  	_ =	shalt  }
0x70: {  	_ =	shalt  }
0x71: {  	_ =	shalt  }
0x72: {  	_ =	shalt  }
0x73: {  	_ =	shalt  }
0x74: {  	_ =	shalt  }
0x75: {  	_ =	shalt  }
0x76: {  	_ =	shalt  }
0x77: {  	_ =	shalt  }
0x78: {  	_ =	shalt  }
0x79: {  	_ =	shalt  }
0x7a: {  	_ =	shalt  }
0x7b: {  	_ =	shalt  }
0x7c: {  	_ =	shalt  }
0x7d: {  	_ =	shalt  }
0x7e: {  	_ =	shalt  }
0x7f: {  	_ =	shalt  }
0x80: {  	_ =	shalt  }
0x81: {  	_ =	shalt  }
0x82: {  	_ =	shalt  }
0x83: {  	_ =	shalt  }
0x84: {  	_ =	shalt  }
0x85: {  	_ =	shalt  }
0x86: {  	_ =	shalt  }
0x87: {  	_ =	shalt  }
.Lfunc_end0:
.L_simem_size_0:
called_computation.1_lowered:
.L_overlay_start_0:
0x88: {  	s2 =	sld [smem:$0x3FD9]  }
0x89: {  	s3 =	sld [smem:$0x3FFE];
	_ =	sdelay $0x1  }
0x8a: {  	s1 =	srdreg.scid  }
0x8b: {  	s0 =	sand.u32 $0x1, s1  }
0x8c: {  	s16 =	sshll.u32 s0, $0xA;
	s2 =	sadd.s32 s3, s2  }
0x8d: {  	s2 =	sadd.s32 s2, s16  }
0x8e: {  	[smem:$0x3FBE] =	sst s2  }
0x8f: {  	_ = 	snop  }
0x90: {  	(tm) =	ssettm $0x1  }
0x91: {  	s17 =	sld [smem:$0x3FFB];
	_ =	sdelay $0x3  }
0x92: {  	_ =	strace s17  }
0x93: {  	s2 =	sld [smem:$0x3FFC];
	_ =	sdelay $0x3  }
0x94: {  	_ =	strace s2  }
0x95: {  	s2 =	sld [smem:$0x3FFD];
	_ =	sdelay $0x3  }
0x96: {  	_ =	strace s2  }
0x97: {  	_ =	strace $0x8FFFFFFF  }
0x98: {  	s18 =	sld [smem:$0x3FDB];
	_ =	sdelay $0x1  }
0x99: {  	s19 =	simm.s32 $_scs_section_size  }
0x9a: {  	s4 =	simm.s32 $_size__tile_overlayer_lowered;
	s5 =	simm.s32 $_tile_overlayer_lowered  }
0x9b: {  	s22 =	simm.s32 $0x1BFF;
	s21 =	sshll.u32 s5, $0x1;
	s2 =	sadd.s32 s19, s18  }
0x9c: {  	s6 =	simm.s32 $0x0;
	s20 =	sshll.u32 s4, $0x1;
	s4 =	sadd.s32 s21, s2  }
0x9d: {  	[timem:s6], [sflag:s22] =	dma.local [hbm:s4], s20  }
0x9e: {  	_ =	swait.ge [sflag:s22], s20  }
0x9f: {  	s3 =	ssub.s32 $0x0, s20;
	[sflag:s22] =	ssyncset.done $0x0  }
0xa0: {  	[sflag:s22] =	ssyncadd.s32 s3;
	_ =	sdelay $0x1  }
0xa1: {  	s23 =	simm.s32 $0x1B8B  }
0xa2: {  	_ =	swait.ge [sflag:s23], $0x1  }
0xa3: {  	[sflag:s23] =	ssyncset.done $0x0  }
0xa4: {  	s25 =	simm.s32 $0x1B8E;
	s24 =	sld [smem:$0x3FFE];
	[sflag:s23] =	ssyncadd.s32 $0xFFFFFFFF  }
0xa5: {  	s26 =	simm.s32 $execute0_lowered;
	[smem:$0x3FD2] =	sst s25  }
0xa6: {  	s4 =	sshll.u32 s26, $0x1;
	_ =	strace $0x80000049;
	[dreg:$0x1] =	wrdreg $0xFFFFFFFF  }
0xa7: {  	s28 =	simm.s32 $_size_execute0_lowered;
	s2 =	sadd.s32 s2, s4;
	[dreg:$0x0] =	wrdreg $0x0  }
0xa8: {  	s4 =	sshll.u32 s28, $0x1;
	[dreg:$0x2] =	wrdreg s2  }
0xa9: {  	[dreg:$0x3] =	wrdreg s4  }
0xaa: {  	[dreg:$0x4] =	wrdreg $0xC0  }
0xab: {  	_ =	task [dreg:s6], $0x5FFFF  }
0xac: {  	[dreg:$0x1] =	wrdreg $0xFFFFFFFF  }
0xad: {  	[dreg:$0x0] =	wrdreg $0x60  }
0xae: {  	[dreg:$0x2] =	wrdreg s24  }
0xaf: {  	[dreg:$0x3] =	wrdreg $0xB2000  }
0xb0: {  	[dreg:$0x4] =	wrdreg $0x9  }
0xb1: {  	_ =	task.clear_ibuf [dreg:s6], $0x5FFFF;
	_ =	strace $0x90000049  }
0xb2: {  	s29 =	simm.s32 $0x9;
	_ =	strace $0x8000004B  }
0xb3: {  	_ =	swait.ge [sflag:s29], $0x1  }
0xb4: {  	[sflag:s29] =	ssyncadd.s32 $0xFFFFFFFF  }
0xb5: {  	_ =	strace $0x9000004B  }
0xb6: {  	_ =	sfence  }
0xb7: {  	s30 =	sld [smem:$0x0];
	_ =	sdelay $0x2  }
0xb8: {  	s31 =	sshll.u32 s1, $0xD;
	s1 =	sshrl.u32 s1, $0x2  }
0xb9: {  	s3 =	sand.u32 $0x4000, s31;
	s1 =	sadd.s32 s1, s30  }
0xba: {  	s0 =	sor.u32 s3, s0;
	s1 =	sshll.u32 s1, $0x11  }
0xbb: {  	s0 =	sor.u32 s1, s0  }
0xbc: {  	s0 =	sadd.s32 $0x8F2B, s0  }
0xbd: {  	[sflag:s0] =	ssyncadd.remote.s32 $0x1  }
0xbe: {  	_ =	sfence.sel $0xFFFF  }
0xbf: {  	[dreg:$0x0] =	wrdreg $0xFFFFFFFF;
	(pc) =	sbr.abs _section_cstart, $3  }
0xc0: {  	[dreg:$0x1] =	wrdreg $0xFFFFFFFF  }
0xc1: {  	_ =	task.clear_ibuf [dreg:s6], $0x2FFFF;
	_ =	strace $0x9FFFFFFF  }
0xc2: {  	(tm) =	ssettm $0x7FFFFFFF  }
0xc3: {  	_ =	shalt  }
tec
execute0_lowered:
.L_overlay_start_1:
0x0: {  	(tag) =	ssettag $0x1  }
0x1: {  	s0 =	rddreg [dreg:$0x0]  }
0x2: {  	s2 =	rddreg [dreg:$0x1]  }
0x3: {  	s4 =	simm.s32 $0x0;
	s1 =	srdreg.scid;
	s3 =	stileid.u32  }
0x4: {  	s18 =	simm.s32 $0x5;
	s28 =	simm.s32 $0x4;
	s29 =	simm.s32 $0x0  }
0x5: {  	[smem:$0x7FF] =	sst s4;
	s1 =	sand.u32 $0x1, s1;
	s6 =	smul.u32 $0x9E00, s3  }
0x6: {  	s4 =	sadd.s32 $0xB4000, s0;
	s5 =	sadd.s32 $0xA0600, s0;
	s11 =	smul.u32 $0x27800, s3  }
0x7: {  	_ =	strace $0x8000004A;
	s7 =	sshll.u32 s1, $0x4;
	s8 =	smul.u32 $0x9E000, s1  }
0x8: {  	s9 =	ssub.s32 $0x2, s1;
	p0 =	seq.s32 s1, $0x0;
	s7 =	sor.u32 s3, s7  }
0x9: {  	s10 =	sshrl.u32 s9, $0x1;
	s22 =	sshrl.u32 s11, $0x2;
	s7 =	smul.u32 $0x720, s7  }
0xa: {  	s8 =	sadd.s32 s6, s8;
	s14 =	ssub.s32 s9, s10;
	s23 =	sadd.s32 s22, s2  }
0xb: {  	s9 =	sadd.s32 s6, s2;
	s22 =	simm.s32 $0x1;
	s8 =	sshrl.u32 s8, $0x3  }
0xc: {  	s10 =	sadd.s32 $0x2000, s23;
	s11 =	sadd.s32 $0x4000, s23;
	s25 =	sadd.s32 $0x6000, s23  }
0xd: {  	s1 =	sadd.s32 $0x8000, s23;
	s31 =	smax.u32 s14, $0x1;
	[dreg:$0x5] =	wrdreg s25  }
0xe: {  	s23 =	simm.s32 $0x3;
	s7 =	sadd.s32 s7, s0;
	[dreg:$0x6] =	wrdreg s1  }
0xf: {  	s0 =	sadd.s32 s8, s0;
	[dreg:$0x9] =	wrdreg s31;
	s20 =	sadd.s32 $0x1C000, s7  }
0x10: {  	s8 =	simm.s32 $0x72;
	s21 =	sadd.s32 $0x3E00, s7;
	[dreg:$0x3] =	wrdreg s20  }
0x11: {  	s25 =	simm.s32 $0x2;
	s26 =	sadd.s32 $0xC7A00, s0;
	[dreg:$0x4] =	wrdreg s21  }
0x12: {  	s8 =	simm.s32 @!p0 $0x2C;
	s0 =	sadd.s32 $0xEF200, s0;
	[dreg:$0x7] =	wrdreg s26  }
0x13: {  	[dreg:$0x8] =	wrdreg s0;
	s30 =	sshll.u32 s8, $0x9;
	s20 =	simm.s32 $0x7200  }
0x14: {  	v0 =	vimm.f32 $0.0e+00;
	s21 =	simm.s32 $0x80;
	s26 =	simm.s32 $0x9200;
	s17 =	sadd.s32 $0xFFFFFC00, s30  }
.LBB2_1:
0x15: {  	s0 =	simm.s32 $0x0;
	s1 =	rddreg [dreg:$0x3]  }
0x16: {  	[tilespmem:s0], [sflag:$0x5] =	stream.linear.gather [hbm4b:s1+s0], $0x3900, $0x38;
	[tilespmem:$0x15000] =	vst v63  }
0x17: {  	_ =	swait.ge [sflag:s18], $0x3900  }
0x18: {  	[sflag:s18] =	ssyncset.done $0x0  }
0x19: {  	s6 =	simm.s32 $0x3900;
	s31 =	rddreg [dreg:$0x4];
	[sflag:s18] =	ssyncadd.s32 $0xFFFFC700  }
0x1a: {  	[tilespmem:s6], [sflag:$0x5] =	stream.linear.gather [hbm4b:s31+s0], $0x3900, $0x38;
	[tilespmem:$0x15000] =	vst v63  }
0x1b: {  	_ =	swait.ge [sflag:s18], $0x3900  }
0x1c: {  	s3 =	simm.s32 $0x0;
	[sflag:s18] =	ssyncset.done $0x0  }
0x1d: {  	s1 =	simm.s32 $0x100;
	s0 =	simm.s32 $0x0;
	[sflag:s18] =	ssyncadd.s32 $0xFFFFC700  }
.LBB2_2:
0x1e: {  	p0 =	sne.s32 s1, $0x7F00;
	[tilespmem:s0+$0x7230] =	vst v0;
	s6 =	smov.u32 s1;
	s1 =	sadd.s32 $0x100, s1  }
.Ltmp0:
0x1f: {  	[tilespmem:s0+$0x7220] =	vst v0;
	(pc) =	sbr.rel @p0 .LBB2_2-.Ltmp0, $3  }
0x20: {  	[tilespmem:s0+$0x7200] =	vst v0  }
0x21: {  	[tilespmem:s0+$0x7210] =	vst v0;
	_ =	sdelay $0x1  }
0x22: {  	s0 =	sshra.s32 s6, $0x2  }
0x23: {  	[tilespmem:s0+$0x7230] =	vst v0  }
0x24: {  	[tilespmem:s0+$0x7220] =	vst v0  }
0x25: {  	[tilespmem:s0+$0x7200] =	vst v0  }
0x26: {  	[tilespmem:s0+$0x7210] =	vst v0  }
0x27: {  	[spmem:s9] =	stream.linear.scatter [tilespmem:s20], [sflag:$0x5], $0x2000, $0x38;
	[tilespmem:$0x15000] =	vst v63  }
0x28: {  	_ =	swait.ge [sflag:s18], $0x2000  }
0x29: {  	[sflag:s18] =	ssyncset.done $0x0  }
0x2a: {  	[sflag:s18] =	ssyncadd.s32 $0xFFFFE000  }
0x2b: {  	[spmem:s10] =	stream.linear.scatter [tilespmem:s20], [sflag:$0x5], $0x2000, $0x38;
	[tilespmem:$0x15000] =	vst v63  }
0x2c: {  	_ =	swait.ge [sflag:s18], $0x2000  }
0x2d: {  	[sflag:s18] =	ssyncset.done $0x0  }
0x2e: {  	[sflag:s18] =	ssyncadd.s32 $0xFFFFE000  }
0x2f: {  	[spmem:s11] =	stream.linear.scatter [tilespmem:s20], [sflag:$0x5], $0x2000, $0x38;
	[tilespmem:$0x15000] =	vst v63  }
0x30: {  	_ =	swait.ge [sflag:s18], $0x2000  }
0x31: {  	[sflag:s18] =	ssyncset.done $0x0  }
0x32: {  	s30 =	rddreg [dreg:$0x5];
	[sflag:s18] =	ssyncadd.s32 $0xFFFFE000  }
0x33: {  	[spmem:s30] =	stream.linear.scatter [tilespmem:s20], [sflag:$0x5], $0x2000, $0x38;
	[tilespmem:$0x15000] =	vst v63  }
0x34: {  	_ =	swait.ge [sflag:s18], $0x2000  }
0x35: {  	[sflag:s18] =	ssyncset.done $0x0  }
0x36: {  	s31 =	rddreg [dreg:$0x6];
	[sflag:s18] =	ssyncadd.s32 $0xFFFFE000  }
0x37: {  	[spmem:s31] =	stream.linear.scatter [tilespmem:s20], [sflag:$0x5], $0x1E00, $0x38;
	[tilespmem:$0x15000] =	vst v63  }
0x38: {  	p2 =	sne.s32 s17, $0x400;
	_ =	swait.ge [sflag:s18], $0x1E00  }
.Ltmp1:
0x39: {  	[sflag:s18] =	ssyncset.done $0x0;
	(pc) =	sbr.rel @!p2 .LBB2_4-.Ltmp1, $4  }
0x3a: {  	s7 =	simm.s32 $0x0;
	s1 =	simm.s32 $0x2;
	[sflag:s18] =	ssyncadd.s32 $0xFFFFE200  }
0x3b: {  	[tilespmem:s20], [sflag:$0x1] =	stream.indirect.gather [hbm4b:s4+s21], $0x40, s7, s21, $0xb8;
	[tilespmem:$0x15000] =	vst v63  }
0x3c: {  	s6 =	simm.s32 $0x400;
	p1 =	sle.u32 s8, $0x1;
	[bflag:$0x0] =	sbarrier.arrive $0xFFFF  }
0x3d: {  	p0 =	por $0x0, $0x0;
	s15 =	simm.s32 @!p1 $0x0;
	s14 =	simm.s32 @!p1 $0x80  }
0x3e: {  	s0 =	simm.s32 @!p1 $0x80;
	s1 =	simm.s32 @!p1 $0x9200  }
0x3f: {  	[tilespmem:s1], [sflag:$0x2] =	stream.indirect.gather @!p1 [hbm4b:s4+s14], $0x40, s0, s14, $0xb8;
	[tilespmem:$0x15000] =	vst v63  }
0x40: {  	_ =	swait.ge [sflag:s22], $0x2000  }
0x41: {  	[sflag:s22] =	ssyncset.done $0x0  }
0x42: {  	s30 =	simm.s32 $0x3900;
	[sflag:s22] =	ssyncadd.s32 $0xFFFFE000  }
0x43: {  	[spmem:s2] =	stream.indirect.scatter.add.f32 [tilespmem:s20], [sflag:$0x3], $0x40, s30, s21, $0xb8;
	[tilespmem:$0x15000] =	vst v63  }
0x44: {  	p0 =	sle.u32 s8, $0x2;
	_ =	swait.ge [sflag:s23], $0x2000  }
0x45: {  	s0 =	simm.s32 @!p0 $0x80;
	[sflag:s23] =	ssyncset.done $0x0  }
0x46: {  	s1 =	simm.s32 @!p0 $0x100;
	s7 =	simm.s32 @!p0 $0x7200;
	[sflag:s23] =	ssyncadd.s32 $0xFFFFE000  }
0x47: {  	[tilespmem:s7], [sflag:$0x1] =	stream.indirect.gather @!p0 [hbm4b:s4+s0], $0x40, s1, s0, $0xb8;
	[tilespmem:$0x15000] =	vst v63  }
0x48: {  	s31 =	simm.s32 $0x3980;
	p2 =	sne.s32 s17, $0x800;
	_ =	swait.ge [sflag:s25], $0x2000  }
.Ltmp2:
0x49: {  	p1 =	sle.u32 s8, $0x3;
	[sflag:s25] =	ssyncset.done $0x0;
	(pc) =	sbr.rel @!p2 .LBB2_6-.Ltmp2, $4  }
0x4a: {  	s15 =	simm.s32 @!p1 $0x100;
	s14 =	simm.s32 @!p1 $0x80;
	[sflag:s25] =	ssyncadd.s32 $0xFFFFE000  }
0x4b: {  	[spmem:s2] =	stream.indirect.scatter.add.f32 [tilespmem:s26], [sflag:$0x4], $0x40, s31, s21, $0xb8;
	[tilespmem:$0x15000] =	vst v63  }
0x4c: {  	s0 =	simm.s32 $0x800;
	s1 =	simm.s32 $0x4;
	_ =	swait.ge [sflag:s28], $0x2000  }
0x4d: {  	s7 =	simm.s32 $0x2;
	p0 =	por $0x1, $0x1;
	[sflag:s28] =	ssyncset.done $0x0  }
.LBB2_7:
0x4e: {  	s15 =	sadd.s32 @!p1 $0x80, s15;
	s16 =	simm.s32 @!p1 $0x9200;
	[sflag:s28] =	ssyncadd.s32 $0xFFFFE000  }
0x4f: {  	[tilespmem:s16], [sflag:$0x2] =	stream.indirect.gather @!p1 [hbm4b:s4+s14], $0x40, s15, s14, $0xb8;
	[tilespmem:$0x15000] =	vst v63  }
0x50: {  	s14 =	smov.u32 s0;
	s0 =	sadd.s32 $0x400, s0;
	_ =	swait.ge [sflag:s22], $0x2000  }
0x51: {  	s15 =	sshra.s32 s6, $0x2;
	p2 =	sne.s32 s17, s0;
	[sflag:s22] =	ssyncset.done $0x0  }
0x52: {  	s16 =	sadd.s32 $0x3900, s15;
	[sflag:s22] =	ssyncadd.s32 $0xFFFFE000  }
0x53: {  	[spmem:s2] =	stream.indirect.scatter.add.f32 [tilespmem:s20], [sflag:$0x3], $0x40, s16, s21, $0xb8;
	[tilespmem:$0x15000] =	vst v63  }
0x54: {  	p1 =	sge.u32 s1, s8;
	_ =	swait.ge [sflag:s23], $0x2000  }
0x55: {  	s6 =	sshra.s32 @!p1 s6, $0x2;
	s16 =	simm.s32 @!p1 $0x80;
	[sflag:s23] =	ssyncset.done $0x0  }
0x56: {  	s19 =	simm.s32 @!p1 $0x7200;
	s6 =	sadd.s32 @!p1 $0x100, s6;
	[sflag:s23] =	ssyncadd.s32 $0xFFFFE000  }
0x57: {  	[tilespmem:s19], [sflag:$0x1] =	stream.indirect.gather @!p1 [hbm4b:s4+s16], $0x40, s6, s16, $0xb8;
	[tilespmem:$0x15000] =	vst v63  }
0x58: {  	s24 =	sadd.s32 $0x1, s7;
	s6 =	smov.u32 s14;
	_ =	swait.ge [sflag:s25], $0x2000  }
.Ltmp3:
0x59: {  	s1 =	sadd.s32 $0x2, s1;
	[sflag:s25] =	ssyncset.done $0x0;
	(pc) =	sbr.rel @p2 .LBB2_7-.Ltmp3, $4  }
0x5a: {  	s15 =	sadd.s32 $0x3980, s15;
	s14 =	sadd.s32 $0xFFFFFFFF, s1;
	[sflag:s25] =	ssyncadd.s32 $0xFFFFE000  }
0x5b: {  	[spmem:s2] =	stream.indirect.scatter.add.f32 [tilespmem:s26], [sflag:$0x4], $0x40, s15, s21, $0xb8;
	[tilespmem:$0x15000] =	vst v63  }
0x5c: {  	s7 =	smov.u32 s24;
	p1 =	sge.u32 s14, s8;
	_ =	swait.ge [sflag:s28], $0x2000  }
0x5d: {  	s14 =	simm.s32 @!p1 $0x80;
	s15 =	sshra.s32 @!p1 s6, $0x2;
	[sflag:s28] =	ssyncset.done $0x0  }
0x5e: {  	s7 =	smov.u32 s6  }
.LBB2_9:
0x5f: {  	s6 =	sadd.s32 @!p1 $0x80, s15;
	s15 =	simm.s32 @!p1 $0x9200;
	[sflag:s28] =	ssyncadd.s32 @p0 $0xFFFFE000  }
0x60: {  	[tilespmem:s15], [sflag:$0x2] =	stream.indirect.gather @!p1 [hbm4b:s4+s14], $0x40, s6, s14, $0xb8;
	[tilespmem:$0x15000] =	vst v63  }
0x61: {  	_ =	swait.ge [sflag:s22], $0x2000  }
0x62: {  	s16 =	sshra.s32 s7, $0x2;
	[sflag:s22] =	ssyncset.done $0x0  }
0x63: {  	s19 =	sadd.s32 $0x3900, s16;
	[sflag:s22] =	ssyncadd.s32 $0xFFFFE000  }
0x64: {  	[spmem:s2] =	stream.indirect.scatter.add.f32 [tilespmem:s20], [sflag:$0x3], $0x40, s19, s21, $0xb8;
	[tilespmem:$0x15000] =	vst v63  }
0x65: {  	p0 =	sge.u32 s1, s8;
	_ =	swait.ge [sflag:s23], $0x2000  }
0x66: {  	s7 =	sshra.s32 @!p0 s7, $0x2;
	s14 =	simm.s32 @!p0 $0x80;
	[sflag:s23] =	ssyncset.done $0x0  }
0x67: {  	s15 =	simm.s32 @!p0 $0x7200;
	s7 =	sadd.s32 @!p0 $0x100, s7;
	[sflag:s23] =	ssyncadd.s32 $0xFFFFE000  }
0x68: {  	[tilespmem:s15], [sflag:$0x1] =	stream.indirect.gather @!p0 [hbm4b:s4+s14], $0x40, s7, s14, $0xb8;
	[tilespmem:$0x15000] =	vst v63  }
0x69: {  	_ =	swait.ge [sflag:s25], $0x2000  }
0x6a: {  	s12 =	sadd.s32 $0x2, s1;
	[sflag:s25] =	ssyncset.done $0x0  }
0x6b: {  	s6 =	sadd.s32 $0x3980, s16;
	s13 =	sadd.s32 $0xFFFFFFFF, s12;
	[sflag:s25] =	ssyncadd.s32 $0xFFFFE000  }
0x6c: {  	[spmem:s2] =	stream.indirect.scatter.add.f32 [tilespmem:s26], [sflag:$0x4], $0x40, s6, s21, $0xb8;
	[tilespmem:$0x15000] =	vst v63  }
0x6d: {  	p0 =	sge.u32 s13, s8;
	_ =	swait.ge [sflag:s28], $0x2000  }
0x6e: {  	s7 =	simm.s32 @!p0 $0x9200;
	s6 =	sshra.s32 @!p0 s0, $0x2;
	[sflag:s28] =	ssyncset.done $0x0  }
0x6f: {  	s30 =	sadd.s32 @!p0 $0x80, s6;
	s6 =	simm.s32 @!p0 $0x80;
	[sflag:s28] =	ssyncadd.s32 $0xFFFFE000  }
0x70: {  	[tilespmem:s7], [sflag:$0x2] =	stream.indirect.gather @!p0 [hbm4b:s4+s6], $0x40, s30, s6, $0xb8;
	[tilespmem:$0x15000] =	vst v63  }
0x71: {  	_ =	swait.ge [sflag:s22], $0x2000  }
0x72: {  	s14 =	sshra.s32 s0, $0x2;
	[sflag:s22] =	ssyncset.done $0x0  }
0x73: {  	s31 =	sadd.s32 $0x3900, s14;
	[sflag:s22] =	ssyncadd.s32 $0xFFFFE000  }
0x74: {  	[spmem:s2] =	stream.indirect.scatter.add.f32 [tilespmem:s20], [sflag:$0x3], $0x40, s31, s21, $0xb8;
	[tilespmem:$0x15000] =	vst v63  }
0x75: {  	p1 =	sge.u32 s12, s8;
	_ =	swait.ge [sflag:s23], $0x2000  }
0x76: {  	s1 =	simm.s32 @!p1 $0x80;
	s0 =	sshra.s32 @!p1 s0, $0x2;
	[sflag:s23] =	ssyncset.done $0x0  }
0x77: {  	s0 =	sadd.s32 @!p1 $0x100, s0;
	s7 =	simm.s32 @!p1 $0x7200;
	[sflag:s23] =	ssyncadd.s32 $0xFFFFE000  }
0x78: {  	[tilespmem:s7], [sflag:$0x1] =	stream.indirect.gather @!p1 [hbm4b:s4+s1], $0x40, s0, s1, $0xb8;
	[tilespmem:$0x15000] =	vst v63  }
0x79: {  	_ =	swait.ge [sflag:s25], $0x2000  }
0x7a: {  	[sflag:s25] =	ssyncset.done $0x0  }
0x7b: {  	s19 =	sadd.s32 $0x3980, s14;
	[sflag:s25] =	ssyncadd.s32 $0xFFFFE000  }
0x7c: {  	[spmem:s2] =	stream.indirect.scatter.add.f32 [tilespmem:s26], [sflag:$0x4], $0x40, s19, s21, $0xb8;
	[tilespmem:$0x15000] =	vst v63  }
0x7d: {  	_ =	swait.ge [sflag:s28], $0x2000  }
0x7e: {  	[sflag:s28] =	ssyncset.done $0x0  }
0x7f: {  	s15 =	stileid.u32;
	[sflag:s28] =	ssyncadd.s32 $0xFFFFE000  }
0x80: {  	s1 =	sshll.u32 s15, $0x6;
	[bflag:$0x0] =	sbarrier.arrive $0xFFFF  }
0x81: {  	s6 =	sshrl.u32 s9, $0x3;
	s1 =	sor.u32 $0x1C05, s1;
	s16 =	rddreg [dreg:$0x7]  }
0x82: {  	[hbm:s16], [sflag:s1] =	dma.local [spmem:s6], $0x13C0  }
0x83: {  	_ =	swait.ge [sflag:s18], $0x13C0  }
0x84: {  	[sflag:s18] =	ssyncset.done $0x0  }
0x85: {  	[sflag:s18] =	ssyncadd.s32 $0xFFFFEC40  }
0x86: {  	s14 =	simm.s32 $0x100;
	s7 =	simm.s32 $0x0;
	[bflag:$0x0] =	sbarrier.arrive $0xFFFF  }
.LBB2_10:
0x87: {  	p2 =	sne.s32 s14, $0x7F00;
	[tilespmem:s7+$0x7230] =	vst v0;
	s15 =	smov.u32 s14;
	s14 =	sadd.s32 $0x100, s14  }
.Ltmp4:
0x88: {  	[tilespmem:s7+$0x7220] =	vst v0;
	(pc) =	sbr.rel @p2 .LBB2_10-.Ltmp4, $3  }
0x89: {  	[tilespmem:s7+$0x7200] =	vst v0  }
0x8a: {  	[tilespmem:s7+$0x7210] =	vst v0;
	_ =	sdelay $0x1  }
0x8b: {  	s7 =	sshra.s32 s15, $0x2  }
0x8c: {  	[tilespmem:s7+$0x7230] =	vst v0  }
0x8d: {  	[tilespmem:s7+$0x7220] =	vst v0  }
0x8e: {  	[tilespmem:s7+$0x7200] =	vst v0  }
0x8f: {  	[tilespmem:s7+$0x7210] =	vst v0  }
0x90: {  	[spmem:s9] =	stream.linear.scatter [tilespmem:s20], [sflag:$0x5], $0x2000, $0x38;
	[tilespmem:$0x15000] =	vst v63  }
0x91: {  	_ =	swait.ge [sflag:s18], $0x2000  }
0x92: {  	[sflag:s18] =	ssyncset.done $0x0  }
0x93: {  	[sflag:s18] =	ssyncadd.s32 $0xFFFFE000  }
0x94: {  	[spmem:s10] =	stream.linear.scatter [tilespmem:s20], [sflag:$0x5], $0x2000, $0x38;
	[tilespmem:$0x15000] =	vst v63  }
0x95: {  	_ =	swait.ge [sflag:s18], $0x2000  }
0x96: {  	[sflag:s18] =	ssyncset.done $0x0  }
0x97: {  	[sflag:s18] =	ssyncadd.s32 $0xFFFFE000  }
0x98: {  	[spmem:s11] =	stream.linear.scatter [tilespmem:s20], [sflag:$0x5], $0x2000, $0x38;
	[tilespmem:$0x15000] =	vst v63  }
0x99: {  	_ =	swait.ge [sflag:s18], $0x2000  }
0x9a: {  	[sflag:s18] =	ssyncset.done $0x0  }
0x9b: {  	s15 =	rddreg [dreg:$0x5];
	[sflag:s18] =	ssyncadd.s32 $0xFFFFE000  }
0x9c: {  	[spmem:s15] =	stream.linear.scatter [tilespmem:s20], [sflag:$0x5], $0x2000, $0x38;
	[tilespmem:$0x15000] =	vst v63  }
0x9d: {  	_ =	swait.ge [sflag:s18], $0x2000  }
0x9e: {  	[sflag:s18] =	ssyncset.done $0x0  }
0x9f: {  	s16 =	rddreg [dreg:$0x6];
	[sflag:s18] =	ssyncadd.s32 $0xFFFFE000  }
0xa0: {  	[spmem:s16] =	stream.linear.scatter [tilespmem:s20], [sflag:$0x5], $0x1E00, $0x38;
	[tilespmem:$0x15000] =	vst v63  }
0xa1: {  	s16 =	sadd.s32 $0xFFFFFFFF, s24  }
0xa2: {  	_ =	swait.ge [sflag:s18], $0x1E00;
	p3 =	sne.s32 s16, $0x0  }
.Ltmp5:
0xa3: {  	[sflag:s18] =	ssyncset.done $0x0;
	(pc) =	sbr.rel @!p3 .LBB2_14-.Ltmp5, $4  }
0xa4: {  	s12 =	smov.u32 s10;
	s14 =	simm.s32 $0x80;
	[sflag:s18] =	ssyncadd.s32 $0xFFFFE200  }
0xa5: {  	[tilespmem:s20], [sflag:$0x1] =	stream.indirect.gather [hbm4b:s5+s14], $0x40, s3, s14, $0xb8;
	[tilespmem:$0x15000] =	vst v63  }
0xa6: {  	s13 =	smov.u32 s11;
	s7 =	simm.s32 $0x3900;
	[bflag:$0x0] =	sbarrier.arrive $0xFFFF  }
0xa7: {  	p4 =	sle.u32 s8, $0x1;
	p2 =	por $0x0, $0x0;
	s15 =	simm.s32 $0x2  }
0xa8: {  	s15 =	simm.s32 @!p4 $0x80;
	s3 =	simm.s32 @!p4 $0x9200  }
0xa9: {  	[tilespmem:s3], [sflag:$0x2] =	stream.indirect.gather @!p4 [hbm4b:s5+s15], $0x40, s14, s15, $0xb8;
	[tilespmem:$0x15000] =	vst v63  }
0xaa: {  	_ =	swait.ge [sflag:s22], $0x2000  }
0xab: {  	[sflag:s22] =	ssyncset.done $0x0  }
0xac: {  	[sflag:s22] =	ssyncadd.s32 $0xFFFFE000  }
0xad: {  	[spmem:s2] =	stream.indirect.scatter.add.f32 [tilespmem:s20], [sflag:$0x3], $0x40, s7, s21, $0xb8;
	[tilespmem:$0x15000] =	vst v63  }
0xae: {  	p2 =	sle.u32 s8, $0x2;
	s16 =	sadd.s32 $0xFFFFFFFF, s16;
	_ =	swait.ge [sflag:s23], $0x2000  }
0xaf: {  	s3 =	simm.s32 @!p2 $0x100;
	s14 =	simm.s32 @!p2 $0x7200;
	[sflag:s23] =	ssyncset.done $0x0  }
0xb0: {  	p3 =	sne.s32 s16, $0x0;
	s7 =	simm.s32 @!p2 $0x80;
	[sflag:s23] =	ssyncadd.s32 $0xFFFFE000  }
0xb1: {  	[tilespmem:s14], [sflag:$0x1] =	stream.indirect.gather @!p2 [hbm4b:s5+s7], $0x40, s3, s7, $0xb8;
	[tilespmem:$0x15000] =	vst v63  }
.Ltmp6:
0xb2: {  	_ =	swait.ge [sflag:s25], $0x2000;
	(pc) =	sbr.rel @!p3 .LBB2_14-.Ltmp6, $4  }
0xb3: {  	s15 =	simm.s32 $0x3980;
	p4 =	sle.u32 s8, $0x3;
	[sflag:s25] =	ssyncset.done $0x0  }
0xb4: {  	s14 =	simm.s32 $0x180;
	s7 =	simm.s32 $0x3A00;
	[sflag:s25] =	ssyncadd.s32 $0xFFFFE000  }
0xb5: {  	[spmem:s2] =	stream.indirect.scatter.add.f32 [tilespmem:s26], [sflag:$0x4], $0x40, s15, s21, $0xb8;
	[tilespmem:$0x15000] =	vst v63  }
0xb6: {  	p2 =	por $0x1, $0x1;
	s15 =	simm.s32 $0x4;
	_ =	swait.ge [sflag:s28], $0x2000  }
.LBB2_13:
0xb7: {  	s3 =	simm.s32 @!p4 $0x80;
	s10 =	simm.s32 @!p4 $0x9200;
	[sflag:s28] =	ssyncset.done $0x0  }
0xb8: {  	s16 =	sadd.s32 $0xFFFFFFFF, s16;
	[sflag:s28] =	ssyncadd.s32 $0xFFFFE000  }
0xb9: {  	[tilespmem:s10], [sflag:$0x2] =	stream.indirect.gather @!p4 [hbm4b:s5+s3], $0x40, s14, s3, $0xb8;
	[tilespmem:$0x15000] =	vst v63  }
0xba: {  	p3 =	sne.s32 s16, $0x0;
	_ =	swait.ge [sflag:s22], $0x2000  }
0xbb: {  	[sflag:s22] =	ssyncset.done $0x0  }
0xbc: {  	[sflag:s22] =	ssyncadd.s32 $0xFFFFE000  }
0xbd: {  	[spmem:s2] =	stream.indirect.scatter.add.f32 [tilespmem:s20], [sflag:$0x3], $0x40, s7, s21, $0xb8;
	[tilespmem:$0x15000] =	vst v63  }
0xbe: {  	p4 =	sge.u32 s15, s8;
	_ =	swait.ge [sflag:s23], $0x2000  }
0xbf: {  	s3 =	sadd.s32 @!p4 $0x80, s14;
	s10 =	simm.s32 @!p4 $0x80;
	[sflag:s23] =	ssyncset.done $0x0  }
0xc0: {  	s11 =	simm.s32 @!p4 $0x7200;
	[sflag:s23] =	ssyncadd.s32 $0xFFFFE000  }
0xc1: {  	[tilespmem:s11], [sflag:$0x1] =	stream.indirect.gather @!p4 [hbm4b:s5+s10], $0x40, s3, s10, $0xb8;
	[tilespmem:$0x15000] =	vst v63  }
.Ltmp7:
0xc2: {  	_ =	swait.ge [sflag:s25], $0x2000;
	(pc) =	sbr.rel @p3 .LBB2_13-.Ltmp7, $4  }
0xc3: {  	s15 =	sadd.s32 $0x2, s15;
	s3 =	sadd.s32 $0x80, s7;
	[sflag:s25] =	ssyncset.done $0x0  }
0xc4: {  	s14 =	sadd.s32 $0x100, s14;
	s10 =	sadd.s32 $0xFFFFFFFF, s15;
	[sflag:s25] =	ssyncadd.s32 $0xFFFFE000  }
0xc5: {  	[spmem:s2] =	stream.indirect.scatter.add.f32 [tilespmem:s26], [sflag:$0x4], $0x40, s3, s21, $0xb8;
	[tilespmem:$0x15000] =	vst v63  }
0xc6: {  	s7 =	sadd.s32 $0x100, s7;
	p4 =	sge.u32 s10, s8;
	_ =	swait.ge [sflag:s28], $0x2000  }
.LBB2_14:
0xc7: {  	[sflag:s28] =	ssyncset.done @p2 $0x0  }
0xc8: {  	s3 =	simm.s32 @!p4 $0x80;
	s10 =	simm.s32 @!p4 $0x9200;
	[sflag:s28] =	ssyncadd.s32 @p2 $0xFFFFE000  }
0xc9: {  	[tilespmem:s10], [sflag:$0x2] =	stream.indirect.gather @!p4 [hbm4b:s5+s3], $0x40, s14, s3, $0xb8;
	[tilespmem:$0x15000] =	vst v63  }
0xca: {  	_ =	swait.ge [sflag:s22], $0x2000  }
0xcb: {  	[sflag:s22] =	ssyncset.done $0x0  }
0xcc: {  	[sflag:s22] =	ssyncadd.s32 $0xFFFFE000  }
0xcd: {  	[spmem:s2] =	stream.indirect.scatter.add.f32 [tilespmem:s20], [sflag:$0x3], $0x40, s7, s21, $0xb8;
	[tilespmem:$0x15000] =	vst v63  }
0xce: {  	p2 =	sge.u32 s15, s8;
	_ =	swait.ge [sflag:s23], $0x2000  }
0xcf: {  	s3 =	sadd.s32 @!p2 $0x80, s14;
	[sflag:s23] =	ssyncset.done $0x0  }
0xd0: {  	s10 =	simm.s32 @!p2 $0x80;
	s11 =	simm.s32 @!p2 $0x7200;
	[sflag:s23] =	ssyncadd.s32 $0xFFFFE000  }
0xd1: {  	[tilespmem:s11], [sflag:$0x1] =	stream.indirect.gather @!p2 [hbm4b:s5+s10], $0x40, s3, s10, $0xb8;
	[tilespmem:$0x15000] =	vst v63  }
0xd2: {  	_ =	swait.ge [sflag:s25], $0x2000  }
0xd3: {  	[sflag:s25] =	ssyncset.done $0x0  }
0xd4: {  	s16 =	sadd.s32 $0x80, s7;
	[sflag:s25] =	ssyncadd.s32 $0xFFFFE000  }
0xd5: {  	[spmem:s2] =	stream.indirect.scatter.add.f32 [tilespmem:s26], [sflag:$0x4], $0x40, s16, s21, $0xb8;
	[tilespmem:$0x15000] =	vst v63  }
0xd6: {  	_ =	swait.ge [sflag:s28], $0x2000  }
0xd7: {  	[sflag:s28] =	ssyncset.done $0x0  }
0xd8: {  	s7 =	simm.s32 @!p0 $0x9200;
	s3 =	simm.s32 @!p0 $0x80;
	[sflag:s28] =	ssyncadd.s32 $0xFFFFE000  }
0xd9: {  	[tilespmem:s7], [sflag:$0x2] =	stream.indirect.gather @!p0 [hbm4b:s5+s3], $0x40, s30, s3, $0xb8;
	[tilespmem:$0x15000] =	vst v63  }
0xda: {  	_ =	swait.ge [sflag:s22], $0x2000  }
0xdb: {  	[sflag:s22] =	ssyncset.done $0x0  }
0xdc: {  	[sflag:s22] =	ssyncadd.s32 $0xFFFFE000  }
0xdd: {  	[spmem:s2] =	stream.indirect.scatter.add.f32 [tilespmem:s20], [sflag:$0x3], $0x40, s31, s21, $0xb8;
	[tilespmem:$0x15000] =	vst v63  }
0xde: {  	_ =	swait.ge [sflag:s23], $0x2000  }
0xdf: {  	[sflag:s23] =	ssyncset.done $0x0  }
0xe0: {  	s3 =	simm.s32 @!p1 $0x80;
	s7 =	simm.s32 @!p1 $0x7200;
	[sflag:s23] =	ssyncadd.s32 $0xFFFFE000  }
0xe1: {  	[tilespmem:s7], [sflag:$0x1] =	stream.indirect.gather @!p1 [hbm4b:s5+s3], $0x40, s0, s3, $0xb8;
	[tilespmem:$0x15000] =	vst v63  }
0xe2: {  	_ =	swait.ge [sflag:s25], $0x2000  }
0xe3: {  	[sflag:s25] =	ssyncset.done $0x0  }
0xe4: {  	[sflag:s25] =	ssyncadd.s32 $0xFFFFE000  }
0xe5: {  	[spmem:s2] =	stream.indirect.scatter.add.f32 [tilespmem:s26], [sflag:$0x4], $0x40, s19, s21, $0xb8;
	[tilespmem:$0x15000] =	vst v63  }
0xe6: {  	_ =	swait.ge [sflag:s28], $0x2000  }
0xe7: {  	[sflag:s28] =	ssyncset.done $0x0  }
0xe8: {  	[sflag:s28] =	ssyncadd.s32 $0xFFFFE000  }
0xe9: {  	[bflag:$0x0] =	sbarrier.arrive $0xFFFF  }
0xea: {  	s30 =	rddreg [dreg:$0x8]  }
0xeb: {  	[hbm:s30], [sflag:s1] =	dma.local [spmem:s6], $0x13C0  }
0xec: {  	_ =	swait.ge [sflag:s18], $0x13C0  }
0xed: {  	s29 =	sadd.s32 $0x1, s29;
	s31 =	rddreg [dreg:$0x9]  }
0xee: {  	p0 =	sne.s32 s29, s31  }
.Ltmp8:
0xef: {  	_ = 	snop;
	(pc) =	sbr.rel @p0 .LBB2_1-.Ltmp8, $4  }
.Ltmp9:
0xf0: {  	[sflag:s18] =	ssyncset.done $0x0;
	(pc) =	sbr.rel @!p0 .LBB2_15-.Ltmp9, $4  }
0xf1: {  	[sflag:s18] =	ssyncadd.s32 $0xFFFFEC40  }
0xf2: {  	[bflag:$0x0] =	sbarrier.arrive $0xFFFF  }
0xf3: {  	s10 =	smov.u32 s12;
	s11 =	smov.u32 s13  }
0xf4: {  	_ = 	snop  }
.LBB2_4:
.Ltmp10:
0xf5: {  	(pc) =	sbr.rel .LBB2_9-.Ltmp10, $2  }
0xf6: {  	_ =	sdelay $0x2  }
0xf7: {  	s0 =	simm.s32 $0x400  }
.LBB2_6:
.Ltmp11:
0xf8: {  	(pc) =	sbr.rel .LBB2_9-.Ltmp11, $2  }
0xf9: {  	_ =	sdelay $0x2  }
0xfa: {  	s7 =	simm.s32 $0x400  }
.LBB2_15:
0xfb: {  	_ =	sfence.sel $0x180000  }
0xfc: {  	[bflag:$0x0] =	sbarrier.arrive $0xFFFF  }
0xfd: {  	_ =	strace $0x9000004A  }
0xfe: {  	s0 =	stileid.u32;
	[bflag:$0x2] =	sbarrier.arrive $0xFFFF  }
0xff: {  	p0 =	sne.s32 s0, $0x0;
	s0 =	rddreg [dreg:$0x2]  }
0x100: {  	s0 =	sadd.s32 @!p0 $0x100000, s0  }
0x101: {  	[sflag:s0] =	ssyncadd.tile.s32 @!p0 $0x1;
	_ =	shalt  }
.Lfunc_end2:
_tile_overlayer_lowered:
.L_overlay_start_2:
0x102: {  	(tag) =	ssettag $0x2  }
0x103: {  	s0 =	rddreg [dreg:$0x0];
	s2 =	stileid.u32  }
0x104: {  	s1 =	rddreg [dreg:$0x1];
	p0 =	sne.s32 s2, $0x0  }
0x105: {  	s3 =	rddreg [dreg:$0x2];
	[bflag:$0x3] =	sbarrier.arrive $0xFFFF;
	s2 =	simm.s32 @!p0 $0x1C05  }
0x106: {  	[timem:s3], [sflag:s2] =	dma.local @!p0 [hbm:s0], s1  }
0x107: {  	s0 =	simm.s32 @!p0 $0x5  }
0x108: {  	_ =	swait.ge @!p0 [sflag:s0], s1  }
0x109: {  	s1 =	ssub.s32 @!p0 $0x0, s1;
	[sflag:s0] =	ssyncset.done @!p0 $0x0  }
0x10a: {  	[sflag:s0] =	ssyncadd.s32 @!p0 s1  }
0x10b: {  	[bflag:$0x3] =	sbarrier.arrive $0xFFFF  }
0x10c: {  	_ =	shalt  }

// kernel: kernel.14.cloned.1.call-start
scs
__scs_entry_jumppad:
0x0: {  	(pc) =	sbr.rel $0x88, $3  }
0x1: {  	(tag) =	ssettag $0x0;
	lr =	simm.s32 $0x1  }
0x2: {  	[smem:$0x3F97] =	sst lr;
	_ =	strace $0xD0000000  }
0x3: {  	_ = 	snop  }
0x4: {  	_ = 	snop  }
0x5: {  	_ = 	snop  }
0x6: {  	_ = 	snop  }
0x7: {  	_ = 	snop  }
__scs_overlays_trampoline_lowered:
0x8: {  	[smem:$0x3FA6] =	sst s0  }
0x9: {  	[smem:$0x3FA7] =	sst s1  }
0xa: {  	[smem:$0x3FA8] =	sst s2  }
0xb: {  	[smem:$0x3FA9] =	sst s3  }
0xc: {  	[smem:$0x3FAA] =	sst s4  }
0xd: {  	[smem:$0x3FAB] =	sst s5  }
0xe: {  	[smem:$0x3FAC] =	sst s6  }
0xf: {  	[smem:$0x3FAD] =	sst s7  }
0x10: {  	[smem:$0x3FAE] =	sst s8  }
0x11: {  	[smem:$0x3FAF] =	sst s9;
	s0 =	simm.s32 @!p0 $0x0  }
0x12: {  	s1 =	sld [smem:$0x3F95];
	s0 =	simm.s32 @p0 $0x1  }
0x13: {  	[smem:$0x3FB0] =	sst s0;
	s0 =	simm.s32 @!p1 $0x0  }
0x14: {  	s2 =	sld [smem:$0x3F94];
	s0 =	simm.s32 @p1 $0x1  }
0x15: {  	[smem:$0x3FB1] =	sst s0;
	s0 =	simm.s32 @!p2 $0x0  }
0x16: {  	s3 =	sld [smem:$0x3FDB];
	s0 =	simm.s32 @p2 $0x1  }
0x17: {  	s4 =	simm.s32 $0x1BF5;
	[smem:$0x3FB3] =	sst s0  }
0x18: {  	s0 =	sld [smem:$0x3F96];
	_ =	swait.ge [sflag:s4], $0x0  }
0x19: {  	s7 =	sld [smem:$0x3F97]  }
0x1a: {  	s8 =	sadd.s32 $0xFFFFE003, lr  }
0x1b: {  	s9 =	sadd.s32 $0xFFFFFEF7, lr;
	s5 =	simm.s32 $0xFFFFFFFF;
	p2 =	slt.u32 s8, $0xFFFFF086  }
0x1c: {  	p1 =	slt.u32 s9, $0xF7A;
	s5 =	simm.s32 @!p2 $0x0  }
0x1d: {  	s5 =	simm.s32 @p1 $0x1;
	p0 =	seq.s32 s7, s2  }
0x1e: {  	s7 =	smul.u32 @!p0 $0xF7A, s2;
	p2 =	seq.s32 @!p0 s5, $0x0  }
0x1f: {  	s9 =	smul.u32 $0xF7A, s1;
	s8 =	simm.s32 @!p0 $0x1BF5;
	p2 =	por !p2, p0  }
0x20: {  	[sflag:s8] =	ssyncset.s32 @!p0 $0xFFFFF086;
	s6 =	sadd.s32 @!p0 s3, s7;
	s7 =	simm.s32 @!p0 $0x108  }
0x21: {  	s3 =	sadd.s32 s3, s9;
	s6 =	sadd.s32 @!p0 $0x88, s6;
	s7 =	simm.s32 @p2 $0x1082  }
0x22: {  	[simem:s7], [sflag:s8] =	dma.local @!p0 [hbm:s6], $0xF7A  }
0x23: {  	s9 =	sor.u32 $0xD0000000, s2;
	s6 =	simm.s32 $0x108;
	_ =	swait.ge @!p0 [sflag:s8], $0x0  }
0x24: {  	s3 =	sadd.s32 $0x88, s3;
	s6 =	simm.s32 @!p1 $0x1082;
	[sflag:s4] =	ssyncset.s32 $0xFFFFF086  }
0x25: {  	[simem:s6], [sflag:s4] =	dma.local [hbm:s3], $0xF7A  }
0x26: {  	[smem:$0x3F97] =	sst s1;
	(tag) =	ssettag s2;
	_ =	strace s9  }
0x27: {  	s1 =	sld [smem:$0x3FA7]  }
0x28: {  	s2 =	sld [smem:$0x3FA8]  }
0x29: {  	s4 =	sld [smem:$0x3FAA]  }
0x2a: {  	p0 =	seq.s32 s5, $0x0;
	s5 =	sld [smem:$0x3FAB]  }
0x2b: {  	s6 =	sld [smem:$0x3FAC]  }
0x2c: {  	s7 =	sld [smem:$0x3FAD]  }
0x2d: {  	s3 =	simm.s32 $0x108;
	s8 =	sld [smem:$0x3FAE]  }
0x2e: {  	s3 =	simm.s32 @!p0 $0x1082;
	s9 =	sld [smem:$0x3FAF]  }
0x2f: {  	lr =	sadd.s32 s0, s3;
	s0 =	sld [smem:$0x3FA6]  }
0x30: {  	s3 =	sld [smem:$0x3FA9]  }
0x31: {  	[smem:$0x3FB2] =	sst s10  }
0x32: {  	s10 =	sld [smem:$0x3FB0];
	_ =	sdelay $0x3  }
0x33: {  	p0 =	seq.s32 s10, $0x1;
	s10 =	sld [smem:$0x3FB2];
	_ =	sdelay $0x3  }
0x34: {  	[smem:$0x3FB2] =	sst s10  }
0x35: {  	s10 =	sld [smem:$0x3FB1];
	_ =	sdelay $0x3  }
0x36: {  	p1 =	seq.s32 s10, $0x1;
	s10 =	sld [smem:$0x3FB2];
	_ =	sdelay $0x3  }
0x37: {  	[smem:$0x3FB2] =	sst s10  }
0x38: {  	s10 =	sld [smem:$0x3FB3]  }
0x39: {  	_ = 	snop;
	(pc) =	sbr.ind lr, $3  }
0x3a: {  	_ = 	snop  }
0x3b: {  	_ = 	snop  }
0x3c: {  	p2 =	seq.s32 s10, $0x1;
	s10 =	sld [smem:$0x3FB2]  }
0x3d: {  	_ =	shalt  }
0x3e: {  	_ =	shalt  }
0x3f: {  	_ =	shalt  }
0x40: {  	_ =	shalt  }
0x41: {  	_ =	shalt  }
0x42: {  	_ =	shalt  }
0x43: {  	_ =	shalt  }
0x44: {  	_ =	shalt  }
0x45: {  	_ =	shalt  }
0x46: {  	_ =	shalt  }
0x47: {  	_ =	shalt  }
0x48: {  	_ =	shalt  }
0x49: {  	_ =	shalt  }
0x4a: {  	_ =	shalt  }
0x4b: {  	_ =	shalt  }
0x4c: {  	_ =	shalt  }
0x4d: {  	_ =	shalt  }
0x4e: {  	_ =	shalt  }
0x4f: {  	_ =	shalt  }
0x50: {  	_ =	shalt  }
0x51: {  	_ =	shalt  }
0x52: {  	_ =	shalt  }
0x53: {  	_ =	shalt  }
0x54: {  	_ =	shalt  }
0x55: {  	_ =	shalt  }
0x56: {  	_ =	shalt  }
0x57: {  	_ =	shalt  }
0x58: {  	_ =	shalt  }
0x59: {  	_ =	shalt  }
0x5a: {  	_ =	shalt  }
0x5b: {  	_ =	shalt  }
0x5c: {  	_ =	shalt  }
0x5d: {  	_ =	shalt  }
0x5e: {  	_ =	shalt  }
0x5f: {  	_ =	shalt  }
0x60: {  	_ =	shalt  }
0x61: {  	_ =	shalt  }
0x62: {  	_ =	shalt  }
0x63: {  	_ =	shalt  }
0x64: {  	_ =	shalt  }
0x65: {  	_ =	shalt  }
0x66: {  	_ =	shalt  }
0x67: {  	_ =	shalt  }
0x68: {  	_ =	shalt  }
0x69: {  	_ =	shalt  }
0x6a: {  	_ =	shalt  }
0x6b: {  	_ =	shalt  }
0x6c: {  	_ =	shalt  }
0x6d: {  	_ =	shalt  }
0x6e: {  	_ =	shalt  }
0x6f: {  	_ =	shalt  }
0x70: {  	_ =	shalt  }
0x71: {  	_ =	shalt  }
0x72: {  	_ =	shalt  }
0x73: {  	_ =	shalt  }
0x74: {  	_ =	shalt  }
0x75: {  	_ =	shalt  }
0x76: {  	_ =	shalt  }
0x77: {  	_ =	shalt  }
0x78: {  	_ =	shalt  }
0x79: {  	_ =	shalt  }
0x7a: {  	_ =	shalt  }
0x7b: {  	_ =	shalt  }
0x7c: {  	_ =	shalt  }
0x7d: {  	_ =	shalt  }
0x7e: {  	_ =	shalt  }
0x7f: {  	_ =	shalt  }
0x80: {  	_ =	shalt  }
0x81: {  	_ =	shalt  }
0x82: {  	_ =	shalt  }
0x83: {  	_ =	shalt  }
0x84: {  	_ =	shalt  }
0x85: {  	_ =	shalt  }
0x86: {  	_ =	shalt  }
0x87: {  	_ =	shalt  }
.Lfunc_end0:
.L_simem_size_0:
called_computation.2_lowered:
.L_overlay_start_0:
0x88: {  	s2 =	sld [smem:$0x3FD9]  }
0x89: {  	s3 =	sld [smem:$0x3FFE];
	_ =	sdelay $0x1  }
0x8a: {  	s1 =	srdreg.scid  }
0x8b: {  	s0 =	sand.u32 $0x1, s1  }
0x8c: {  	s16 =	sshll.u32 s0, $0xA;
	s2 =	sadd.s32 s3, s2  }
0x8d: {  	s2 =	sadd.s32 s2, s16  }
0x8e: {  	[smem:$0x3FBE] =	sst s2  }
0x8f: {  	_ = 	snop  }
0x90: {  	(tm) =	ssettm $0x1  }
0x91: {  	s17 =	sld [smem:$0x3FFB];
	_ =	sdelay $0x3  }
0x92: {  	_ =	strace s17  }
0x93: {  	s2 =	sld [smem:$0x3FFC];
	_ =	sdelay $0x3  }
0x94: {  	_ =	strace s2  }
0x95: {  	s2 =	sld [smem:$0x3FFD];
	_ =	sdelay $0x3  }
0x96: {  	_ =	strace s2  }
0x97: {  	_ =	strace $0x8FFFFFFF  }
0x98: {  	s18 =	sld [smem:$0x3FDB];
	_ =	sdelay $0x1  }
0x99: {  	s19 =	simm.s32 $_scs_section_size  }
0x9a: {  	s4 =	simm.s32 $_size__tile_overlayer_lowered;
	s5 =	simm.s32 $_tile_overlayer_lowered  }
0x9b: {  	s22 =	simm.s32 $0x1BFF;
	s21 =	sshll.u32 s5, $0x1;
	s2 =	sadd.s32 s19, s18  }
0x9c: {  	s6 =	simm.s32 $0x0;
	s20 =	sshll.u32 s4, $0x1;
	s4 =	sadd.s32 s21, s2  }
0x9d: {  	[timem:s6], [sflag:s22] =	dma.local [hbm:s4], s20  }
0x9e: {  	_ =	swait.ge [sflag:s22], s20  }
0x9f: {  	s3 =	ssub.s32 $0x0, s20;
	[sflag:s22] =	ssyncset.done $0x0  }
0xa0: {  	[sflag:s22] =	ssyncadd.s32 s3;
	_ =	sdelay $0x1  }
0xa1: {  	s23 =	simm.s32 $0x1B8B  }
0xa2: {  	_ =	swait.ge [sflag:s23], $0x1  }
0xa3: {  	[sflag:s23] =	ssyncset.done $0x0  }
0xa4: {  	s25 =	simm.s32 $0x1B8E;
	s24 =	sld [smem:$0x3FFE];
	[sflag:s23] =	ssyncadd.s32 $0xFFFFFFFF  }
0xa5: {  	s26 =	simm.s32 $execute0_lowered;
	[smem:$0x3FD2] =	sst s25  }
0xa6: {  	s4 =	sshll.u32 s26, $0x1;
	_ =	strace $0x8000004C;
	[dreg:$0x1] =	wrdreg $0xFFFFFFFF  }
0xa7: {  	s28 =	simm.s32 $_size_execute0_lowered;
	s2 =	sadd.s32 s2, s4;
	[dreg:$0x0] =	wrdreg $0x0  }
0xa8: {  	s4 =	sshll.u32 s28, $0x1;
	[dreg:$0x2] =	wrdreg s2  }
0xa9: {  	[dreg:$0x3] =	wrdreg s4  }
0xaa: {  	[dreg:$0x4] =	wrdreg $0xC0  }
0xab: {  	_ =	task [dreg:s6], $0x5FFFF  }
0xac: {  	[dreg:$0x1] =	wrdreg $0xFFFFFFFF  }
0xad: {  	[dreg:$0x0] =	wrdreg $0x60  }
0xae: {  	[dreg:$0x2] =	wrdreg s24  }
0xaf: {  	[dreg:$0x3] =	wrdreg $0xB2000  }
0xb0: {  	[dreg:$0x4] =	wrdreg $0x9  }
0xb1: {  	_ =	task.clear_ibuf [dreg:s6], $0x5FFFF;
	_ =	strace $0x9000004C  }
0xb2: {  	s29 =	simm.s32 $0x9;
	_ =	strace $0x8000004E  }
0xb3: {  	_ =	swait.ge [sflag:s29], $0x1  }
0xb4: {  	[sflag:s29] =	ssyncadd.s32 $0xFFFFFFFF  }
0xb5: {  	_ =	strace $0x9000004E  }
0xb6: {  	_ =	sfence  }
0xb7: {  	s30 =	sld [smem:$0x0];
	_ =	sdelay $0x2  }
0xb8: {  	s31 =	sshll.u32 s1, $0xD;
	s1 =	sshrl.u32 s1, $0x2  }
0xb9: {  	s3 =	sand.u32 $0x4000, s31;
	s1 =	sadd.s32 s1, s30  }
0xba: {  	s0 =	sor.u32 s3, s0;
	s1 =	sshll.u32 s1, $0x11  }
0xbb: {  	s0 =	sor.u32 s1, s0  }
0xbc: {  	s0 =	sadd.s32 $0x8F2B, s0  }
0xbd: {  	[sflag:s0] =	ssyncadd.remote.s32 $0x1  }
0xbe: {  	_ =	sfence.sel $0xFFFF  }
0xbf: {  	[dreg:$0x0] =	wrdreg $0xFFFFFFFF;
	(pc) =	sbr.abs _section_cstart, $3  }
0xc0: {  	[dreg:$0x1] =	wrdreg $0xFFFFFFFF  }
0xc1: {  	_ =	task.clear_ibuf [dreg:s6], $0x2FFFF;
	_ =	strace $0x9FFFFFFF  }
0xc2: {  	(tm) =	ssettm $0x7FFFFFFF  }
0xc3: {  	_ =	shalt  }
tec
execute0_lowered:
.L_overlay_start_1:
0x0: {  	(tag) =	ssettag $0x1  }
0x1: {  	s0 =	rddreg [dreg:$0x0]  }
0x2: {  	s2 =	rddreg [dreg:$0x1]  }
0x3: {  	s4 =	simm.s32 $0x0;
	s1 =	srdreg.scid;
	s3 =	stileid.u32  }
0x4: {  	s18 =	simm.s32 $0x5;
	s28 =	simm.s32 $0x4;
	s29 =	simm.s32 $0x0  }
0x5: {  	[smem:$0x7FF] =	sst s4;
	s1 =	sand.u32 $0x1, s1;
	s6 =	smul.u32 $0x9E00, s3  }
0x6: {  	s4 =	sadd.s32 $0xDB200, s0;
	s5 =	sadd.s32 $0xC7800, s0;
	s11 =	smul.u32 $0x27800, s3  }
0x7: {  	_ =	strace $0x8000004D;
	s7 =	sshll.u32 s1, $0x4;
	s8 =	smul.u32 $0x9E000, s1  }
0x8: {  	s9 =	ssub.s32 $0x2, s1;
	p0 =	seq.s32 s1, $0x0;
	s7 =	sor.u32 s3, s7  }
0x9: {  	s10 =	sshrl.u32 s9, $0x1;
	s22 =	sshrl.u32 s11, $0x2;
	s7 =	smul.u32 $0x720, s7  }
0xa: {  	s8 =	sadd.s32 s6, s8;
	s14 =	ssub.s32 s9, s10;
	s23 =	sadd.s32 s22, s2  }
0xb: {  	s9 =	sadd.s32 s6, s2;
	s22 =	simm.s32 $0x1;
	s8 =	sshrl.u32 s8, $0x3  }
0xc: {  	s10 =	sadd.s32 $0x2000, s23;
	s11 =	sadd.s32 $0x4000, s23;
	s25 =	sadd.s32 $0x6000, s23  }
0xd: {  	s1 =	sadd.s32 $0x8000, s23;
	s31 =	smax.u32 s14, $0x1;
	[dreg:$0x5] =	wrdreg s25  }
0xe: {  	s23 =	simm.s32 $0x3;
	s7 =	sadd.s32 s7, s0;
	[dreg:$0x6] =	wrdreg s1  }
0xf: {  	s0 =	sadd.s32 s8, s0;
	[dreg:$0x9] =	wrdreg s31;
	s20 =	sadd.s32 $0x1C000, s7  }
0x10: {  	s8 =	simm.s32 $0x72;
	s21 =	sadd.s32 $0x3E00, s7;
	[dreg:$0x3] =	wrdreg s20  }
0x11: {  	s25 =	simm.s32 $0x2;
	s26 =	sadd.s32 $0xEEC00, s0;
	[dreg:$0x4] =	wrdreg s21  }
0x12: {  	s8 =	simm.s32 @!p0 $0x2C;
	s0 =	sadd.s32 $0x116400, s0;
	[dreg:$0x7] =	wrdreg s26  }
0x13: {  	[dreg:$0x8] =	wrdreg s0;
	s30 =	sshll.u32 s8, $0x9;
	s20 =	simm.s32 $0x7200  }
0x14: {  	v0 =	vimm.f32 $0.0e+00;
	s21 =	simm.s32 $0x80;
	s26 =	simm.s32 $0x9200;
	s17 =	sadd.s32 $0xFFFFFC00, s30  }
.LBB2_1:
0x15: {  	s0 =	simm.s32 $0x0;
	s1 =	rddreg [dreg:$0x3]  }
0x16: {  	[tilespmem:s0], [sflag:$0x5] =	stream.linear.gather [hbm4b:s1+s0], $0x3900, $0x38;
	[tilespmem:$0x15000] =	vst v63  }
0x17: {  	_ =	swait.ge [sflag:s18], $0x3900  }
0x18: {  	[sflag:s18] =	ssyncset.done $0x0  }
0x19: {  	s6 =	simm.s32 $0x3900;
	s31 =	rddreg [dreg:$0x4];
	[sflag:s18] =	ssyncadd.s32 $0xFFFFC700  }
0x1a: {  	[tilespmem:s6], [sflag:$0x5] =	stream.linear.gather [hbm4b:s31+s0], $0x3900, $0x38;
	[tilespmem:$0x15000] =	vst v63  }
0x1b: {  	_ =	swait.ge [sflag:s18], $0x3900  }
0x1c: {  	s3 =	simm.s32 $0x0;
	[sflag:s18] =	ssyncset.done $0x0  }
0x1d: {  	s1 =	simm.s32 $0x100;
	s0 =	simm.s32 $0x0;
	[sflag:s18] =	ssyncadd.s32 $0xFFFFC700  }
.LBB2_2:
0x1e: {  	p0 =	sne.s32 s1, $0x7F00;
	[tilespmem:s0+$0x7230] =	vst v0;
	s6 =	smov.u32 s1;
	s1 =	sadd.s32 $0x100, s1  }
.Ltmp0:
0x1f: {  	[tilespmem:s0+$0x7220] =	vst v0;
	(pc) =	sbr.rel @p0 .LBB2_2-.Ltmp0, $3  }
0x20: {  	[tilespmem:s0+$0x7200] =	vst v0  }
0x21: {  	[tilespmem:s0+$0x7210] =	vst v0;
	_ =	sdelay $0x1  }
0x22: {  	s0 =	sshra.s32 s6, $0x2  }
0x23: {  	[tilespmem:s0+$0x7230] =	vst v0  }
0x24: {  	[tilespmem:s0+$0x7220] =	vst v0  }
0x25: {  	[tilespmem:s0+$0x7200] =	vst v0  }
0x26: {  	[tilespmem:s0+$0x7210] =	vst v0  }
0x27: {  	[spmem:s9] =	stream.linear.scatter [tilespmem:s20], [sflag:$0x5], $0x2000, $0x38;
	[tilespmem:$0x15000] =	vst v63  }
0x28: {  	_ =	swait.ge [sflag:s18], $0x2000  }
0x29: {  	[sflag:s18] =	ssyncset.done $0x0  }
0x2a: {  	[sflag:s18] =	ssyncadd.s32 $0xFFFFE000  }
0x2b: {  	[spmem:s10] =	stream.linear.scatter [tilespmem:s20], [sflag:$0x5], $0x2000, $0x38;
	[tilespmem:$0x15000] =	vst v63  }
0x2c: {  	_ =	swait.ge [sflag:s18], $0x2000  }
0x2d: {  	[sflag:s18] =	ssyncset.done $0x0  }
0x2e: {  	[sflag:s18] =	ssyncadd.s32 $0xFFFFE000  }
0x2f: {  	[spmem:s11] =	stream.linear.scatter [tilespmem:s20], [sflag:$0x5], $0x2000, $0x38;
	[tilespmem:$0x15000] =	vst v63  }
0x30: {  	_ =	swait.ge [sflag:s18], $0x2000  }
0x31: {  	[sflag:s18] =	ssyncset.done $0x0  }
0x32: {  	s30 =	rddreg [dreg:$0x5];
	[sflag:s18] =	ssyncadd.s32 $0xFFFFE000  }
0x33: {  	[spmem:s30] =	stream.linear.scatter [tilespmem:s20], [sflag:$0x5], $0x2000, $0x38;
	[tilespmem:$0x15000] =	vst v63  }
0x34: {  	_ =	swait.ge [sflag:s18], $0x2000  }
0x35: {  	[sflag:s18] =	ssyncset.done $0x0  }
0x36: {  	s31 =	rddreg [dreg:$0x6];
	[sflag:s18] =	ssyncadd.s32 $0xFFFFE000  }
0x37: {  	[spmem:s31] =	stream.linear.scatter [tilespmem:s20], [sflag:$0x5], $0x1E00, $0x38;
	[tilespmem:$0x15000] =	vst v63  }
0x38: {  	p2 =	sne.s32 s17, $0x400;
	_ =	swait.ge [sflag:s18], $0x1E00  }
.Ltmp1:
0x39: {  	[sflag:s18] =	ssyncset.done $0x0;
	(pc) =	sbr.rel @!p2 .LBB2_4-.Ltmp1, $4  }
0x3a: {  	s7 =	simm.s32 $0x0;
	s1 =	simm.s32 $0x2;
	[sflag:s18] =	ssyncadd.s32 $0xFFFFE200  }
0x3b: {  	[tilespmem:s20], [sflag:$0x1] =	stream.indirect.gather [hbm4b:s4+s21], $0x40, s7, s21, $0xb8;
	[tilespmem:$0x15000] =	vst v63  }
0x3c: {  	s6 =	simm.s32 $0x400;
	p1 =	sle.u32 s8, $0x1;
	[bflag:$0x0] =	sbarrier.arrive $0xFFFF  }
0x3d: {  	p0 =	por $0x0, $0x0;
	s15 =	simm.s32 @!p1 $0x0;
	s14 =	simm.s32 @!p1 $0x80  }
0x3e: {  	s0 =	simm.s32 @!p1 $0x80;
	s1 =	simm.s32 @!p1 $0x9200  }
0x3f: {  	[tilespmem:s1], [sflag:$0x2] =	stream.indirect.gather @!p1 [hbm4b:s4+s14], $0x40, s0, s14, $0xb8;
	[tilespmem:$0x15000] =	vst v63  }
0x40: {  	_ =	swait.ge [sflag:s22], $0x2000  }
0x41: {  	[sflag:s22] =	ssyncset.done $0x0  }
0x42: {  	s30 =	simm.s32 $0x3900;
	[sflag:s22] =	ssyncadd.s32 $0xFFFFE000  }
0x43: {  	[spmem:s2] =	stream.indirect.scatter.add.f32 [tilespmem:s20], [sflag:$0x3], $0x40, s30, s21, $0xb8;
	[tilespmem:$0x15000] =	vst v63  }
0x44: {  	p0 =	sle.u32 s8, $0x2;
	_ =	swait.ge [sflag:s23], $0x2000  }
0x45: {  	s0 =	simm.s32 @!p0 $0x80;
	[sflag:s23] =	ssyncset.done $0x0  }
0x46: {  	s1 =	simm.s32 @!p0 $0x100;
	s7 =	simm.s32 @!p0 $0x7200;
	[sflag:s23] =	ssyncadd.s32 $0xFFFFE000  }
0x47: {  	[tilespmem:s7], [sflag:$0x1] =	stream.indirect.gather @!p0 [hbm4b:s4+s0], $0x40, s1, s0, $0xb8;
	[tilespmem:$0x15000] =	vst v63  }
0x48: {  	s31 =	simm.s32 $0x3980;
	p2 =	sne.s32 s17, $0x800;
	_ =	swait.ge [sflag:s25], $0x2000  }
.Ltmp2:
0x49: {  	p1 =	sle.u32 s8, $0x3;
	[sflag:s25] =	ssyncset.done $0x0;
	(pc) =	sbr.rel @!p2 .LBB2_6-.Ltmp2, $4  }
0x4a: {  	s15 =	simm.s32 @!p1 $0x100;
	s14 =	simm.s32 @!p1 $0x80;
	[sflag:s25] =	ssyncadd.s32 $0xFFFFE000  }
0x4b: {  	[spmem:s2] =	stream.indirect.scatter.add.f32 [tilespmem:s26], [sflag:$0x4], $0x40, s31, s21, $0xb8;
	[tilespmem:$0x15000] =	vst v63  }
0x4c: {  	s0 =	simm.s32 $0x800;
	s1 =	simm.s32 $0x4;
	_ =	swait.ge [sflag:s28], $0x2000  }
0x4d: {  	s7 =	simm.s32 $0x2;
	p0 =	por $0x1, $0x1;
	[sflag:s28] =	ssyncset.done $0x0  }
.LBB2_7:
0x4e: {  	s15 =	sadd.s32 @!p1 $0x80, s15;
	s16 =	simm.s32 @!p1 $0x9200;
	[sflag:s28] =	ssyncadd.s32 $0xFFFFE000  }
0x4f: {  	[tilespmem:s16], [sflag:$0x2] =	stream.indirect.gather @!p1 [hbm4b:s4+s14], $0x40, s15, s14, $0xb8;
	[tilespmem:$0x15000] =	vst v63  }
0x50: {  	s14 =	smov.u32 s0;
	s0 =	sadd.s32 $0x400, s0;
	_ =	swait.ge [sflag:s22], $0x2000  }
0x51: {  	s15 =	sshra.s32 s6, $0x2;
	p2 =	sne.s32 s17, s0;
	[sflag:s22] =	ssyncset.done $0x0  }
0x52: {  	s16 =	sadd.s32 $0x3900, s15;
	[sflag:s22] =	ssyncadd.s32 $0xFFFFE000  }
0x53: {  	[spmem:s2] =	stream.indirect.scatter.add.f32 [tilespmem:s20], [sflag:$0x3], $0x40, s16, s21, $0xb8;
	[tilespmem:$0x15000] =	vst v63  }
0x54: {  	p1 =	sge.u32 s1, s8;
	_ =	swait.ge [sflag:s23], $0x2000  }
0x55: {  	s6 =	sshra.s32 @!p1 s6, $0x2;
	s16 =	simm.s32 @!p1 $0x80;
	[sflag:s23] =	ssyncset.done $0x0  }
0x56: {  	s19 =	simm.s32 @!p1 $0x7200;
	s6 =	sadd.s32 @!p1 $0x100, s6;
	[sflag:s23] =	ssyncadd.s32 $0xFFFFE000  }
0x57: {  	[tilespmem:s19], [sflag:$0x1] =	stream.indirect.gather @!p1 [hbm4b:s4+s16], $0x40, s6, s16, $0xb8;
	[tilespmem:$0x15000] =	vst v63  }
0x58: {  	s24 =	sadd.s32 $0x1, s7;
	s6 =	smov.u32 s14;
	_ =	swait.ge [sflag:s25], $0x2000  }
.Ltmp3:
0x59: {  	s1 =	sadd.s32 $0x2, s1;
	[sflag:s25] =	ssyncset.done $0x0;
	(pc) =	sbr.rel @p2 .LBB2_7-.Ltmp3, $4  }
0x5a: {  	s15 =	sadd.s32 $0x3980, s15;
	s14 =	sadd.s32 $0xFFFFFFFF, s1;
	[sflag:s25] =	ssyncadd.s32 $0xFFFFE000  }
0x5b: {  	[spmem:s2] =	stream.indirect.scatter.add.f32 [tilespmem:s26], [sflag:$0x4], $0x40, s15, s21, $0xb8;
	[tilespmem:$0x15000] =	vst v63  }
0x5c: {  	s7 =	smov.u32 s24;
	p1 =	sge.u32 s14, s8;
	_ =	swait.ge [sflag:s28], $0x2000  }
0x5d: {  	s14 =	simm.s32 @!p1 $0x80;
	s15 =	sshra.s32 @!p1 s6, $0x2;
	[sflag:s28] =	ssyncset.done $0x0  }
0x5e: {  	s7 =	smov.u32 s6  }
.LBB2_9:
0x5f: {  	s6 =	sadd.s32 @!p1 $0x80, s15;
	s15 =	simm.s32 @!p1 $0x9200;
	[sflag:s28] =	ssyncadd.s32 @p0 $0xFFFFE000  }
0x60: {  	[tilespmem:s15], [sflag:$0x2] =	stream.indirect.gather @!p1 [hbm4b:s4+s14], $0x40, s6, s14, $0xb8;
	[tilespmem:$0x15000] =	vst v63  }
0x61: {  	_ =	swait.ge [sflag:s22], $0x2000  }
0x62: {  	s16 =	sshra.s32 s7, $0x2;
	[sflag:s22] =	ssyncset.done $0x0  }
0x63: {  	s19 =	sadd.s32 $0x3900, s16;
	[sflag:s22] =	ssyncadd.s32 $0xFFFFE000  }
0x64: {  	[spmem:s2] =	stream.indirect.scatter.add.f32 [tilespmem:s20], [sflag:$0x3], $0x40, s19, s21, $0xb8;
	[tilespmem:$0x15000] =	vst v63  }
0x65: {  	p0 =	sge.u32 s1, s8;
	_ =	swait.ge [sflag:s23], $0x2000  }
0x66: {  	s7 =	sshra.s32 @!p0 s7, $0x2;
	s14 =	simm.s32 @!p0 $0x80;
	[sflag:s23] =	ssyncset.done $0x0  }
0x67: {  	s15 =	simm.s32 @!p0 $0x7200;
	s7 =	sadd.s32 @!p0 $0x100, s7;
	[sflag:s23] =	ssyncadd.s32 $0xFFFFE000  }
0x68: {  	[tilespmem:s15], [sflag:$0x1] =	stream.indirect.gather @!p0 [hbm4b:s4+s14], $0x40, s7, s14, $0xb8;
	[tilespmem:$0x15000] =	vst v63  }
0x69: {  	_ =	swait.ge [sflag:s25], $0x2000  }
0x6a: {  	s12 =	sadd.s32 $0x2, s1;
	[sflag:s25] =	ssyncset.done $0x0  }
0x6b: {  	s6 =	sadd.s32 $0x3980, s16;
	s13 =	sadd.s32 $0xFFFFFFFF, s12;
	[sflag:s25] =	ssyncadd.s32 $0xFFFFE000  }
0x6c: {  	[spmem:s2] =	stream.indirect.scatter.add.f32 [tilespmem:s26], [sflag:$0x4], $0x40, s6, s21, $0xb8;
	[tilespmem:$0x15000] =	vst v63  }
0x6d: {  	p0 =	sge.u32 s13, s8;
	_ =	swait.ge [sflag:s28], $0x2000  }
0x6e: {  	s7 =	simm.s32 @!p0 $0x9200;
	s6 =	sshra.s32 @!p0 s0, $0x2;
	[sflag:s28] =	ssyncset.done $0x0  }
0x6f: {  	s30 =	sadd.s32 @!p0 $0x80, s6;
	s6 =	simm.s32 @!p0 $0x80;
	[sflag:s28] =	ssyncadd.s32 $0xFFFFE000  }
0x70: {  	[tilespmem:s7], [sflag:$0x2] =	stream.indirect.gather @!p0 [hbm4b:s4+s6], $0x40, s30, s6, $0xb8;
	[tilespmem:$0x15000] =	vst v63  }
0x71: {  	_ =	swait.ge [sflag:s22], $0x2000  }
0x72: {  	s14 =	sshra.s32 s0, $0x2;
	[sflag:s22] =	ssyncset.done $0x0  }
0x73: {  	s31 =	sadd.s32 $0x3900, s14;
	[sflag:s22] =	ssyncadd.s32 $0xFFFFE000  }
0x74: {  	[spmem:s2] =	stream.indirect.scatter.add.f32 [tilespmem:s20], [sflag:$0x3], $0x40, s31, s21, $0xb8;
	[tilespmem:$0x15000] =	vst v63  }
0x75: {  	p1 =	sge.u32 s12, s8;
	_ =	swait.ge [sflag:s23], $0x2000  }
0x76: {  	s1 =	simm.s32 @!p1 $0x80;
	s0 =	sshra.s32 @!p1 s0, $0x2;
	[sflag:s23] =	ssyncset.done $0x0  }
0x77: {  	s0 =	sadd.s32 @!p1 $0x100, s0;
	s7 =	simm.s32 @!p1 $0x7200;
	[sflag:s23] =	ssyncadd.s32 $0xFFFFE000  }
0x78: {  	[tilespmem:s7], [sflag:$0x1] =	stream.indirect.gather @!p1 [hbm4b:s4+s1], $0x40, s0, s1, $0xb8;
	[tilespmem:$0x15000] =	vst v63  }
0x79: {  	_ =	swait.ge [sflag:s25], $0x2000  }
0x7a: {  	[sflag:s25] =	ssyncset.done $0x0  }
0x7b: {  	s19 =	sadd.s32 $0x3980, s14;
	[sflag:s25] =	ssyncadd.s32 $0xFFFFE000  }
0x7c: {  	[spmem:s2] =	stream.indirect.scatter.add.f32 [tilespmem:s26], [sflag:$0x4], $0x40, s19, s21, $0xb8;
	[tilespmem:$0x15000] =	vst v63  }
0x7d: {  	_ =	swait.ge [sflag:s28], $0x2000  }
0x7e: {  	[sflag:s28] =	ssyncset.done $0x0  }
0x7f: {  	s15 =	stileid.u32;
	[sflag:s28] =	ssyncadd.s32 $0xFFFFE000  }
0x80: {  	s1 =	sshll.u32 s15, $0x6;
	[bflag:$0x0] =	sbarrier.arrive $0xFFFF  }
0x81: {  	s6 =	sshrl.u32 s9, $0x3;
	s1 =	sor.u32 $0x1C05, s1;
	s16 =	rddreg [dreg:$0x7]  }
0x82: {  	[hbm:s16], [sflag:s1] =	dma.local [spmem:s6], $0x13C0  }
0x83: {  	_ =	swait.ge [sflag:s18], $0x13C0  }
0x84: {  	[sflag:s18] =	ssyncset.done $0x0  }
0x85: {  	[sflag:s18] =	ssyncadd.s32 $0xFFFFEC40  }
0x86: {  	s14 =	simm.s32 $0x100;
	s7 =	simm.s32 $0x0;
	[bflag:$0x0] =	sbarrier.arrive $0xFFFF  }
.LBB2_10:
0x87: {  	p2 =	sne.s32 s14, $0x7F00;
	[tilespmem:s7+$0x7230] =	vst v0;
	s15 =	smov.u32 s14;
	s14 =	sadd.s32 $0x100, s14  }
.Ltmp4:
0x88: {  	[tilespmem:s7+$0x7220] =	vst v0;
	(pc) =	sbr.rel @p2 .LBB2_10-.Ltmp4, $3  }
0x89: {  	[tilespmem:s7+$0x7200] =	vst v0  }
0x8a: {  	[tilespmem:s7+$0x7210] =	vst v0;
	_ =	sdelay $0x1  }
0x8b: {  	s7 =	sshra.s32 s15, $0x2  }
0x8c: {  	[tilespmem:s7+$0x7230] =	vst v0  }
0x8d: {  	[tilespmem:s7+$0x7220] =	vst v0  }
0x8e: {  	[tilespmem:s7+$0x7200] =	vst v0  }
0x8f: {  	[tilespmem:s7+$0x7210] =	vst v0  }
0x90: {  	[spmem:s9] =	stream.linear.scatter [tilespmem:s20], [sflag:$0x5], $0x2000, $0x38;
	[tilespmem:$0x15000] =	vst v63  }
0x91: {  	_ =	swait.ge [sflag:s18], $0x2000  }
0x92: {  	[sflag:s18] =	ssyncset.done $0x0  }
0x93: {  	[sflag:s18] =	ssyncadd.s32 $0xFFFFE000  }
0x94: {  	[spmem:s10] =	stream.linear.scatter [tilespmem:s20], [sflag:$0x5], $0x2000, $0x38;
	[tilespmem:$0x15000] =	vst v63  }
0x95: {  	_ =	swait.ge [sflag:s18], $0x2000  }
0x96: {  	[sflag:s18] =	ssyncset.done $0x0  }
0x97: {  	[sflag:s18] =	ssyncadd.s32 $0xFFFFE000  }
0x98: {  	[spmem:s11] =	stream.linear.scatter [tilespmem:s20], [sflag:$0x5], $0x2000, $0x38;
	[tilespmem:$0x15000] =	vst v63  }
0x99: {  	_ =	swait.ge [sflag:s18], $0x2000  }
0x9a: {  	[sflag:s18] =	ssyncset.done $0x0  }
0x9b: {  	s15 =	rddreg [dreg:$0x5];
	[sflag:s18] =	ssyncadd.s32 $0xFFFFE000  }
0x9c: {  	[spmem:s15] =	stream.linear.scatter [tilespmem:s20], [sflag:$0x5], $0x2000, $0x38;
	[tilespmem:$0x15000] =	vst v63  }
0x9d: {  	_ =	swait.ge [sflag:s18], $0x2000  }
0x9e: {  	[sflag:s18] =	ssyncset.done $0x0  }
0x9f: {  	s16 =	rddreg [dreg:$0x6];
	[sflag:s18] =	ssyncadd.s32 $0xFFFFE000  }
0xa0: {  	[spmem:s16] =	stream.linear.scatter [tilespmem:s20], [sflag:$0x5], $0x1E00, $0x38;
	[tilespmem:$0x15000] =	vst v63  }
0xa1: {  	s16 =	sadd.s32 $0xFFFFFFFF, s24  }
0xa2: {  	_ =	swait.ge [sflag:s18], $0x1E00;
	p3 =	sne.s32 s16, $0x0  }
.Ltmp5:
0xa3: {  	[sflag:s18] =	ssyncset.done $0x0;
	(pc) =	sbr.rel @!p3 .LBB2_14-.Ltmp5, $4  }
0xa4: {  	s12 =	smov.u32 s10;
	s14 =	simm.s32 $0x80;
	[sflag:s18] =	ssyncadd.s32 $0xFFFFE200  }
0xa5: {  	[tilespmem:s20], [sflag:$0x1] =	stream.indirect.gather [hbm4b:s5+s14], $0x40, s3, s14, $0xb8;
	[tilespmem:$0x15000] =	vst v63  }
0xa6: {  	s13 =	smov.u32 s11;
	s7 =	simm.s32 $0x3900;
	[bflag:$0x0] =	sbarrier.arrive $0xFFFF  }
0xa7: {  	p4 =	sle.u32 s8, $0x1;
	p2 =	por $0x0, $0x0;
	s15 =	simm.s32 $0x2  }
0xa8: {  	s15 =	simm.s32 @!p4 $0x80;
	s3 =	simm.s32 @!p4 $0x9200  }
0xa9: {  	[tilespmem:s3], [sflag:$0x2] =	stream.indirect.gather @!p4 [hbm4b:s5+s15], $0x40, s14, s15, $0xb8;
	[tilespmem:$0x15000] =	vst v63  }
0xaa: {  	_ =	swait.ge [sflag:s22], $0x2000  }
0xab: {  	[sflag:s22] =	ssyncset.done $0x0  }
0xac: {  	[sflag:s22] =	ssyncadd.s32 $0xFFFFE000  }
0xad: {  	[spmem:s2] =	stream.indirect.scatter.add.f32 [tilespmem:s20], [sflag:$0x3], $0x40, s7, s21, $0xb8;
	[tilespmem:$0x15000] =	vst v63  }
0xae: {  	p2 =	sle.u32 s8, $0x2;
	s16 =	sadd.s32 $0xFFFFFFFF, s16;
	_ =	swait.ge [sflag:s23], $0x2000  }
0xaf: {  	s3 =	simm.s32 @!p2 $0x100;
	s14 =	simm.s32 @!p2 $0x7200;
	[sflag:s23] =	ssyncset.done $0x0  }
0xb0: {  	p3 =	sne.s32 s16, $0x0;
	s7 =	simm.s32 @!p2 $0x80;
	[sflag:s23] =	ssyncadd.s32 $0xFFFFE000  }
0xb1: {  	[tilespmem:s14], [sflag:$0x1] =	stream.indirect.gather @!p2 [hbm4b:s5+s7], $0x40, s3, s7, $0xb8;
	[tilespmem:$0x15000] =	vst v63  }
.Ltmp6:
0xb2: {  	_ =	swait.ge [sflag:s25], $0x2000;
	(pc) =	sbr.rel @!p3 .LBB2_14-.Ltmp6, $4  }
0xb3: {  	s15 =	simm.s32 $0x3980;
	p4 =	sle.u32 s8, $0x3;
	[sflag:s25] =	ssyncset.done $0x0  }
0xb4: {  	s14 =	simm.s32 $0x180;
	s7 =	simm.s32 $0x3A00;
	[sflag:s25] =	ssyncadd.s32 $0xFFFFE000  }
0xb5: {  	[spmem:s2] =	stream.indirect.scatter.add.f32 [tilespmem:s26], [sflag:$0x4], $0x40, s15, s21, $0xb8;
	[tilespmem:$0x15000] =	vst v63  }
0xb6: {  	p2 =	por $0x1, $0x1;
	s15 =	simm.s32 $0x4;
	_ =	swait.ge [sflag:s28], $0x2000  }
.LBB2_13:
0xb7: {  	s3 =	simm.s32 @!p4 $0x80;
	s10 =	simm.s32 @!p4 $0x9200;
	[sflag:s28] =	ssyncset.done $0x0  }
0xb8: {  	s16 =	sadd.s32 $0xFFFFFFFF, s16;
	[sflag:s28] =	ssyncadd.s32 $0xFFFFE000  }
0xb9: {  	[tilespmem:s10], [sflag:$0x2] =	stream.indirect.gather @!p4 [hbm4b:s5+s3], $0x40, s14, s3, $0xb8;
	[tilespmem:$0x15000] =	vst v63  }
0xba: {  	p3 =	sne.s32 s16, $0x0;
	_ =	swait.ge [sflag:s22], $0x2000  }
0xbb: {  	[sflag:s22] =	ssyncset.done $0x0  }
0xbc: {  	[sflag:s22] =	ssyncadd.s32 $0xFFFFE000  }
0xbd: {  	[spmem:s2] =	stream.indirect.scatter.add.f32 [tilespmem:s20], [sflag:$0x3], $0x40, s7, s21, $0xb8;
	[tilespmem:$0x15000] =	vst v63  }
0xbe: {  	p4 =	sge.u32 s15, s8;
	_ =	swait.ge [sflag:s23], $0x2000  }
0xbf: {  	s3 =	sadd.s32 @!p4 $0x80, s14;
	s10 =	simm.s32 @!p4 $0x80;
	[sflag:s23] =	ssyncset.done $0x0  }
0xc0: {  	s11 =	simm.s32 @!p4 $0x7200;
	[sflag:s23] =	ssyncadd.s32 $0xFFFFE000  }
0xc1: {  	[tilespmem:s11], [sflag:$0x1] =	stream.indirect.gather @!p4 [hbm4b:s5+s10], $0x40, s3, s10, $0xb8;
	[tilespmem:$0x15000] =	vst v63  }
.Ltmp7:
0xc2: {  	_ =	swait.ge [sflag:s25], $0x2000;
	(pc) =	sbr.rel @p3 .LBB2_13-.Ltmp7, $4  }
0xc3: {  	s15 =	sadd.s32 $0x2, s15;
	s3 =	sadd.s32 $0x80, s7;
	[sflag:s25] =	ssyncset.done $0x0  }
0xc4: {  	s14 =	sadd.s32 $0x100, s14;
	s10 =	sadd.s32 $0xFFFFFFFF, s15;
	[sflag:s25] =	ssyncadd.s32 $0xFFFFE000  }
0xc5: {  	[spmem:s2] =	stream.indirect.scatter.add.f32 [tilespmem:s26], [sflag:$0x4], $0x40, s3, s21, $0xb8;
	[tilespmem:$0x15000] =	vst v63  }
0xc6: {  	s7 =	sadd.s32 $0x100, s7;
	p4 =	sge.u32 s10, s8;
	_ =	swait.ge [sflag:s28], $0x2000  }
.LBB2_14:
0xc7: {  	[sflag:s28] =	ssyncset.done @p2 $0x0  }
0xc8: {  	s3 =	simm.s32 @!p4 $0x80;
	s10 =	simm.s32 @!p4 $0x9200;
	[sflag:s28] =	ssyncadd.s32 @p2 $0xFFFFE000  }
0xc9: {  	[tilespmem:s10], [sflag:$0x2] =	stream.indirect.gather @!p4 [hbm4b:s5+s3], $0x40, s14, s3, $0xb8;
	[tilespmem:$0x15000] =	vst v63  }
0xca: {  	_ =	swait.ge [sflag:s22], $0x2000  }
0xcb: {  	[sflag:s22] =	ssyncset.done $0x0  }
0xcc: {  	[sflag:s22] =	ssyncadd.s32 $0xFFFFE000  }
0xcd: {  	[spmem:s2] =	stream.indirect.scatter.add.f32 [tilespmem:s20], [sflag:$0x3], $0x40, s7, s21, $0xb8;
	[tilespmem:$0x15000] =	vst v63  }
0xce: {  	p2 =	sge.u32 s15, s8;
	_ =	swait.ge [sflag:s23], $0x2000  }
0xcf: {  	s3 =	sadd.s32 @!p2 $0x80, s14;
	[sflag:s23] =	ssyncset.done $0x0  }
0xd0: {  	s10 =	simm.s32 @!p2 $0x80;
	s11 =	simm.s32 @!p2 $0x7200;
	[sflag:s23] =	ssyncadd.s32 $0xFFFFE000  }
0xd1: {  	[tilespmem:s11], [sflag:$0x1] =	stream.indirect.gather @!p2 [hbm4b:s5+s10], $0x40, s3, s10, $0xb8;
	[tilespmem:$0x15000] =	vst v63  }
0xd2: {  	_ =	swait.ge [sflag:s25], $0x2000  }
0xd3: {  	[sflag:s25] =	ssyncset.done $0x0  }
0xd4: {  	s16 =	sadd.s32 $0x80, s7;
	[sflag:s25] =	ssyncadd.s32 $0xFFFFE000  }
0xd5: {  	[spmem:s2] =	stream.indirect.scatter.add.f32 [tilespmem:s26], [sflag:$0x4], $0x40, s16, s21, $0xb8;
	[tilespmem:$0x15000] =	vst v63  }
0xd6: {  	_ =	swait.ge [sflag:s28], $0x2000  }
0xd7: {  	[sflag:s28] =	ssyncset.done $0x0  }
0xd8: {  	s7 =	simm.s32 @!p0 $0x9200;
	s3 =	simm.s32 @!p0 $0x80;
	[sflag:s28] =	ssyncadd.s32 $0xFFFFE000  }
0xd9: {  	[tilespmem:s7], [sflag:$0x2] =	stream.indirect.gather @!p0 [hbm4b:s5+s3], $0x40, s30, s3, $0xb8;
	[tilespmem:$0x15000] =	vst v63  }
0xda: {  	_ =	swait.ge [sflag:s22], $0x2000  }
0xdb: {  	[sflag:s22] =	ssyncset.done $0x0  }
0xdc: {  	[sflag:s22] =	ssyncadd.s32 $0xFFFFE000  }
0xdd: {  	[spmem:s2] =	stream.indirect.scatter.add.f32 [tilespmem:s20], [sflag:$0x3], $0x40, s31, s21, $0xb8;
	[tilespmem:$0x15000] =	vst v63  }
0xde: {  	_ =	swait.ge [sflag:s23], $0x2000  }
0xdf: {  	[sflag:s23] =	ssyncset.done $0x0  }
0xe0: {  	s3 =	simm.s32 @!p1 $0x80;
	s7 =	simm.s32 @!p1 $0x7200;
	[sflag:s23] =	ssyncadd.s32 $0xFFFFE000  }
0xe1: {  	[tilespmem:s7], [sflag:$0x1] =	stream.indirect.gather @!p1 [hbm4b:s5+s3], $0x40, s0, s3, $0xb8;
	[tilespmem:$0x15000] =	vst v63  }
0xe2: {  	_ =	swait.ge [sflag:s25], $0x2000  }
0xe3: {  	[sflag:s25] =	ssyncset.done $0x0  }
0xe4: {  	[sflag:s25] =	ssyncadd.s32 $0xFFFFE000  }
0xe5: {  	[spmem:s2] =	stream.indirect.scatter.add.f32 [tilespmem:s26], [sflag:$0x4], $0x40, s19, s21, $0xb8;
	[tilespmem:$0x15000] =	vst v63  }
0xe6: {  	_ =	swait.ge [sflag:s28], $0x2000  }
0xe7: {  	[sflag:s28] =	ssyncset.done $0x0  }
0xe8: {  	[sflag:s28] =	ssyncadd.s32 $0xFFFFE000  }
0xe9: {  	[bflag:$0x0] =	sbarrier.arrive $0xFFFF  }
0xea: {  	s30 =	rddreg [dreg:$0x8]  }
0xeb: {  	[hbm:s30], [sflag:s1] =	dma.local [spmem:s6], $0x13C0  }
0xec: {  	_ =	swait.ge [sflag:s18], $0x13C0  }
0xed: {  	s29 =	sadd.s32 $0x1, s29;
	s31 =	rddreg [dreg:$0x9]  }
0xee: {  	p0 =	sne.s32 s29, s31  }
.Ltmp8:
0xef: {  	_ = 	snop;
	(pc) =	sbr.rel @p0 .LBB2_1-.Ltmp8, $4  }
.Ltmp9:
0xf0: {  	[sflag:s18] =	ssyncset.done $0x0;
	(pc) =	sbr.rel @!p0 .LBB2_15-.Ltmp9, $4  }
0xf1: {  	[sflag:s18] =	ssyncadd.s32 $0xFFFFEC40  }
0xf2: {  	[bflag:$0x0] =	sbarrier.arrive $0xFFFF  }
0xf3: {  	s10 =	smov.u32 s12;
	s11 =	smov.u32 s13  }
0xf4: {  	_ = 	snop  }
.LBB2_4:
.Ltmp10:
0xf5: {  	(pc) =	sbr.rel .LBB2_9-.Ltmp10, $2  }
0xf6: {  	_ =	sdelay $0x2  }
0xf7: {  	s0 =	simm.s32 $0x400  }
.LBB2_6:
.Ltmp11:
0xf8: {  	(pc) =	sbr.rel .LBB2_9-.Ltmp11, $2  }
0xf9: {  	_ =	sdelay $0x2  }
0xfa: {  	s7 =	simm.s32 $0x400  }
.LBB2_15:
0xfb: {  	_ =	sfence.sel $0x180000  }
0xfc: {  	[bflag:$0x0] =	sbarrier.arrive $0xFFFF  }
0xfd: {  	_ =	strace $0x9000004D  }
0xfe: {  	s0 =	stileid.u32;
	[bflag:$0x2] =	sbarrier.arrive $0xFFFF  }
0xff: {  	p0 =	sne.s32 s0, $0x0;
	s0 =	rddreg [dreg:$0x2]  }
0x100: {  	s0 =	sadd.s32 @!p0 $0x100000, s0  }
0x101: {  	[sflag:s0] =	ssyncadd.tile.s32 @!p0 $0x1;
	_ =	shalt  }
.Lfunc_end2:
_tile_overlayer_lowered:
.L_overlay_start_2:
0x102: {  	(tag) =	ssettag $0x2  }
0x103: {  	s0 =	rddreg [dreg:$0x0];
	s2 =	stileid.u32  }
0x104: {  	s1 =	rddreg [dreg:$0x1];
	p0 =	sne.s32 s2, $0x0  }
0x105: {  	s3 =	rddreg [dreg:$0x2];
	[bflag:$0x3] =	sbarrier.arrive $0xFFFF;
	s2 =	simm.s32 @!p0 $0x1C05  }
0x106: {  	[timem:s3], [sflag:s2] =	dma.local @!p0 [hbm:s0], s1  }
0x107: {  	s0 =	simm.s32 @!p0 $0x5  }
0x108: {  	_ =	swait.ge @!p0 [sflag:s0], s1  }
0x109: {  	s1 =	ssub.s32 @!p0 $0x0, s1;
	[sflag:s0] =	ssyncset.done @!p0 $0x0  }
0x10a: {  	[sflag:s0] =	ssyncadd.s32 @!p0 s1  }
0x10b: {  	[bflag:$0x3] =	sbarrier.arrive $0xFFFF  }
0x10c: {  	_ =	shalt  }

// kernel: kernel.8.cloned.1.call-start
scs
__scs_entry_jumppad:
0x0: {  	(pc) =	sbr.rel $0x88, $3  }
0x1: {  	(tag) =	ssettag $0x0;
	lr =	simm.s32 $0x1  }
0x2: {  	[smem:$0x3F97] =	sst lr;
	_ =	strace $0xD0000000  }
0x3: {  	_ = 	snop  }
0x4: {  	_ = 	snop  }
0x5: {  	_ = 	snop  }
0x6: {  	_ = 	snop  }
0x7: {  	_ = 	snop  }
__scs_overlays_trampoline_lowered:
0x8: {  	[smem:$0x3FA6] =	sst s0  }
0x9: {  	[smem:$0x3FA7] =	sst s1  }
0xa: {  	[smem:$0x3FA8] =	sst s2  }
0xb: {  	[smem:$0x3FA9] =	sst s3  }
0xc: {  	[smem:$0x3FAA] =	sst s4  }
0xd: {  	[smem:$0x3FAB] =	sst s5  }
0xe: {  	[smem:$0x3FAC] =	sst s6  }
0xf: {  	[smem:$0x3FAD] =	sst s7  }
0x10: {  	[smem:$0x3FAE] =	sst s8  }
0x11: {  	[smem:$0x3FAF] =	sst s9;
	s0 =	simm.s32 @!p0 $0x0  }
0x12: {  	s1 =	sld [smem:$0x3F95];
	s0 =	simm.s32 @p0 $0x1  }
0x13: {  	[smem:$0x3FB0] =	sst s0;
	s0 =	simm.s32 @!p1 $0x0  }
0x14: {  	s2 =	sld [smem:$0x3F94];
	s0 =	simm.s32 @p1 $0x1  }
0x15: {  	[smem:$0x3FB1] =	sst s0;
	s0 =	simm.s32 @!p2 $0x0  }
0x16: {  	s3 =	sld [smem:$0x3FDB];
	s0 =	simm.s32 @p2 $0x1  }
0x17: {  	s4 =	simm.s32 $0x1BF5;
	[smem:$0x3FB3] =	sst s0  }
0x18: {  	s0 =	sld [smem:$0x3F96];
	_ =	swait.ge [sflag:s4], $0x0  }
0x19: {  	s7 =	sld [smem:$0x3F97]  }
0x1a: {  	s8 =	sadd.s32 $0xFFFFE003, lr  }
0x1b: {  	s9 =	sadd.s32 $0xFFFFFEF7, lr;
	s5 =	simm.s32 $0xFFFFFFFF;
	p2 =	slt.u32 s8, $0xFFFFF086  }
0x1c: {  	p1 =	slt.u32 s9, $0xF7A;
	s5 =	simm.s32 @!p2 $0x0  }
0x1d: {  	s5 =	simm.s32 @p1 $0x1;
	p0 =	seq.s32 s7, s2  }
0x1e: {  	s7 =	smul.u32 @!p0 $0xF7A, s2;
	p2 =	seq.s32 @!p0 s5, $0x0  }
0x1f: {  	s9 =	smul.u32 $0xF7A, s1;
	s8 =	simm.s32 @!p0 $0x1BF5;
	p2 =	por !p2, p0  }
0x20: {  	[sflag:s8] =	ssyncset.s32 @!p0 $0xFFFFF086;
	s6 =	sadd.s32 @!p0 s3, s7;
	s7 =	simm.s32 @!p0 $0x108  }
0x21: {  	s3 =	sadd.s32 s3, s9;
	s6 =	sadd.s32 @!p0 $0x88, s6;
	s7 =	simm.s32 @p2 $0x1082  }
0x22: {  	[simem:s7], [sflag:s8] =	dma.local @!p0 [hbm:s6], $0xF7A  }
0x23: {  	s9 =	sor.u32 $0xD0000000, s2;
	s6 =	simm.s32 $0x108;
	_ =	swait.ge @!p0 [sflag:s8], $0x0  }
0x24: {  	s3 =	sadd.s32 $0x88, s3;
	s6 =	simm.s32 @!p1 $0x1082;
	[sflag:s4] =	ssyncset.s32 $0xFFFFF086  }
0x25: {  	[simem:s6], [sflag:s4] =	dma.local [hbm:s3], $0xF7A  }
0x26: {  	[smem:$0x3F97] =	sst s1;
	(tag) =	ssettag s2;
	_ =	strace s9  }
0x27: {  	s1 =	sld [smem:$0x3FA7]  }
0x28: {  	s2 =	sld [smem:$0x3FA8]  }
0x29: {  	s4 =	sld [smem:$0x3FAA]  }
0x2a: {  	p0 =	seq.s32 s5, $0x0;
	s5 =	sld [smem:$0x3FAB]  }
0x2b: {  	s6 =	sld [smem:$0x3FAC]  }
0x2c: {  	s7 =	sld [smem:$0x3FAD]  }
0x2d: {  	s3 =	simm.s32 $0x108;
	s8 =	sld [smem:$0x3FAE]  }
0x2e: {  	s3 =	simm.s32 @!p0 $0x1082;
	s9 =	sld [smem:$0x3FAF]  }
0x2f: {  	lr =	sadd.s32 s0, s3;
	s0 =	sld [smem:$0x3FA6]  }
0x30: {  	s3 =	sld [smem:$0x3FA9]  }
0x31: {  	[smem:$0x3FB2] =	sst s10  }
0x32: {  	s10 =	sld [smem:$0x3FB0];
	_ =	sdelay $0x3  }
0x33: {  	p0 =	seq.s32 s10, $0x1;
	s10 =	sld [smem:$0x3FB2];
	_ =	sdelay $0x3  }
0x34: {  	[smem:$0x3FB2] =	sst s10  }
0x35: {  	s10 =	sld [smem:$0x3FB1];
	_ =	sdelay $0x3  }
0x36: {  	p1 =	seq.s32 s10, $0x1;
	s10 =	sld [smem:$0x3FB2];
	_ =	sdelay $0x3  }
0x37: {  	[smem:$0x3FB2] =	sst s10  }
0x38: {  	s10 =	sld [smem:$0x3FB3]  }
0x39: {  	_ = 	snop;
	(pc) =	sbr.ind lr, $3  }
0x3a: {  	_ = 	snop  }
0x3b: {  	_ = 	snop  }
0x3c: {  	p2 =	seq.s32 s10, $0x1;
	s10 =	sld [smem:$0x3FB2]  }
0x3d: {  	_ =	shalt  }
0x3e: {  	_ =	shalt  }
0x3f: {  	_ =	shalt  }
0x40: {  	_ =	shalt  }
0x41: {  	_ =	shalt  }
0x42: {  	_ =	shalt  }
0x43: {  	_ =	shalt  }
0x44: {  	_ =	shalt  }
0x45: {  	_ =	shalt  }
0x46: {  	_ =	shalt  }
0x47: {  	_ =	shalt  }
0x48: {  	_ =	shalt  }
0x49: {  	_ =	shalt  }
0x4a: {  	_ =	shalt  }
0x4b: {  	_ =	shalt  }
0x4c: {  	_ =	shalt  }
0x4d: {  	_ =	shalt  }
0x4e: {  	_ =	shalt  }
0x4f: {  	_ =	shalt  }
0x50: {  	_ =	shalt  }
0x51: {  	_ =	shalt  }
0x52: {  	_ =	shalt  }
0x53: {  	_ =	shalt  }
0x54: {  	_ =	shalt  }
0x55: {  	_ =	shalt  }
0x56: {  	_ =	shalt  }
0x57: {  	_ =	shalt  }
0x58: {  	_ =	shalt  }
0x59: {  	_ =	shalt  }
0x5a: {  	_ =	shalt  }
0x5b: {  	_ =	shalt  }
0x5c: {  	_ =	shalt  }
0x5d: {  	_ =	shalt  }
0x5e: {  	_ =	shalt  }
0x5f: {  	_ =	shalt  }
0x60: {  	_ =	shalt  }
0x61: {  	_ =	shalt  }
0x62: {  	_ =	shalt  }
0x63: {  	_ =	shalt  }
0x64: {  	_ =	shalt  }
0x65: {  	_ =	shalt  }
0x66: {  	_ =	shalt  }
0x67: {  	_ =	shalt  }
0x68: {  	_ =	shalt  }
0x69: {  	_ =	shalt  }
0x6a: {  	_ =	shalt  }
0x6b: {  	_ =	shalt  }
0x6c: {  	_ =	shalt  }
0x6d: {  	_ =	shalt  }
0x6e: {  	_ =	shalt  }
0x6f: {  	_ =	shalt  }
0x70: {  	_ =	shalt  }
0x71: {  	_ =	shalt  }
0x72: {  	_ =	shalt  }
0x73: {  	_ =	shalt  }
0x74: {  	_ =	shalt  }
0x75: {  	_ =	shalt  }
0x76: {  	_ =	shalt  }
0x77: {  	_ =	shalt  }
0x78: {  	_ =	shalt  }
0x79: {  	_ =	shalt  }
0x7a: {  	_ =	shalt  }
0x7b: {  	_ =	shalt  }
0x7c: {  	_ =	shalt  }
0x7d: {  	_ =	shalt  }
0x7e: {  	_ =	shalt  }
0x7f: {  	_ =	shalt  }
0x80: {  	_ =	shalt  }
0x81: {  	_ =	shalt  }
0x82: {  	_ =	shalt  }
0x83: {  	_ =	shalt  }
0x84: {  	_ =	shalt  }
0x85: {  	_ =	shalt  }
0x86: {  	_ =	shalt  }
0x87: {  	_ =	shalt  }
.Lfunc_end0:
.L_simem_size_0:
called_computation_lowered:
.L_overlay_start_0:
0x88: {  	s2 =	sld [smem:$0x3FD9]  }
0x89: {  	s3 =	sld [smem:$0x3FFE];
	_ =	sdelay $0x1  }
0x8a: {  	s1 =	srdreg.scid  }
0x8b: {  	s0 =	sand.u32 $0x1, s1  }
0x8c: {  	s16 =	sshll.u32 s0, $0xA;
	s2 =	sadd.s32 s3, s2  }
0x8d: {  	s2 =	sadd.s32 s2, s16  }
0x8e: {  	[smem:$0x3FBE] =	sst s2  }
0x8f: {  	_ = 	snop  }
0x90: {  	(tm) =	ssettm $0x1  }
0x91: {  	s17 =	sld [smem:$0x3FFB];
	_ =	sdelay $0x3  }
0x92: {  	_ =	strace s17  }
0x93: {  	s2 =	sld [smem:$0x3FFC];
	_ =	sdelay $0x3  }
0x94: {  	_ =	strace s2  }
0x95: {  	s2 =	sld [smem:$0x3FFD];
	_ =	sdelay $0x3  }
0x96: {  	_ =	strace s2  }
0x97: {  	_ =	strace $0x8FFFFFFF  }
0x98: {  	s18 =	sld [smem:$0x3FDB];
	_ =	sdelay $0x1  }
0x99: {  	s19 =	simm.s32 $_scs_section_size  }
0x9a: {  	s4 =	simm.s32 $_size__tile_overlayer_lowered;
	s5 =	simm.s32 $_tile_overlayer_lowered  }
0x9b: {  	s22 =	simm.s32 $0x1BFF;
	s21 =	sshll.u32 s5, $0x1;
	s2 =	sadd.s32 s19, s18  }
0x9c: {  	s6 =	simm.s32 $0x0;
	s20 =	sshll.u32 s4, $0x1;
	s4 =	sadd.s32 s21, s2  }
0x9d: {  	[timem:s6], [sflag:s22] =	dma.local [hbm:s4], s20  }
0x9e: {  	_ =	swait.ge [sflag:s22], s20  }
0x9f: {  	s3 =	ssub.s32 $0x0, s20;
	[sflag:s22] =	ssyncset.done $0x0  }
0xa0: {  	[sflag:s22] =	ssyncadd.s32 s3;
	_ =	sdelay $0x1  }
0xa1: {  	s23 =	simm.s32 $0x1B8B  }
0xa2: {  	_ =	swait.ge [sflag:s23], $0x1  }
0xa3: {  	[sflag:s23] =	ssyncset.done $0x0  }
0xa4: {  	s25 =	simm.s32 $0x1B8E;
	s24 =	sld [smem:$0x3FFE];
	[sflag:s23] =	ssyncadd.s32 $0xFFFFFFFF  }
0xa5: {  	s26 =	simm.s32 $execute0_lowered;
	[smem:$0x3FD2] =	sst s25  }
0xa6: {  	s4 =	sshll.u32 s26, $0x1;
	_ =	strace $0x80000046;
	[dreg:$0x1] =	wrdreg $0xFFFFFFFF  }
0xa7: {  	s28 =	simm.s32 $_size_execute0_lowered;
	s2 =	sadd.s32 s2, s4;
	[dreg:$0x0] =	wrdreg $0x0  }
0xa8: {  	s4 =	sshll.u32 s28, $0x1;
	[dreg:$0x2] =	wrdreg s2  }
0xa9: {  	[dreg:$0x3] =	wrdreg s4  }
0xaa: {  	[dreg:$0x4] =	wrdreg $0xC0  }
0xab: {  	_ =	task [dreg:s6], $0x5FFFF  }
0xac: {  	[dreg:$0x1] =	wrdreg $0xFFFFFFFF  }
0xad: {  	[dreg:$0x0] =	wrdreg $0x60  }
0xae: {  	[dreg:$0x2] =	wrdreg s24  }
0xaf: {  	[dreg:$0x3] =	wrdreg $0x41000  }
0xb0: {  	[dreg:$0x4] =	wrdreg $0x9  }
0xb1: {  	_ =	task.clear_ibuf [dreg:s6], $0x5FFFF;
	_ =	strace $0x90000046  }
0xb2: {  	s29 =	simm.s32 $0x9;
	_ =	strace $0x80000048  }
0xb3: {  	_ =	swait.ge [sflag:s29], $0x1  }
0xb4: {  	[sflag:s29] =	ssyncadd.s32 $0xFFFFFFFF  }
0xb5: {  	_ =	strace $0x90000048  }
0xb6: {  	_ =	sfence  }
0xb7: {  	s30 =	sld [smem:$0x0];
	_ =	sdelay $0x2  }
0xb8: {  	s31 =	sshll.u32 s1, $0xD;
	s1 =	sshrl.u32 s1, $0x2  }
0xb9: {  	s3 =	sand.u32 $0x4000, s31;
	s1 =	sadd.s32 s1, s30  }
0xba: {  	s0 =	sor.u32 s3, s0;
	s1 =	sshll.u32 s1, $0x11  }
0xbb: {  	s0 =	sor.u32 s1, s0  }
0xbc: {  	s0 =	sadd.s32 $0x8F2B, s0  }
0xbd: {  	[sflag:s0] =	ssyncadd.remote.s32 $0x1  }
0xbe: {  	_ =	sfence.sel $0xFFFF  }
0xbf: {  	[dreg:$0x0] =	wrdreg $0xFFFFFFFF;
	(pc) =	sbr.abs _section_cstart, $3  }
0xc0: {  	[dreg:$0x1] =	wrdreg $0xFFFFFFFF  }
0xc1: {  	_ =	task.clear_ibuf [dreg:s6], $0x2FFFF;
	_ =	strace $0x9FFFFFFF  }
0xc2: {  	(tm) =	ssettm $0x7FFFFFFF  }
0xc3: {  	_ =	shalt  }
tec
execute0_lowered:
.L_overlay_start_1:
0x0: {  	(tag) =	ssettag $0x1  }
0x1: {  	s4 =	rddreg [dreg:$0x0];
	s0 =	srdreg.scid  }
0x2: {  	s2 =	rddreg [dreg:$0x1];
	s1 =	stileid.u32  }
0x3: {  	s3 =	simm.s32 $0x0;
	s13 =	simm.s32 $0x2;
	s14 =	simm.s32 $0x3900  }
0x4: {  	s15 =	simm.s32 $0x80;
	s16 =	simm.s32 $0x1;
	s19 =	simm.s32 $0x0  }
0x5: {  	s9 =	sand.u32 $0x1, s0;
	s0 =	rddreg [dreg:$0x2];
	s6 =	smul.u32 $0x2780, s1  }
0x6: {  	[smem:$0x7FF] =	sst s3;
	s8 =	smul.u32 $0x9E00, s1;
	s17 =	sshll.u32 s1, $0x6  }
0x7: {  	s5 =	sshll.u32 s9, $0x4;
	s7 =	smul.u32 $0x27800, s9;
	_ =	strace $0x80000047  }
0x8: {  	s10 =	ssub.s32 $0x2, s9;
	p0 =	seq.s32 s9, $0x0;
	s9 =	simm.s32 $0x72  }
0x9: {  	s17 =	sor.u32 $0x1C02, s17;
	s5 =	sor.u32 s1, s5;
	s29 =	sshrl.u32 s10, $0x1  }
0xa: {  	s30 =	sshrl.u32 s8, $0x2;
	s9 =	simm.s32 @!p0 $0x2C;
	s5 =	smul.u32 $0x720, s5  }
0xb: {  	s7 =	sadd.s32 s6, s7;
	s12 =	ssub.s32 s10, s29;
	s31 =	sadd.s32 s30, s2  }
0xc: {  	s7 =	sshrl.u32 s7, $0x3;
	s8 =	sadd.s32 $0x1800, s31;
	s10 =	sadd.s32 $0x2000, s31  }
0xd: {  	s12 =	smax.u32 s12, $0x1;
	s5 =	sadd.s32 s5, s4;
	s11 =	sadd.s32 s7, s4  }
0xe: {  	s7 =	sadd.s32 $0x1000, s31;
	s4 =	sadd.s32 $0x3E00, s5;
	s5 =	sadd.s32 s6, s2  }
0xf: {  	v0 =	vimm.f32 $0.0e+00;
	v1 =	vimm.f32 $1.000000000e+00;
	s6 =	sadd.s32 $0x800, s31;
	s11 =	sadd.s32 $0x12200, s11;
	s18 =	sshrl.u32 s5, $0x3  }
.LBB2_1:
0x10: {  	[tilespmem:s3], [sflag:$0x2] =	stream.linear.gather [hbm4b:s4+s3], $0x3900, $0x38;
	[tilespmem:$0x6880] =	vst v63  }
0x11: {  	_ =	swait.ge [sflag:s13], $0x3900  }
0x12: {  	[sflag:s13] =	ssyncset.done $0x0  }
0x13: {  	s20 =	simm.s32 $0x40;
	s21 =	simm.s32 $0x0;
	[sflag:s13] =	ssyncadd.s32 $0xFFFFC700  }
.LBB2_2:
0x14: {  	p0 =	sne.s32 s20, $0x1FC0;
	[tilespmem:s21+$0x3900] =	vst v0;
	s21 =	smov.u32 s20;
	s20 =	sadd.s32 $0x40, s20  }
.Ltmp0:
0x15: {  	(pc) =	sbr.rel @p0 .LBB2_2-.Ltmp0, $2  }
0x16: {  	_ =	sdelay $0x2  }
0x17: {  	s21 =	sshra.s32 s21, $0x2  }
0x18: {  	[tilespmem:s21+$0x3900] =	vst v0  }
0x19: {  	[spmem:s5] =	stream.linear.scatter [tilespmem:s14], [sflag:$0x2], $0x800, $0x38;
	[tilespmem:$0x6880] =	vst v63  }
0x1a: {  	_ =	swait.ge [sflag:s13], $0x800  }
0x1b: {  	[sflag:s13] =	ssyncset.done $0x0  }
0x1c: {  	[sflag:s13] =	ssyncadd.s32 $0xFFFFF800  }
0x1d: {  	[spmem:s6] =	stream.linear.scatter [tilespmem:s14], [sflag:$0x2], $0x800, $0x38;
	[tilespmem:$0x6880] =	vst v63  }
0x1e: {  	_ =	swait.ge [sflag:s13], $0x800  }
0x1f: {  	[sflag:s13] =	ssyncset.done $0x0  }
0x20: {  	[sflag:s13] =	ssyncadd.s32 $0xFFFFF800  }
0x21: {  	[spmem:s7] =	stream.linear.scatter [tilespmem:s14], [sflag:$0x2], $0x800, $0x38;
	[tilespmem:$0x6880] =	vst v63  }
0x22: {  	_ =	swait.ge [sflag:s13], $0x800  }
0x23: {  	[sflag:s13] =	ssyncset.done $0x0  }
0x24: {  	[sflag:s13] =	ssyncadd.s32 $0xFFFFF800  }
0x25: {  	[spmem:s8] =	stream.linear.scatter [tilespmem:s14], [sflag:$0x2], $0x800, $0x38;
	[tilespmem:$0x6880] =	vst v63  }
0x26: {  	_ =	swait.ge [sflag:s13], $0x800  }
0x27: {  	[sflag:s13] =	ssyncset.done $0x0  }
0x28: {  	[sflag:s13] =	ssyncadd.s32 $0xFFFFF800  }
0x29: {  	[spmem:s10] =	stream.linear.scatter [tilespmem:s14], [sflag:$0x2], $0x780, $0x38;
	[tilespmem:$0x6880] =	vst v63  }
0x2a: {  	_ =	swait.ge [sflag:s13], $0x780  }
0x2b: {  	[sflag:s13] =	ssyncset.done $0x0  }
0x2c: {  	s20 =	simm.s32 $0x40;
	s21 =	simm.s32 $0x0;
	[sflag:s13] =	ssyncadd.s32 $0xFFFFF880  }
.LBB2_4:
0x2d: {  	p0 =	sne.s32 s20, $0x1FC0;
	[tilespmem:s21+$0x3900] =	vst v1;
	s21 =	smov.u32 s20;
	s20 =	sadd.s32 $0x40, s20  }
.Ltmp1:
0x2e: {  	(pc) =	sbr.rel @p0 .LBB2_4-.Ltmp1, $2  }
0x2f: {  	_ =	sdelay $0x2  }
0x30: {  	s21 =	sshra.s32 s21, $0x2  }
0x31: {  	p1 =	sne.s32 s9, $0x1  }
.Ltmp2:
0x32: {  	[tilespmem:s21+$0x3900] =	vst v1;
	p0 =	por $0x1, $0x1;
	(pc) =	sbr.rel @!p1 .LBB2_7-.Ltmp2, $4  }
0x33: {  	s20 =	simm.s32 $0x0;
	[bflag:$0x0] =	sbarrier.arrive $0xFFFF;
	s22 =	simm.s32 @!p0 $0x1  }
0x34: {  	[spmem:s2] =	stream.indirect.scatter.add.f32 [tilespmem:s14], [sflag:$0x1], $0x10, s20, s15, $0xb8;
	[tilespmem:$0x6880] =	vst v63  }
0x35: {  	_ =	swait.ge @!p0 [sflag:s22], $0x800  }
0x36: {  	s21 =	simm.s32 $0x1;
	[sflag:s22] =	ssyncset.done @!p0 $0x0  }
.LBB2_6:
0x37: {  	[sflag:s22] =	ssyncadd.s32 @!p0 $0xFFFFF800  }
0x38: {  	s20 =	sadd.s32 $0x80, s20;
	s22 =	smov.u32 s21;
	s21 =	sadd.s32 $0x1, s21  }
0x39: {  	p1 =	sne.s32 s9, s21  }
0x3a: {  	[spmem:s2] =	stream.indirect.scatter.add.f32 [tilespmem:s14], [sflag:$0x1], $0x10, s20, s15, $0xb8;
	[tilespmem:$0x6880] =	vst v63  }
.Ltmp3:
0x3b: {  	_ = 	snop;
	(pc) =	sbr.rel @p1 .LBB2_6-.Ltmp3, $4  }
0x3c: {  	p0 =	slt.u32 s22, $0x8  }
0x3d: {  	s22 =	simm.s32 @!p0 $0x1  }
0x3e: {  	_ =	swait.ge @!p0 [sflag:s22], $0x800  }
0x3f: {  	[sflag:s22] =	ssyncset.done @!p0 $0x0  }
.LBB2_7:
0x40: {  	[sflag:s22] =	ssyncadd.s32 @!p0 $0xFFFFF800  }
0x41: {  	_ =	swait.ge [sflag:s16], $0x800  }
0x42: {  	[sflag:s16] =	ssyncset.done $0x0  }
0x43: {  	[sflag:s16] =	ssyncadd.s32 $0xFFFFF800  }
0x44: {  	_ =	swait.ge [sflag:s16], $0x800  }
0x45: {  	[sflag:s16] =	ssyncset.done $0x0  }
0x46: {  	[sflag:s16] =	ssyncadd.s32 $0xFFFFF800  }
0x47: {  	_ =	swait.ge [sflag:s16], $0x800  }
0x48: {  	[sflag:s16] =	ssyncset.done $0x0  }
0x49: {  	[sflag:s16] =	ssyncadd.s32 $0xFFFFF800  }
0x4a: {  	_ =	swait.ge [sflag:s16], $0x800  }
0x4b: {  	[sflag:s16] =	ssyncset.done $0x0  }
0x4c: {  	[sflag:s16] =	ssyncadd.s32 $0xFFFFF800  }
0x4d: {  	_ =	swait.ge [sflag:s16], $0x800  }
0x4e: {  	[sflag:s16] =	ssyncset.done $0x0  }
0x4f: {  	[sflag:s16] =	ssyncadd.s32 $0xFFFFF800  }
0x50: {  	_ =	swait.ge [sflag:s16], $0x800  }
0x51: {  	[sflag:s16] =	ssyncset.done $0x0  }
0x52: {  	[sflag:s16] =	ssyncadd.s32 $0xFFFFF800  }
0x53: {  	_ =	swait.ge [sflag:s16], $0x800  }
0x54: {  	[sflag:s16] =	ssyncset.done $0x0  }
0x55: {  	[sflag:s16] =	ssyncadd.s32 $0xFFFFF800  }
0x56: {  	_ =	swait.ge [sflag:s16], $0x800  }
0x57: {  	s19 =	sadd.s32 $0x1, s19;
	[sflag:s16] =	ssyncset.done $0x0  }
0x58: {  	p0 =	sne.s32 s19, s12;
	[sflag:s16] =	ssyncadd.s32 $0xFFFFF800  }
.Ltmp4:
0x59: {  	[bflag:$0x0] =	sbarrier.arrive $0xFFFF;
	(pc) =	sbr.rel @p0 .LBB2_1-.Ltmp4, $4  }
0x5a: {  	[hbm:s11], [sflag:s17] =	dma.local [spmem:s18], $0x4F0  }
0x5b: {  	_ =	swait.ge [sflag:s13], $0x4F0  }
0x5c: {  	[sflag:s13] =	ssyncset.done $0x0  }
0x5d: {  	[sflag:s13] =	ssyncadd.s32 $0xFFFFFB10  }
0x5e: {  	_ =	sfence.sel $0x180000  }
0x5f: {  	[bflag:$0x0] =	sbarrier.arrive $0xFFFF  }
0x60: {  	p0 =	sne.s32 s1, $0x0;
	_ =	strace $0x90000047  }
0x61: {  	s0 =	sadd.s32 @!p0 $0x100000, s0;
	[bflag:$0x2] =	sbarrier.arrive $0xFFFF  }
0x62: {  	[sflag:s0] =	ssyncadd.tile.s32 @!p0 $0x1;
	_ =	shalt  }
.Lfunc_end2:
_tile_overlayer_lowered:
.L_overlay_start_2:
0x63: {  	(tag) =	ssettag $0x2  }
0x64: {  	s0 =	rddreg [dreg:$0x0];
	s2 =	stileid.u32  }
0x65: {  	s1 =	rddreg [dreg:$0x1];
	p0 =	sne.s32 s2, $0x0  }
0x66: {  	s3 =	rddreg [dreg:$0x2];
	[bflag:$0x3] =	sbarrier.arrive $0xFFFF;
	s2 =	simm.s32 @!p0 $0x1C02  }
0x67: {  	[timem:s3], [sflag:s2] =	dma.local @!p0 [hbm:s0], s1  }
0x68: {  	s0 =	simm.s32 @!p0 $0x2  }
0x69: {  	_ =	swait.ge @!p0 [sflag:s0], s1  }
0x6a: {  	s1 =	ssub.s32 @!p0 $0x0, s1;
	[sflag:s0] =	ssyncset.done @!p0 $0x0  }
0x6b: {  	[sflag:s0] =	ssyncadd.s32 @!p0 s1  }
0x6c: {  	[bflag:$0x3] =	sbarrier.arrive $0xFFFF  }
0x6d: {  	_ =	shalt  }

</sc_bundles>
